<compile_context>
chip_gen: v7x
topology: tpu7x:2x2x1
jax: 0.10.2.dev20260603
libtpu: 0.0.44.dev20260713+nightly
codegen_flags: <defaults>
</compile_context>

<pallas_src>
import functools

import jax
import jax.numpy as jnp
from jax import lax
from jax.experimental import pallas as pl
from jax.experimental.pallas import tpu as pltpu
from jax.experimental.pallas import tpu_sc as plsc

C = 1000
L = 16
NBUF = 3


@functools.lru_cache(maxsize=None)
def _build(B1: int, B2: int):
    info = plsc.get_sparse_core_info()
    NC, NS = info.num_cores, info.num_subcores
    NW = NC * NS
    assert B1 % NW == 0 and L <= B2 <= 2 * L
    BPW = B1 // NW

    mesh = plsc.VectorSubcoreMesh(core_axis_name="c", subcore_axis_name="s")

    @functools.partial(
        pl.kernel,
        mesh=mesh,
        out_type=jax.ShapeDtypeStruct((B1, B2, C), jnp.float32),
        compiler_params=pltpu.CompilerParams(needs_layout_passes=False),
        scratch_types=(
            [pltpu.VMEM((BPW * B2 + L,), jnp.int32)]
            + [pltpu.VMEM((1, B2, C), jnp.float32) for _ in range(NBUF)]
            + [pltpu.SemaphoreType.DMA for _ in range(NBUF)]
        ),
    )
    def onehot(idx_hbm, out_hbm, idx_v, *scratch):
        bufs = scratch[:NBUF]
        sems = scratch[NBUF:]
        wid = lax.axis_index("s") * NC + lax.axis_index("c")
        b0 = wid * BPW
        pltpu.sync_copy(idx_hbm.at[pl.ds(b0 * B2, BPW * B2)],
                        idx_v.at[pl.ds(0, BPW * B2)])

        zeros = jnp.zeros((L,), jnp.float32)
        ones = jnp.ones((L,), jnp.float32)
        lanes = lax.iota(jnp.int32, L)
        zeros_i = jnp.zeros((L,), jnp.int32)
        mask1 = lanes < (B2 - L)

        def zrow(s, carry):
            for b in range(NBUF):
                for u in range(C // L):
                    bufs[b][0, s, pl.ds(u * L, L)] = zeros
                bufs[b][0, s, pl.ds(C - L, L)] = zeros
            return carry
        lax.fori_loop(0, B2, zrow, 0)

        def set_vals(buf, batch, val_vec):
            base = batch * B2
            c0 = idx_v[pl.ds(base, L)]
            plsc.store_scatter(buf, [zeros_i, lanes, c0], val_vec)
            c1 = idx_v[pl.ds(base + L, L)]
            rows1 = jnp.minimum(lanes + L, B2 - 1)
            plsc.store_scatter(buf, [zeros_i, rows1, c1], val_vec,
                               mask=mask1)

        copies = [None] * BPW
        for bb in range(BPW):
            b = bb % NBUF
            if bb >= NBUF:
                copies[bb - NBUF].wait()
                set_vals(bufs[b], bb - NBUF, zeros)
            set_vals(bufs[b], bb, ones)
            copies[bb] = pltpu.async_copy(
                bufs[b], out_hbm.at[pl.ds(b0 + bb, 1)], sems[b])
        for bb in range(max(0, BPW - NBUF), BPW):
            copies[bb].wait()

    return onehot


def kernel(inputs):
    B1, B2 = inputs.shape
    flat = inputs.reshape(B1 * B2).astype(jnp.int32)
    return _build(B1, B2)(flat)

# --- scband reference (transcript-rebuilt; emitter-appended) ---
"""Pipeline reference for scband-one-hot-layer-72877005078741 (READ-ONLY COPY).

The authoritative reference and input builder live on the scoring server;
editing this copy changes nothing except your own understanding.
"""

import jax, jax.numpy as jnp
import numpy as np

UNITS = 1000

def setup_inputs(seed: int = 0) -> dict:
    key = jax.random.key(seed)
    inputs = jax.random.randint(key, (1024, 26), 0, UNITS, dtype=jnp.int64 if jax.config.jax_enable_x64 else jnp.int32)
    return {"inputs": inputs}

def reference(inputs) -> jnp.ndarray:
    # Faithful translation of tf.keras.backend.one_hot(inputs, num_classes=units)
    x = jax.nn.one_hot(inputs, UNITS, dtype=jnp.float32)
    return x

if __name__ == "__main__":
    import jax
    _d = setup_inputs()
    print(jax.jit(kernel)(*tuple(_d.values())))

</pallas_src>

<mosaic_0001>
#map = affine_map<(d0, d1) -> (0)>
#map1 = affine_map<(d0, d1) -> (0, 0, 0)>
module attributes {stable_mosaic.version = 14 : i64} {
  func.func @onehot(%arg0: i32, %arg1: i32, %arg2: memref<26624xi32, #tpu.memory_space<hbm>>, %arg3: memref<1024x26x1000xf32, #tpu.memory_space<hbm>>, %arg4: memref<848xi32, #tpu.memory_space<vmem>>, %arg5: memref<1x26x1000xf32, #tpu.memory_space<vmem>>, %arg6: memref<1x26x1000xf32, #tpu.memory_space<vmem>>, %arg7: memref<1x26x1000xf32, #tpu.memory_space<vmem>>, %arg8: memref<!tpu.dma_semaphore, #tpu.memory_space<semaphore_mem>>, %arg9: memref<!tpu.dma_semaphore, #tpu.memory_space<semaphore_mem>>, %arg10: memref<!tpu.dma_semaphore, #tpu.memory_space<semaphore_mem>>) attributes {dimension_semantics = [#tpu.dimension_semantics<core_parallel>, #tpu.dimension_semantics<subcore_parallel>], iteration_bounds = array<i64: 2, 16>, scalar_prefetch = 0 : i64, scratch_operands = 7 : i64, tpu.core_type = #tpu.core_type<sc_vector_subcore>, window_params = [{transform_indices = #map}, {transform_indices = #map1}]} {
    %mul3A = arith.constant 2 : i32
    %mul3A_0 = arith.muli %arg1, %mul3A : i32
    %add3A = arith.addi %mul3A_0, %arg0 : i32
    %mul3A_1 = arith.constant 32 : i32
    %mul3A_2 = arith.muli %add3A, %mul3A_1 : i32
    %mul3A_3 = arith.constant 26 : i32
    %mul3A_4 = arith.muli %mul3A_2, %mul3A_3 : i32
    "tpu.region"() ({
      %run_scoped3A = tpu.sem_alloc : memref<!tpu.dma_semaphore, #tpu.memory_space<semaphore_mem>>
      %dma_start3A_1071 = arith.constant 0 : i32
      %dma_start3A_1072 = tpu.memref_slice %arg4[%dma_start3A_1071] : memref<848xi32, #tpu.memory_space<vmem>> -> memref<832xi32, #tpu.memory_space<vmem>>
      %dma_start3A_1073 = tpu.memref_slice %arg2[%mul3A_4] : memref<26624xi32, #tpu.memory_space<hbm>> -> memref<832xi32, #tpu.memory_space<hbm>>
      %dma_start3A_1074 = arith.constant 0 : i32
      %dma_start3A_1075 = tpu.memref_slice %arg4[%dma_start3A_1074] : memref<848xi32, #tpu.memory_space<vmem>> -> memref<832xi32, #tpu.memory_space<vmem>>
      %dma_start3A_1076 = tpu.memref_slice %arg2[%mul3A_4] : memref<26624xi32, #tpu.memory_space<hbm>> -> memref<832xi32, #tpu.memory_space<hbm>>
      tpu.enqueue_dma source(%dma_start3A_1076 : memref<832xi32, #tpu.memory_space<hbm>>) target(%dma_start3A_1075 : memref<832xi32, #tpu.memory_space<vmem>>) target_semaphore(%run_scoped3A : memref<!tpu.dma_semaphore, #tpu.memory_space<semaphore_mem>>)
      %dma_wait3A_1077 = arith.constant 0 : i32
      %dma_wait3A_1078 = tpu.memref_slice %arg4[%dma_wait3A_1077] : memref<848xi32, #tpu.memory_space<vmem>> -> memref<832xi32, #tpu.memory_space<vmem>>
      %dma_wait3A_1079 = tpu.memref_slice %arg2[%mul3A_4] : memref<26624xi32, #tpu.memory_space<hbm>> -> memref<832xi32, #tpu.memory_space<hbm>>
      %dma_wait3A_1080 = arith.constant 0 : i32
      %dma_wait3A_1081 = tpu.memref_slice %arg4[%dma_wait3A_1080] : memref<848xi32, #tpu.memory_space<vmem>> -> memref<832xi32, #tpu.memory_space<vmem>>
      %dma_wait3A_1082 = tpu.memref_slice %arg2[%mul3A_4] : memref<26624xi32, #tpu.memory_space<hbm>> -> memref<832xi32, #tpu.memory_space<hbm>>
      tpu.wait_dma2 semaphore(%run_scoped3A : memref<!tpu.dma_semaphore, #tpu.memory_space<semaphore_mem>>) src(%dma_wait3A_1082 : memref<832xi32, #tpu.memory_space<hbm>>) dst(%dma_wait3A_1081 : memref<832xi32, #tpu.memory_space<vmem>>)
      tpu.yield
    }) : () -> ()
    %broadcast_in_dim3A = arith.constant 0.000000e+00 : f32
    %broadcast_in_dim3A_5 = vector.broadcast %broadcast_in_dim3A : f32 to vector<16xf32>
    %broadcast_in_dim3A_6 = arith.constant 1.000000e+00 : f32
    %broadcast_in_dim3A_7 = vector.broadcast %broadcast_in_dim3A_6 : f32 to vector<16xf32>
    %iota3A = tpu.iota {dimensions = array<i32: 0>} : vector<16xi32>
    %broadcast_in_dim3A_8 = arith.constant 0 : i32
    %broadcast_in_dim3A_9 = vector.broadcast %broadcast_in_dim3A_8 : i32 to vector<16xi32>
    %lt3A = arith.constant 10 : i32
    %lt3A_10 = vector.broadcast %lt3A : i32 to vector<16xi32>
    %lt3A_11 = arith.cmpi slt, %iota3A, %lt3A_10 : vector<16xi32>
    %scan3A = arith.constant 0 : i32
    %scan3A_12 = arith.constant 0 : i32
    %scan3A_13 = arith.constant 26 : i32
    %scan3A_14 = arith.addi %scan3A_12, %scan3A_13 : i32
    %scan3A_15 = arith.constant 1 : i32
    scf.for %scan3A_1071 = %scan3A_12 to %scan3A_14 step %scan3A_15  : i32 {
      %swap3A = arith.constant 0 : i32
      %swap3A_1072 = arith.index_cast %swap3A : i32 to index
      %swap3A_1073 = arith.index_cast %scan3A_1071 : i32 to index
      %swap3A_1074 = arith.constant 0 : index
      %swap3A_1075 = tpu.vector_load %arg5[%swap3A_1072, %swap3A_1073, %swap3A_1074] {strides = array<i32>} : memref<1x26x1000xf32, #tpu.memory_space<vmem>>, vector<16xf32>,
      tpu.vector_store %arg5[%swap3A_1072, %swap3A_1073, %swap3A_1074], %broadcast_in_dim3A_5 {strides = array<i32>} : memref<1x26x1000xf32, #tpu.memory_space<vmem>>, vector<16xf32>,
      %swap3A_1076 = arith.constant 0 : i32
      %swap3A_1077 = arith.index_cast %swap3A_1076 : i32 to index
      %swap3A_1078 = arith.index_cast %scan3A_1071 : i32 to index
      %swap3A_1079 = arith.constant 16 : index
      %swap3A_1080 = tpu.vector_load %arg5[%swap3A_1077, %swap3A_1078, %swap3A_1079] {strides = array<i32>} : memref<1x26x1000xf32, #tpu.memory_space<vmem>>, vector<16xf32>,
      tpu.vector_store %arg5[%swap3A_1077, %swap3A_1078, %swap3A_1079], %broadcast_in_dim3A_5 {strides = array<i32>} : memref<1x26x1000xf32, #tpu.memory_space<vmem>>, vector<16xf32>,
      %swap3A_1081 = arith.constant 0 : i32
      %swap3A_1082 = arith.index_cast %swap3A_1081 : i32 to index
      %swap3A_1083 = arith.index_cast %scan3A_1071 : i32 to index
      %swap3A_1084 = arith.constant 32 : index
      %swap3A_1085 = tpu.vector_load %arg5[%swap3A_1082, %swap3A_1083, %swap3A_1084] {strides = array<i32>} : memref<1x26x1000xf32, #tpu.memory_space<vmem>>, vector<16xf32>,
      tpu.vector_store %arg5[%swap3A_1082, %swap3A_1083, %swap3A_1084], %broadcast_in_dim3A_5 {strides = array<i32>} : memref<1x26x1000xf32, #tpu.memory_space<vmem>>, vector<16xf32>,
      %swap3A_1086 = arith.constant 0 : i32
      %swap3A_1087 = arith.index_cast %swap3A_1086 : i32 to index
      %swap3A_1088 = arith.index_cast %scan3A_1071 : i32 to index
      %swap3A_1089 = arith.constant 48 : index
      %swap3A_1090 = tpu.vector_load %arg5[%swap3A_1087, %swap3A_1088, %swap3A_1089] {strides = array<i32>} : memref<1x26x1000xf32, #tpu.memory_space<vmem>>, vector<16xf32>,
      tpu.vector_store %arg5[%swap3A_1087, %swap3A_1088, %swap3A_1089], %broadcast_in_dim3A_5 {strides = array<i32>} : memref<1x26x1000xf32, #tpu.memory_space<vmem>>, vector<16xf32>,
      %swap3A_1091 = arith.constant 0 : i32
      %swap3A_1092 = arith.index_cast %swap3A_1091 : i32 to index
      %swap3A_1093 = arith.index_cast %scan3A_1071 : i32 to index
      %swap3A_1094 = arith.constant 64 : index
      %swap3A_1095 = tpu.vector_load %arg5[%swap3A_1092, %swap3A_1093, %swap3A_1094] {strides = array<i32>} : memref<1x26x1000xf32, #tpu.memory_space<vmem>>, vector<16xf32>,
      tpu.vector_store %arg5[%swap3A_1092, %swap3A_1093, %swap3A_1094], %broadcast_in_dim3A_5 {strides = array<i32>} : memref<1x26x1000xf32, #tpu.memory_space<vmem>>, vector<16xf32>,
      %swap3A_1096 = arith.constant 0 : i32
      %swap3A_1097 = arith.index_cast %swap3A_1096 : i32 to index
      %swap3A_1098 = arith.index_cast %scan3A_1071 : i32 to index
      %swap3A_1099 = arith.constant 80 : index
      %swap3A_1100 = tpu.vector_load %arg5[%swap3A_1097, %swap3A_1098, %swap3A_1099] {strides = array<i32>} : memref<1x26x1000xf32, #tpu.memory_space<vmem>>, vector<16xf32>,
      tpu.vector_store %arg5[%swap3A_1097, %swap3A_1098, %swap3A_1099], %broadcast_in_dim3A_5 {strides = array<i32>} : memref<1x26x1000xf32, #tpu.memory_space<vmem>>, vector<16xf32>,
      %swap3A_1101 = arith.constant 0 : i32
      %swap3A_1102 = arith.index_cast %swap3A_1101 : i32 to index
      %swap3A_1103 = arith.index_cast %scan3A_1071 : i32 to index
      %swap3A_1104 = arith.constant 96 : index
      %swap3A_1105 = tpu.vector_load %arg5[%swap3A_1102, %swap3A_1103, %swap3A_1104] {strides = array<i32>} : memref<1x26x1000xf32, #tpu.memory_space<vmem>>, vector<16xf32>,
      tpu.vector_store %arg5[%swap3A_1102, %swap3A_1103, %swap3A_1104], %broadcast_in_dim3A_5 {strides = array<i32>} : memref<1x26x1000xf32, #tpu.memory_space<vmem>>, vector<16xf32>,
      %swap3A_1106 = arith.constant 0 : i32
      %swap3A_1107 = arith.index_cast %swap3A_1106 : i32 to index
      %swap3A_1108 = arith.index_cast %scan3A_1071 : i32 to index
      %swap3A_1109 = arith.constant 112 : index
      %swap3A_1110 = tpu.vector_load %arg5[%swap3A_1107, %swap3A_1108, %swap3A_1109] {strides = array<i32>} : memref<1x26x1000xf32, #tpu.memory_space<vmem>>, vector<16xf32>,
      tpu.vector_store %arg5[%swap3A_1107, %swap3A_1108, %swap3A_1109], %broadcast_in_dim3A_5 {strides = array<i32>} : memref<1x26x1000xf32, #tpu.memory_space<vmem>>, vector<16xf32>,
      %swap3A_1111 = arith.constant 0 : i32
      %swap3A_1112 = arith.index_cast %swap3A_1111 : i32 to index
      %swap3A_1113 = arith.index_cast %scan3A_1071 : i32 to index
      %swap3A_1114 = arith.constant 128 : index
      %swap3A_1115 = tpu.vector_load %arg5[%swap3A_1112, %swap3A_1113, %swap3A_1114] {strides = array<i32>} : memref<1x26x1000xf32, #tpu.memory_space<vmem>>, vector<16xf32>,
      tpu.vector_store %arg5[%swap3A_1112, %swap3A_1113, %swap3A_1114], %broadcast_in_dim3A_5 {strides = array<i32>} : memref<1x26x1000xf32, #tpu.memory_space<vmem>>, vector<16xf32>,
      %swap3A_1116 = arith.constant 0 : i32
      %swap3A_1117 = arith.index_cast %swap3A_1116 : i32 to index
      %swap3A_1118 = arith.index_cast %scan3A_1071 : i32 to index
      %swap3A_1119 = arith.constant 144 : index
      %swap3A_1120 = tpu.vector_load %arg5[%swap3A_1117, %swap3A_1118, %swap3A_1119] {strides = array<i32>} : memref<1x26x1000xf32, #tpu.memory_space<vmem>>, vector<16xf32>,
      tpu.vector_store %arg5[%swap3A_1117, %swap3A_1118, %swap3A_1119], %broadcast_in_dim3A_5 {strides = array<i32>} : memref<1x26x1000xf32, #tpu.memory_space<vmem>>, vector<16xf32>,
      %swap3A_1121 = arith.constant 0 : i32
      %swap3A_1122 = arith.index_cast %swap3A_1121 : i32 to index
      %swap3A_1123 = arith.index_cast %scan3A_1071 : i32 to index
      %swap3A_1124 = arith.constant 160 : index
      %swap3A_1125 = tpu.vector_load %arg5[%swap3A_1122, %swap3A_1123, %swap3A_1124] {strides = array<i32>} : memref<1x26x1000xf32, #tpu.memory_space<vmem>>, vector<16xf32>,
      tpu.vector_store %arg5[%swap3A_1122, %swap3A_1123, %swap3A_1124], %broadcast_in_dim3A_5 {strides = array<i32>} : memref<1x26x1000xf32, #tpu.memory_space<vmem>>, vector<16xf32>,
      %swap3A_1126 = arith.constant 0 : i32
      %swap3A_1127 = arith.index_cast %swap3A_1126 : i32 to index
      %swap3A_1128 = arith.index_cast %scan3A_1071 : i32 to index
      %swap3A_1129 = arith.constant 176 : index
      %swap3A_1130 = tpu.vector_load %arg5[%swap3A_1127, %swap3A_1128, %swap3A_1129] {strides = array<i32>} : memref<1x26x1000xf32, #tpu.memory_space<vmem>>, vector<16xf32>,
      tpu.vector_store %arg5[%swap3A_1127, %swap3A_1128, %swap3A_1129], %broadcast_in_dim3A_5 {strides = array<i32>} : memref<1x26x1000xf32, #tpu.memory_space<vmem>>, vector<16xf32>,
      %swap3A_1131 = arith.constant 0 : i32
      %swap3A_1132 = arith.index_cast %swap3A_1131 : i32 to index
      %swap3A_1133 = arith.index_cast %scan3A_1071 : i32 to index
      %swap3A_1134 = arith.constant 192 : index
      %swap3A_1135 = tpu.vector_load %arg5[%swap3A_1132, %swap3A_1133, %swap3A_1134] {strides = array<i32>} : memref<1x26x1000xf32, #tpu.memory_space<vmem>>, vector<16xf32>,
      tpu.vector_store %arg5[%swap3A_1132, %swap3A_1133, %swap3A_1134], %broadcast_in_dim3A_5 {strides = array<i32>} : memref<1x26x1000xf32, #tpu.memory_space<vmem>>, vector<16xf32>,
      %swap3A_1136 = arith.constant 0 : i32
      %swap3A_1137 = arith.index_cast %swap3A_1136 : i32 to index
      %swap3A_1138 = arith.index_cast %scan3A_1071 : i32 to index
      %swap3A_1139 = arith.constant 208 : index
      %swap3A_1140 = tpu.vector_load %arg5[%swap3A_1137, %swap3A_1138, %swap3A_1139] {strides = array<i32>} : memref<1x26x1000xf32, #tpu.memory_space<vmem>>, vector<16xf32>,
      tpu.vector_store %arg5[%swap3A_1137, %swap3A_1138, %swap3A_1139], %broadcast_in_dim3A_5 {strides = array<i32>} : memref<1x26x1000xf32, #tpu.memory_space<vmem>>, vector<16xf32>,
      %swap3A_1141 = arith.constant 0 : i32
      %swap3A_1142 = arith.index_cast %swap3A_1141 : i32 to index
      %swap3A_1143 = arith.index_cast %scan3A_1071 : i32 to index
      %swap3A_1144 = arith.constant 224 : index
      %swap3A_1145 = tpu.vector_load %arg5[%swap3A_1142, %swap3A_1143, %swap3A_1144] {strides = array<i32>} : memref<1x26x1000xf32, #tpu.memory_space<vmem>>, vector<16xf32>,
      tpu.vector_store %arg5[%swap3A_1142, %swap3A_1143, %swap3A_1144], %broadcast_in_dim3A_5 {strides = array<i32>} : memref<1x26x1000xf32, #tpu.memory_space<vmem>>, vector<16xf32>,
      %swap3A_1146 = arith.constant 0 : i32
      %swap3A_1147 = arith.index_cast %swap3A_1146 : i32 to index
      %swap3A_1148 = arith.index_cast %scan3A_1071 : i32 to index
      %swap3A_1149 = arith.constant 240 : index
      %swap3A_1150 = tpu.vector_load %arg5[%swap3A_1147, %swap3A_1148, %swap3A_1149] {strides = array<i32>} : memref<1x26x1000xf32, #tpu.memory_space<vmem>>, vector<16xf32>,
      tpu.vector_store %arg5[%swap3A_1147, %swap3A_1148, %swap3A_1149], %broadcast_in_dim3A_5 {strides = array<i32>} : memref<1x26x1000xf32, #tpu.memory_space<vmem>>, vector<16xf32>,
      %swap3A_1151 = arith.constant 0 : i32
      %swap3A_1152 = arith.index_cast %swap3A_1151 : i32 to index
      %swap3A_1153 = arith.index_cast %scan3A_1071 : i32 to index
      %swap3A_1154 = arith.constant 256 : index
      %swap3A_1155 = tpu.vector_load %arg5[%swap3A_1152, %swap3A_1153, %swap3A_1154] {strides = array<i32>} : memref<1x26x1000xf32, #tpu.memory_space<vmem>>, vector<16xf32>,
      tpu.vector_store %arg5[%swap3A_1152, %swap3A_1153, %swap3A_1154], %broadcast_in_dim3A_5 {strides = array<i32>} : memref<1x26x1000xf32, #tpu.memory_space<vmem>>, vector<16xf32>,
      %swap3A_1156 = arith.constant 0 : i32
      %swap3A_1157 = arith.index_cast %swap3A_1156 : i32 to index
      %swap3A_1158 = arith.index_cast %scan3A_1071 : i32 to index
      %swap3A_1159 = arith.constant 272 : index
      %swap3A_1160 = tpu.vector_load %arg5[%swap3A_1157, %swap3A_1158, %swap3A_1159] {strides = array<i32>} : memref<1x26x1000xf32, #tpu.memory_space<vmem>>, vector<16xf32>,
      tpu.vector_store %arg5[%swap3A_1157, %swap3A_1158, %swap3A_1159], %broadcast_in_dim3A_5 {strides = array<i32>} : memref<1x26x1000xf32, #tpu.memory_space<vmem>>, vector<16xf32>,
      %swap3A_1161 = arith.constant 0 : i32
      %swap3A_1162 = arith.index_cast %swap3A_1161 : i32 to index
      %swap3A_1163 = arith.index_cast %scan3A_1071 : i32 to index
      %swap3A_1164 = arith.constant 288 : index
      %swap3A_1165 = tpu.vector_load %arg5[%swap3A_1162, %swap3A_1163, %swap3A_1164] {strides = array<i32>} : memref<1x26x1000xf32, #tpu.memory_space<vmem>>, vector<16xf32>,
      tpu.vector_store %arg5[%swap3A_1162, %swap3A_1163, %swap3A_1164], %broadcast_in_dim3A_5 {strides = array<i32>} : memref<1x26x1000xf32, #tpu.memory_space<vmem>>, vector<16xf32>,
      %swap3A_1166 = arith.constant 0 : i32
      %swap3A_1167 = arith.index_cast %swap3A_1166 : i32 to index
      %swap3A_1168 = arith.index_cast %scan3A_1071 : i32 to index
      %swap3A_1169 = arith.constant 304 : index
      %swap3A_1170 = tpu.vector_load %arg5[%swap3A_1167, %swap3A_1168, %swap3A_1169] {strides = array<i32>} : memref<1x26x1000xf32, #tpu.memory_space<vmem>>, vector<16xf32>,
      tpu.vector_store %arg5[%swap3A_1167, %swap3A_1168, %swap3A_1169], %broadcast_in_dim3A_5 {strides = array<i32>} : memref<1x26x1000xf32, #tpu.memory_space<vmem>>, vector<16xf32>,
      %swap3A_1171 = arith.constant 0 : i32
      %swap3A_1172 = arith.index_cast %swap3A_1171 : i32 to index
      %swap3A_1173 = arith.index_cast %scan3A_1071 : i32 to index
      %swap3A_1174 = arith.constant 320 : index
      %swap3A_1175 = tpu.vector_load %arg5[%swap3A_1172, %swap3A_1173, %swap3A_1174] {strides = array<i32>} : memref<1x26x1000xf32, #tpu.memory_space<vmem>>, vector<16xf32>,
      tpu.vector_store %arg5[%swap3A_1172, %swap3A_1173, %swap3A_1174], %broadcast_in_dim3A_5 {strides = array<i32>} : memref<1x26x1000xf32, #tpu.memory_space<vmem>>, vector<16xf32>,
      %swap3A_1176 = arith.constant 0 : i32
      %swap3A_1177 = arith.index_cast %swap3A_1176 : i32 to index
      %swap3A_1178 = arith.index_cast %scan3A_1071 : i32 to index
      %swap3A_1179 = arith.constant 336 : index
      %swap3A_1180 = tpu.vector_load %arg5[%swap3A_1177, %swap3A_1178, %swap3A_1179] {strides = array<i32>} : memref<1x26x1000xf32, #tpu.memory_space<vmem>>, vector<16xf32>,
      tpu.vector_store %arg5[%swap3A_1177, %swap3A_1178, %swap3A_1179], %broadcast_in_dim3A_5 {strides = array<i32>} : memref<1x26x1000xf32, #tpu.memory_space<vmem>>, vector<16xf32>,
      %swap3A_1181 = arith.constant 0 : i32
      %swap3A_1182 = arith.index_cast %swap3A_1181 : i32 to index
      %swap3A_1183 = arith.index_cast %scan3A_1071 : i32 to index
      %swap3A_1184 = arith.constant 352 : index
      %swap3A_1185 = tpu.vector_load %arg5[%swap3A_1182, %swap3A_1183, %swap3A_1184] {strides = array<i32>} : memref<1x26x1000xf32, #tpu.memory_space<vmem>>, vector<16xf32>,
      tpu.vector_store %arg5[%swap3A_1182, %swap3A_1183, %swap3A_1184], %broadcast_in_dim3A_5 {strides = array<i32>} : memref<1x26x1000xf32, #tpu.memory_space<vmem>>, vector<16xf32>,
      %swap3A_1186 = arith.constant 0 : i32
      %swap3A_1187 = arith.index_cast %swap3A_1186 : i32 to index
      %swap3A_1188 = arith.index_cast %scan3A_1071 : i32 to index
      %swap3A_1189 = arith.constant 368 : index
      %swap3A_1190 = tpu.vector_load %arg5[%swap3A_1187, %swap3A_1188, %swap3A_1189] {strides = array<i32>} : memref<1x26x1000xf32, #tpu.memory_space<vmem>>, vector<16xf32>,
      tpu.vector_store %arg5[%swap3A_1187, %swap3A_1188, %swap3A_1189], %broadcast_in_dim3A_5 {strides = array<i32>} : memref<1x26x1000xf32, #tpu.memory_space<vmem>>, vector<16xf32>,
      %swap3A_1191 = arith.constant 0 : i32
      %swap3A_1192 = arith.index_cast %swap3A_1191 : i32 to index
      %swap3A_1193 = arith.index_cast %scan3A_1071 : i32 to index
      %swap3A_1194 = arith.constant 384 : index
      %swap3A_1195 = tpu.vector_load %arg5[%swap3A_1192, %swap3A_1193, %swap3A_1194] {strides = array<i32>} : memref<1x26x1000xf32, #tpu.memory_space<vmem>>, vector<16xf32>,
      tpu.vector_store %arg5[%swap3A_1192, %swap3A_1193, %swap3A_1194], %broadcast_in_dim3A_5 {strides = array<i32>} : memref<1x26x1000xf32, #tpu.memory_space<vmem>>, vector<16xf32>,
      %swap3A_1196 = arith.constant 0 : i32
      %swap3A_1197 = arith.index_cast %swap3A_1196 : i32 to index
      %swap3A_1198 = arith.index_cast %scan3A_1071 : i32 to index
      %swap3A_1199 = arith.constant 400 : index
      %swap3A_1200 = tpu.vector_load %arg5[%swap3A_1197, %swap3A_1198, %swap3A_1199] {strides = array<i32>} : memref<1x26x1000xf32, #tpu.memory_space<vmem>>, vector<16xf32>,
      tpu.vector_store %arg5[%swap3A_1197, %swap3A_1198, %swap3A_1199], %broadcast_in_dim3A_5 {strides = array<i32>} : memref<1x26x1000xf32, #tpu.memory_space<vmem>>, vector<16xf32>,
      %swap3A_1201 = arith.constant 0 : i32
      %swap3A_1202 = arith.index_cast %swap3A_1201 : i32 to index
      %swap3A_1203 = arith.index_cast %scan3A_1071 : i32 to index
      %swap3A_1204 = arith.constant 416 : index
      %swap3A_1205 = tpu.vector_load %arg5[%swap3A_1202, %swap3A_1203, %swap3A_1204] {strides = array<i32>} : memref<1x26x1000xf32, #tpu.memory_space<vmem>>, vector<16xf32>,
      tpu.vector_store %arg5[%swap3A_1202, %swap3A_1203, %swap3A_1204], %broadcast_in_dim3A_5 {strides = array<i32>} : memref<1x26x1000xf32, #tpu.memory_space<vmem>>, vector<16xf32>,
      %swap3A_1206 = arith.constant 0 : i32
      %swap3A_1207 = arith.index_cast %swap3A_1206 : i32 to index
      %swap3A_1208 = arith.index_cast %scan3A_1071 : i32 to index
      %swap3A_1209 = arith.constant 432 : index
      %swap3A_1210 = tpu.vector_load %arg5[%swap3A_1207, %swap3A_1208, %swap3A_1209] {strides = array<i32>} : memref<1x26x1000xf32, #tpu.memory_space<vmem>>, vector<16xf32>,
      tpu.vector_store %arg5[%swap3A_1207, %swap3A_1208, %swap3A_1209], %broadcast_in_dim3A_5 {strides = array<i32>} : memref<1x26x1000xf32, #tpu.memory_space<vmem>>, vector<16xf32>,
      %swap3A_1211 = arith.constant 0 : i32
      %swap3A_1212 = arith.index_cast %swap3A_1211 : i32 to index
      %swap3A_1213 = arith.index_cast %scan3A_1071 : i32 to index
      %swap3A_1214 = arith.constant 448 : index
      %swap3A_1215 = tpu.vector_load %arg5[%swap3A_1212, %swap3A_1213, %swap3A_1214] {strides = array<i32>} : memref<1x26x1000xf32, #tpu.memory_space<vmem>>, vector<16xf32>,
      tpu.vector_store %arg5[%swap3A_1212, %swap3A_1213, %swap3A_1214], %broadcast_in_dim3A_5 {strides = array<i32>} : memref<1x26x1000xf32, #tpu.memory_space<vmem>>, vector<16xf32>,
      %swap3A_1216 = arith.constant 0 : i32
      %swap3A_1217 = arith.index_cast %swap3A_1216 : i32 to index
      %swap3A_1218 = arith.index_cast %scan3A_1071 : i32 to index
      %swap3A_1219 = arith.constant 464 : index
      %swap3A_1220 = tpu.vector_load %arg5[%swap3A_1217, %swap3A_1218, %swap3A_1219] {strides = array<i32>} : memref<1x26x1000xf32, #tpu.memory_space<vmem>>, vector<16xf32>,
      tpu.vector_store %arg5[%swap3A_1217, %swap3A_1218, %swap3A_1219], %broadcast_in_dim3A_5 {strides = array<i32>} : memref<1x26x1000xf32, #tpu.memory_space<vmem>>, vector<16xf32>,
      %swap3A_1221 = arith.constant 0 : i32
      %swap3A_1222 = arith.index_cast %swap3A_1221 : i32 to index
      %swap3A_1223 = arith.index_cast %scan3A_1071 : i32 to index
      %swap3A_1224 = arith.constant 480 : index
      %swap3A_1225 = tpu.vector_load %arg5[%swap3A_1222, %swap3A_1223, %swap3A_1224] {strides = array<i32>} : memref<1x26x1000xf32, #tpu.memory_space<vmem>>, vector<16xf32>,
      tpu.vector_store %arg5[%swap3A_1222, %swap3A_1223, %swap3A_1224], %broadcast_in_dim3A_5 {strides = array<i32>} : memref<1x26x1000xf32, #tpu.memory_space<vmem>>, vector<16xf32>,
      %swap3A_1226 = arith.constant 0 : i32
      %swap3A_1227 = arith.index_cast %swap3A_1226 : i32 to index
      %swap3A_1228 = arith.index_cast %scan3A_1071 : i32 to index
      %swap3A_1229 = arith.constant 496 : index
      %swap3A_1230 = tpu.vector_load %arg5[%swap3A_1227, %swap3A_1228, %swap3A_1229] {strides = array<i32>} : memref<1x26x1000xf32, #tpu.memory_space<vmem>>, vector<16xf32>,
      tpu.vector_store %arg5[%swap3A_1227, %swap3A_1228, %swap3A_1229], %broadcast_in_dim3A_5 {strides = array<i32>} : memref<1x26x1000xf32, #tpu.memory_space<vmem>>, vector<16xf32>,
      %swap3A_1231 = arith.constant 0 : i32
      %swap3A_1232 = arith.index_cast %swap3A_1231 : i32 to index
      %swap3A_1233 = arith.index_cast %scan3A_1071 : i32 to index
      %swap3A_1234 = arith.constant 512 : index
      %swap3A_1235 = tpu.vector_load %arg5[%swap3A_1232, %swap3A_1233, %swap3A_1234] {strides = array<i32>} : memref<1x26x1000xf32, #tpu.memory_space<vmem>>, vector<16xf32>,
      tpu.vector_store %arg5[%swap3A_1232, %swap3A_1233, %swap3A_1234], %broadcast_in_dim3A_5 {strides = array<i32>} : memref<1x26x1000xf32, #tpu.memory_space<vmem>>, vector<16xf32>,
      %swap3A_1236 = arith.constant 0 : i32
      %swap3A_1237 = arith.index_cast %swap3A_1236 : i32 to index
      %swap3A_1238 = arith.index_cast %scan3A_1071 : i32 to index
      %swap3A_1239 = arith.constant 528 : index
      %swap3A_1240 = tpu.vector_load %arg5[%swap3A_1237, %swap3A_1238, %swap3A_1239] {strides = array<i32>} : memref<1x26x1000xf32, #tpu.memory_space<vmem>>, vector<16xf32>,
      tpu.vector_store %arg5[%swap3A_1237, %swap3A_1238, %swap3A_1239], %broadcast_in_dim3A_5 {strides = array<i32>} : memref<1x26x1000xf32, #tpu.memory_space<vmem>>, vector<16xf32>,
      %swap3A_1241 = arith.constant 0 : i32
      %swap3A_1242 = arith.index_cast %swap3A_1241 : i32 to index
      %swap3A_1243 = arith.index_cast %scan3A_1071 : i32 to index
      %swap3A_1244 = arith.constant 544 : index
      %swap3A_1245 = tpu.vector_load %arg5[%swap3A_1242, %swap3A_1243, %swap3A_1244] {strides = array<i32>} : memref<1x26x1000xf32, #tpu.memory_space<vmem>>, vector<16xf32>,
      tpu.vector_store %arg5[%swap3A_1242, %swap3A_1243, %swap3A_1244], %broadcast_in_dim3A_5 {strides = array<i32>} : memref<1x26x1000xf32, #tpu.memory_space<vmem>>, vector<16xf32>,
      %swap3A_1246 = arith.constant 0 : i32
      %swap3A_1247 = arith.index_cast %swap3A_1246 : i32 to index
      %swap3A_1248 = arith.index_cast %scan3A_1071 : i32 to index
      %swap3A_1249 = arith.constant 560 : index
      %swap3A_1250 = tpu.vector_load %arg5[%swap3A_1247, %swap3A_1248, %swap3A_1249] {strides = array<i32>} : memref<1x26x1000xf32, #tpu.memory_space<vmem>>, vector<16xf32>,
      tpu.vector_store %arg5[%swap3A_1247, %swap3A_1248, %swap3A_1249], %broadcast_in_dim3A_5 {strides = array<i32>} : memref<1x26x1000xf32, #tpu.memory_space<vmem>>, vector<16xf32>,
      %swap3A_1251 = arith.constant 0 : i32
      %swap3A_1252 = arith.index_cast %swap3A_1251 : i32 to index
      %swap3A_1253 = arith.index_cast %scan3A_1071 : i32 to index
      %swap3A_1254 = arith.constant 576 : index
      %swap3A_1255 = tpu.vector_load %arg5[%swap3A_1252, %swap3A_1253, %swap3A_1254] {strides = array<i32>} : memref<1x26x1000xf32, #tpu.memory_space<vmem>>, vector<16xf32>,
      tpu.vector_store %arg5[%swap3A_1252, %swap3A_1253, %swap3A_1254], %broadcast_in_dim3A_5 {strides = array<i32>} : memref<1x26x1000xf32, #tpu.memory_space<vmem>>, vector<16xf32>,
      %swap3A_1256 = arith.constant 0 : i32
      %swap3A_1257 = arith.index_cast %swap3A_1256 : i32 to index
      %swap3A_1258 = arith.index_cast %scan3A_1071 : i32 to index
      %swap3A_1259 = arith.constant 592 : index
      %swap3A_1260 = tpu.vector_load %arg5[%swap3A_1257, %swap3A_1258, %swap3A_1259] {strides = array<i32>} : memref<1x26x1000xf32, #tpu.memory_space<vmem>>, vector<16xf32>,
      tpu.vector_store %arg5[%swap3A_1257, %swap3A_1258, %swap3A_1259], %broadcast_in_dim3A_5 {strides = array<i32>} : memref<1x26x1000xf32, #tpu.memory_space<vmem>>, vector<16xf32>,
      %swap3A_1261 = arith.constant 0 : i32
      %swap3A_1262 = arith.index_cast %swap3A_1261 : i32 to index
      %swap3A_1263 = arith.index_cast %scan3A_1071 : i32 to index
      %swap3A_1264 = arith.constant 608 : index
      %swap3A_1265 = tpu.vector_load %arg5[%swap3A_1262, %swap3A_1263, %swap3A_1264] {strides = array<i32>} : memref<1x26x1000xf32, #tpu.memory_space<vmem>>, vector<16xf32>,
      tpu.vector_store %arg5[%swap3A_1262, %swap3A_1263, %swap3A_1264], %broadcast_in_dim3A_5 {strides = array<i32>} : memref<1x26x1000xf32, #tpu.memory_space<vmem>>, vector<16xf32>,
      %swap3A_1266 = arith.constant 0 : i32
      %swap3A_1267 = arith.index_cast %swap3A_1266 : i32 to index
      %swap3A_1268 = arith.index_cast %scan3A_1071 : i32 to index
      %swap3A_1269 = arith.constant 624 : index
      %swap3A_1270 = tpu.vector_load %arg5[%swap3A_1267, %swap3A_1268, %swap3A_1269] {strides = array<i32>} : memref<1x26x1000xf32, #tpu.memory_space<vmem>>, vector<16xf32>,
      tpu.vector_store %arg5[%swap3A_1267, %swap3A_1268, %swap3A_1269], %broadcast_in_dim3A_5 {strides = array<i32>} : memref<1x26x1000xf32, #tpu.memory_space<vmem>>, vector<16xf32>,
      %swap3A_1271 = arith.constant 0 : i32
      %swap3A_1272 = arith.index_cast %swap3A_1271 : i32 to index
      %swap3A_1273 = arith.index_cast %scan3A_1071 : i32 to index
      %swap3A_1274 = arith.constant 640 : index
      %swap3A_1275 = tpu.vector_load %arg5[%swap3A_1272, %swap3A_1273, %swap3A_1274] {strides = array<i32>} : memref<1x26x1000xf32, #tpu.memory_space<vmem>>, vector<16xf32>,
      tpu.vector_store %arg5[%swap3A_1272, %swap3A_1273, %swap3A_1274], %broadcast_in_dim3A_5 {strides = array<i32>} : memref<1x26x1000xf32, #tpu.memory_space<vmem>>, vector<16xf32>,
      %swap3A_1276 = arith.constant 0 : i32
      %swap3A_1277 = arith.index_cast %swap3A_1276 : i32 to index
      %swap3A_1278 = arith.index_cast %scan3A_1071 : i32 to index
      %swap3A_1279 = arith.constant 656 : index
      %swap3A_1280 = tpu.vector_load %arg5[%swap3A_1277, %swap3A_1278, %swap3A_1279] {strides = array<i32>} : memref<1x26x1000xf32, #tpu.memory_space<vmem>>, vector<16xf32>,
      tpu.vector_store %arg5[%swap3A_1277, %swap3A_1278, %swap3A_1279], %broadcast_in_dim3A_5 {strides = array<i32>} : memref<1x26x1000xf32, #tpu.memory_space<vmem>>, vector<16xf32>,
      %swap3A_1281 = arith.constant 0 : i32
      %swap3A_1282 = arith.index_cast %swap3A_1281 : i32 to index
      %swap3A_1283 = arith.index_cast %scan3A_1071 : i32 to index
      %swap3A_1284 = arith.constant 672 : index
      %swap3A_1285 = tpu.vector_load %arg5[%swap3A_1282, %swap3A_1283, %swap3A_1284] {strides = array<i32>} : memref<1x26x1000xf32, #tpu.memory_space<vmem>>, vector<16xf32>,
      tpu.vector_store %arg5[%swap3A_1282, %swap3A_1283, %swap3A_1284], %broadcast_in_dim3A_5 {strides = array<i32>} : memref<1x26x1000xf32, #tpu.memory_space<vmem>>, vector<16xf32>,
      %swap3A_1286 = arith.constant 0 : i32
      %swap3A_1287 = arith.index_cast %swap3A_1286 : i32 to index
      %swap3A_1288 = arith.index_cast %scan3A_1071 : i32 to index
      %swap3A_1289 = arith.constant 688 : index
      %swap3A_1290 = tpu.vector_load %arg5[%swap3A_1287, %swap3A_1288, %swap3A_1289] {strides = array<i32>} : memref<1x26x1000xf32, #tpu.memory_space<vmem>>, vector<16xf32>,
      tpu.vector_store %arg5[%swap3A_1287, %swap3A_1288, %swap3A_1289], %broadcast_in_dim3A_5 {strides = array<i32>} : memref<1x26x1000xf32, #tpu.memory_space<vmem>>, vector<16xf32>,
      %swap3A_1291 = arith.constant 0 : i32
      %swap3A_1292 = arith.index_cast %swap3A_1291 : i32 to index
      %swap3A_1293 = arith.index_cast %scan3A_1071 : i32 to index
      %swap3A_1294 = arith.constant 704 : index
      %swap3A_1295 = tpu.vector_load %arg5[%swap3A_1292, %swap3A_1293, %swap3A_1294] {strides = array<i32>} : memref<1x26x1000xf32, #tpu.memory_space<vmem>>, vector<16xf32>,
      tpu.vector_store %arg5[%swap3A_1292, %swap3A_1293, %swap3A_1294], %broadcast_in_dim3A_5 {strides = array<i32>} : memref<1x26x1000xf32, #tpu.memory_space<vmem>>, vector<16xf32>,
      %swap3A_1296 = arith.constant 0 : i32
      %swap3A_1297 = arith.index_cast %swap3A_1296 : i32 to index
      %swap3A_1298 = arith.index_cast %scan3A_1071 : i32 to index
      %swap3A_1299 = arith.constant 720 : index
      %swap3A_1300 = tpu.vector_load %arg5[%swap3A_1297, %swap3A_1298, %swap3A_1299] {strides = array<i32>} : memref<1x26x1000xf32, #tpu.memory_space<vmem>>, vector<16xf32>,
      tpu.vector_store %arg5[%swap3A_1297, %swap3A_1298, %swap3A_1299], %broadcast_in_dim3A_5 {strides = array<i32>} : memref<1x26x1000xf32, #tpu.memory_space<vmem>>, vector<16xf32>,
      %swap3A_1301 = arith.constant 0 : i32
      %swap3A_1302 = arith.index_cast %swap3A_1301 : i32 to index
      %swap3A_1303 = arith.index_cast %scan3A_1071 : i32 to index
      %swap3A_1304 = arith.constant 736 : index
      %swap3A_1305 = tpu.vector_load %arg5[%swap3A_1302, %swap3A_1303, %swap3A_1304] {strides = array<i32>} : memref<1x26x1000xf32, #tpu.memory_space<vmem>>, vector<16xf32>,
      tpu.vector_store %arg5[%swap3A_1302, %swap3A_1303, %swap3A_1304], %broadcast_in_dim3A_5 {strides = array<i32>} : memref<1x26x1000xf32, #tpu.memory_space<vmem>>, vector<16xf32>,
      %swap3A_1306 = arith.constant 0 : i32
      %swap3A_1307 = arith.index_cast %swap3A_1306 : i32 to index
      %swap3A_1308 = arith.index_cast %scan3A_1071 : i32 to index
      %swap3A_1309 = arith.constant 752 : index
      %swap3A_1310 = tpu.vector_load %arg5[%swap3A_1307, %swap3A_1308, %swap3A_1309] {strides = array<i32>} : memref<1x26x1000xf32, #tpu.memory_space<vmem>>, vector<16xf32>,
      tpu.vector_store %arg5[%swap3A_1307, %swap3A_1308, %swap3A_1309], %broadcast_in_dim3A_5 {strides = array<i32>} : memref<1x26x1000xf32, #tpu.memory_space<vmem>>, vector<16xf32>,
      %swap3A_1311 = arith.constant 0 : i32
      %swap3A_1312 = arith.index_cast %swap3A_1311 : i32 to index
      %swap3A_1313 = arith.index_cast %scan3A_1071 : i32 to index
      %swap3A_1314 = arith.constant 768 : index
      %swap3A_1315 = tpu.vector_load %arg5[%swap3A_1312, %swap3A_1313, %swap3A_1314] {strides = array<i32>} : memref<1x26x1000xf32, #tpu.memory_space<vmem>>, vector<16xf32>,
      tpu.vector_store %arg5[%swap3A_1312, %swap3A_1313, %swap3A_1314], %broadcast_in_dim3A_5 {strides = array<i32>} : memref<1x26x1000xf32, #tpu.memory_space<vmem>>, vector<16xf32>,
      %swap3A_1316 = arith.constant 0 : i32
      %swap3A_1317 = arith.index_cast %swap3A_1316 : i32 to index
      %swap3A_1318 = arith.index_cast %scan3A_1071 : i32 to index
      %swap3A_1319 = arith.constant 784 : index
      %swap3A_1320 = tpu.vector_load %arg5[%swap3A_1317, %swap3A_1318, %swap3A_1319] {strides = array<i32>} : memref<1x26x1000xf32, #tpu.memory_space<vmem>>, vector<16xf32>,
      tpu.vector_store %arg5[%swap3A_1317, %swap3A_1318, %swap3A_1319], %broadcast_in_dim3A_5 {strides = array<i32>} : memref<1x26x1000xf32, #tpu.memory_space<vmem>>, vector<16xf32>,
      %swap3A_1321 = arith.constant 0 : i32
      %swap3A_1322 = arith.index_cast %swap3A_1321 : i32 to index
      %swap3A_1323 = arith.index_cast %scan3A_1071 : i32 to index
      %swap3A_1324 = arith.constant 800 : index
      %swap3A_1325 = tpu.vector_load %arg5[%swap3A_1322, %swap3A_1323, %swap3A_1324] {strides = array<i32>} : memref<1x26x1000xf32, #tpu.memory_space<vmem>>, vector<16xf32>,
      tpu.vector_store %arg5[%swap3A_1322, %swap3A_1323, %swap3A_1324], %broadcast_in_dim3A_5 {strides = array<i32>} : memref<1x26x1000xf32, #tpu.memory_space<vmem>>, vector<16xf32>,
      %swap3A_1326 = arith.constant 0 : i32
      %swap3A_1327 = arith.index_cast %swap3A_1326 : i32 to index
      %swap3A_1328 = arith.index_cast %scan3A_1071 : i32 to index
      %swap3A_1329 = arith.constant 816 : index
      %swap3A_1330 = tpu.vector_load %arg5[%swap3A_1327, %swap3A_1328, %swap3A_1329] {strides = array<i32>} : memref<1x26x1000xf32, #tpu.memory_space<vmem>>, vector<16xf32>,
      tpu.vector_store %arg5[%swap3A_1327, %swap3A_1328, %swap3A_1329], %broadcast_in_dim3A_5 {strides = array<i32>} : memref<1x26x1000xf32, #tpu.memory_space<vmem>>, vector<16xf32>,
      %swap3A_1331 = arith.constant 0 : i32
      %swap3A_1332 = arith.index_cast %swap3A_1331 : i32 to index
      %swap3A_1333 = arith.index_cast %scan3A_1071 : i32 to index
      %swap3A_1334 = arith.constant 832 : index
      %swap3A_1335 = tpu.vector_load %arg5[%swap3A_1332, %swap3A_1333, %swap3A_1334] {strides = array<i32>} : memref<1x26x1000xf32, #tpu.memory_space<vmem>>, vector<16xf32>,
      tpu.vector_store %arg5[%swap3A_1332, %swap3A_1333, %swap3A_1334], %broadcast_in_dim3A_5 {strides = array<i32>} : memref<1x26x1000xf32, #tpu.memory_space<vmem>>, vector<16xf32>,
      %swap3A_1336 = arith.constant 0 : i32
      %swap3A_1337 = arith.index_cast %swap3A_1336 : i32 to index
      %swap3A_1338 = arith.index_cast %scan3A_1071 : i32 to index
      %swap3A_1339 = arith.constant 848 : index
      %swap3A_1340 = tpu.vector_load %arg5[%swap3A_1337, %swap3A_1338, %swap3A_1339] {strides = array<i32>} : memref<1x26x1000xf32, #tpu.memory_space<vmem>>, vector<16xf32>,
      tpu.vector_store %arg5[%swap3A_1337, %swap3A_1338, %swap3A_1339], %broadcast_in_dim3A_5 {strides = array<i32>} : memref<1x26x1000xf32, #tpu.memory_space<vmem>>, vector<16xf32>,
      %swap3A_1341 = arith.constant 0 : i32
      %swap3A_1342 = arith.index_cast %swap3A_1341 : i32 to index
      %swap3A_1343 = arith.index_cast %scan3A_1071 : i32 to index
      %swap3A_1344 = arith.constant 864 : index
      %swap3A_1345 = tpu.vector_load %arg5[%swap3A_1342, %swap3A_1343, %swap3A_1344] {strides = array<i32>} : memref<1x26x1000xf32, #tpu.memory_space<vmem>>, vector<16xf32>,
      tpu.vector_store %arg5[%swap3A_1342, %swap3A_1343, %swap3A_1344], %broadcast_in_dim3A_5 {strides = array<i32>} : memref<1x26x1000xf32, #tpu.memory_space<vmem>>, vector<16xf32>,
      %swap3A_1346 = arith.constant 0 : i32
      %swap3A_1347 = arith.index_cast %swap3A_1346 : i32 to index
      %swap3A_1348 = arith.index_cast %scan3A_1071 : i32 to index
      %swap3A_1349 = arith.constant 880 : index
      %swap3A_1350 = tpu.vector_load %arg5[%swap3A_1347, %swap3A_1348, %swap3A_1349] {strides = array<i32>} : memref<1x26x1000xf32, #tpu.memory_space<vmem>>, vector<16xf32>,
      tpu.vector_store %arg5[%swap3A_1347, %swap3A_1348, %swap3A_1349], %broadcast_in_dim3A_5 {strides = array<i32>} : memref<1x26x1000xf32, #tpu.memory_space<vmem>>, vector<16xf32>,
      %swap3A_1351 = arith.constant 0 : i32
      %swap3A_1352 = arith.index_cast %swap3A_1351 : i32 to index
      %swap3A_1353 = arith.index_cast %scan3A_1071 : i32 to index
      %swap3A_1354 = arith.constant 896 : index
      %swap3A_1355 = tpu.vector_load %arg5[%swap3A_1352, %swap3A_1353, %swap3A_1354] {strides = array<i32>} : memref<1x26x1000xf32, #tpu.memory_space<vmem>>, vector<16xf32>,
      tpu.vector_store %arg5[%swap3A_1352, %swap3A_1353, %swap3A_1354], %broadcast_in_dim3A_5 {strides = array<i32>} : memref<1x26x1000xf32, #tpu.memory_space<vmem>>, vector<16xf32>,
      %swap3A_1356 = arith.constant 0 : i32
      %swap3A_1357 = arith.index_cast %swap3A_1356 : i32 to index
      %swap3A_1358 = arith.index_cast %scan3A_1071 : i32 to index
      %swap3A_1359 = arith.constant 912 : index
      %swap3A_1360 = tpu.vector_load %arg5[%swap3A_1357, %swap3A_1358, %swap3A_1359] {strides = array<i32>} : memref<1x26x1000xf32, #tpu.memory_space<vmem>>, vector<16xf32>,
      tpu.vector_store %arg5[%swap3A_1357, %swap3A_1358, %swap3A_1359], %broadcast_in_dim3A_5 {strides = array<i32>} : memref<1x26x1000xf32, #tpu.memory_space<vmem>>, vector<16xf32>,
      %swap3A_1361 = arith.constant 0 : i32
      %swap3A_1362 = arith.index_cast %swap3A_1361 : i32 to index
      %swap3A_1363 = arith.index_cast %scan3A_1071 : i32 to index
      %swap3A_1364 = arith.constant 928 : index
      %swap3A_1365 = tpu.vector_load %arg5[%swap3A_1362, %swap3A_1363, %swap3A_1364] {strides = array<i32>} : memref<1x26x1000xf32, #tpu.memory_space<vmem>>, vector<16xf32>,
      tpu.vector_store %arg5[%swap3A_1362, %swap3A_1363, %swap3A_1364], %broadcast_in_dim3A_5 {strides = array<i32>} : memref<1x26x1000xf32, #tpu.memory_space<vmem>>, vector<16xf32>,
      %swap3A_1366 = arith.constant 0 : i32
      %swap3A_1367 = arith.index_cast %swap3A_1366 : i32 to index
      %swap3A_1368 = arith.index_cast %scan3A_1071 : i32 to index
      %swap3A_1369 = arith.constant 944 : index
      %swap3A_1370 = tpu.vector_load %arg5[%swap3A_1367, %swap3A_1368, %swap3A_1369] {strides = array<i32>} : memref<1x26x1000xf32, #tpu.memory_space<vmem>>, vector<16xf32>,
      tpu.vector_store %arg5[%swap3A_1367, %swap3A_1368, %swap3A_1369], %broadcast_in_dim3A_5 {strides = array<i32>} : memref<1x26x1000xf32, #tpu.memory_space<vmem>>, vector<16xf32>,
      %swap3A_1371 = arith.constant 0 : i32
      %swap3A_1372 = arith.index_cast %swap3A_1371 : i32 to index
      %swap3A_1373 = arith.index_cast %scan3A_1071 : i32 to index
      %swap3A_1374 = arith.constant 960 : index
      %swap3A_1375 = tpu.vector_load %arg5[%swap3A_1372, %swap3A_1373, %swap3A_1374] {strides = array<i32>} : memref<1x26x1000xf32, #tpu.memory_space<vmem>>, vector<16xf32>,
      tpu.vector_store %arg5[%swap3A_1372, %swap3A_1373, %swap3A_1374], %broadcast_in_dim3A_5 {strides = array<i32>} : memref<1x26x1000xf32, #tpu.memory_space<vmem>>, vector<16xf32>,
      %swap3A_1376 = arith.constant 0 : i32
      %swap3A_1377 = arith.index_cast %swap3A_1376 : i32 to index
      %swap3A_1378 = arith.index_cast %scan3A_1071 : i32 to index
      %swap3A_1379 = arith.constant 976 : index
      %swap3A_1380 = tpu.vector_load %arg5[%swap3A_1377, %swap3A_1378, %swap3A_1379] {strides = array<i32>} : memref<1x26x1000xf32, #tpu.memory_space<vmem>>, vector<16xf32>,
      tpu.vector_store %arg5[%swap3A_1377, %swap3A_1378, %swap3A_1379], %broadcast_in_dim3A_5 {strides = array<i32>} : memref<1x26x1000xf32, #tpu.memory_space<vmem>>, vector<16xf32>,
      %swap3A_1381 = arith.constant 0 : i32
      %swap3A_1382 = arith.index_cast %swap3A_1381 : i32 to index
      %swap3A_1383 = arith.index_cast %scan3A_1071 : i32 to index
      %swap3A_1384 = arith.constant 984 : index
      %swap3A_1385 = tpu.vector_load %arg5[%swap3A_1382, %swap3A_1383, %swap3A_1384] {strides = array<i32>} : memref<1x26x1000xf32, #tpu.memory_space<vmem>>, vector<16xf32>,
      tpu.vector_store %arg5[%swap3A_1382, %swap3A_1383, %swap3A_1384], %broadcast_in_dim3A_5 {strides = array<i32>} : memref<1x26x1000xf32, #tpu.memory_space<vmem>>, vector<16xf32>,
      %swap3A_1386 = arith.constant 0 : i32
      %swap3A_1387 = arith.index_cast %swap3A_1386 : i32 to index
      %swap3A_1388 = arith.index_cast %scan3A_1071 : i32 to index
      %swap3A_1389 = arith.constant 0 : index
      %swap3A_1390 = tpu.vector_load %arg6[%swap3A_1387, %swap3A_1388, %swap3A_1389] {strides = array<i32>} : memref<1x26x1000xf32, #tpu.memory_space<vmem>>, vector<16xf32>,
      tpu.vector_store %arg6[%swap3A_1387, %swap3A_1388, %swap3A_1389], %broadcast_in_dim3A_5 {strides = array<i32>} : memref<1x26x1000xf32, #tpu.memory_space<vmem>>, vector<16xf32>,
      %swap3A_1391 = arith.constant 0 : i32
      %swap3A_1392 = arith.index_cast %swap3A_1391 : i32 to index
      %swap3A_1393 = arith.index_cast %scan3A_1071 : i32 to index
      %swap3A_1394 = arith.constant 16 : index
      %swap3A_1395 = tpu.vector_load %arg6[%swap3A_1392, %swap3A_1393, %swap3A_1394] {strides = array<i32>} : memref<1x26x1000xf32, #tpu.memory_space<vmem>>, vector<16xf32>,
      tpu.vector_store %arg6[%swap3A_1392, %swap3A_1393, %swap3A_1394], %broadcast_in_dim3A_5 {strides = array<i32>} : memref<1x26x1000xf32, #tpu.memory_space<vmem>>, vector<16xf32>,
      %swap3A_1396 = arith.constant 0 : i32
      %swap3A_1397 = arith.index_cast %swap3A_1396 : i32 to index
      %swap3A_1398 = arith.index_cast %scan3A_1071 : i32 to index
      %swap3A_1399 = arith.constant 32 : index
      %swap3A_1400 = tpu.vector_load %arg6[%swap3A_1397, %swap3A_1398, %swap3A_1399] {strides = array<i32>} : memref<1x26x1000xf32, #tpu.memory_space<vmem>>, vector<16xf32>,
      tpu.vector_store %arg6[%swap3A_1397, %swap3A_1398, %swap3A_1399], %broadcast_in_dim3A_5 {strides = array<i32>} : memref<1x26x1000xf32, #tpu.memory_space<vmem>>, vector<16xf32>,
      %swap3A_1401 = arith.constant 0 : i32
      %swap3A_1402 = arith.index_cast %swap3A_1401 : i32 to index
      %swap3A_1403 = arith.index_cast %scan3A_1071 : i32 to index
      %swap3A_1404 = arith.constant 48 : index
      %swap3A_1405 = tpu.vector_load %arg6[%swap3A_1402, %swap3A_1403, %swap3A_1404] {strides = array<i32>} : memref<1x26x1000xf32, #tpu.memory_space<vmem>>, vector<16xf32>,
      tpu.vector_store %arg6[%swap3A_1402, %swap3A_1403, %swap3A_1404], %broadcast_in_dim3A_5 {strides = array<i32>} : memref<1x26x1000xf32, #tpu.memory_space<vmem>>, vector<16xf32>,
      %swap3A_1406 = arith.constant 0 : i32
      %swap3A_1407 = arith.index_cast %swap3A_1406 : i32 to index
      %swap3A_1408 = arith.index_cast %scan3A_1071 : i32 to index
      %swap3A_1409 = arith.constant 64 : index
      %swap3A_1410 = tpu.vector_load %arg6[%swap3A_1407, %swap3A_1408, %swap3A_1409] {strides = array<i32>} : memref<1x26x1000xf32, #tpu.memory_space<vmem>>, vector<16xf32>,
      tpu.vector_store %arg6[%swap3A_1407, %swap3A_1408, %swap3A_1409], %broadcast_in_dim3A_5 {strides = array<i32>} : memref<1x26x1000xf32, #tpu.memory_space<vmem>>, vector<16xf32>,
      %swap3A_1411 = arith.constant 0 : i32
      %swap3A_1412 = arith.index_cast %swap3A_1411 : i32 to index
      %swap3A_1413 = arith.index_cast %scan3A_1071 : i32 to index
      %swap3A_1414 = arith.constant 80 : index
      %swap3A_1415 = tpu.vector_load %arg6[%swap3A_1412, %swap3A_1413, %swap3A_1414] {strides = array<i32>} : memref<1x26x1000xf32, #tpu.memory_space<vmem>>, vector<16xf32>,
      tpu.vector_store %arg6[%swap3A_1412, %swap3A_1413, %swap3A_1414], %broadcast_in_dim3A_5 {strides = array<i32>} : memref<1x26x1000xf32, #tpu.memory_space<vmem>>, vector<16xf32>,
      %swap3A_1416 = arith.constant 0 : i32
      %swap3A_1417 = arith.index_cast %swap3A_1416 : i32 to index
      %swap3A_1418 = arith.index_cast %scan3A_1071 : i32 to index
      %swap3A_1419 = arith.constant 96 : index
      %swap3A_1420 = tpu.vector_load %arg6[%swap3A_1417, %swap3A_1418, %swap3A_1419] {strides = array<i32>} : memref<1x26x1000xf32, #tpu.memory_space<vmem>>, vector<16xf32>,
      tpu.vector_store %arg6[%swap3A_1417, %swap3A_1418, %swap3A_1419], %broadcast_in_dim3A_5 {strides = array<i32>} : memref<1x26x1000xf32, #tpu.memory_space<vmem>>, vector<16xf32>,
      %swap3A_1421 = arith.constant 0 : i32
      %swap3A_1422 = arith.index_cast %swap3A_1421 : i32 to index
      %swap3A_1423 = arith.index_cast %scan3A_1071 : i32 to index
      %swap3A_1424 = arith.constant 112 : index
      %swap3A_1425 = tpu.vector_load %arg6[%swap3A_1422, %swap3A_1423, %swap3A_1424] {strides = array<i32>} : memref<1x26x1000xf32, #tpu.memory_space<vmem>>, vector<16xf32>,
      tpu.vector_store %arg6[%swap3A_1422, %swap3A_1423, %swap3A_1424], %broadcast_in_dim3A_5 {strides = array<i32>} : memref<1x26x1000xf32, #tpu.memory_space<vmem>>, vector<16xf32>,
      %swap3A_1426 = arith.constant 0 : i32
      %swap3A_1427 = arith.index_cast %swap3A_1426 : i32 to index
      %swap3A_1428 = arith.index_cast %scan3A_1071 : i32 to index
      %swap3A_1429 = arith.constant 128 : index
      %swap3A_1430 = tpu.vector_load %arg6[%swap3A_1427, %swap3A_1428, %swap3A_1429] {strides = array<i32>} : memref<1x26x1000xf32, #tpu.memory_space<vmem>>, vector<16xf32>,
      tpu.vector_store %arg6[%swap3A_1427, %swap3A_1428, %swap3A_1429], %broadcast_in_dim3A_5 {strides = array<i32>} : memref<1x26x1000xf32, #tpu.memory_space<vmem>>, vector<16xf32>,
      %swap3A_1431 = arith.constant 0 : i32
      %swap3A_1432 = arith.index_cast %swap3A_1431 : i32 to index
      %swap3A_1433 = arith.index_cast %scan3A_1071 : i32 to index
      %swap3A_1434 = arith.constant 144 : index
      %swap3A_1435 = tpu.vector_load %arg6[%swap3A_1432, %swap3A_1433, %swap3A_1434] {strides = array<i32>} : memref<1x26x1000xf32, #tpu.memory_space<vmem>>, vector<16xf32>,
      tpu.vector_store %arg6[%swap3A_1432, %swap3A_1433, %swap3A_1434], %broadcast_in_dim3A_5 {strides = array<i32>} : memref<1x26x1000xf32, #tpu.memory_space<vmem>>, vector<16xf32>,
      %swap3A_1436 = arith.constant 0 : i32
      %swap3A_1437 = arith.index_cast %swap3A_1436 : i32 to index
      %swap3A_1438 = arith.index_cast %scan3A_1071 : i32 to index
      %swap3A_1439 = arith.constant 160 : index
      %swap3A_1440 = tpu.vector_load %arg6[%swap3A_1437, %swap3A_1438, %swap3A_1439] {strides = array<i32>} : memref<1x26x1000xf32, #tpu.memory_space<vmem>>, vector<16xf32>,
      tpu.vector_store %arg6[%swap3A_1437, %swap3A_1438, %swap3A_1439], %broadcast_in_dim3A_5 {strides = array<i32>} : memref<1x26x1000xf32, #tpu.memory_space<vmem>>, vector<16xf32>,
      %swap3A_1441 = arith.constant 0 : i32
      %swap3A_1442 = arith.index_cast %swap3A_1441 : i32 to index
      %swap3A_1443 = arith.index_cast %scan3A_1071 : i32 to index
      %swap3A_1444 = arith.constant 176 : index
      %swap3A_1445 = tpu.vector_load %arg6[%swap3A_1442, %swap3A_1443, %swap3A_1444] {strides = array<i32>} : memref<1x26x1000xf32, #tpu.memory_space<vmem>>, vector<16xf32>,
      tpu.vector_store %arg6[%swap3A_1442, %swap3A_1443, %swap3A_1444], %broadcast_in_dim3A_5 {strides = array<i32>} : memref<1x26x1000xf32, #tpu.memory_space<vmem>>, vector<16xf32>,
      %swap3A_1446 = arith.constant 0 : i32
      %swap3A_1447 = arith.index_cast %swap3A_1446 : i32 to index
      %swap3A_1448 = arith.index_cast %scan3A_1071 : i32 to index
      %swap3A_1449 = arith.constant 192 : index
      %swap3A_1450 = tpu.vector_load %arg6[%swap3A_1447, %swap3A_1448, %swap3A_1449] {strides = array<i32>} : memref<1x26x1000xf32, #tpu.memory_space<vmem>>, vector<16xf32>,
      tpu.vector_store %arg6[%swap3A_1447, %swap3A_1448, %swap3A_1449], %broadcast_in_dim3A_5 {strides = array<i32>} : memref<1x26x1000xf32, #tpu.memory_space<vmem>>, vector<16xf32>,
      %swap3A_1451 = arith.constant 0 : i32
      %swap3A_1452 = arith.index_cast %swap3A_1451 : i32 to index
      %swap3A_1453 = arith.index_cast %scan3A_1071 : i32 to index
      %swap3A_1454 = arith.constant 208 : index
      %swap3A_1455 = tpu.vector_load %arg6[%swap3A_1452, %swap3A_1453, %swap3A_1454] {strides = array<i32>} : memref<1x26x1000xf32, #tpu.memory_space<vmem>>, vector<16xf32>,
      tpu.vector_store %arg6[%swap3A_1452, %swap3A_1453, %swap3A_1454], %broadcast_in_dim3A_5 {strides = array<i32>} : memref<1x26x1000xf32, #tpu.memory_space<vmem>>, vector<16xf32>,
      %swap3A_1456 = arith.constant 0 : i32
      %swap3A_1457 = arith.index_cast %swap3A_1456 : i32 to index
      %swap3A_1458 = arith.index_cast %scan3A_1071 : i32 to index
      %swap3A_1459 = arith.constant 224 : index
      %swap3A_1460 = tpu.vector_load %arg6[%swap3A_1457, %swap3A_1458, %swap3A_1459] {strides = array<i32>} : memref<1x26x1000xf32, #tpu.memory_space<vmem>>, vector<16xf32>,
      tpu.vector_store %arg6[%swap3A_1457, %swap3A_1458, %swap3A_1459], %broadcast_in_dim3A_5 {strides = array<i32>} : memref<1x26x1000xf32, #tpu.memory_space<vmem>>, vector<16xf32>,
      %swap3A_1461 = arith.constant 0 : i32
      %swap3A_1462 = arith.index_cast %swap3A_1461 : i32 to index
      %swap3A_1463 = arith.index_cast %scan3A_1071 : i32 to index
      %swap3A_1464 = arith.constant 240 : index
      %swap3A_1465 = tpu.vector_load %arg6[%swap3A_1462, %swap3A_1463, %swap3A_1464] {strides = array<i32>} : memref<1x26x1000xf32, #tpu.memory_space<vmem>>, vector<16xf32>,
      tpu.vector_store %arg6[%swap3A_1462, %swap3A_1463, %swap3A_1464], %broadcast_in_dim3A_5 {strides = array<i32>} : memref<1x26x1000xf32, #tpu.memory_space<vmem>>, vector<16xf32>,
      %swap3A_1466 = arith.constant 0 : i32
      %swap3A_1467 = arith.index_cast %swap3A_1466 : i32 to index
      %swap3A_1468 = arith.index_cast %scan3A_1071 : i32 to index
      %swap3A_1469 = arith.constant 256 : index
      %swap3A_1470 = tpu.vector_load %arg6[%swap3A_1467, %swap3A_1468, %swap3A_1469] {strides = array<i32>} : memref<1x26x1000xf32, #tpu.memory_space<vmem>>, vector<16xf32>,
      tpu.vector_store %arg6[%swap3A_1467, %swap3A_1468, %swap3A_1469], %broadcast_in_dim3A_5 {strides = array<i32>} : memref<1x26x1000xf32, #tpu.memory_space<vmem>>, vector<16xf32>,
      %swap3A_1471 = arith.constant 0 : i32
      %swap3A_1472 = arith.index_cast %swap3A_1471 : i32 to index
      %swap3A_1473 = arith.index_cast %scan3A_1071 : i32 to index
      %swap3A_1474 = arith.constant 272 : index
      %swap3A_1475 = tpu.vector_load %arg6[%swap3A_1472, %swap3A_1473, %swap3A_1474] {strides = array<i32>} : memref<1x26x1000xf32, #tpu.memory_space<vmem>>, vector<16xf32>,
      tpu.vector_store %arg6[%swap3A_1472, %swap3A_1473, %swap3A_1474], %broadcast_in_dim3A_5 {strides = array<i32>} : memref<1x26x1000xf32, #tpu.memory_space<vmem>>, vector<16xf32>,
      %swap3A_1476 = arith.constant 0 : i32
      %swap3A_1477 = arith.index_cast %swap3A_1476 : i32 to index
      %swap3A_1478 = arith.index_cast %scan3A_1071 : i32 to index
      %swap3A_1479 = arith.constant 288 : index
      %swap3A_1480 = tpu.vector_load %arg6[%swap3A_1477, %swap3A_1478, %swap3A_1479] {strides = array<i32>} : memref<1x26x1000xf32, #tpu.memory_space<vmem>>, vector<16xf32>,
      tpu.vector_store %arg6[%swap3A_1477, %swap3A_1478, %swap3A_1479], %broadcast_in_dim3A_5 {strides = array<i32>} : memref<1x26x1000xf32, #tpu.memory_space<vmem>>, vector<16xf32>,
      %swap3A_1481 = arith.constant 0 : i32
      %swap3A_1482 = arith.index_cast %swap3A_1481 : i32 to index
      %swap3A_1483 = arith.index_cast %scan3A_1071 : i32 to index
      %swap3A_1484 = arith.constant 304 : index
      %swap3A_1485 = tpu.vector_load %arg6[%swap3A_1482, %swap3A_1483, %swap3A_1484] {strides = array<i32>} : memref<1x26x1000xf32, #tpu.memory_space<vmem>>, vector<16xf32>,
      tpu.vector_store %arg6[%swap3A_1482, %swap3A_1483, %swap3A_1484], %broadcast_in_dim3A_5 {strides = array<i32>} : memref<1x26x1000xf32, #tpu.memory_space<vmem>>, vector<16xf32>,
      %swap3A_1486 = arith.constant 0 : i32
      %swap3A_1487 = arith.index_cast %swap3A_1486 : i32 to index
      %swap3A_1488 = arith.index_cast %scan3A_1071 : i32 to index
      %swap3A_1489 = arith.constant 320 : index
      %swap3A_1490 = tpu.vector_load %arg6[%swap3A_1487, %swap3A_1488, %swap3A_1489] {strides = array<i32>} : memref<1x26x1000xf32, #tpu.memory_space<vmem>>, vector<16xf32>,
      tpu.vector_store %arg6[%swap3A_1487, %swap3A_1488, %swap3A_1489], %broadcast_in_dim3A_5 {strides = array<i32>} : memref<1x26x1000xf32, #tpu.memory_space<vmem>>, vector<16xf32>,
      %swap3A_1491 = arith.constant 0 : i32
      %swap3A_1492 = arith.index_cast %swap3A_1491 : i32 to index
      %swap3A_1493 = arith.index_cast %scan3A_1071 : i32 to index
      %swap3A_1494 = arith.constant 336 : index
      %swap3A_1495 = tpu.vector_load %arg6[%swap3A_1492, %swap3A_1493, %swap3A_1494] {strides = array<i32>} : memref<1x26x1000xf32, #tpu.memory_space<vmem>>, vector<16xf32>,
      tpu.vector_store %arg6[%swap3A_1492, %swap3A_1493, %swap3A_1494], %broadcast_in_dim3A_5 {strides = array<i32>} : memref<1x26x1000xf32, #tpu.memory_space<vmem>>, vector<16xf32>,
      %swap3A_1496 = arith.constant 0 : i32
      %swap3A_1497 = arith.index_cast %swap3A_1496 : i32 to index
      %swap3A_1498 = arith.index_cast %scan3A_1071 : i32 to index
      %swap3A_1499 = arith.constant 352 : index
      %swap3A_1500 = tpu.vector_load %arg6[%swap3A_1497, %swap3A_1498, %swap3A_1499] {strides = array<i32>} : memref<1x26x1000xf32, #tpu.memory_space<vmem>>, vector<16xf32>,
      tpu.vector_store %arg6[%swap3A_1497, %swap3A_1498, %swap3A_1499], %broadcast_in_dim3A_5 {strides = array<i32>} : memref<1x26x1000xf32, #tpu.memory_space<vmem>>, vector<16xf32>,
      %swap3A_1501 = arith.constant 0 : i32
      %swap3A_1502 = arith.index_cast %swap3A_1501 : i32 to index
      %swap3A_1503 = arith.index_cast %scan3A_1071 : i32 to index
      %swap3A_1504 = arith.constant 368 : index
      %swap3A_1505 = tpu.vector_load %arg6[%swap3A_1502, %swap3A_1503, %swap3A_1504] {strides = array<i32>} : memref<1x26x1000xf32, #tpu.memory_space<vmem>>, vector<16xf32>,
      tpu.vector_store %arg6[%swap3A_1502, %swap3A_1503, %swap3A_1504], %broadcast_in_dim3A_5 {strides = array<i32>} : memref<1x26x1000xf32, #tpu.memory_space<vmem>>, vector<16xf32>,
      %swap3A_1506 = arith.constant 0 : i32
      %swap3A_1507 = arith.index_cast %swap3A_1506 : i32 to index
      %swap3A_1508 = arith.index_cast %scan3A_1071 : i32 to index
      %swap3A_1509 = arith.constant 384 : index
      %swap3A_1510 = tpu.vector_load %arg6[%swap3A_1507, %swap3A_1508, %swap3A_1509] {strides = array<i32>} : memref<1x26x1000xf32, #tpu.memory_space<vmem>>, vector<16xf32>,
      tpu.vector_store %arg6[%swap3A_1507, %swap3A_1508, %swap3A_1509], %broadcast_in_dim3A_5 {strides = array<i32>} : memref<1x26x1000xf32, #tpu.memory_space<vmem>>, vector<16xf32>,
      %swap3A_1511 = arith.constant 0 : i32
      %swap3A_1512 = arith.index_cast %swap3A_1511 : i32 to index
      %swap3A_1513 = arith.index_cast %scan3A_1071 : i32 to index
      %swap3A_1514 = arith.constant 400 : index
      %swap3A_1515 = tpu.vector_load %arg6[%swap3A_1512, %swap3A_1513, %swap3A_1514] {strides = array<i32>} : memref<1x26x1000xf32, #tpu.memory_space<vmem>>, vector<16xf32>,
      tpu.vector_store %arg6[%swap3A_1512, %swap3A_1513, %swap3A_1514], %broadcast_in_dim3A_5 {strides = array<i32>} : memref<1x26x1000xf32, #tpu.memory_space<vmem>>, vector<16xf32>,
      %swap3A_1516 = arith.constant 0 : i32
      %swap3A_1517 = arith.index_cast %swap3A_1516 : i32 to index
      %swap3A_1518 = arith.index_cast %scan3A_1071 : i32 to index
      %swap3A_1519 = arith.constant 416 : index
      %swap3A_1520 = tpu.vector_load %arg6[%swap3A_1517, %swap3A_1518, %swap3A_1519] {strides = array<i32>} : memref<1x26x1000xf32, #tpu.memory_space<vmem>>, vector<16xf32>,
      tpu.vector_store %arg6[%swap3A_1517, %swap3A_1518, %swap3A_1519], %broadcast_in_dim3A_5 {strides = array<i32>} : memref<1x26x1000xf32, #tpu.memory_space<vmem>>, vector<16xf32>,
      %swap3A_1521 = arith.constant 0 : i32
      %swap3A_1522 = arith.index_cast %swap3A_1521 : i32 to index
      %swap3A_1523 = arith.index_cast %scan3A_1071 : i32 to index
      %swap3A_1524 = arith.constant 432 : index
      %swap3A_1525 = tpu.vector_load %arg6[%swap3A_1522, %swap3A_1523, %swap3A_1524] {strides = array<i32>} : memref<1x26x1000xf32, #tpu.memory_space<vmem>>, vector<16xf32>,
      tpu.vector_store %arg6[%swap3A_1522, %swap3A_1523, %swap3A_1524], %broadcast_in_dim3A_5 {strides = array<i32>} : memref<1x26x1000xf32, #tpu.memory_space<vmem>>, vector<16xf32>,
      %swap3A_1526 = arith.constant 0 : i32
      %swap3A_1527 = arith.index_cast %swap3A_1526 : i32 to index
      %swap3A_1528 = arith.index_cast %scan3A_1071 : i32 to index
      %swap3A_1529 = arith.constant 448 : index
      %swap3A_1530 = tpu.vector_load %arg6[%swap3A_1527, %swap3A_1528, %swap3A_1529] {strides = array<i32>} : memref<1x26x1000xf32, #tpu.memory_space<vmem>>, vector<16xf32>,
      tpu.vector_store %arg6[%swap3A_1527, %swap3A_1528, %swap3A_1529], %broadcast_in_dim3A_5 {strides = array<i32>} : memref<1x26x1000xf32, #tpu.memory_space<vmem>>, vector<16xf32>,
      %swap3A_1531 = arith.constant 0 : i32
      %swap3A_1532 = arith.index_cast %swap3A_1531 : i32 to index
      %swap3A_1533 = arith.index_cast %scan3A_1071 : i32 to index
      %swap3A_1534 = arith.constant 464 : index
      %swap3A_1535 = tpu.vector_load %arg6[%swap3A_1532, %swap3A_1533, %swap3A_1534] {strides = array<i32>} : memref<1x26x1000xf32, #tpu.memory_space<vmem>>, vector<16xf32>,
      tpu.vector_store %arg6[%swap3A_1532, %swap3A_1533, %swap3A_1534], %broadcast_in_dim3A_5 {strides = array<i32>} : memref<1x26x1000xf32, #tpu.memory_space<vmem>>, vector<16xf32>,
      %swap3A_1536 = arith.constant 0 : i32
      %swap3A_1537 = arith.index_cast %swap3A_1536 : i32 to index
      %swap3A_1538 = arith.index_cast %scan3A_1071 : i32 to index
      %swap3A_1539 = arith.constant 480 : index
      %swap3A_1540 = tpu.vector_load %arg6[%swap3A_1537, %swap3A_1538, %swap3A_1539] {strides = array<i32>} : memref<1x26x1000xf32, #tpu.memory_space<vmem>>, vector<16xf32>,
      tpu.vector_store %arg6[%swap3A_1537, %swap3A_1538, %swap3A_1539], %broadcast_in_dim3A_5 {strides = array<i32>} : memref<1x26x1000xf32, #tpu.memory_space<vmem>>, vector<16xf32>,
      %swap3A_1541 = arith.constant 0 : i32
      %swap3A_1542 = arith.index_cast %swap3A_1541 : i32 to index
      %swap3A_1543 = arith.index_cast %scan3A_1071 : i32 to index
      %swap3A_1544 = arith.constant 496 : index
      %swap3A_1545 = tpu.vector_load %arg6[%swap3A_1542, %swap3A_1543, %swap3A_1544] {strides = array<i32>} : memref<1x26x1000xf32, #tpu.memory_space<vmem>>, vector<16xf32>,
      tpu.vector_store %arg6[%swap3A_1542, %swap3A_1543, %swap3A_1544], %broadcast_in_dim3A_5 {strides = array<i32>} : memref<1x26x1000xf32, #tpu.memory_space<vmem>>, vector<16xf32>,
      %swap3A_1546 = arith.constant 0 : i32
      %swap3A_1547 = arith.index_cast %swap3A_1546 : i32 to index
      %swap3A_1548 = arith.index_cast %scan3A_1071 : i32 to index
      %swap3A_1549 = arith.constant 512 : index
      %swap3A_1550 = tpu.vector_load %arg6[%swap3A_1547, %swap3A_1548, %swap3A_1549] {strides = array<i32>} : memref<1x26x1000xf32, #tpu.memory_space<vmem>>, vector<16xf32>,
      tpu.vector_store %arg6[%swap3A_1547, %swap3A_1548, %swap3A_1549], %broadcast_in_dim3A_5 {strides = array<i32>} : memref<1x26x1000xf32, #tpu.memory_space<vmem>>, vector<16xf32>,
      %swap3A_1551 = arith.constant 0 : i32
      %swap3A_1552 = arith.index_cast %swap3A_1551 : i32 to index
      %swap3A_1553 = arith.index_cast %scan3A_1071 : i32 to index
      %swap3A_1554 = arith.constant 528 : index
      %swap3A_1555 = tpu.vector_load %arg6[%swap3A_1552, %swap3A_1553, %swap3A_1554] {strides = array<i32>} : memref<1x26x1000xf32, #tpu.memory_space<vmem>>, vector<16xf32>,
      tpu.vector_store %arg6[%swap3A_1552, %swap3A_1553, %swap3A_1554], %broadcast_in_dim3A_5 {strides = array<i32>} : memref<1x26x1000xf32, #tpu.memory_space<vmem>>, vector<16xf32>,
      %swap3A_1556 = arith.constant 0 : i32
      %swap3A_1557 = arith.index_cast %swap3A_1556 : i32 to index
      %swap3A_1558 = arith.index_cast %scan3A_1071 : i32 to index
      %swap3A_1559 = arith.constant 544 : index
      %swap3A_1560 = tpu.vector_load %arg6[%swap3A_1557, %swap3A_1558, %swap3A_1559] {strides = array<i32>} : memref<1x26x1000xf32, #tpu.memory_space<vmem>>, vector<16xf32>,
      tpu.vector_store %arg6[%swap3A_1557, %swap3A_1558, %swap3A_1559], %broadcast_in_dim3A_5 {strides = array<i32>} : memref<1x26x1000xf32, #tpu.memory_space<vmem>>, vector<16xf32>,
      %swap3A_1561 = arith.constant 0 : i32
      %swap3A_1562 = arith.index_cast %swap3A_1561 : i32 to index
      %swap3A_1563 = arith.index_cast %scan3A_1071 : i32 to index
      %swap3A_1564 = arith.constant 560 : index
      %swap3A_1565 = tpu.vector_load %arg6[%swap3A_1562, %swap3A_1563, %swap3A_1564] {strides = array<i32>} : memref<1x26x1000xf32, #tpu.memory_space<vmem>>, vector<16xf32>,
      tpu.vector_store %arg6[%swap3A_1562, %swap3A_1563, %swap3A_1564], %broadcast_in_dim3A_5 {strides = array<i32>} : memref<1x26x1000xf32, #tpu.memory_space<vmem>>, vector<16xf32>,
      %swap3A_1566 = arith.constant 0 : i32
      %swap3A_1567 = arith.index_cast %swap3A_1566 : i32 to index
      %swap3A_1568 = arith.index_cast %scan3A_1071 : i32 to index
      %swap3A_1569 = arith.constant 576 : index
      %swap3A_1570 = tpu.vector_load %arg6[%swap3A_1567, %swap3A_1568, %swap3A_1569] {strides = array<i32>} : memref<1x26x1000xf32, #tpu.memory_space<vmem>>, vector<16xf32>,
      tpu.vector_store %arg6[%swap3A_1567, %swap3A_1568, %swap3A_1569], %broadcast_in_dim3A_5 {strides = array<i32>} : memref<1x26x1000xf32, #tpu.memory_space<vmem>>, vector<16xf32>,
      %swap3A_1571 = arith.constant 0 : i32
      %swap3A_1572 = arith.index_cast %swap3A_1571 : i32 to index
      %swap3A_1573 = arith.index_cast %scan3A_1071 : i32 to index
      %swap3A_1574 = arith.constant 592 : index
      %swap3A_1575 = tpu.vector_load %arg6[%swap3A_1572, %swap3A_1573, %swap3A_1574] {strides = array<i32>} : memref<1x26x1000xf32, #tpu.memory_space<vmem>>, vector<16xf32>,
      tpu.vector_store %arg6[%swap3A_1572, %swap3A_1573, %swap3A_1574], %broadcast_in_dim3A_5 {strides = array<i32>} : memref<1x26x1000xf32, #tpu.memory_space<vmem>>, vector<16xf32>,
      %swap3A_1576 = arith.constant 0 : i32
      %swap3A_1577 = arith.index_cast %swap3A_1576 : i32 to index
      %swap3A_1578 = arith.index_cast %scan3A_1071 : i32 to index
      %swap3A_1579 = arith.constant 608 : index
      %swap3A_1580 = tpu.vector_load %arg6[%swap3A_1577, %swap3A_1578, %swap3A_1579] {strides = array<i32>} : memref<1x26x1000xf32, #tpu.memory_space<vmem>>, vector<16xf32>,
      tpu.vector_store %arg6[%swap3A_1577, %swap3A_1578, %swap3A_1579], %broadcast_in_dim3A_5 {strides = array<i32>} : memref<1x26x1000xf32, #tpu.memory_space<vmem>>, vector<16xf32>,
      %swap3A_1581 = arith.constant 0 : i32
      %swap3A_1582 = arith.index_cast %swap3A_1581 : i32 to index
      %swap3A_1583 = arith.index_cast %scan3A_1071 : i32 to index
      %swap3A_1584 = arith.constant 624 : index
      %swap3A_1585 = tpu.vector_load %arg6[%swap3A_1582, %swap3A_1583, %swap3A_1584] {strides = array<i32>} : memref<1x26x1000xf32, #tpu.memory_space<vmem>>, vector<16xf32>,
      tpu.vector_store %arg6[%swap3A_1582, %swap3A_1583, %swap3A_1584], %broadcast_in_dim3A_5 {strides = array<i32>} : memref<1x26x1000xf32, #tpu.memory_space<vmem>>, vector<16xf32>,
      %swap3A_1586 = arith.constant 0 : i32
      %swap3A_1587 = arith.index_cast %swap3A_1586 : i32 to index
      %swap3A_1588 = arith.index_cast %scan3A_1071 : i32 to index
      %swap3A_1589 = arith.constant 640 : index
      %swap3A_1590 = tpu.vector_load %arg6[%swap3A_1587, %swap3A_1588, %swap3A_1589] {strides = array<i32>} : memref<1x26x1000xf32, #tpu.memory_space<vmem>>, vector<16xf32>,
      tpu.vector_store %arg6[%swap3A_1587, %swap3A_1588, %swap3A_1589], %broadcast_in_dim3A_5 {strides = array<i32>} : memref<1x26x1000xf32, #tpu.memory_space<vmem>>, vector<16xf32>,
      %swap3A_1591 = arith.constant 0 : i32
      %swap3A_1592 = arith.index_cast %swap3A_1591 : i32 to index
      %swap3A_1593 = arith.index_cast %scan3A_1071 : i32 to index
      %swap3A_1594 = arith.constant 656 : index
      %swap3A_1595 = tpu.vector_load %arg6[%swap3A_1592, %swap3A_1593, %swap3A_1594] {strides = array<i32>} : memref<1x26x1000xf32, #tpu.memory_space<vmem>>, vector<16xf32>,
      tpu.vector_store %arg6[%swap3A_1592, %swap3A_1593, %swap3A_1594], %broadcast_in_dim3A_5 {strides = array<i32>} : memref<1x26x1000xf32, #tpu.memory_space<vmem>>, vector<16xf32>,
      %swap3A_1596 = arith.constant 0 : i32
      %swap3A_1597 = arith.index_cast %swap3A_1596 : i32 to index
      %swap3A_1598 = arith.index_cast %scan3A_1071 : i32 to index
      %swap3A_1599 = arith.constant 672 : index
      %swap3A_1600 = tpu.vector_load %arg6[%swap3A_1597, %swap3A_1598, %swap3A_1599] {strides = array<i32>} : memref<1x26x1000xf32, #tpu.memory_space<vmem>>, vector<16xf32>,
      tpu.vector_store %arg6[%swap3A_1597, %swap3A_1598, %swap3A_1599], %broadcast_in_dim3A_5 {strides = array<i32>} : memref<1x26x1000xf32, #tpu.memory_space<vmem>>, vector<16xf32>,
      %swap3A_1601 = arith.constant 0 : i32
      %swap3A_1602 = arith.index_cast %swap3A_1601 : i32 to index
      %swap3A_1603 = arith.index_cast %scan3A_1071 : i32 to index
      %swap3A_1604 = arith.constant 688 : index
      %swap3A_1605 = tpu.vector_load %arg6[%swap3A_1602, %swap3A_1603, %swap3A_1604] {strides = array<i32>} : memref<1x26x1000xf32, #tpu.memory_space<vmem>>, vector<16xf32>,
      tpu.vector_store %arg6[%swap3A_1602, %swap3A_1603, %swap3A_1604], %broadcast_in_dim3A_5 {strides = array<i32>} : memref<1x26x1000xf32, #tpu.memory_space<vmem>>, vector<16xf32>,
      %swap3A_1606 = arith.constant 0 : i32
      %swap3A_1607 = arith.index_cast %swap3A_1606 : i32 to index
      %swap3A_1608 = arith.index_cast %scan3A_1071 : i32 to index
      %swap3A_1609 = arith.constant 704 : index
      %swap3A_1610 = tpu.vector_load %arg6[%swap3A_1607, %swap3A_1608, %swap3A_1609] {strides = array<i32>} : memref<1x26x1000xf32, #tpu.memory_space<vmem>>, vector<16xf32>,
      tpu.vector_store %arg6[%swap3A_1607, %swap3A_1608, %swap3A_1609], %broadcast_in_dim3A_5 {strides = array<i32>} : memref<1x26x1000xf32, #tpu.memory_space<vmem>>, vector<16xf32>,
      %swap3A_1611 = arith.constant 0 : i32
      %swap3A_1612 = arith.index_cast %swap3A_1611 : i32 to index
      %swap3A_1613 = arith.index_cast %scan3A_1071 : i32 to index
      %swap3A_1614 = arith.constant 720 : index
      %swap3A_1615 = tpu.vector_load %arg6[%swap3A_1612, %swap3A_1613, %swap3A_1614] {strides = array<i32>} : memref<1x26x1000xf32, #tpu.memory_space<vmem>>, vector<16xf32>,
      tpu.vector_store %arg6[%swap3A_1612, %swap3A_1613, %swap3A_1614], %broadcast_in_dim3A_5 {strides = array<i32>} : memref<1x26x1000xf32, #tpu.memory_space<vmem>>, vector<16xf32>,
      %swap3A_1616 = arith.constant 0 : i32
      %swap3A_1617 = arith.index_cast %swap3A_1616 : i32 to index
      %swap3A_1618 = arith.index_cast %scan3A_1071 : i32 to index
      %swap3A_1619 = arith.constant 736 : index
      %swap3A_1620 = tpu.vector_load %arg6[%swap3A_1617, %swap3A_1618, %swap3A_1619] {strides = array<i32>} : memref<1x26x1000xf32, #tpu.memory_space<vmem>>, vector<16xf32>,
      tpu.vector_store %arg6[%swap3A_1617, %swap3A_1618, %swap3A_1619], %broadcast_in_dim3A_5 {strides = array<i32>} : memref<1x26x1000xf32, #tpu.memory_space<vmem>>, vector<16xf32>,
      %swap3A_1621 = arith.constant 0 : i32
      %swap3A_1622 = arith.index_cast %swap3A_1621 : i32 to index
      %swap3A_1623 = arith.index_cast %scan3A_1071 : i32 to index
      %swap3A_1624 = arith.constant 752 : index
      %swap3A_1625 = tpu.vector_load %arg6[%swap3A_1622, %swap3A_1623, %swap3A_1624] {strides = array<i32>} : memref<1x26x1000xf32, #tpu.memory_space<vmem>>, vector<16xf32>,
      tpu.vector_store %arg6[%swap3A_1622, %swap3A_1623, %swap3A_1624], %broadcast_in_dim3A_5 {strides = array<i32>} : memref<1x26x1000xf32, #tpu.memory_space<vmem>>, vector<16xf32>,
      %swap3A_1626 = arith.constant 0 : i32
      %swap3A_1627 = arith.index_cast %swap3A_1626 : i32 to index
      %swap3A_1628 = arith.index_cast %scan3A_1071 : i32 to index
      %swap3A_1629 = arith.constant 768 : index
      %swap3A_1630 = tpu.vector_load %arg6[%swap3A_1627, %swap3A_1628, %swap3A_1629] {strides = array<i32>} : memref<1x26x1000xf32, #tpu.memory_space<vmem>>, vector<16xf32>,
      tpu.vector_store %arg6[%swap3A_1627, %swap3A_1628, %swap3A_1629], %broadcast_in_dim3A_5 {strides = array<i32>} : memref<1x26x1000xf32, #tpu.memory_space<vmem>>, vector<16xf32>,
      %swap3A_1631 = arith.constant 0 : i32
      %swap3A_1632 = arith.index_cast %swap3A_1631 : i32 to index
      %swap3A_1633 = arith.index_cast %scan3A_1071 : i32 to index
      %swap3A_1634 = arith.constant 784 : index
      %swap3A_1635 = tpu.vector_load %arg6[%swap3A_1632, %swap3A_1633, %swap3A_1634] {strides = array<i32>} : memref<1x26x1000xf32, #tpu.memory_space<vmem>>, vector<16xf32>,
      tpu.vector_store %arg6[%swap3A_1632, %swap3A_1633, %swap3A_1634], %broadcast_in_dim3A_5 {strides = array<i32>} : memref<1x26x1000xf32, #tpu.memory_space<vmem>>, vector<16xf32>,
      %swap3A_1636 = arith.constant 0 : i32
      %swap3A_1637 = arith.index_cast %swap3A_1636 : i32 to index
      %swap3A_1638 = arith.index_cast %scan3A_1071 : i32 to index
      %swap3A_1639 = arith.constant 800 : index
      %swap3A_1640 = tpu.vector_load %arg6[%swap3A_1637, %swap3A_1638, %swap3A_1639] {strides = array<i32>} : memref<1x26x1000xf32, #tpu.memory_space<vmem>>, vector<16xf32>,
      tpu.vector_store %arg6[%swap3A_1637, %swap3A_1638, %swap3A_1639], %broadcast_in_dim3A_5 {strides = array<i32>} : memref<1x26x1000xf32, #tpu.memory_space<vmem>>, vector<16xf32>,
      %swap3A_1641 = arith.constant 0 : i32
      %swap3A_1642 = arith.index_cast %swap3A_1641 : i32 to index
      %swap3A_1643 = arith.index_cast %scan3A_1071 : i32 to index
      %swap3A_1644 = arith.constant 816 : index
      %swap3A_1645 = tpu.vector_load %arg6[%swap3A_1642, %swap3A_1643, %swap3A_1644] {strides = array<i32>} : memref<1x26x1000xf32, #tpu.memory_space<vmem>>, vector<16xf32>,
      tpu.vector_store %arg6[%swap3A_1642, %swap3A_1643, %swap3A_1644], %broadcast_in_dim3A_5 {strides = array<i32>} : memref<1x26x1000xf32, #tpu.memory_space<vmem>>, vector<16xf32>,
      %swap3A_1646 = arith.constant 0 : i32
      %swap3A_1647 = arith.index_cast %swap3A_1646 : i32 to index
      %swap3A_1648 = arith.index_cast %scan3A_1071 : i32 to index
      %swap3A_1649 = arith.constant 832 : index
      %swap3A_1650 = tpu.vector_load %arg6[%swap3A_1647, %swap3A_1648, %swap3A_1649] {strides = array<i32>} : memref<1x26x1000xf32, #tpu.memory_space<vmem>>, vector<16xf32>,
      tpu.vector_store %arg6[%swap3A_1647, %swap3A_1648, %swap3A_1649], %broadcast_in_dim3A_5 {strides = array<i32>} : memref<1x26x1000xf32, #tpu.memory_space<vmem>>, vector<16xf32>,
      %swap3A_1651 = arith.constant 0 : i32
      %swap3A_1652 = arith.index_cast %swap3A_1651 : i32 to index
      %swap3A_1653 = arith.index_cast %scan3A_1071 : i32 to index
      %swap3A_1654 = arith.constant 848 : index
      %swap3A_1655 = tpu.vector_load %arg6[%swap3A_1652, %swap3A_1653, %swap3A_1654] {strides = array<i32>} : memref<1x26x1000xf32, #tpu.memory_space<vmem>>, vector<16xf32>,
      tpu.vector_store %arg6[%swap3A_1652, %swap3A_1653, %swap3A_1654], %broadcast_in_dim3A_5 {strides = array<i32>} : memref<1x26x1000xf32, #tpu.memory_space<vmem>>, vector<16xf32>,
      %swap3A_1656 = arith.constant 0 : i32
      %swap3A_1657 = arith.index_cast %swap3A_1656 : i32 to index
      %swap3A_1658 = arith.index_cast %scan3A_1071 : i32 to index
      %swap3A_1659 = arith.constant 864 : index
      %swap3A_1660 = tpu.vector_load %arg6[%swap3A_1657, %swap3A_1658, %swap3A_1659] {strides = array<i32>} : memref<1x26x1000xf32, #tpu.memory_space<vmem>>, vector<16xf32>,
      tpu.vector_store %arg6[%swap3A_1657, %swap3A_1658, %swap3A_1659], %broadcast_in_dim3A_5 {strides = array<i32>} : memref<1x26x1000xf32, #tpu.memory_space<vmem>>, vector<16xf32>,
      %swap3A_1661 = arith.constant 0 : i32
      %swap3A_1662 = arith.index_cast %swap3A_1661 : i32 to index
      %swap3A_1663 = arith.index_cast %scan3A_1071 : i32 to index
      %swap3A_1664 = arith.constant 880 : index
      %swap3A_1665 = tpu.vector_load %arg6[%swap3A_1662, %swap3A_1663, %swap3A_1664] {strides = array<i32>} : memref<1x26x1000xf32, #tpu.memory_space<vmem>>, vector<16xf32>,
      tpu.vector_store %arg6[%swap3A_1662, %swap3A_1663, %swap3A_1664], %broadcast_in_dim3A_5 {strides = array<i32>} : memref<1x26x1000xf32, #tpu.memory_space<vmem>>, vector<16xf32>,
      %swap3A_1666 = arith.constant 0 : i32
      %swap3A_1667 = arith.index_cast %swap3A_1666 : i32 to index
      %swap3A_1668 = arith.index_cast %scan3A_1071 : i32 to index
      %swap3A_1669 = arith.constant 896 : index
      %swap3A_1670 = tpu.vector_load %arg6[%swap3A_1667, %swap3A_1668, %swap3A_1669] {strides = array<i32>} : memref<1x26x1000xf32, #tpu.memory_space<vmem>>, vector<16xf32>,
      tpu.vector_store %arg6[%swap3A_1667, %swap3A_1668, %swap3A_1669], %broadcast_in_dim3A_5 {strides = array<i32>} : memref<1x26x1000xf32, #tpu.memory_space<vmem>>, vector<16xf32>,
      %swap3A_1671 = arith.constant 0 : i32
      %swap3A_1672 = arith.index_cast %swap3A_1671 : i32 to index
      %swap3A_1673 = arith.index_cast %scan3A_1071 : i32 to index
      %swap3A_1674 = arith.constant 912 : index
      %swap3A_1675 = tpu.vector_load %arg6[%swap3A_1672, %swap3A_1673, %swap3A_1674] {strides = array<i32>} : memref<1x26x1000xf32, #tpu.memory_space<vmem>>, vector<16xf32>,
      tpu.vector_store %arg6[%swap3A_1672, %swap3A_1673, %swap3A_1674], %broadcast_in_dim3A_5 {strides = array<i32>} : memref<1x26x1000xf32, #tpu.memory_space<vmem>>, vector<16xf32>,
      %swap3A_1676 = arith.constant 0 : i32
      %swap3A_1677 = arith.index_cast %swap3A_1676 : i32 to index
      %swap3A_1678 = arith.index_cast %scan3A_1071 : i32 to index
      %swap3A_1679 = arith.constant 928 : index
      %swap3A_1680 = tpu.vector_load %arg6[%swap3A_1677, %swap3A_1678, %swap3A_1679] {strides = array<i32>} : memref<1x26x1000xf32, #tpu.memory_space<vmem>>, vector<16xf32>,
      tpu.vector_store %arg6[%swap3A_1677, %swap3A_1678, %swap3A_1679], %broadcast_in_dim3A_5 {strides = array<i32>} : memref<1x26x1000xf32, #tpu.memory_space<vmem>>, vector<16xf32>,
      %swap3A_1681 = arith.constant 0 : i32
      %swap3A_1682 = arith.index_cast %swap3A_1681 : i32 to index
      %swap3A_1683 = arith.index_cast %scan3A_1071 : i32 to index
      %swap3A_1684 = arith.constant 944 : index
      %swap3A_1685 = tpu.vector_load %arg6[%swap3A_1682, %swap3A_1683, %swap3A_1684] {strides = array<i32>} : memref<1x26x1000xf32, #tpu.memory_space<vmem>>, vector<16xf32>,
      tpu.vector_store %arg6[%swap3A_1682, %swap3A_1683, %swap3A_1684], %broadcast_in_dim3A_5 {strides = array<i32>} : memref<1x26x1000xf32, #tpu.memory_space<vmem>>, vector<16xf32>,
      %swap3A_1686 = arith.constant 0 : i32
      %swap3A_1687 = arith.index_cast %swap3A_1686 : i32 to index
      %swap3A_1688 = arith.index_cast %scan3A_1071 : i32 to index
      %swap3A_1689 = arith.constant 960 : index
      %swap3A_1690 = tpu.vector_load %arg6[%swap3A_1687, %swap3A_1688, %swap3A_1689] {strides = array<i32>} : memref<1x26x1000xf32, #tpu.memory_space<vmem>>, vector<16xf32>,
      tpu.vector_store %arg6[%swap3A_1687, %swap3A_1688, %swap3A_1689], %broadcast_in_dim3A_5 {strides = array<i32>} : memref<1x26x1000xf32, #tpu.memory_space<vmem>>, vector<16xf32>,
      %swap3A_1691 = arith.constant 0 : i32
      %swap3A_1692 = arith.index_cast %swap3A_1691 : i32 to index
      %swap3A_1693 = arith.index_cast %scan3A_1071 : i32 to index
      %swap3A_1694 = arith.constant 976 : index
      %swap3A_1695 = tpu.vector_load %arg6[%swap3A_1692, %swap3A_1693, %swap3A_1694] {strides = array<i32>} : memref<1x26x1000xf32, #tpu.memory_space<vmem>>, vector<16xf32>,
      tpu.vector_store %arg6[%swap3A_1692, %swap3A_1693, %swap3A_1694], %broadcast_in_dim3A_5 {strides = array<i32>} : memref<1x26x1000xf32, #tpu.memory_space<vmem>>, vector<16xf32>,
      %swap3A_1696 = arith.constant 0 : i32
      %swap3A_1697 = arith.index_cast %swap3A_1696 : i32 to index
      %swap3A_1698 = arith.index_cast %scan3A_1071 : i32 to index
      %swap3A_1699 = arith.constant 984 : index
      %swap3A_1700 = tpu.vector_load %arg6[%swap3A_1697, %swap3A_1698, %swap3A_1699] {strides = array<i32>} : memref<1x26x1000xf32, #tpu.memory_space<vmem>>, vector<16xf32>,
      tpu.vector_store %arg6[%swap3A_1697, %swap3A_1698, %swap3A_1699], %broadcast_in_dim3A_5 {strides = array<i32>} : memref<1x26x1000xf32, #tpu.memory_space<vmem>>, vector<16xf32>,
      %swap3A_1701 = arith.constant 0 : i32
      %swap3A_1702 = arith.index_cast %swap3A_1701 : i32 to index
      %swap3A_1703 = arith.index_cast %scan3A_1071 : i32 to index
      %swap3A_1704 = arith.constant 0 : index
      %swap3A_1705 = tpu.vector_load %arg7[%swap3A_1702, %swap3A_1703, %swap3A_1704] {strides = array<i32>} : memref<1x26x1000xf32, #tpu.memory_space<vmem>>, vector<16xf32>,
      tpu.vector_store %arg7[%swap3A_1702, %swap3A_1703, %swap3A_1704], %broadcast_in_dim3A_5 {strides = array<i32>} : memref<1x26x1000xf32, #tpu.memory_space<vmem>>, vector<16xf32>,
      %swap3A_1706 = arith.constant 0 : i32
      %swap3A_1707 = arith.index_cast %swap3A_1706 : i32 to index
      %swap3A_1708 = arith.index_cast %scan3A_1071 : i32 to index
      %swap3A_1709 = arith.constant 16 : index
      %swap3A_1710 = tpu.vector_load %arg7[%swap3A_1707, %swap3A_1708, %swap3A_1709] {strides = array<i32>} : memref<1x26x1000xf32, #tpu.memory_space<vmem>>, vector<16xf32>,
      tpu.vector_store %arg7[%swap3A_1707, %swap3A_1708, %swap3A_1709], %broadcast_in_dim3A_5 {strides = array<i32>} : memref<1x26x1000xf32, #tpu.memory_space<vmem>>, vector<16xf32>,
      %swap3A_1711 = arith.constant 0 : i32
      %swap3A_1712 = arith.index_cast %swap3A_1711 : i32 to index
      %swap3A_1713 = arith.index_cast %scan3A_1071 : i32 to index
      %swap3A_1714 = arith.constant 32 : index
      %swap3A_1715 = tpu.vector_load %arg7[%swap3A_1712, %swap3A_1713, %swap3A_1714] {strides = array<i32>} : memref<1x26x1000xf32, #tpu.memory_space<vmem>>, vector<16xf32>,
      tpu.vector_store %arg7[%swap3A_1712, %swap3A_1713, %swap3A_1714], %broadcast_in_dim3A_5 {strides = array<i32>} : memref<1x26x1000xf32, #tpu.memory_space<vmem>>, vector<16xf32>,
      %swap3A_1716 = arith.constant 0 : i32
      %swap3A_1717 = arith.index_cast %swap3A_1716 : i32 to index
      %swap3A_1718 = arith.index_cast %scan3A_1071 : i32 to index
      %swap3A_1719 = arith.constant 48 : index
      %swap3A_1720 = tpu.vector_load %arg7[%swap3A_1717, %swap3A_1718, %swap3A_1719] {strides = array<i32>} : memref<1x26x1000xf32, #tpu.memory_space<vmem>>, vector<16xf32>,
      tpu.vector_store %arg7[%swap3A_1717, %swap3A_1718, %swap3A_1719], %broadcast_in_dim3A_5 {strides = array<i32>} : memref<1x26x1000xf32, #tpu.memory_space<vmem>>, vector<16xf32>,
      %swap3A_1721 = arith.constant 0 : i32
      %swap3A_1722 = arith.index_cast %swap3A_1721 : i32 to index
      %swap3A_1723 = arith.index_cast %scan3A_1071 : i32 to index
      %swap3A_1724 = arith.constant 64 : index
      %swap3A_1725 = tpu.vector_load %arg7[%swap3A_1722, %swap3A_1723, %swap3A_1724] {strides = array<i32>} : memref<1x26x1000xf32, #tpu.memory_space<vmem>>, vector<16xf32>,
      tpu.vector_store %arg7[%swap3A_1722, %swap3A_1723, %swap3A_1724], %broadcast_in_dim3A_5 {strides = array<i32>} : memref<1x26x1000xf32, #tpu.memory_space<vmem>>, vector<16xf32>,
      %swap3A_1726 = arith.constant 0 : i32
      %swap3A_1727 = arith.index_cast %swap3A_1726 : i32 to index
      %swap3A_1728 = arith.index_cast %scan3A_1071 : i32 to index
      %swap3A_1729 = arith.constant 80 : index
      %swap3A_1730 = tpu.vector_load %arg7[%swap3A_1727, %swap3A_1728, %swap3A_1729] {strides = array<i32>} : memref<1x26x1000xf32, #tpu.memory_space<vmem>>, vector<16xf32>,
      tpu.vector_store %arg7[%swap3A_1727, %swap3A_1728, %swap3A_1729], %broadcast_in_dim3A_5 {strides = array<i32>} : memref<1x26x1000xf32, #tpu.memory_space<vmem>>, vector<16xf32>,
      %swap3A_1731 = arith.constant 0 : i32
      %swap3A_1732 = arith.index_cast %swap3A_1731 : i32 to index
      %swap3A_1733 = arith.index_cast %scan3A_1071 : i32 to index
      %swap3A_1734 = arith.constant 96 : index
      %swap3A_1735 = tpu.vector_load %arg7[%swap3A_1732, %swap3A_1733, %swap3A_1734] {strides = array<i32>} : memref<1x26x1000xf32, #tpu.memory_space<vmem>>, vector<16xf32>,
      tpu.vector_store %arg7[%swap3A_1732, %swap3A_1733, %swap3A_1734], %broadcast_in_dim3A_5 {strides = array<i32>} : memref<1x26x1000xf32, #tpu.memory_space<vmem>>, vector<16xf32>,
      %swap3A_1736 = arith.constant 0 : i32
      %swap3A_1737 = arith.index_cast %swap3A_1736 : i32 to index
      %swap3A_1738 = arith.index_cast %scan3A_1071 : i32 to index
      %swap3A_1739 = arith.constant 112 : index
      %swap3A_1740 = tpu.vector_load %arg7[%swap3A_1737, %swap3A_1738, %swap3A_1739] {strides = array<i32>} : memref<1x26x1000xf32, #tpu.memory_space<vmem>>, vector<16xf32>,
      tpu.vector_store %arg7[%swap3A_1737, %swap3A_1738, %swap3A_1739], %broadcast_in_dim3A_5 {strides = array<i32>} : memref<1x26x1000xf32, #tpu.memory_space<vmem>>, vector<16xf32>,
      %swap3A_1741 = arith.constant 0 : i32
      %swap3A_1742 = arith.index_cast %swap3A_1741 : i32 to index
      %swap3A_1743 = arith.index_cast %scan3A_1071 : i32 to index
      %swap3A_1744 = arith.constant 128 : index
      %swap3A_1745 = tpu.vector_load %arg7[%swap3A_1742, %swap3A_1743, %swap3A_1744] {strides = array<i32>} : memref<1x26x1000xf32, #tpu.memory_space<vmem>>, vector<16xf32>,
      tpu.vector_store %arg7[%swap3A_1742, %swap3A_1743, %swap3A_1744], %broadcast_in_dim3A_5 {strides = array<i32>} : memref<1x26x1000xf32, #tpu.memory_space<vmem>>, vector<16xf32>,
      %swap3A_1746 = arith.constant 0 : i32
      %swap3A_1747 = arith.index_cast %swap3A_1746 : i32 to index
      %swap3A_1748 = arith.index_cast %scan3A_1071 : i32 to index
      %swap3A_1749 = arith.constant 144 : index
      %swap3A_1750 = tpu.vector_load %arg7[%swap3A_1747, %swap3A_1748, %swap3A_1749] {strides = array<i32>} : memref<1x26x1000xf32, #tpu.memory_space<vmem>>, vector<16xf32>,
      tpu.vector_store %arg7[%swap3A_1747, %swap3A_1748, %swap3A_1749], %broadcast_in_dim3A_5 {strides = array<i32>} : memref<1x26x1000xf32, #tpu.memory_space<vmem>>, vector<16xf32>,
      %swap3A_1751 = arith.constant 0 : i32
      %swap3A_1752 = arith.index_cast %swap3A_1751 : i32 to index
      %swap3A_1753 = arith.index_cast %scan3A_1071 : i32 to index
      %swap3A_1754 = arith.constant 160 : index
      %swap3A_1755 = tpu.vector_load %arg7[%swap3A_1752, %swap3A_1753, %swap3A_1754] {strides = array<i32>} : memref<1x26x1000xf32, #tpu.memory_space<vmem>>, vector<16xf32>,
      tpu.vector_store %arg7[%swap3A_1752, %swap3A_1753, %swap3A_1754], %broadcast_in_dim3A_5 {strides = array<i32>} : memref<1x26x1000xf32, #tpu.memory_space<vmem>>, vector<16xf32>,
      %swap3A_1756 = arith.constant 0 : i32
      %swap3A_1757 = arith.index_cast %swap3A_1756 : i32 to index
      %swap3A_1758 = arith.index_cast %scan3A_1071 : i32 to index
      %swap3A_1759 = arith.constant 176 : index
      %swap3A_1760 = tpu.vector_load %arg7[%swap3A_1757, %swap3A_1758, %swap3A_1759] {strides = array<i32>} : memref<1x26x1000xf32, #tpu.memory_space<vmem>>, vector<16xf32>,
      tpu.vector_store %arg7[%swap3A_1757, %swap3A_1758, %swap3A_1759], %broadcast_in_dim3A_5 {strides = array<i32>} : memref<1x26x1000xf32, #tpu.memory_space<vmem>>, vector<16xf32>,
      %swap3A_1761 = arith.constant 0 : i32
      %swap3A_1762 = arith.index_cast %swap3A_1761 : i32 to index
      %swap3A_1763 = arith.index_cast %scan3A_1071 : i32 to index
      %swap3A_1764 = arith.constant 192 : index
      %swap3A_1765 = tpu.vector_load %arg7[%swap3A_1762, %swap3A_1763, %swap3A_1764] {strides = array<i32>} : memref<1x26x1000xf32, #tpu.memory_space<vmem>>, vector<16xf32>,
      tpu.vector_store %arg7[%swap3A_1762, %swap3A_1763, %swap3A_1764], %broadcast_in_dim3A_5 {strides = array<i32>} : memref<1x26x1000xf32, #tpu.memory_space<vmem>>, vector<16xf32>,
      %swap3A_1766 = arith.constant 0 : i32
      %swap3A_1767 = arith.index_cast %swap3A_1766 : i32 to index
      %swap3A_1768 = arith.index_cast %scan3A_1071 : i32 to index
      %swap3A_1769 = arith.constant 208 : index
      %swap3A_1770 = tpu.vector_load %arg7[%swap3A_1767, %swap3A_1768, %swap3A_1769] {strides = array<i32>} : memref<1x26x1000xf32, #tpu.memory_space<vmem>>, vector<16xf32>,
      tpu.vector_store %arg7[%swap3A_1767, %swap3A_1768, %swap3A_1769], %broadcast_in_dim3A_5 {strides = array<i32>} : memref<1x26x1000xf32, #tpu.memory_space<vmem>>, vector<16xf32>,
      %swap3A_1771 = arith.constant 0 : i32
      %swap3A_1772 = arith.index_cast %swap3A_1771 : i32 to index
      %swap3A_1773 = arith.index_cast %scan3A_1071 : i32 to index
      %swap3A_1774 = arith.constant 224 : index
      %swap3A_1775 = tpu.vector_load %arg7[%swap3A_1772, %swap3A_1773, %swap3A_1774] {strides = array<i32>} : memref<1x26x1000xf32, #tpu.memory_space<vmem>>, vector<16xf32>,
      tpu.vector_store %arg7[%swap3A_1772, %swap3A_1773, %swap3A_1774], %broadcast_in_dim3A_5 {strides = array<i32>} : memref<1x26x1000xf32, #tpu.memory_space<vmem>>, vector<16xf32>,
      %swap3A_1776 = arith.constant 0 : i32
      %swap3A_1777 = arith.index_cast %swap3A_1776 : i32 to index
      %swap3A_1778 = arith.index_cast %scan3A_1071 : i32 to index
      %swap3A_1779 = arith.constant 240 : index
      %swap3A_1780 = tpu.vector_load %arg7[%swap3A_1777, %swap3A_1778, %swap3A_1779] {strides = array<i32>} : memref<1x26x1000xf32, #tpu.memory_space<vmem>>, vector<16xf32>,
      tpu.vector_store %arg7[%swap3A_1777, %swap3A_1778, %swap3A_1779], %broadcast_in_dim3A_5 {strides = array<i32>} : memref<1x26x1000xf32, #tpu.memory_space<vmem>>, vector<16xf32>,
      %swap3A_1781 = arith.constant 0 : i32
      %swap3A_1782 = arith.index_cast %swap3A_1781 : i32 to index
      %swap3A_1783 = arith.index_cast %scan3A_1071 : i32 to index
      %swap3A_1784 = arith.constant 256 : index
      %swap3A_1785 = tpu.vector_load %arg7[%swap3A_1782, %swap3A_1783, %swap3A_1784] {strides = array<i32>} : memref<1x26x1000xf32, #tpu.memory_space<vmem>>, vector<16xf32>,
      tpu.vector_store %arg7[%swap3A_1782, %swap3A_1783, %swap3A_1784], %broadcast_in_dim3A_5 {strides = array<i32>} : memref<1x26x1000xf32, #tpu.memory_space<vmem>>, vector<16xf32>,
      %swap3A_1786 = arith.constant 0 : i32
      %swap3A_1787 = arith.index_cast %swap3A_1786 : i32 to index
      %swap3A_1788 = arith.index_cast %scan3A_1071 : i32 to index
      %swap3A_1789 = arith.constant 272 : index
      %swap3A_1790 = tpu.vector_load %arg7[%swap3A_1787, %swap3A_1788, %swap3A_1789] {strides = array<i32>} : memref<1x26x1000xf32, #tpu.memory_space<vmem>>, vector<16xf32>,
      tpu.vector_store %arg7[%swap3A_1787, %swap3A_1788, %swap3A_1789], %broadcast_in_dim3A_5 {strides = array<i32>} : memref<1x26x1000xf32, #tpu.memory_space<vmem>>, vector<16xf32>,
      %swap3A_1791 = arith.constant 0 : i32
      %swap3A_1792 = arith.index_cast %swap3A_1791 : i32 to index
      %swap3A_1793 = arith.index_cast %scan3A_1071 : i32 to index
      %swap3A_1794 = arith.constant 288 : index
      %swap3A_1795 = tpu.vector_load %arg7[%swap3A_1792, %swap3A_1793, %swap3A_1794] {strides = array<i32>} : memref<1x26x1000xf32, #tpu.memory_space<vmem>>, vector<16xf32>,
      tpu.vector_store %arg7[%swap3A_1792, %swap3A_1793, %swap3A_1794], %broadcast_in_dim3A_5 {strides = array<i32>} : memref<1x26x1000xf32, #tpu.memory_space<vmem>>, vector<16xf32>,
      %swap3A_1796 = arith.constant 0 : i32
      %swap3A_1797 = arith.index_cast %swap3A_1796 : i32 to index
      %swap3A_1798 = arith.index_cast %scan3A_1071 : i32 to index
      %swap3A_1799 = arith.constant 304 : index
      %swap3A_1800 = tpu.vector_load %arg7[%swap3A_1797, %swap3A_1798, %swap3A_1799] {strides = array<i32>} : memref<1x26x1000xf32, #tpu.memory_space<vmem>>, vector<16xf32>,
      tpu.vector_store %arg7[%swap3A_1797, %swap3A_1798, %swap3A_1799], %broadcast_in_dim3A_5 {strides = array<i32>} : memref<1x26x1000xf32, #tpu.memory_space<vmem>>, vector<16xf32>,
      %swap3A_1801 = arith.constant 0 : i32
      %swap3A_1802 = arith.index_cast %swap3A_1801 : i32 to index
      %swap3A_1803 = arith.index_cast %scan3A_1071 : i32 to index
      %swap3A_1804 = arith.constant 320 : index
      %swap3A_1805 = tpu.vector_load %arg7[%swap3A_1802, %swap3A_1803, %swap3A_1804] {strides = array<i32>} : memref<1x26x1000xf32, #tpu.memory_space<vmem>>, vector<16xf32>,
      tpu.vector_store %arg7[%swap3A_1802, %swap3A_1803, %swap3A_1804], %broadcast_in_dim3A_5 {strides = array<i32>} : memref<1x26x1000xf32, #tpu.memory_space<vmem>>, vector<16xf32>,
      %swap3A_1806 = arith.constant 0 : i32
      %swap3A_1807 = arith.index_cast %swap3A_1806 : i32 to index
      %swap3A_1808 = arith.index_cast %scan3A_1071 : i32 to index
      %swap3A_1809 = arith.constant 336 : index
      %swap3A_1810 = tpu.vector_load %arg7[%swap3A_1807, %swap3A_1808, %swap3A_1809] {strides = array<i32>} : memref<1x26x1000xf32, #tpu.memory_space<vmem>>, vector<16xf32>,
      tpu.vector_store %arg7[%swap3A_1807, %swap3A_1808, %swap3A_1809], %broadcast_in_dim3A_5 {strides = array<i32>} : memref<1x26x1000xf32, #tpu.memory_space<vmem>>, vector<16xf32>,
      %swap3A_1811 = arith.constant 0 : i32
      %swap3A_1812 = arith.index_cast %swap3A_1811 : i32 to index
      %swap3A_1813 = arith.index_cast %scan3A_1071 : i32 to index
      %swap3A_1814 = arith.constant 352 : index
      %swap3A_1815 = tpu.vector_load %arg7[%swap3A_1812, %swap3A_1813, %swap3A_1814] {strides = array<i32>} : memref<1x26x1000xf32, #tpu.memory_space<vmem>>, vector<16xf32>,
      tpu.vector_store %arg7[%swap3A_1812, %swap3A_1813, %swap3A_1814], %broadcast_in_dim3A_5 {strides = array<i32>} : memref<1x26x1000xf32, #tpu.memory_space<vmem>>, vector<16xf32>,
      %swap3A_1816 = arith.constant 0 : i32
      %swap3A_1817 = arith.index_cast %swap3A_1816 : i32 to index
      %swap3A_1818 = arith.index_cast %scan3A_1071 : i32 to index
      %swap3A_1819 = arith.constant 368 : index
      %swap3A_1820 = tpu.vector_load %arg7[%swap3A_1817, %swap3A_1818, %swap3A_1819] {strides = array<i32>} : memref<1x26x1000xf32, #tpu.memory_space<vmem>>, vector<16xf32>,
      tpu.vector_store %arg7[%swap3A_1817, %swap3A_1818, %swap3A_1819], %broadcast_in_dim3A_5 {strides = array<i32>} : memref<1x26x1000xf32, #tpu.memory_space<vmem>>, vector<16xf32>,
      %swap3A_1821 = arith.constant 0 : i32
      %swap3A_1822 = arith.index_cast %swap3A_1821 : i32 to index
      %swap3A_1823 = arith.index_cast %scan3A_1071 : i32 to index
      %swap3A_1824 = arith.constant 384 : index
      %swap3A_1825 = tpu.vector_load %arg7[%swap3A_1822, %swap3A_1823, %swap3A_1824] {strides = array<i32>} : memref<1x26x1000xf32, #tpu.memory_space<vmem>>, vector<16xf32>,
      tpu.vector_store %arg7[%swap3A_1822, %swap3A_1823, %swap3A_1824], %broadcast_in_dim3A_5 {strides = array<i32>} : memref<1x26x1000xf32, #tpu.memory_space<vmem>>, vector<16xf32>,
      %swap3A_1826 = arith.constant 0 : i32
      %swap3A_1827 = arith.index_cast %swap3A_1826 : i32 to index
      %swap3A_1828 = arith.index_cast %scan3A_1071 : i32 to index
      %swap3A_1829 = arith.constant 400 : index
      %swap3A_1830 = tpu.vector_load %arg7[%swap3A_1827, %swap3A_1828, %swap3A_1829] {strides = array<i32>} : memref<1x26x1000xf32, #tpu.memory_space<vmem>>, vector<16xf32>,
      tpu.vector_store %arg7[%swap3A_1827, %swap3A_1828, %swap3A_1829], %broadcast_in_dim3A_5 {strides = array<i32>} : memref<1x26x1000xf32, #tpu.memory_space<vmem>>, vector<16xf32>,
      %swap3A_1831 = arith.constant 0 : i32
      %swap3A_1832 = arith.index_cast %swap3A_1831 : i32 to index
      %swap3A_1833 = arith.index_cast %scan3A_1071 : i32 to index
      %swap3A_1834 = arith.constant 416 : index
      %swap3A_1835 = tpu.vector_load %arg7[%swap3A_1832, %swap3A_1833, %swap3A_1834] {strides = array<i32>} : memref<1x26x1000xf32, #tpu.memory_space<vmem>>, vector<16xf32>,
      tpu.vector_store %arg7[%swap3A_1832, %swap3A_1833, %swap3A_1834], %broadcast_in_dim3A_5 {strides = array<i32>} : memref<1x26x1000xf32, #tpu.memory_space<vmem>>, vector<16xf32>,
      %swap3A_1836 = arith.constant 0 : i32
      %swap3A_1837 = arith.index_cast %swap3A_1836 : i32 to index
      %swap3A_1838 = arith.index_cast %scan3A_1071 : i32 to index
      %swap3A_1839 = arith.constant 432 : index
      %swap3A_1840 = tpu.vector_load %arg7[%swap3A_1837, %swap3A_1838, %swap3A_1839] {strides = array<i32>} : memref<1x26x1000xf32, #tpu.memory_space<vmem>>, vector<16xf32>,
      tpu.vector_store %arg7[%swap3A_1837, %swap3A_1838, %swap3A_1839], %broadcast_in_dim3A_5 {strides = array<i32>} : memref<1x26x1000xf32, #tpu.memory_space<vmem>>, vector<16xf32>,
      %swap3A_1841 = arith.constant 0 : i32
      %swap3A_1842 = arith.index_cast %swap3A_1841 : i32 to index
      %swap3A_1843 = arith.index_cast %scan3A_1071 : i32 to index
      %swap3A_1844 = arith.constant 448 : index
      %swap3A_1845 = tpu.vector_load %arg7[%swap3A_1842, %swap3A_1843, %swap3A_1844] {strides = array<i32>} : memref<1x26x1000xf32, #tpu.memory_space<vmem>>, vector<16xf32>,
      tpu.vector_store %arg7[%swap3A_1842, %swap3A_1843, %swap3A_1844], %broadcast_in_dim3A_5 {strides = array<i32>} : memref<1x26x1000xf32, #tpu.memory_space<vmem>>, vector<16xf32>,
      %swap3A_1846 = arith.constant 0 : i32
      %swap3A_1847 = arith.index_cast %swap3A_1846 : i32 to index
      %swap3A_1848 = arith.index_cast %scan3A_1071 : i32 to index
      %swap3A_1849 = arith.constant 464 : index
      %swap3A_1850 = tpu.vector_load %arg7[%swap3A_1847, %swap3A_1848, %swap3A_1849] {strides = array<i32>} : memref<1x26x1000xf32, #tpu.memory_space<vmem>>, vector<16xf32>,
      tpu.vector_store %arg7[%swap3A_1847, %swap3A_1848, %swap3A_1849], %broadcast_in_dim3A_5 {strides = array<i32>} : memref<1x26x1000xf32, #tpu.memory_space<vmem>>, vector<16xf32>,
      %swap3A_1851 = arith.constant 0 : i32
      %swap3A_1852 = arith.index_cast %swap3A_1851 : i32 to index
      %swap3A_1853 = arith.index_cast %scan3A_1071 : i32 to index
      %swap3A_1854 = arith.constant 480 : index
      %swap3A_1855 = tpu.vector_load %arg7[%swap3A_1852, %swap3A_1853, %swap3A_1854] {strides = array<i32>} : memref<1x26x1000xf32, #tpu.memory_space<vmem>>, vector<16xf32>,
      tpu.vector_store %arg7[%swap3A_1852, %swap3A_1853, %swap3A_1854], %broadcast_in_dim3A_5 {strides = array<i32>} : memref<1x26x1000xf32, #tpu.memory_space<vmem>>, vector<16xf32>,
      %swap3A_1856 = arith.constant 0 : i32
      %swap3A_1857 = arith.index_cast %swap3A_1856 : i32 to index
      %swap3A_1858 = arith.index_cast %scan3A_1071 : i32 to index
      %swap3A_1859 = arith.constant 496 : index
      %swap3A_1860 = tpu.vector_load %arg7[%swap3A_1857, %swap3A_1858, %swap3A_1859] {strides = array<i32>} : memref<1x26x1000xf32, #tpu.memory_space<vmem>>, vector<16xf32>,
      tpu.vector_store %arg7[%swap3A_1857, %swap3A_1858, %swap3A_1859], %broadcast_in_dim3A_5 {strides = array<i32>} : memref<1x26x1000xf32, #tpu.memory_space<vmem>>, vector<16xf32>,
      %swap3A_1861 = arith.constant 0 : i32
      %swap3A_1862 = arith.index_cast %swap3A_1861 : i32 to index
      %swap3A_1863 = arith.index_cast %scan3A_1071 : i32 to index
      %swap3A_1864 = arith.constant 512 : index
      %swap3A_1865 = tpu.vector_load %arg7[%swap3A_1862, %swap3A_1863, %swap3A_1864] {strides = array<i32>} : memref<1x26x1000xf32, #tpu.memory_space<vmem>>, vector<16xf32>,
      tpu.vector_store %arg7[%swap3A_1862, %swap3A_1863, %swap3A_1864], %broadcast_in_dim3A_5 {strides = array<i32>} : memref<1x26x1000xf32, #tpu.memory_space<vmem>>, vector<16xf32>,
      %swap3A_1866 = arith.constant 0 : i32
      %swap3A_1867 = arith.index_cast %swap3A_1866 : i32 to index
      %swap3A_1868 = arith.index_cast %scan3A_1071 : i32 to index
      %swap3A_1869 = arith.constant 528 : index
      %swap3A_1870 = tpu.vector_load %arg7[%swap3A_1867, %swap3A_1868, %swap3A_1869] {strides = array<i32>} : memref<1x26x1000xf32, #tpu.memory_space<vmem>>, vector<16xf32>,
      tpu.vector_store %arg7[%swap3A_1867, %swap3A_1868, %swap3A_1869], %broadcast_in_dim3A_5 {strides = array<i32>} : memref<1x26x1000xf32, #tpu.memory_space<vmem>>, vector<16xf32>,
      %swap3A_1871 = arith.constant 0 : i32
      %swap3A_1872 = arith.index_cast %swap3A_1871 : i32 to index
      %swap3A_1873 = arith.index_cast %scan3A_1071 : i32 to index
      %swap3A_1874 = arith.constant 544 : index
      %swap3A_1875 = tpu.vector_load %arg7[%swap3A_1872, %swap3A_1873, %swap3A_1874] {strides = array<i32>} : memref<1x26x1000xf32, #tpu.memory_space<vmem>>, vector<16xf32>,
      tpu.vector_store %arg7[%swap3A_1872, %swap3A_1873, %swap3A_1874], %broadcast_in_dim3A_5 {strides = array<i32>} : memref<1x26x1000xf32, #tpu.memory_space<vmem>>, vector<16xf32>,
      %swap3A_1876 = arith.constant 0 : i32
      %swap3A_1877 = arith.index_cast %swap3A_1876 : i32 to index
      %swap3A_1878 = arith.index_cast %scan3A_1071 : i32 to index
      %swap3A_1879 = arith.constant 560 : index
      %swap3A_1880 = tpu.vector_load %arg7[%swap3A_1877, %swap3A_1878, %swap3A_1879] {strides = array<i32>} : memref<1x26x1000xf32, #tpu.memory_space<vmem>>, vector<16xf32>,
      tpu.vector_store %arg7[%swap3A_1877, %swap3A_1878, %swap3A_1879], %broadcast_in_dim3A_5 {strides = array<i32>} : memref<1x26x1000xf32, #tpu.memory_space<vmem>>, vector<16xf32>,
      %swap3A_1881 = arith.constant 0 : i32
      %swap3A_1882 = arith.index_cast %swap3A_1881 : i32 to index
      %swap3A_1883 = arith.index_cast %scan3A_1071 : i32 to index
      %swap3A_1884 = arith.constant 576 : index
      %swap3A_1885 = tpu.vector_load %arg7[%swap3A_1882, %swap3A_1883, %swap3A_1884] {strides = array<i32>} : memref<1x26x1000xf32, #tpu.memory_space<vmem>>, vector<16xf32>,
      tpu.vector_store %arg7[%swap3A_1882, %swap3A_1883, %swap3A_1884], %broadcast_in_dim3A_5 {strides = array<i32>} : memref<1x26x1000xf32, #tpu.memory_space<vmem>>, vector<16xf32>,
      %swap3A_1886 = arith.constant 0 : i32
      %swap3A_1887 = arith.index_cast %swap3A_1886 : i32 to index
      %swap3A_1888 = arith.index_cast %scan3A_1071 : i32 to index
      %swap3A_1889 = arith.constant 592 : index
      %swap3A_1890 = tpu.vector_load %arg7[%swap3A_1887, %swap3A_1888, %swap3A_1889] {strides = array<i32>} : memref<1x26x1000xf32, #tpu.memory_space<vmem>>, vector<16xf32>,
      tpu.vector_store %arg7[%swap3A_1887, %swap3A_1888, %swap3A_1889], %broadcast_in_dim3A_5 {strides = array<i32>} : memref<1x26x1000xf32, #tpu.memory_space<vmem>>, vector<16xf32>,
      %swap3A_1891 = arith.constant 0 : i32
      %swap3A_1892 = arith.index_cast %swap3A_1891 : i32 to index
      %swap3A_1893 = arith.index_cast %scan3A_1071 : i32 to index
      %swap3A_1894 = arith.constant 608 : index
      %swap3A_1895 = tpu.vector_load %arg7[%swap3A_1892, %swap3A_1893, %swap3A_1894] {strides = array<i32>} : memref<1x26x1000xf32, #tpu.memory_space<vmem>>, vector<16xf32>,
      tpu.vector_store %arg7[%swap3A_1892, %swap3A_1893, %swap3A_1894], %broadcast_in_dim3A_5 {strides = array<i32>} : memref<1x26x1000xf32, #tpu.memory_space<vmem>>, vector<16xf32>,
      %swap3A_1896 = arith.constant 0 : i32
      %swap3A_1897 = arith.index_cast %swap3A_1896 : i32 to index
      %swap3A_1898 = arith.index_cast %scan3A_1071 : i32 to index
      %swap3A_1899 = arith.constant 624 : index
      %swap3A_1900 = tpu.vector_load %arg7[%swap3A_1897, %swap3A_1898, %swap3A_1899] {strides = array<i32>} : memref<1x26x1000xf32, #tpu.memory_space<vmem>>, vector<16xf32>,
      tpu.vector_store %arg7[%swap3A_1897, %swap3A_1898, %swap3A_1899], %broadcast_in_dim3A_5 {strides = array<i32>} : memref<1x26x1000xf32, #tpu.memory_space<vmem>>, vector<16xf32>,
      %swap3A_1901 = arith.constant 0 : i32
      %swap3A_1902 = arith.index_cast %swap3A_1901 : i32 to index
      %swap3A_1903 = arith.index_cast %scan3A_1071 : i32 to index
      %swap3A_1904 = arith.constant 640 : index
      %swap3A_1905 = tpu.vector_load %arg7[%swap3A_1902, %swap3A_1903, %swap3A_1904] {strides = array<i32>} : memref<1x26x1000xf32, #tpu.memory_space<vmem>>, vector<16xf32>,
      tpu.vector_store %arg7[%swap3A_1902, %swap3A_1903, %swap3A_1904], %broadcast_in_dim3A_5 {strides = array<i32>} : memref<1x26x1000xf32, #tpu.memory_space<vmem>>, vector<16xf32>,
      %swap3A_1906 = arith.constant 0 : i32
      %swap3A_1907 = arith.index_cast %swap3A_1906 : i32 to index
      %swap3A_1908 = arith.index_cast %scan3A_1071 : i32 to index
      %swap3A_1909 = arith.constant 656 : index
      %swap3A_1910 = tpu.vector_load %arg7[%swap3A_1907, %swap3A_1908, %swap3A_1909] {strides = array<i32>} : memref<1x26x1000xf32, #tpu.memory_space<vmem>>, vector<16xf32>,
      tpu.vector_store %arg7[%swap3A_1907, %swap3A_1908, %swap3A_1909], %broadcast_in_dim3A_5 {strides = array<i32>} : memref<1x26x1000xf32, #tpu.memory_space<vmem>>, vector<16xf32>,
      %swap3A_1911 = arith.constant 0 : i32
      %swap3A_1912 = arith.index_cast %swap3A_1911 : i32 to index
      %swap3A_1913 = arith.index_cast %scan3A_1071 : i32 to index
      %swap3A_1914 = arith.constant 672 : index
      %swap3A_1915 = tpu.vector_load %arg7[%swap3A_1912, %swap3A_1913, %swap3A_1914] {strides = array<i32>} : memref<1x26x1000xf32, #tpu.memory_space<vmem>>, vector<16xf32>,
      tpu.vector_store %arg7[%swap3A_1912, %swap3A_1913, %swap3A_1914], %broadcast_in_dim3A_5 {strides = array<i32>} : memref<1x26x1000xf32, #tpu.memory_space<vmem>>, vector<16xf32>,
      %swap3A_1916 = arith.constant 0 : i32
      %swap3A_1917 = arith.index_cast %swap3A_1916 : i32 to index
      %swap3A_1918 = arith.index_cast %scan3A_1071 : i32 to index
      %swap3A_1919 = arith.constant 688 : index
      %swap3A_1920 = tpu.vector_load %arg7[%swap3A_1917, %swap3A_1918, %swap3A_1919] {strides = array<i32>} : memref<1x26x1000xf32, #tpu.memory_space<vmem>>, vector<16xf32>,
      tpu.vector_store %arg7[%swap3A_1917, %swap3A_1918, %swap3A_1919], %broadcast_in_dim3A_5 {strides = array<i32>} : memref<1x26x1000xf32, #tpu.memory_space<vmem>>, vector<16xf32>,
      %swap3A_1921 = arith.constant 0 : i32
      %swap3A_1922 = arith.index_cast %swap3A_1921 : i32 to index
      %swap3A_1923 = arith.index_cast %scan3A_1071 : i32 to index
      %swap3A_1924 = arith.constant 704 : index
      %swap3A_1925 = tpu.vector_load %arg7[%swap3A_1922, %swap3A_1923, %swap3A_1924] {strides = array<i32>} : memref<1x26x1000xf32, #tpu.memory_space<vmem>>, vector<16xf32>,
      tpu.vector_store %arg7[%swap3A_1922, %swap3A_1923, %swap3A_1924], %broadcast_in_dim3A_5 {strides = array<i32>} : memref<1x26x1000xf32, #tpu.memory_space<vmem>>, vector<16xf32>,
      %swap3A_1926 = arith.constant 0 : i32
      %swap3A_1927 = arith.index_cast %swap3A_1926 : i32 to index
      %swap3A_1928 = arith.index_cast %scan3A_1071 : i32 to index
      %swap3A_1929 = arith.constant 720 : index
      %swap3A_1930 = tpu.vector_load %arg7[%swap3A_1927, %swap3A_1928, %swap3A_1929] {strides = array<i32>} : memref<1x26x1000xf32, #tpu.memory_space<vmem>>, vector<16xf32>,
      tpu.vector_store %arg7[%swap3A_1927, %swap3A_1928, %swap3A_1929], %broadcast_in_dim3A_5 {strides = array<i32>} : memref<1x26x1000xf32, #tpu.memory_space<vmem>>, vector<16xf32>,
      %swap3A_1931 = arith.constant 0 : i32
      %swap3A_1932 = arith.index_cast %swap3A_1931 : i32 to index
      %swap3A_1933 = arith.index_cast %scan3A_1071 : i32 to index
      %swap3A_1934 = arith.constant 736 : index
      %swap3A_1935 = tpu.vector_load %arg7[%swap3A_1932, %swap3A_1933, %swap3A_1934] {strides = array<i32>} : memref<1x26x1000xf32, #tpu.memory_space<vmem>>, vector<16xf32>,
      tpu.vector_store %arg7[%swap3A_1932, %swap3A_1933, %swap3A_1934], %broadcast_in_dim3A_5 {strides = array<i32>} : memref<1x26x1000xf32, #tpu.memory_space<vmem>>, vector<16xf32>,
      %swap3A_1936 = arith.constant 0 : i32
      %swap3A_1937 = arith.index_cast %swap3A_1936 : i32 to index
      %swap3A_1938 = arith.index_cast %scan3A_1071 : i32 to index
      %swap3A_1939 = arith.constant 752 : index
      %swap3A_1940 = tpu.vector_load %arg7[%swap3A_1937, %swap3A_1938, %swap3A_1939] {strides = array<i32>} : memref<1x26x1000xf32, #tpu.memory_space<vmem>>, vector<16xf32>,
      tpu.vector_store %arg7[%swap3A_1937, %swap3A_1938, %swap3A_1939], %broadcast_in_dim3A_5 {strides = array<i32>} : memref<1x26x1000xf32, #tpu.memory_space<vmem>>, vector<16xf32>,
      %swap3A_1941 = arith.constant 0 : i32
      %swap3A_1942 = arith.index_cast %swap3A_1941 : i32 to index
      %swap3A_1943 = arith.index_cast %scan3A_1071 : i32 to index
      %swap3A_1944 = arith.constant 768 : index
      %swap3A_1945 = tpu.vector_load %arg7[%swap3A_1942, %swap3A_1943, %swap3A_1944] {strides = array<i32>} : memref<1x26x1000xf32, #tpu.memory_space<vmem>>, vector<16xf32>,
      tpu.vector_store %arg7[%swap3A_1942, %swap3A_1943, %swap3A_1944], %broadcast_in_dim3A_5 {strides = array<i32>} : memref<1x26x1000xf32, #tpu.memory_space<vmem>>, vector<16xf32>,
      %swap3A_1946 = arith.constant 0 : i32
      %swap3A_1947 = arith.index_cast %swap3A_1946 : i32 to index
      %swap3A_1948 = arith.index_cast %scan3A_1071 : i32 to index
      %swap3A_1949 = arith.constant 784 : index
      %swap3A_1950 = tpu.vector_load %arg7[%swap3A_1947, %swap3A_1948, %swap3A_1949] {strides = array<i32>} : memref<1x26x1000xf32, #tpu.memory_space<vmem>>, vector<16xf32>,
      tpu.vector_store %arg7[%swap3A_1947, %swap3A_1948, %swap3A_1949], %broadcast_in_dim3A_5 {strides = array<i32>} : memref<1x26x1000xf32, #tpu.memory_space<vmem>>, vector<16xf32>,
      %swap3A_1951 = arith.constant 0 : i32
      %swap3A_1952 = arith.index_cast %swap3A_1951 : i32 to index
      %swap3A_1953 = arith.index_cast %scan3A_1071 : i32 to index
      %swap3A_1954 = arith.constant 800 : index
      %swap3A_1955 = tpu.vector_load %arg7[%swap3A_1952, %swap3A_1953, %swap3A_1954] {strides = array<i32>} : memref<1x26x1000xf32, #tpu.memory_space<vmem>>, vector<16xf32>,
      tpu.vector_store %arg7[%swap3A_1952, %swap3A_1953, %swap3A_1954], %broadcast_in_dim3A_5 {strides = array<i32>} : memref<1x26x1000xf32, #tpu.memory_space<vmem>>, vector<16xf32>,
      %swap3A_1956 = arith.constant 0 : i32
      %swap3A_1957 = arith.index_cast %swap3A_1956 : i32 to index
      %swap3A_1958 = arith.index_cast %scan3A_1071 : i32 to index
      %swap3A_1959 = arith.constant 816 : index
      %swap3A_1960 = tpu.vector_load %arg7[%swap3A_1957, %swap3A_1958, %swap3A_1959] {strides = array<i32>} : memref<1x26x1000xf32, #tpu.memory_space<vmem>>, vector<16xf32>,
      tpu.vector_store %arg7[%swap3A_1957, %swap3A_1958, %swap3A_1959], %broadcast_in_dim3A_5 {strides = array<i32>} : memref<1x26x1000xf32, #tpu.memory_space<vmem>>, vector<16xf32>,
      %swap3A_1961 = arith.constant 0 : i32
      %swap3A_1962 = arith.index_cast %swap3A_1961 : i32 to index
      %swap3A_1963 = arith.index_cast %scan3A_1071 : i32 to index
      %swap3A_1964 = arith.constant 832 : index
      %swap3A_1965 = tpu.vector_load %arg7[%swap3A_1962, %swap3A_1963, %swap3A_1964] {strides = array<i32>} : memref<1x26x1000xf32, #tpu.memory_space<vmem>>, vector<16xf32>,
      tpu.vector_store %arg7[%swap3A_1962, %swap3A_1963, %swap3A_1964], %broadcast_in_dim3A_5 {strides = array<i32>} : memref<1x26x1000xf32, #tpu.memory_space<vmem>>, vector<16xf32>,
      %swap3A_1966 = arith.constant 0 : i32
      %swap3A_1967 = arith.index_cast %swap3A_1966 : i32 to index
      %swap3A_1968 = arith.index_cast %scan3A_1071 : i32 to index
      %swap3A_1969 = arith.constant 848 : index
      %swap3A_1970 = tpu.vector_load %arg7[%swap3A_1967, %swap3A_1968, %swap3A_1969] {strides = array<i32>} : memref<1x26x1000xf32, #tpu.memory_space<vmem>>, vector<16xf32>,
      tpu.vector_store %arg7[%swap3A_1967, %swap3A_1968, %swap3A_1969], %broadcast_in_dim3A_5 {strides = array<i32>} : memref<1x26x1000xf32, #tpu.memory_space<vmem>>, vector<16xf32>,
      %swap3A_1971 = arith.constant 0 : i32
      %swap3A_1972 = arith.index_cast %swap3A_1971 : i32 to index
      %swap3A_1973 = arith.index_cast %scan3A_1071 : i32 to index
      %swap3A_1974 = arith.constant 864 : index
      %swap3A_1975 = tpu.vector_load %arg7[%swap3A_1972, %swap3A_1973, %swap3A_1974] {strides = array<i32>} : memref<1x26x1000xf32, #tpu.memory_space<vmem>>, vector<16xf32>,
      tpu.vector_store %arg7[%swap3A_1972, %swap3A_1973, %swap3A_1974], %broadcast_in_dim3A_5 {strides = array<i32>} : memref<1x26x1000xf32, #tpu.memory_space<vmem>>, vector<16xf32>,
      %swap3A_1976 = arith.constant 0 : i32
      %swap3A_1977 = arith.index_cast %swap3A_1976 : i32 to index
      %swap3A_1978 = arith.index_cast %scan3A_1071 : i32 to index
      %swap3A_1979 = arith.constant 880 : index
      %swap3A_1980 = tpu.vector_load %arg7[%swap3A_1977, %swap3A_1978, %swap3A_1979] {strides = array<i32>} : memref<1x26x1000xf32, #tpu.memory_space<vmem>>, vector<16xf32>,
      tpu.vector_store %arg7[%swap3A_1977, %swap3A_1978, %swap3A_1979], %broadcast_in_dim3A_5 {strides = array<i32>} : memref<1x26x1000xf32, #tpu.memory_space<vmem>>, vector<16xf32>,
      %swap3A_1981 = arith.constant 0 : i32
      %swap3A_1982 = arith.index_cast %swap3A_1981 : i32 to index
      %swap3A_1983 = arith.index_cast %scan3A_1071 : i32 to index
      %swap3A_1984 = arith.constant 896 : index
      %swap3A_1985 = tpu.vector_load %arg7[%swap3A_1982, %swap3A_1983, %swap3A_1984] {strides = array<i32>} : memref<1x26x1000xf32, #tpu.memory_space<vmem>>, vector<16xf32>,
      tpu.vector_store %arg7[%swap3A_1982, %swap3A_1983, %swap3A_1984], %broadcast_in_dim3A_5 {strides = array<i32>} : memref<1x26x1000xf32, #tpu.memory_space<vmem>>, vector<16xf32>,
      %swap3A_1986 = arith.constant 0 : i32
      %swap3A_1987 = arith.index_cast %swap3A_1986 : i32 to index
      %swap3A_1988 = arith.index_cast %scan3A_1071 : i32 to index
      %swap3A_1989 = arith.constant 912 : index
      %swap3A_1990 = tpu.vector_load %arg7[%swap3A_1987, %swap3A_1988, %swap3A_1989] {strides = array<i32>} : memref<1x26x1000xf32, #tpu.memory_space<vmem>>, vector<16xf32>,
      tpu.vector_store %arg7[%swap3A_1987, %swap3A_1988, %swap3A_1989], %broadcast_in_dim3A_5 {strides = array<i32>} : memref<1x26x1000xf32, #tpu.memory_space<vmem>>, vector<16xf32>,
      %swap3A_1991 = arith.constant 0 : i32
      %swap3A_1992 = arith.index_cast %swap3A_1991 : i32 to index
      %swap3A_1993 = arith.index_cast %scan3A_1071 : i32 to index
      %swap3A_1994 = arith.constant 928 : index
      %swap3A_1995 = tpu.vector_load %arg7[%swap3A_1992, %swap3A_1993, %swap3A_1994] {strides = array<i32>} : memref<1x26x1000xf32, #tpu.memory_space<vmem>>, vector<16xf32>,
      tpu.vector_store %arg7[%swap3A_1992, %swap3A_1993, %swap3A_1994], %broadcast_in_dim3A_5 {strides = array<i32>} : memref<1x26x1000xf32, #tpu.memory_space<vmem>>, vector<16xf32>,
      %swap3A_1996 = arith.constant 0 : i32
      %swap3A_1997 = arith.index_cast %swap3A_1996 : i32 to index
      %swap3A_1998 = arith.index_cast %scan3A_1071 : i32 to index
      %swap3A_1999 = arith.constant 944 : index
      %swap3A_2000 = tpu.vector_load %arg7[%swap3A_1997, %swap3A_1998, %swap3A_1999] {strides = array<i32>} : memref<1x26x1000xf32, #tpu.memory_space<vmem>>, vector<16xf32>,
      tpu.vector_store %arg7[%swap3A_1997, %swap3A_1998, %swap3A_1999], %broadcast_in_dim3A_5 {strides = array<i32>} : memref<1x26x1000xf32, #tpu.memory_space<vmem>>, vector<16xf32>,
      %swap3A_2001 = arith.constant 0 : i32
      %swap3A_2002 = arith.index_cast %swap3A_2001 : i32 to index
      %swap3A_2003 = arith.index_cast %scan3A_1071 : i32 to index
      %swap3A_2004 = arith.constant 960 : index
      %swap3A_2005 = tpu.vector_load %arg7[%swap3A_2002, %swap3A_2003, %swap3A_2004] {strides = array<i32>} : memref<1x26x1000xf32, #tpu.memory_space<vmem>>, vector<16xf32>,
      tpu.vector_store %arg7[%swap3A_2002, %swap3A_2003, %swap3A_2004], %broadcast_in_dim3A_5 {strides = array<i32>} : memref<1x26x1000xf32, #tpu.memory_space<vmem>>, vector<16xf32>,
      %swap3A_2006 = arith.constant 0 : i32
      %swap3A_2007 = arith.index_cast %swap3A_2006 : i32 to index
      %swap3A_2008 = arith.index_cast %scan3A_1071 : i32 to index
      %swap3A_2009 = arith.constant 976 : index
      %swap3A_2010 = tpu.vector_load %arg7[%swap3A_2007, %swap3A_2008, %swap3A_2009] {strides = array<i32>} : memref<1x26x1000xf32, #tpu.memory_space<vmem>>, vector<16xf32>,
      tpu.vector_store %arg7[%swap3A_2007, %swap3A_2008, %swap3A_2009], %broadcast_in_dim3A_5 {strides = array<i32>} : memref<1x26x1000xf32, #tpu.memory_space<vmem>>, vector<16xf32>,
      %swap3A_2011 = arith.constant 0 : i32
      %swap3A_2012 = arith.index_cast %swap3A_2011 : i32 to index
      %swap3A_2013 = arith.index_cast %scan3A_1071 : i32 to index
      %swap3A_2014 = arith.constant 984 : index
      %swap3A_2015 = tpu.vector_load %arg7[%swap3A_2012, %swap3A_2013, %swap3A_2014] {strides = array<i32>} : memref<1x26x1000xf32, #tpu.memory_space<vmem>>, vector<16xf32>,
      tpu.vector_store %arg7[%swap3A_2012, %swap3A_2013, %swap3A_2014], %broadcast_in_dim3A_5 {strides = array<i32>} : memref<1x26x1000xf32, #tpu.memory_space<vmem>>, vector<16xf32>,
    }
    %scan3A_16 = arith.constant 26 : i32
    %get3A = arith.constant 0 : index
    %get3A_17 = tpu.vector_load %arg4[%get3A] {strides = array<i32>} : memref<848xi32, #tpu.memory_space<vmem>>, vector<16xi32>,
    tpu.vector_store_idx %arg5[%broadcast_in_dim3A_9, %iota3A, %get3A_17], %broadcast_in_dim3A_7 : memref<1x26x1000xf32, #tpu.memory_space<vmem>>[vector<16xi32>, vector<16xi32>, vector<16xi32>], vector<16xf32>,
    %get3A_18 = arith.constant 16 : index
    %get3A_19 = tpu.vector_load %arg4[%get3A_18] {strides = array<i32>} : memref<848xi32, #tpu.memory_space<vmem>>, vector<16xi32>,
    %add3A_20 = arith.constant 16 : i32
    %add3A_21 = vector.broadcast %add3A_20 : i32 to vector<16xi32>
    %add3A_22 = arith.addi %iota3A, %add3A_21 : vector<16xi32>
    %min3A = arith.constant 25 : i32
    %min3A_23 = vector.broadcast %min3A : i32 to vector<16xi32>
    %min3A_24 = arith.minsi %add3A_22, %min3A_23 : vector<16xi32>
    tpu.vector_store_idx %arg5[%broadcast_in_dim3A_9, %min3A_24, %get3A_19], %broadcast_in_dim3A_7 masked %lt3A_11 : memref<1x26x1000xf32, #tpu.memory_space<vmem>>[vector<16xi32>, vector<16xi32>, vector<16xi32>], vector<16xf32>, vector<16xi1>
    %add3A_25 = arith.constant 0 : i32
    %add3A_26 = arith.addi %mul3A_2, %add3A_25 : i32
    %dma_start3A = arith.constant 0 : i32
    %dma_start3A_27 = arith.constant 0 : i32
    %dma_start3A_28 = tpu.memref_slice %arg3[%add3A_26, %dma_start3A, %dma_start3A_27] : memref<1024x26x1000xf32, #tpu.memory_space<hbm>> -> memref<1x26x1000xf32, #tpu.memory_space<hbm>>
    %dma_start3A_29 = arith.constant 0 : i32
    %dma_start3A_30 = arith.constant 0 : i32
    %dma_start3A_31 = tpu.memref_slice %arg3[%add3A_26, %dma_start3A_29, %dma_start3A_30] : memref<1024x26x1000xf32, #tpu.memory_space<hbm>> -> memref<1x26x1000xf32, #tpu.memory_space<hbm>>
    tpu.enqueue_dma source(%arg5 : memref<1x26x1000xf32, #tpu.memory_space<vmem>>) target(%dma_start3A_31 : memref<1x26x1000xf32, #tpu.memory_space<hbm>>) target_semaphore(%arg8 : memref<!tpu.dma_semaphore, #tpu.memory_space<semaphore_mem>>)
    %get3A_32 = arith.constant 26 : index
    %get3A_33 = tpu.vector_load %arg4[%get3A_32] {strides = array<i32>} : memref<848xi32, #tpu.memory_space<vmem>>, vector<16xi32>,
    tpu.vector_store_idx %arg6[%broadcast_in_dim3A_9, %iota3A, %get3A_33], %broadcast_in_dim3A_7 : memref<1x26x1000xf32, #tpu.memory_space<vmem>>[vector<16xi32>, vector<16xi32>, vector<16xi32>], vector<16xf32>,
    %get3A_34 = arith.constant 42 : index
    %get3A_35 = tpu.vector_load %arg4[%get3A_34] {strides = array<i32>} : memref<848xi32, #tpu.memory_space<vmem>>, vector<16xi32>,
    %add3A_36 = arith.constant 16 : i32
    %add3A_37 = vector.broadcast %add3A_36 : i32 to vector<16xi32>
    %add3A_38 = arith.addi %iota3A, %add3A_37 : vector<16xi32>
    %min3A_39 = arith.constant 25 : i32
    %min3A_40 = vector.broadcast %min3A_39 : i32 to vector<16xi32>
    %min3A_41 = arith.minsi %add3A_38, %min3A_40 : vector<16xi32>
    tpu.vector_store_idx %arg6[%broadcast_in_dim3A_9, %min3A_41, %get3A_35], %broadcast_in_dim3A_7 masked %lt3A_11 : memref<1x26x1000xf32, #tpu.memory_space<vmem>>[vector<16xi32>, vector<16xi32>, vector<16xi32>], vector<16xf32>, vector<16xi1>
    %add3A_42 = arith.constant 1 : i32
    %add3A_43 = arith.addi %mul3A_2, %add3A_42 : i32
    %dma_start3A_44 = arith.constant 0 : i32
    %dma_start3A_45 = arith.constant 0 : i32
    %dma_start3A_46 = tpu.memref_slice %arg3[%add3A_43, %dma_start3A_44, %dma_start3A_45] : memref<1024x26x1000xf32, #tpu.memory_space<hbm>> -> memref<1x26x1000xf32, #tpu.memory_space<hbm>>
    %dma_start3A_47 = arith.constant 0 : i32
    %dma_start3A_48 = arith.constant 0 : i32
    %dma_start3A_49 = tpu.memref_slice %arg3[%add3A_43, %dma_start3A_47, %dma_start3A_48] : memref<1024x26x1000xf32, #tpu.memory_space<hbm>> -> memref<1x26x1000xf32, #tpu.memory_space<hbm>>
    tpu.enqueue_dma source(%arg6 : memref<1x26x1000xf32, #tpu.memory_space<vmem>>) target(%dma_start3A_49 : memref<1x26x1000xf32, #tpu.memory_space<hbm>>) target_semaphore(%arg9 : memref<!tpu.dma_semaphore, #tpu.memory_space<semaphore_mem>>)
    %get3A_50 = arith.constant 52 : index
    %get3A_51 = tpu.vector_load %arg4[%get3A_50] {strides = array<i32>} : memref<848xi32, #tpu.memory_space<vmem>>, vector<16xi32>,
    tpu.vector_store_idx %arg7[%broadcast_in_dim3A_9, %iota3A, %get3A_51], %broadcast_in_dim3A_7 : memref<1x26x1000xf32, #tpu.memory_space<vmem>>[vector<16xi32>, vector<16xi32>, vector<16xi32>], vector<16xf32>,
    %get3A_52 = arith.constant 68 : index
    %get3A_53 = tpu.vector_load %arg4[%get3A_52] {strides = array<i32>} : memref<848xi32, #tpu.memory_space<vmem>>, vector<16xi32>,
    %add3A_54 = arith.constant 16 : i32
    %add3A_55 = vector.broadcast %add3A_54 : i32 to vector<16xi32>
    %add3A_56 = arith.addi %iota3A, %add3A_55 : vector<16xi32>
    %min3A_57 = arith.constant 25 : i32
    %min3A_58 = vector.broadcast %min3A_57 : i32 to vector<16xi32>
    %min3A_59 = arith.minsi %add3A_56, %min3A_58 : vector<16xi32>
    tpu.vector_store_idx %arg7[%broadcast_in_dim3A_9, %min3A_59, %get3A_53], %broadcast_in_dim3A_7 masked %lt3A_11 : memref<1x26x1000xf32, #tpu.memory_space<vmem>>[vector<16xi32>, vector<16xi32>, vector<16xi32>], vector<16xf32>, vector<16xi1>
    %add3A_60 = arith.constant 2 : i32
    %add3A_61 = arith.addi %mul3A_2, %add3A_60 : i32
    %dma_start3A_62 = arith.constant 0 : i32
    %dma_start3A_63 = arith.constant 0 : i32
    %dma_start3A_64 = tpu.memref_slice %arg3[%add3A_61, %dma_start3A_62, %dma_start3A_63] : memref<1024x26x1000xf32, #tpu.memory_space<hbm>> -> memref<1x26x1000xf32, #tpu.memory_space<hbm>>
    %dma_start3A_65 = arith.constant 0 : i32
    %dma_start3A_66 = arith.constant 0 : i32
    %dma_start3A_67 = tpu.memref_slice %arg3[%add3A_61, %dma_start3A_65, %dma_start3A_66] : memref<1024x26x1000xf32, #tpu.memory_space<hbm>> -> memref<1x26x1000xf32, #tpu.memory_space<hbm>>
    tpu.enqueue_dma source(%arg7 : memref<1x26x1000xf32, #tpu.memory_space<vmem>>) target(%dma_start3A_67 : memref<1x26x1000xf32, #tpu.memory_space<hbm>>) target_semaphore(%arg10 : memref<!tpu.dma_semaphore, #tpu.memory_space<semaphore_mem>>)
    %dma_wait3A = arith.constant 0 : i32
    %dma_wait3A_68 = arith.constant 0 : i32
    %dma_wait3A_69 = tpu.memref_slice %arg3[%add3A_26, %dma_wait3A, %dma_wait3A_68] : memref<1024x26x1000xf32, #tpu.memory_space<hbm>> -> memref<1x26x1000xf32, #tpu.memory_space<hbm>>
    %dma_wait3A_70 = arith.constant 0 : i32
    %dma_wait3A_71 = arith.constant 0 : i32
    %dma_wait3A_72 = tpu.memref_slice %arg3[%add3A_26, %dma_wait3A_70, %dma_wait3A_71] : memref<1024x26x1000xf32, #tpu.memory_space<hbm>> -> memref<1x26x1000xf32, #tpu.memory_space<hbm>>
    tpu.wait_dma2 semaphore(%arg8 : memref<!tpu.dma_semaphore, #tpu.memory_space<semaphore_mem>>) src(%arg5 : memref<1x26x1000xf32, #tpu.memory_space<vmem>>) dst(%dma_wait3A_72 : memref<1x26x1000xf32, #tpu.memory_space<hbm>>)
    %get3A_73 = arith.constant 0 : index
    %get3A_74 = tpu.vector_load %arg4[%get3A_73] {strides = array<i32>} : memref<848xi32, #tpu.memory_space<vmem>>, vector<16xi32>,
    tpu.vector_store_idx %arg5[%broadcast_in_dim3A_9, %iota3A, %get3A_74], %broadcast_in_dim3A_5 : memref<1x26x1000xf32, #tpu.memory_space<vmem>>[vector<16xi32>, vector<16xi32>, vector<16xi32>], vector<16xf32>,
    %get3A_75 = arith.constant 16 : index
    %get3A_76 = tpu.vector_load %arg4[%get3A_75] {strides = array<i32>} : memref<848xi32, #tpu.memory_space<vmem>>, vector<16xi32>,
    %add3A_77 = arith.constant 16 : i32
    %add3A_78 = vector.broadcast %add3A_77 : i32 to vector<16xi32>
    %add3A_79 = arith.addi %iota3A, %add3A_78 : vector<16xi32>
    %min3A_80 = arith.constant 25 : i32
    %min3A_81 = vector.broadcast %min3A_80 : i32 to vector<16xi32>
    %min3A_82 = arith.minsi %add3A_79, %min3A_81 : vector<16xi32>
    tpu.vector_store_idx %arg5[%broadcast_in_dim3A_9, %min3A_82, %get3A_76], %broadcast_in_dim3A_5 masked %lt3A_11 : memref<1x26x1000xf32, #tpu.memory_space<vmem>>[vector<16xi32>, vector<16xi32>, vector<16xi32>], vector<16xf32>, vector<16xi1>
    %get3A_83 = arith.constant 78 : index
    %get3A_84 = tpu.vector_load %arg4[%get3A_83] {strides = array<i32>} : memref<848xi32, #tpu.memory_space<vmem>>, vector<16xi32>,
    tpu.vector_store_idx %arg5[%broadcast_in_dim3A_9, %iota3A, %get3A_84], %broadcast_in_dim3A_7 : memref<1x26x1000xf32, #tpu.memory_space<vmem>>[vector<16xi32>, vector<16xi32>, vector<16xi32>], vector<16xf32>,
    %get3A_85 = arith.constant 94 : index
    %get3A_86 = tpu.vector_load %arg4[%get3A_85] {strides = array<i32>} : memref<848xi32, #tpu.memory_space<vmem>>, vector<16xi32>,
    %add3A_87 = arith.constant 16 : i32
    %add3A_88 = vector.broadcast %add3A_87 : i32 to vector<16xi32>
    %add3A_89 = arith.addi %iota3A, %add3A_88 : vector<16xi32>
    %min3A_90 = arith.constant 25 : i32
    %min3A_91 = vector.broadcast %min3A_90 : i32 to vector<16xi32>
    %min3A_92 = arith.minsi %add3A_89, %min3A_91 : vector<16xi32>
    tpu.vector_store_idx %arg5[%broadcast_in_dim3A_9, %min3A_92, %get3A_86], %broadcast_in_dim3A_7 masked %lt3A_11 : memref<1x26x1000xf32, #tpu.memory_space<vmem>>[vector<16xi32>, vector<16xi32>, vector<16xi32>], vector<16xf32>, vector<16xi1>
    %add3A_93 = arith.constant 3 : i32
    %add3A_94 = arith.addi %mul3A_2, %add3A_93 : i32
    %dma_start3A_95 = arith.constant 0 : i32
    %dma_start3A_96 = arith.constant 0 : i32
    %dma_start3A_97 = tpu.memref_slice %arg3[%add3A_94, %dma_start3A_95, %dma_start3A_96] : memref<1024x26x1000xf32, #tpu.memory_space<hbm>> -> memref<1x26x1000xf32, #tpu.memory_space<hbm>>
    %dma_start3A_98 = arith.constant 0 : i32
    %dma_start3A_99 = arith.constant 0 : i32
    %dma_start3A_100 = tpu.memref_slice %arg3[%add3A_94, %dma_start3A_98, %dma_start3A_99] : memref<1024x26x1000xf32, #tpu.memory_space<hbm>> -> memref<1x26x1000xf32, #tpu.memory_space<hbm>>
    tpu.enqueue_dma source(%arg5 : memref<1x26x1000xf32, #tpu.memory_space<vmem>>) target(%dma_start3A_100 : memref<1x26x1000xf32, #tpu.memory_space<hbm>>) target_semaphore(%arg8 : memref<!tpu.dma_semaphore, #tpu.memory_space<semaphore_mem>>)
    %dma_wait3A_101 = arith.constant 0 : i32
    %dma_wait3A_102 = arith.constant 0 : i32
    %dma_wait3A_103 = tpu.memref_slice %arg3[%add3A_43, %dma_wait3A_101, %dma_wait3A_102] : memref<1024x26x1000xf32, #tpu.memory_space<hbm>> -> memref<1x26x1000xf32, #tpu.memory_space<hbm>>
    %dma_wait3A_104 = arith.constant 0 : i32
    %dma_wait3A_105 = arith.constant 0 : i32
    %dma_wait3A_106 = tpu.memref_slice %arg3[%add3A_43, %dma_wait3A_104, %dma_wait3A_105] : memref<1024x26x1000xf32, #tpu.memory_space<hbm>> -> memref<1x26x1000xf32, #tpu.memory_space<hbm>>
    tpu.wait_dma2 semaphore(%arg9 : memref<!tpu.dma_semaphore, #tpu.memory_space<semaphore_mem>>) src(%arg6 : memref<1x26x1000xf32, #tpu.memory_space<vmem>>) dst(%dma_wait3A_106 : memref<1x26x1000xf32, #tpu.memory_space<hbm>>)
    %get3A_107 = arith.constant 26 : index
    %get3A_108 = tpu.vector_load %arg4[%get3A_107] {strides = array<i32>} : memref<848xi32, #tpu.memory_space<vmem>>, vector<16xi32>,
    tpu.vector_store_idx %arg6[%broadcast_in_dim3A_9, %iota3A, %get3A_108], %broadcast_in_dim3A_5 : memref<1x26x1000xf32, #tpu.memory_space<vmem>>[vector<16xi32>, vector<16xi32>, vector<16xi32>], vector<16xf32>,
    %get3A_109 = arith.constant 42 : index
    %get3A_110 = tpu.vector_load %arg4[%get3A_109] {strides = array<i32>} : memref<848xi32, #tpu.memory_space<vmem>>, vector<16xi32>,
    %add3A_111 = arith.constant 16 : i32
    %add3A_112 = vector.broadcast %add3A_111 : i32 to vector<16xi32>
    %add3A_113 = arith.addi %iota3A, %add3A_112 : vector<16xi32>
    %min3A_114 = arith.constant 25 : i32
    %min3A_115 = vector.broadcast %min3A_114 : i32 to vector<16xi32>
    %min3A_116 = arith.minsi %add3A_113, %min3A_115 : vector<16xi32>
    tpu.vector_store_idx %arg6[%broadcast_in_dim3A_9, %min3A_116, %get3A_110], %broadcast_in_dim3A_5 masked %lt3A_11 : memref<1x26x1000xf32, #tpu.memory_space<vmem>>[vector<16xi32>, vector<16xi32>, vector<16xi32>], vector<16xf32>, vector<16xi1>
    %get3A_117 = arith.constant 104 : index
    %get3A_118 = tpu.vector_load %arg4[%get3A_117] {strides = array<i32>} : memref<848xi32, #tpu.memory_space<vmem>>, vector<16xi32>,
    tpu.vector_store_idx %arg6[%broadcast_in_dim3A_9, %iota3A, %get3A_118], %broadcast_in_dim3A_7 : memref<1x26x1000xf32, #tpu.memory_space<vmem>>[vector<16xi32>, vector<16xi32>, vector<16xi32>], vector<16xf32>,
    %get3A_119 = arith.constant 120 : index
    %get3A_120 = tpu.vector_load %arg4[%get3A_119] {strides = array<i32>} : memref<848xi32, #tpu.memory_space<vmem>>, vector<16xi32>,
    %add3A_121 = arith.constant 16 : i32
    %add3A_122 = vector.broadcast %add3A_121 : i32 to vector<16xi32>
    %add3A_123 = arith.addi %iota3A, %add3A_122 : vector<16xi32>
    %min3A_124 = arith.constant 25 : i32
    %min3A_125 = vector.broadcast %min3A_124 : i32 to vector<16xi32>
    %min3A_126 = arith.minsi %add3A_123, %min3A_125 : vector<16xi32>
    tpu.vector_store_idx %arg6[%broadcast_in_dim3A_9, %min3A_126, %get3A_120], %broadcast_in_dim3A_7 masked %lt3A_11 : memref<1x26x1000xf32, #tpu.memory_space<vmem>>[vector<16xi32>, vector<16xi32>, vector<16xi32>], vector<16xf32>, vector<16xi1>
    %add3A_127 = arith.constant 4 : i32
    %add3A_128 = arith.addi %mul3A_2, %add3A_127 : i32
    %dma_start3A_129 = arith.constant 0 : i32
    %dma_start3A_130 = arith.constant 0 : i32
    %dma_start3A_131 = tpu.memref_slice %arg3[%add3A_128, %dma_start3A_129, %dma_start3A_130] : memref<1024x26x1000xf32, #tpu.memory_space<hbm>> -> memref<1x26x1000xf32, #tpu.memory_space<hbm>>
    %dma_start3A_132 = arith.constant 0 : i32
    %dma_start3A_133 = arith.constant 0 : i32
    %dma_start3A_134 = tpu.memref_slice %arg3[%add3A_128, %dma_start3A_132, %dma_start3A_133] : memref<1024x26x1000xf32, #tpu.memory_space<hbm>> -> memref<1x26x1000xf32, #tpu.memory_space<hbm>>
    tpu.enqueue_dma source(%arg6 : memref<1x26x1000xf32, #tpu.memory_space<vmem>>) target(%dma_start3A_134 : memref<1x26x1000xf32, #tpu.memory_space<hbm>>) target_semaphore(%arg9 : memref<!tpu.dma_semaphore, #tpu.memory_space<semaphore_mem>>)
    %dma_wait3A_135 = arith.constant 0 : i32
    %dma_wait3A_136 = arith.constant 0 : i32
    %dma_wait3A_137 = tpu.memref_slice %arg3[%add3A_61, %dma_wait3A_135, %dma_wait3A_136] : memref<1024x26x1000xf32, #tpu.memory_space<hbm>> -> memref<1x26x1000xf32, #tpu.memory_space<hbm>>
    %dma_wait3A_138 = arith.constant 0 : i32
    %dma_wait3A_139 = arith.constant 0 : i32
    %dma_wait3A_140 = tpu.memref_slice %arg3[%add3A_61, %dma_wait3A_138, %dma_wait3A_139] : memref<1024x26x1000xf32, #tpu.memory_space<hbm>> -> memref<1x26x1000xf32, #tpu.memory_space<hbm>>
    tpu.wait_dma2 semaphore(%arg10 : memref<!tpu.dma_semaphore, #tpu.memory_space<semaphore_mem>>) src(%arg7 : memref<1x26x1000xf32, #tpu.memory_space<vmem>>) dst(%dma_wait3A_140 : memref<1x26x1000xf32, #tpu.memory_space<hbm>>)
    %get3A_141 = arith.constant 52 : index
    %get3A_142 = tpu.vector_load %arg4[%get3A_141] {strides = array<i32>} : memref<848xi32, #tpu.memory_space<vmem>>, vector<16xi32>,
    tpu.vector_store_idx %arg7[%broadcast_in_dim3A_9, %iota3A, %get3A_142], %broadcast_in_dim3A_5 : memref<1x26x1000xf32, #tpu.memory_space<vmem>>[vector<16xi32>, vector<16xi32>, vector<16xi32>], vector<16xf32>,
    %get3A_143 = arith.constant 68 : index
    %get3A_144 = tpu.vector_load %arg4[%get3A_143] {strides = array<i32>} : memref<848xi32, #tpu.memory_space<vmem>>, vector<16xi32>,
    %add3A_145 = arith.constant 16 : i32
    %add3A_146 = vector.broadcast %add3A_145 : i32 to vector<16xi32>
    %add3A_147 = arith.addi %iota3A, %add3A_146 : vector<16xi32>
    %min3A_148 = arith.constant 25 : i32
    %min3A_149 = vector.broadcast %min3A_148 : i32 to vector<16xi32>
    %min3A_150 = arith.minsi %add3A_147, %min3A_149 : vector<16xi32>
    tpu.vector_store_idx %arg7[%broadcast_in_dim3A_9, %min3A_150, %get3A_144], %broadcast_in_dim3A_5 masked %lt3A_11 : memref<1x26x1000xf32, #tpu.memory_space<vmem>>[vector<16xi32>, vector<16xi32>, vector<16xi32>], vector<16xf32>, vector<16xi1>
    %get3A_151 = arith.constant 130 : index
    %get3A_152 = tpu.vector_load %arg4[%get3A_151] {strides = array<i32>} : memref<848xi32, #tpu.memory_space<vmem>>, vector<16xi32>,
    tpu.vector_store_idx %arg7[%broadcast_in_dim3A_9, %iota3A, %get3A_152], %broadcast_in_dim3A_7 : memref<1x26x1000xf32, #tpu.memory_space<vmem>>[vector<16xi32>, vector<16xi32>, vector<16xi32>], vector<16xf32>,
    %get3A_153 = arith.constant 146 : index
    %get3A_154 = tpu.vector_load %arg4[%get3A_153] {strides = array<i32>} : memref<848xi32, #tpu.memory_space<vmem>>, vector<16xi32>,
    %add3A_155 = arith.constant 16 : i32
    %add3A_156 = vector.broadcast %add3A_155 : i32 to vector<16xi32>
    %add3A_157 = arith.addi %iota3A, %add3A_156 : vector<16xi32>
    %min3A_158 = arith.constant 25 : i32
    %min3A_159 = vector.broadcast %min3A_158 : i32 to vector<16xi32>
    %min3A_160 = arith.minsi %add3A_157, %min3A_159 : vector<16xi32>
    tpu.vector_store_idx %arg7[%broadcast_in_dim3A_9, %min3A_160, %get3A_154], %broadcast_in_dim3A_7 masked %lt3A_11 : memref<1x26x1000xf32, #tpu.memory_space<vmem>>[vector<16xi32>, vector<16xi32>, vector<16xi32>], vector<16xf32>, vector<16xi1>
    %add3A_161 = arith.constant 5 : i32
    %add3A_162 = arith.addi %mul3A_2, %add3A_161 : i32
    %dma_start3A_163 = arith.constant 0 : i32
    %dma_start3A_164 = arith.constant 0 : i32
    %dma_start3A_165 = tpu.memref_slice %arg3[%add3A_162, %dma_start3A_163, %dma_start3A_164] : memref<1024x26x1000xf32, #tpu.memory_space<hbm>> -> memref<1x26x1000xf32, #tpu.memory_space<hbm>>
    %dma_start3A_166 = arith.constant 0 : i32
    %dma_start3A_167 = arith.constant 0 : i32
    %dma_start3A_168 = tpu.memref_slice %arg3[%add3A_162, %dma_start3A_166, %dma_start3A_167] : memref<1024x26x1000xf32, #tpu.memory_space<hbm>> -> memref<1x26x1000xf32, #tpu.memory_space<hbm>>
    tpu.enqueue_dma source(%arg7 : memref<1x26x1000xf32, #tpu.memory_space<vmem>>) target(%dma_start3A_168 : memref<1x26x1000xf32, #tpu.memory_space<hbm>>) target_semaphore(%arg10 : memref<!tpu.dma_semaphore, #tpu.memory_space<semaphore_mem>>)
    %dma_wait3A_169 = arith.constant 0 : i32
    %dma_wait3A_170 = arith.constant 0 : i32
    %dma_wait3A_171 = tpu.memref_slice %arg3[%add3A_94, %dma_wait3A_169, %dma_wait3A_170] : memref<1024x26x1000xf32, #tpu.memory_space<hbm>> -> memref<1x26x1000xf32, #tpu.memory_space<hbm>>
    %dma_wait3A_172 = arith.constant 0 : i32
    %dma_wait3A_173 = arith.constant 0 : i32
    %dma_wait3A_174 = tpu.memref_slice %arg3[%add3A_94, %dma_wait3A_172, %dma_wait3A_173] : memref<1024x26x1000xf32, #tpu.memory_space<hbm>> -> memref<1x26x1000xf32, #tpu.memory_space<hbm>>
    tpu.wait_dma2 semaphore(%arg8 : memref<!tpu.dma_semaphore, #tpu.memory_space<semaphore_mem>>) src(%arg5 : memref<1x26x1000xf32, #tpu.memory_space<vmem>>) dst(%dma_wait3A_174 : memref<1x26x1000xf32, #tpu.memory_space<hbm>>)
    %get3A_175 = arith.constant 78 : index
    %get3A_176 = tpu.vector_load %arg4[%get3A_175] {strides = array<i32>} : memref<848xi32, #tpu.memory_space<vmem>>, vector<16xi32>,
    tpu.vector_store_idx %arg5[%broadcast_in_dim3A_9, %iota3A, %get3A_176], %broadcast_in_dim3A_5 : memref<1x26x1000xf32, #tpu.memory_space<vmem>>[vector<16xi32>, vector<16xi32>, vector<16xi32>], vector<16xf32>,
    %get3A_177 = arith.constant 94 : index
    %get3A_178 = tpu.vector_load %arg4[%get3A_177] {strides = array<i32>} : memref<848xi32, #tpu.memory_space<vmem>>, vector<16xi32>,
    %add3A_179 = arith.constant 16 : i32
    %add3A_180 = vector.broadcast %add3A_179 : i32 to vector<16xi32>
    %add3A_181 = arith.addi %iota3A, %add3A_180 : vector<16xi32>
    %min3A_182 = arith.constant 25 : i32
    %min3A_183 = vector.broadcast %min3A_182 : i32 to vector<16xi32>
    %min3A_184 = arith.minsi %add3A_181, %min3A_183 : vector<16xi32>
    tpu.vector_store_idx %arg5[%broadcast_in_dim3A_9, %min3A_184, %get3A_178], %broadcast_in_dim3A_5 masked %lt3A_11 : memref<1x26x1000xf32, #tpu.memory_space<vmem>>[vector<16xi32>, vector<16xi32>, vector<16xi32>], vector<16xf32>, vector<16xi1>
    %get3A_185 = arith.constant 156 : index
    %get3A_186 = tpu.vector_load %arg4[%get3A_185] {strides = array<i32>} : memref<848xi32, #tpu.memory_space<vmem>>, vector<16xi32>,
    tpu.vector_store_idx %arg5[%broadcast_in_dim3A_9, %iota3A, %get3A_186], %broadcast_in_dim3A_7 : memref<1x26x1000xf32, #tpu.memory_space<vmem>>[vector<16xi32>, vector<16xi32>, vector<16xi32>], vector<16xf32>,
    %get3A_187 = arith.constant 172 : index
    %get3A_188 = tpu.vector_load %arg4[%get3A_187] {strides = array<i32>} : memref<848xi32, #tpu.memory_space<vmem>>, vector<16xi32>,
    %add3A_189 = arith.constant 16 : i32
    %add3A_190 = vector.broadcast %add3A_189 : i32 to vector<16xi32>
    %add3A_191 = arith.addi %iota3A, %add3A_190 : vector<16xi32>
    %min3A_192 = arith.constant 25 : i32
    %min3A_193 = vector.broadcast %min3A_192 : i32 to vector<16xi32>
    %min3A_194 = arith.minsi %add3A_191, %min3A_193 : vector<16xi32>
    tpu.vector_store_idx %arg5[%broadcast_in_dim3A_9, %min3A_194, %get3A_188], %broadcast_in_dim3A_7 masked %lt3A_11 : memref<1x26x1000xf32, #tpu.memory_space<vmem>>[vector<16xi32>, vector<16xi32>, vector<16xi32>], vector<16xf32>, vector<16xi1>
    %add3A_195 = arith.constant 6 : i32
    %add3A_196 = arith.addi %mul3A_2, %add3A_195 : i32
    %dma_start3A_197 = arith.constant 0 : i32
    %dma_start3A_198 = arith.constant 0 : i32
    %dma_start3A_199 = tpu.memref_slice %arg3[%add3A_196, %dma_start3A_197, %dma_start3A_198] : memref<1024x26x1000xf32, #tpu.memory_space<hbm>> -> memref<1x26x1000xf32, #tpu.memory_space<hbm>>
    %dma_start3A_200 = arith.constant 0 : i32
    %dma_start3A_201 = arith.constant 0 : i32
    %dma_start3A_202 = tpu.memref_slice %arg3[%add3A_196, %dma_start3A_200, %dma_start3A_201] : memref<1024x26x1000xf32, #tpu.memory_space<hbm>> -> memref<1x26x1000xf32, #tpu.memory_space<hbm>>
    tpu.enqueue_dma source(%arg5 : memref<1x26x1000xf32, #tpu.memory_space<vmem>>) target(%dma_start3A_202 : memref<1x26x1000xf32, #tpu.memory_space<hbm>>) target_semaphore(%arg8 : memref<!tpu.dma_semaphore, #tpu.memory_space<semaphore_mem>>)
    %dma_wait3A_203 = arith.constant 0 : i32
    %dma_wait3A_204 = arith.constant 0 : i32
    %dma_wait3A_205 = tpu.memref_slice %arg3[%add3A_128, %dma_wait3A_203, %dma_wait3A_204] : memref<1024x26x1000xf32, #tpu.memory_space<hbm>> -> memref<1x26x1000xf32, #tpu.memory_space<hbm>>
    %dma_wait3A_206 = arith.constant 0 : i32
    %dma_wait3A_207 = arith.constant 0 : i32
    %dma_wait3A_208 = tpu.memref_slice %arg3[%add3A_128, %dma_wait3A_206, %dma_wait3A_207] : memref<1024x26x1000xf32, #tpu.memory_space<hbm>> -> memref<1x26x1000xf32, #tpu.memory_space<hbm>>
    tpu.wait_dma2 semaphore(%arg9 : memref<!tpu.dma_semaphore, #tpu.memory_space<semaphore_mem>>) src(%arg6 : memref<1x26x1000xf32, #tpu.memory_space<vmem>>) dst(%dma_wait3A_208 : memref<1x26x1000xf32, #tpu.memory_space<hbm>>)
    %get3A_209 = arith.constant 104 : index
    %get3A_210 = tpu.vector_load %arg4[%get3A_209] {strides = array<i32>} : memref<848xi32, #tpu.memory_space<vmem>>, vector<16xi32>,
    tpu.vector_store_idx %arg6[%broadcast_in_dim3A_9, %iota3A, %get3A_210], %broadcast_in_dim3A_5 : memref<1x26x1000xf32, #tpu.memory_space<vmem>>[vector<16xi32>, vector<16xi32>, vector<16xi32>], vector<16xf32>,
    %get3A_211 = arith.constant 120 : index
    %get3A_212 = tpu.vector_load %arg4[%get3A_211] {strides = array<i32>} : memref<848xi32, #tpu.memory_space<vmem>>, vector<16xi32>,
    %add3A_213 = arith.constant 16 : i32
    %add3A_214 = vector.broadcast %add3A_213 : i32 to vector<16xi32>
    %add3A_215 = arith.addi %iota3A, %add3A_214 : vector<16xi32>
    %min3A_216 = arith.constant 25 : i32
    %min3A_217 = vector.broadcast %min3A_216 : i32 to vector<16xi32>
    %min3A_218 = arith.minsi %add3A_215, %min3A_217 : vector<16xi32>
    tpu.vector_store_idx %arg6[%broadcast_in_dim3A_9, %min3A_218, %get3A_212], %broadcast_in_dim3A_5 masked %lt3A_11 : memref<1x26x1000xf32, #tpu.memory_space<vmem>>[vector<16xi32>, vector<16xi32>, vector<16xi32>], vector<16xf32>, vector<16xi1>
    %get3A_219 = arith.constant 182 : index
    %get3A_220 = tpu.vector_load %arg4[%get3A_219] {strides = array<i32>} : memref<848xi32, #tpu.memory_space<vmem>>, vector<16xi32>,
    tpu.vector_store_idx %arg6[%broadcast_in_dim3A_9, %iota3A, %get3A_220], %broadcast_in_dim3A_7 : memref<1x26x1000xf32, #tpu.memory_space<vmem>>[vector<16xi32>, vector<16xi32>, vector<16xi32>], vector<16xf32>,
    %get3A_221 = arith.constant 198 : index
    %get3A_222 = tpu.vector_load %arg4[%get3A_221] {strides = array<i32>} : memref<848xi32, #tpu.memory_space<vmem>>, vector<16xi32>,
    %add3A_223 = arith.constant 16 : i32
    %add3A_224 = vector.broadcast %add3A_223 : i32 to vector<16xi32>
    %add3A_225 = arith.addi %iota3A, %add3A_224 : vector<16xi32>
    %min3A_226 = arith.constant 25 : i32
    %min3A_227 = vector.broadcast %min3A_226 : i32 to vector<16xi32>
    %min3A_228 = arith.minsi %add3A_225, %min3A_227 : vector<16xi32>
    tpu.vector_store_idx %arg6[%broadcast_in_dim3A_9, %min3A_228, %get3A_222], %broadcast_in_dim3A_7 masked %lt3A_11 : memref<1x26x1000xf32, #tpu.memory_space<vmem>>[vector<16xi32>, vector<16xi32>, vector<16xi32>], vector<16xf32>, vector<16xi1>
    %add3A_229 = arith.constant 7 : i32
    %add3A_230 = arith.addi %mul3A_2, %add3A_229 : i32
    %dma_start3A_231 = arith.constant 0 : i32
    %dma_start3A_232 = arith.constant 0 : i32
    %dma_start3A_233 = tpu.memref_slice %arg3[%add3A_230, %dma_start3A_231, %dma_start3A_232] : memref<1024x26x1000xf32, #tpu.memory_space<hbm>> -> memref<1x26x1000xf32, #tpu.memory_space<hbm>>
    %dma_start3A_234 = arith.constant 0 : i32
    %dma_start3A_235 = arith.constant 0 : i32
    %dma_start3A_236 = tpu.memref_slice %arg3[%add3A_230, %dma_start3A_234, %dma_start3A_235] : memref<1024x26x1000xf32, #tpu.memory_space<hbm>> -> memref<1x26x1000xf32, #tpu.memory_space<hbm>>
    tpu.enqueue_dma source(%arg6 : memref<1x26x1000xf32, #tpu.memory_space<vmem>>) target(%dma_start3A_236 : memref<1x26x1000xf32, #tpu.memory_space<hbm>>) target_semaphore(%arg9 : memref<!tpu.dma_semaphore, #tpu.memory_space<semaphore_mem>>)
    %dma_wait3A_237 = arith.constant 0 : i32
    %dma_wait3A_238 = arith.constant 0 : i32
    %dma_wait3A_239 = tpu.memref_slice %arg3[%add3A_162, %dma_wait3A_237, %dma_wait3A_238] : memref<1024x26x1000xf32, #tpu.memory_space<hbm>> -> memref<1x26x1000xf32, #tpu.memory_space<hbm>>
    %dma_wait3A_240 = arith.constant 0 : i32
    %dma_wait3A_241 = arith.constant 0 : i32
    %dma_wait3A_242 = tpu.memref_slice %arg3[%add3A_162, %dma_wait3A_240, %dma_wait3A_241] : memref<1024x26x1000xf32, #tpu.memory_space<hbm>> -> memref<1x26x1000xf32, #tpu.memory_space<hbm>>
    tpu.wait_dma2 semaphore(%arg10 : memref<!tpu.dma_semaphore, #tpu.memory_space<semaphore_mem>>) src(%arg7 : memref<1x26x1000xf32, #tpu.memory_space<vmem>>) dst(%dma_wait3A_242 : memref<1x26x1000xf32, #tpu.memory_space<hbm>>)
    %get3A_243 = arith.constant 130 : index
    %get3A_244 = tpu.vector_load %arg4[%get3A_243] {strides = array<i32>} : memref<848xi32, #tpu.memory_space<vmem>>, vector<16xi32>,
    tpu.vector_store_idx %arg7[%broadcast_in_dim3A_9, %iota3A, %get3A_244], %broadcast_in_dim3A_5 : memref<1x26x1000xf32, #tpu.memory_space<vmem>>[vector<16xi32>, vector<16xi32>, vector<16xi32>], vector<16xf32>,
    %get3A_245 = arith.constant 146 : index
    %get3A_246 = tpu.vector_load %arg4[%get3A_245] {strides = array<i32>} : memref<848xi32, #tpu.memory_space<vmem>>, vector<16xi32>,
    %add3A_247 = arith.constant 16 : i32
    %add3A_248 = vector.broadcast %add3A_247 : i32 to vector<16xi32>
    %add3A_249 = arith.addi %iota3A, %add3A_248 : vector<16xi32>
    %min3A_250 = arith.constant 25 : i32
    %min3A_251 = vector.broadcast %min3A_250 : i32 to vector<16xi32>
    %min3A_252 = arith.minsi %add3A_249, %min3A_251 : vector<16xi32>
    tpu.vector_store_idx %arg7[%broadcast_in_dim3A_9, %min3A_252, %get3A_246], %broadcast_in_dim3A_5 masked %lt3A_11 : memref<1x26x1000xf32, #tpu.memory_space<vmem>>[vector<16xi32>, vector<16xi32>, vector<16xi32>], vector<16xf32>, vector<16xi1>
    %get3A_253 = arith.constant 208 : index
    %get3A_254 = tpu.vector_load %arg4[%get3A_253] {strides = array<i32>} : memref<848xi32, #tpu.memory_space<vmem>>, vector<16xi32>,
    tpu.vector_store_idx %arg7[%broadcast_in_dim3A_9, %iota3A, %get3A_254], %broadcast_in_dim3A_7 : memref<1x26x1000xf32, #tpu.memory_space<vmem>>[vector<16xi32>, vector<16xi32>, vector<16xi32>], vector<16xf32>,
    %get3A_255 = arith.constant 224 : index
    %get3A_256 = tpu.vector_load %arg4[%get3A_255] {strides = array<i32>} : memref<848xi32, #tpu.memory_space<vmem>>, vector<16xi32>,
    %add3A_257 = arith.constant 16 : i32
    %add3A_258 = vector.broadcast %add3A_257 : i32 to vector<16xi32>
    %add3A_259 = arith.addi %iota3A, %add3A_258 : vector<16xi32>
    %min3A_260 = arith.constant 25 : i32
    %min3A_261 = vector.broadcast %min3A_260 : i32 to vector<16xi32>
    %min3A_262 = arith.minsi %add3A_259, %min3A_261 : vector<16xi32>
    tpu.vector_store_idx %arg7[%broadcast_in_dim3A_9, %min3A_262, %get3A_256], %broadcast_in_dim3A_7 masked %lt3A_11 : memref<1x26x1000xf32, #tpu.memory_space<vmem>>[vector<16xi32>, vector<16xi32>, vector<16xi32>], vector<16xf32>, vector<16xi1>
    %add3A_263 = arith.constant 8 : i32
    %add3A_264 = arith.addi %mul3A_2, %add3A_263 : i32
    %dma_start3A_265 = arith.constant 0 : i32
    %dma_start3A_266 = arith.constant 0 : i32
    %dma_start3A_267 = tpu.memref_slice %arg3[%add3A_264, %dma_start3A_265, %dma_start3A_266] : memref<1024x26x1000xf32, #tpu.memory_space<hbm>> -> memref<1x26x1000xf32, #tpu.memory_space<hbm>>
    %dma_start3A_268 = arith.constant 0 : i32
    %dma_start3A_269 = arith.constant 0 : i32
    %dma_start3A_270 = tpu.memref_slice %arg3[%add3A_264, %dma_start3A_268, %dma_start3A_269] : memref<1024x26x1000xf32, #tpu.memory_space<hbm>> -> memref<1x26x1000xf32, #tpu.memory_space<hbm>>
    tpu.enqueue_dma source(%arg7 : memref<1x26x1000xf32, #tpu.memory_space<vmem>>) target(%dma_start3A_270 : memref<1x26x1000xf32, #tpu.memory_space<hbm>>) target_semaphore(%arg10 : memref<!tpu.dma_semaphore, #tpu.memory_space<semaphore_mem>>)
    %dma_wait3A_271 = arith.constant 0 : i32
    %dma_wait3A_272 = arith.constant 0 : i32
    %dma_wait3A_273 = tpu.memref_slice %arg3[%add3A_196, %dma_wait3A_271, %dma_wait3A_272] : memref<1024x26x1000xf32, #tpu.memory_space<hbm>> -> memref<1x26x1000xf32, #tpu.memory_space<hbm>>
    %dma_wait3A_274 = arith.constant 0 : i32
    %dma_wait3A_275 = arith.constant 0 : i32
    %dma_wait3A_276 = tpu.memref_slice %arg3[%add3A_196, %dma_wait3A_274, %dma_wait3A_275] : memref<1024x26x1000xf32, #tpu.memory_space<hbm>> -> memref<1x26x1000xf32, #tpu.memory_space<hbm>>
    tpu.wait_dma2 semaphore(%arg8 : memref<!tpu.dma_semaphore, #tpu.memory_space<semaphore_mem>>) src(%arg5 : memref<1x26x1000xf32, #tpu.memory_space<vmem>>) dst(%dma_wait3A_276 : memref<1x26x1000xf32, #tpu.memory_space<hbm>>)
    %get3A_277 = arith.constant 156 : index
    %get3A_278 = tpu.vector_load %arg4[%get3A_277] {strides = array<i32>} : memref<848xi32, #tpu.memory_space<vmem>>, vector<16xi32>,
    tpu.vector_store_idx %arg5[%broadcast_in_dim3A_9, %iota3A, %get3A_278], %broadcast_in_dim3A_5 : memref<1x26x1000xf32, #tpu.memory_space<vmem>>[vector<16xi32>, vector<16xi32>, vector<16xi32>], vector<16xf32>,
    %get3A_279 = arith.constant 172 : index
    %get3A_280 = tpu.vector_load %arg4[%get3A_279] {strides = array<i32>} : memref<848xi32, #tpu.memory_space<vmem>>, vector<16xi32>,
    %add3A_281 = arith.constant 16 : i32
    %add3A_282 = vector.broadcast %add3A_281 : i32 to vector<16xi32>
    %add3A_283 = arith.addi %iota3A, %add3A_282 : vector<16xi32>
    %min3A_284 = arith.constant 25 : i32
    %min3A_285 = vector.broadcast %min3A_284 : i32 to vector<16xi32>
    %min3A_286 = arith.minsi %add3A_283, %min3A_285 : vector<16xi32>
    tpu.vector_store_idx %arg5[%broadcast_in_dim3A_9, %min3A_286, %get3A_280], %broadcast_in_dim3A_5 masked %lt3A_11 : memref<1x26x1000xf32, #tpu.memory_space<vmem>>[vector<16xi32>, vector<16xi32>, vector<16xi32>], vector<16xf32>, vector<16xi1>
    %get3A_287 = arith.constant 234 : index
    %get3A_288 = tpu.vector_load %arg4[%get3A_287] {strides = array<i32>} : memref<848xi32, #tpu.memory_space<vmem>>, vector<16xi32>,
    tpu.vector_store_idx %arg5[%broadcast_in_dim3A_9, %iota3A, %get3A_288], %broadcast_in_dim3A_7 : memref<1x26x1000xf32, #tpu.memory_space<vmem>>[vector<16xi32>, vector<16xi32>, vector<16xi32>], vector<16xf32>,
    %get3A_289 = arith.constant 250 : index
    %get3A_290 = tpu.vector_load %arg4[%get3A_289] {strides = array<i32>} : memref<848xi32, #tpu.memory_space<vmem>>, vector<16xi32>,
    %add3A_291 = arith.constant 16 : i32
    %add3A_292 = vector.broadcast %add3A_291 : i32 to vector<16xi32>
    %add3A_293 = arith.addi %iota3A, %add3A_292 : vector<16xi32>
    %min3A_294 = arith.constant 25 : i32
    %min3A_295 = vector.broadcast %min3A_294 : i32 to vector<16xi32>
    %min3A_296 = arith.minsi %add3A_293, %min3A_295 : vector<16xi32>
    tpu.vector_store_idx %arg5[%broadcast_in_dim3A_9, %min3A_296, %get3A_290], %broadcast_in_dim3A_7 masked %lt3A_11 : memref<1x26x1000xf32, #tpu.memory_space<vmem>>[vector<16xi32>, vector<16xi32>, vector<16xi32>], vector<16xf32>, vector<16xi1>
    %add3A_297 = arith.constant 9 : i32
    %add3A_298 = arith.addi %mul3A_2, %add3A_297 : i32
    %dma_start3A_299 = arith.constant 0 : i32
    %dma_start3A_300 = arith.constant 0 : i32
    %dma_start3A_301 = tpu.memref_slice %arg3[%add3A_298, %dma_start3A_299, %dma_start3A_300] : memref<1024x26x1000xf32, #tpu.memory_space<hbm>> -> memref<1x26x1000xf32, #tpu.memory_space<hbm>>
    %dma_start3A_302 = arith.constant 0 : i32
    %dma_start3A_303 = arith.constant 0 : i32
    %dma_start3A_304 = tpu.memref_slice %arg3[%add3A_298, %dma_start3A_302, %dma_start3A_303] : memref<1024x26x1000xf32, #tpu.memory_space<hbm>> -> memref<1x26x1000xf32, #tpu.memory_space<hbm>>
    tpu.enqueue_dma source(%arg5 : memref<1x26x1000xf32, #tpu.memory_space<vmem>>) target(%dma_start3A_304 : memref<1x26x1000xf32, #tpu.memory_space<hbm>>) target_semaphore(%arg8 : memref<!tpu.dma_semaphore, #tpu.memory_space<semaphore_mem>>)
    %dma_wait3A_305 = arith.constant 0 : i32
    %dma_wait3A_306 = arith.constant 0 : i32
    %dma_wait3A_307 = tpu.memref_slice %arg3[%add3A_230, %dma_wait3A_305, %dma_wait3A_306] : memref<1024x26x1000xf32, #tpu.memory_space<hbm>> -> memref<1x26x1000xf32, #tpu.memory_space<hbm>>
    %dma_wait3A_308 = arith.constant 0 : i32
    %dma_wait3A_309 = arith.constant 0 : i32
    %dma_wait3A_310 = tpu.memref_slice %arg3[%add3A_230, %dma_wait3A_308, %dma_wait3A_309] : memref<1024x26x1000xf32, #tpu.memory_space<hbm>> -> memref<1x26x1000xf32, #tpu.memory_space<hbm>>
    tpu.wait_dma2 semaphore(%arg9 : memref<!tpu.dma_semaphore, #tpu.memory_space<semaphore_mem>>) src(%arg6 : memref<1x26x1000xf32, #tpu.memory_space<vmem>>) dst(%dma_wait3A_310 : memref<1x26x1000xf32, #tpu.memory_space<hbm>>)
    %get3A_311 = arith.constant 182 : index
    %get3A_312 = tpu.vector_load %arg4[%get3A_311] {strides = array<i32>} : memref<848xi32, #tpu.memory_space<vmem>>, vector<16xi32>,
    tpu.vector_store_idx %arg6[%broadcast_in_dim3A_9, %iota3A, %get3A_312], %broadcast_in_dim3A_5 : memref<1x26x1000xf32, #tpu.memory_space<vmem>>[vector<16xi32>, vector<16xi32>, vector<16xi32>], vector<16xf32>,
    %get3A_313 = arith.constant 198 : index
    %get3A_314 = tpu.vector_load %arg4[%get3A_313] {strides = array<i32>} : memref<848xi32, #tpu.memory_space<vmem>>, vector<16xi32>,
    %add3A_315 = arith.constant 16 : i32
    %add3A_316 = vector.broadcast %add3A_315 : i32 to vector<16xi32>
    %add3A_317 = arith.addi %iota3A, %add3A_316 : vector<16xi32>
    %min3A_318 = arith.constant 25 : i32
    %min3A_319 = vector.broadcast %min3A_318 : i32 to vector<16xi32>
    %min3A_320 = arith.minsi %add3A_317, %min3A_319 : vector<16xi32>
    tpu.vector_store_idx %arg6[%broadcast_in_dim3A_9, %min3A_320, %get3A_314], %broadcast_in_dim3A_5 masked %lt3A_11 : memref<1x26x1000xf32, #tpu.memory_space<vmem>>[vector<16xi32>, vector<16xi32>, vector<16xi32>], vector<16xf32>, vector<16xi1>
    %get3A_321 = arith.constant 260 : index
    %get3A_322 = tpu.vector_load %arg4[%get3A_321] {strides = array<i32>} : memref<848xi32, #tpu.memory_space<vmem>>, vector<16xi32>,
    tpu.vector_store_idx %arg6[%broadcast_in_dim3A_9, %iota3A, %get3A_322], %broadcast_in_dim3A_7 : memref<1x26x1000xf32, #tpu.memory_space<vmem>>[vector<16xi32>, vector<16xi32>, vector<16xi32>], vector<16xf32>,
    %get3A_323 = arith.constant 276 : index
    %get3A_324 = tpu.vector_load %arg4[%get3A_323] {strides = array<i32>} : memref<848xi32, #tpu.memory_space<vmem>>, vector<16xi32>,
    %add3A_325 = arith.constant 16 : i32
    %add3A_326 = vector.broadcast %add3A_325 : i32 to vector<16xi32>
    %add3A_327 = arith.addi %iota3A, %add3A_326 : vector<16xi32>
    %min3A_328 = arith.constant 25 : i32
    %min3A_329 = vector.broadcast %min3A_328 : i32 to vector<16xi32>
    %min3A_330 = arith.minsi %add3A_327, %min3A_329 : vector<16xi32>
    tpu.vector_store_idx %arg6[%broadcast_in_dim3A_9, %min3A_330, %get3A_324], %broadcast_in_dim3A_7 masked %lt3A_11 : memref<1x26x1000xf32, #tpu.memory_space<vmem>>[vector<16xi32>, vector<16xi32>, vector<16xi32>], vector<16xf32>, vector<16xi1>
    %add3A_331 = arith.constant 10 : i32
    %add3A_332 = arith.addi %mul3A_2, %add3A_331 : i32
    %dma_start3A_333 = arith.constant 0 : i32
    %dma_start3A_334 = arith.constant 0 : i32
    %dma_start3A_335 = tpu.memref_slice %arg3[%add3A_332, %dma_start3A_333, %dma_start3A_334] : memref<1024x26x1000xf32, #tpu.memory_space<hbm>> -> memref<1x26x1000xf32, #tpu.memory_space<hbm>>
    %dma_start3A_336 = arith.constant 0 : i32
    %dma_start3A_337 = arith.constant 0 : i32
    %dma_start3A_338 = tpu.memref_slice %arg3[%add3A_332, %dma_start3A_336, %dma_start3A_337] : memref<1024x26x1000xf32, #tpu.memory_space<hbm>> -> memref<1x26x1000xf32, #tpu.memory_space<hbm>>
    tpu.enqueue_dma source(%arg6 : memref<1x26x1000xf32, #tpu.memory_space<vmem>>) target(%dma_start3A_338 : memref<1x26x1000xf32, #tpu.memory_space<hbm>>) target_semaphore(%arg9 : memref<!tpu.dma_semaphore, #tpu.memory_space<semaphore_mem>>)
    %dma_wait3A_339 = arith.constant 0 : i32
    %dma_wait3A_340 = arith.constant 0 : i32
    %dma_wait3A_341 = tpu.memref_slice %arg3[%add3A_264, %dma_wait3A_339, %dma_wait3A_340] : memref<1024x26x1000xf32, #tpu.memory_space<hbm>> -> memref<1x26x1000xf32, #tpu.memory_space<hbm>>
    %dma_wait3A_342 = arith.constant 0 : i32
    %dma_wait3A_343 = arith.constant 0 : i32
    %dma_wait3A_344 = tpu.memref_slice %arg3[%add3A_264, %dma_wait3A_342, %dma_wait3A_343] : memref<1024x26x1000xf32, #tpu.memory_space<hbm>> -> memref<1x26x1000xf32, #tpu.memory_space<hbm>>
    tpu.wait_dma2 semaphore(%arg10 : memref<!tpu.dma_semaphore, #tpu.memory_space<semaphore_mem>>) src(%arg7 : memref<1x26x1000xf32, #tpu.memory_space<vmem>>) dst(%dma_wait3A_344 : memref<1x26x1000xf32, #tpu.memory_space<hbm>>)
    %get3A_345 = arith.constant 208 : index
    %get3A_346 = tpu.vector_load %arg4[%get3A_345] {strides = array<i32>} : memref<848xi32, #tpu.memory_space<vmem>>, vector<16xi32>,
    tpu.vector_store_idx %arg7[%broadcast_in_dim3A_9, %iota3A, %get3A_346], %broadcast_in_dim3A_5 : memref<1x26x1000xf32, #tpu.memory_space<vmem>>[vector<16xi32>, vector<16xi32>, vector<16xi32>], vector<16xf32>,
    %get3A_347 = arith.constant 224 : index
    %get3A_348 = tpu.vector_load %arg4[%get3A_347] {strides = array<i32>} : memref<848xi32, #tpu.memory_space<vmem>>, vector<16xi32>,
    %add3A_349 = arith.constant 16 : i32
    %add3A_350 = vector.broadcast %add3A_349 : i32 to vector<16xi32>
    %add3A_351 = arith.addi %iota3A, %add3A_350 : vector<16xi32>
    %min3A_352 = arith.constant 25 : i32
    %min3A_353 = vector.broadcast %min3A_352 : i32 to vector<16xi32>
    %min3A_354 = arith.minsi %add3A_351, %min3A_353 : vector<16xi32>
    tpu.vector_store_idx %arg7[%broadcast_in_dim3A_9, %min3A_354, %get3A_348], %broadcast_in_dim3A_5 masked %lt3A_11 : memref<1x26x1000xf32, #tpu.memory_space<vmem>>[vector<16xi32>, vector<16xi32>, vector<16xi32>], vector<16xf32>, vector<16xi1>
    %get3A_355 = arith.constant 286 : index
    %get3A_356 = tpu.vector_load %arg4[%get3A_355] {strides = array<i32>} : memref<848xi32, #tpu.memory_space<vmem>>, vector<16xi32>,
    tpu.vector_store_idx %arg7[%broadcast_in_dim3A_9, %iota3A, %get3A_356], %broadcast_in_dim3A_7 : memref<1x26x1000xf32, #tpu.memory_space<vmem>>[vector<16xi32>, vector<16xi32>, vector<16xi32>], vector<16xf32>,
    %get3A_357 = arith.constant 302 : index
    %get3A_358 = tpu.vector_load %arg4[%get3A_357] {strides = array<i32>} : memref<848xi32, #tpu.memory_space<vmem>>, vector<16xi32>,
    %add3A_359 = arith.constant 16 : i32
    %add3A_360 = vector.broadcast %add3A_359 : i32 to vector<16xi32>
    %add3A_361 = arith.addi %iota3A, %add3A_360 : vector<16xi32>
    %min3A_362 = arith.constant 25 : i32
    %min3A_363 = vector.broadcast %min3A_362 : i32 to vector<16xi32>
    %min3A_364 = arith.minsi %add3A_361, %min3A_363 : vector<16xi32>
    tpu.vector_store_idx %arg7[%broadcast_in_dim3A_9, %min3A_364, %get3A_358], %broadcast_in_dim3A_7 masked %lt3A_11 : memref<1x26x1000xf32, #tpu.memory_space<vmem>>[vector<16xi32>, vector<16xi32>, vector<16xi32>], vector<16xf32>, vector<16xi1>
    %add3A_365 = arith.constant 11 : i32
    %add3A_366 = arith.addi %mul3A_2, %add3A_365 : i32
    %dma_start3A_367 = arith.constant 0 : i32
    %dma_start3A_368 = arith.constant 0 : i32
    %dma_start3A_369 = tpu.memref_slice %arg3[%add3A_366, %dma_start3A_367, %dma_start3A_368] : memref<1024x26x1000xf32, #tpu.memory_space<hbm>> -> memref<1x26x1000xf32, #tpu.memory_space<hbm>>
    %dma_start3A_370 = arith.constant 0 : i32
    %dma_start3A_371 = arith.constant 0 : i32
    %dma_start3A_372 = tpu.memref_slice %arg3[%add3A_366, %dma_start3A_370, %dma_start3A_371] : memref<1024x26x1000xf32, #tpu.memory_space<hbm>> -> memref<1x26x1000xf32, #tpu.memory_space<hbm>>
    tpu.enqueue_dma source(%arg7 : memref<1x26x1000xf32, #tpu.memory_space<vmem>>) target(%dma_start3A_372 : memref<1x26x1000xf32, #tpu.memory_space<hbm>>) target_semaphore(%arg10 : memref<!tpu.dma_semaphore, #tpu.memory_space<semaphore_mem>>)
    %dma_wait3A_373 = arith.constant 0 : i32
    %dma_wait3A_374 = arith.constant 0 : i32
    %dma_wait3A_375 = tpu.memref_slice %arg3[%add3A_298, %dma_wait3A_373, %dma_wait3A_374] : memref<1024x26x1000xf32, #tpu.memory_space<hbm>> -> memref<1x26x1000xf32, #tpu.memory_space<hbm>>
    %dma_wait3A_376 = arith.constant 0 : i32
    %dma_wait3A_377 = arith.constant 0 : i32
    %dma_wait3A_378 = tpu.memref_slice %arg3[%add3A_298, %dma_wait3A_376, %dma_wait3A_377] : memref<1024x26x1000xf32, #tpu.memory_space<hbm>> -> memref<1x26x1000xf32, #tpu.memory_space<hbm>>
    tpu.wait_dma2 semaphore(%arg8 : memref<!tpu.dma_semaphore, #tpu.memory_space<semaphore_mem>>) src(%arg5 : memref<1x26x1000xf32, #tpu.memory_space<vmem>>) dst(%dma_wait3A_378 : memref<1x26x1000xf32, #tpu.memory_space<hbm>>)
    %get3A_379 = arith.constant 234 : index
    %get3A_380 = tpu.vector_load %arg4[%get3A_379] {strides = array<i32>} : memref<848xi32, #tpu.memory_space<vmem>>, vector<16xi32>,
    tpu.vector_store_idx %arg5[%broadcast_in_dim3A_9, %iota3A, %get3A_380], %broadcast_in_dim3A_5 : memref<1x26x1000xf32, #tpu.memory_space<vmem>>[vector<16xi32>, vector<16xi32>, vector<16xi32>], vector<16xf32>,
    %get3A_381 = arith.constant 250 : index
    %get3A_382 = tpu.vector_load %arg4[%get3A_381] {strides = array<i32>} : memref<848xi32, #tpu.memory_space<vmem>>, vector<16xi32>,
    %add3A_383 = arith.constant 16 : i32
    %add3A_384 = vector.broadcast %add3A_383 : i32 to vector<16xi32>
    %add3A_385 = arith.addi %iota3A, %add3A_384 : vector<16xi32>
    %min3A_386 = arith.constant 25 : i32
    %min3A_387 = vector.broadcast %min3A_386 : i32 to vector<16xi32>
    %min3A_388 = arith.minsi %add3A_385, %min3A_387 : vector<16xi32>
    tpu.vector_store_idx %arg5[%broadcast_in_dim3A_9, %min3A_388, %get3A_382], %broadcast_in_dim3A_5 masked %lt3A_11 : memref<1x26x1000xf32, #tpu.memory_space<vmem>>[vector<16xi32>, vector<16xi32>, vector<16xi32>], vector<16xf32>, vector<16xi1>
    %get3A_389 = arith.constant 312 : index
    %get3A_390 = tpu.vector_load %arg4[%get3A_389] {strides = array<i32>} : memref<848xi32, #tpu.memory_space<vmem>>, vector<16xi32>,
    tpu.vector_store_idx %arg5[%broadcast_in_dim3A_9, %iota3A, %get3A_390], %broadcast_in_dim3A_7 : memref<1x26x1000xf32, #tpu.memory_space<vmem>>[vector<16xi32>, vector<16xi32>, vector<16xi32>], vector<16xf32>,
    %get3A_391 = arith.constant 328 : index
    %get3A_392 = tpu.vector_load %arg4[%get3A_391] {strides = array<i32>} : memref<848xi32, #tpu.memory_space<vmem>>, vector<16xi32>,
    %add3A_393 = arith.constant 16 : i32
    %add3A_394 = vector.broadcast %add3A_393 : i32 to vector<16xi32>
    %add3A_395 = arith.addi %iota3A, %add3A_394 : vector<16xi32>
    %min3A_396 = arith.constant 25 : i32
    %min3A_397 = vector.broadcast %min3A_396 : i32 to vector<16xi32>
    %min3A_398 = arith.minsi %add3A_395, %min3A_397 : vector<16xi32>
    tpu.vector_store_idx %arg5[%broadcast_in_dim3A_9, %min3A_398, %get3A_392], %broadcast_in_dim3A_7 masked %lt3A_11 : memref<1x26x1000xf32, #tpu.memory_space<vmem>>[vector<16xi32>, vector<16xi32>, vector<16xi32>], vector<16xf32>, vector<16xi1>
    %add3A_399 = arith.constant 12 : i32
    %add3A_400 = arith.addi %mul3A_2, %add3A_399 : i32
    %dma_start3A_401 = arith.constant 0 : i32
    %dma_start3A_402 = arith.constant 0 : i32
    %dma_start3A_403 = tpu.memref_slice %arg3[%add3A_400, %dma_start3A_401, %dma_start3A_402] : memref<1024x26x1000xf32, #tpu.memory_space<hbm>> -> memref<1x26x1000xf32, #tpu.memory_space<hbm>>
    %dma_start3A_404 = arith.constant 0 : i32
    %dma_start3A_405 = arith.constant 0 : i32
    %dma_start3A_406 = tpu.memref_slice %arg3[%add3A_400, %dma_start3A_404, %dma_start3A_405] : memref<1024x26x1000xf32, #tpu.memory_space<hbm>> -> memref<1x26x1000xf32, #tpu.memory_space<hbm>>
    tpu.enqueue_dma source(%arg5 : memref<1x26x1000xf32, #tpu.memory_space<vmem>>) target(%dma_start3A_406 : memref<1x26x1000xf32, #tpu.memory_space<hbm>>) target_semaphore(%arg8 : memref<!tpu.dma_semaphore, #tpu.memory_space<semaphore_mem>>)
    %dma_wait3A_407 = arith.constant 0 : i32
    %dma_wait3A_408 = arith.constant 0 : i32
    %dma_wait3A_409 = tpu.memref_slice %arg3[%add3A_332, %dma_wait3A_407, %dma_wait3A_408] : memref<1024x26x1000xf32, #tpu.memory_space<hbm>> -> memref<1x26x1000xf32, #tpu.memory_space<hbm>>
    %dma_wait3A_410 = arith.constant 0 : i32
    %dma_wait3A_411 = arith.constant 0 : i32
    %dma_wait3A_412 = tpu.memref_slice %arg3[%add3A_332, %dma_wait3A_410, %dma_wait3A_411] : memref<1024x26x1000xf32, #tpu.memory_space<hbm>> -> memref<1x26x1000xf32, #tpu.memory_space<hbm>>
    tpu.wait_dma2 semaphore(%arg9 : memref<!tpu.dma_semaphore, #tpu.memory_space<semaphore_mem>>) src(%arg6 : memref<1x26x1000xf32, #tpu.memory_space<vmem>>) dst(%dma_wait3A_412 : memref<1x26x1000xf32, #tpu.memory_space<hbm>>)
    %get3A_413 = arith.constant 260 : index
    %get3A_414 = tpu.vector_load %arg4[%get3A_413] {strides = array<i32>} : memref<848xi32, #tpu.memory_space<vmem>>, vector<16xi32>,
    tpu.vector_store_idx %arg6[%broadcast_in_dim3A_9, %iota3A, %get3A_414], %broadcast_in_dim3A_5 : memref<1x26x1000xf32, #tpu.memory_space<vmem>>[vector<16xi32>, vector<16xi32>, vector<16xi32>], vector<16xf32>,
    %get3A_415 = arith.constant 276 : index
    %get3A_416 = tpu.vector_load %arg4[%get3A_415] {strides = array<i32>} : memref<848xi32, #tpu.memory_space<vmem>>, vector<16xi32>,
    %add3A_417 = arith.constant 16 : i32
    %add3A_418 = vector.broadcast %add3A_417 : i32 to vector<16xi32>
    %add3A_419 = arith.addi %iota3A, %add3A_418 : vector<16xi32>
    %min3A_420 = arith.constant 25 : i32
    %min3A_421 = vector.broadcast %min3A_420 : i32 to vector<16xi32>
    %min3A_422 = arith.minsi %add3A_419, %min3A_421 : vector<16xi32>
    tpu.vector_store_idx %arg6[%broadcast_in_dim3A_9, %min3A_422, %get3A_416], %broadcast_in_dim3A_5 masked %lt3A_11 : memref<1x26x1000xf32, #tpu.memory_space<vmem>>[vector<16xi32>, vector<16xi32>, vector<16xi32>], vector<16xf32>, vector<16xi1>
    %get3A_423 = arith.constant 338 : index
    %get3A_424 = tpu.vector_load %arg4[%get3A_423] {strides = array<i32>} : memref<848xi32, #tpu.memory_space<vmem>>, vector<16xi32>,
    tpu.vector_store_idx %arg6[%broadcast_in_dim3A_9, %iota3A, %get3A_424], %broadcast_in_dim3A_7 : memref<1x26x1000xf32, #tpu.memory_space<vmem>>[vector<16xi32>, vector<16xi32>, vector<16xi32>], vector<16xf32>,
    %get3A_425 = arith.constant 354 : index
    %get3A_426 = tpu.vector_load %arg4[%get3A_425] {strides = array<i32>} : memref<848xi32, #tpu.memory_space<vmem>>, vector<16xi32>,
    %add3A_427 = arith.constant 16 : i32
    %add3A_428 = vector.broadcast %add3A_427 : i32 to vector<16xi32>
    %add3A_429 = arith.addi %iota3A, %add3A_428 : vector<16xi32>
    %min3A_430 = arith.constant 25 : i32
    %min3A_431 = vector.broadcast %min3A_430 : i32 to vector<16xi32>
    %min3A_432 = arith.minsi %add3A_429, %min3A_431 : vector<16xi32>
    tpu.vector_store_idx %arg6[%broadcast_in_dim3A_9, %min3A_432, %get3A_426], %broadcast_in_dim3A_7 masked %lt3A_11 : memref<1x26x1000xf32, #tpu.memory_space<vmem>>[vector<16xi32>, vector<16xi32>, vector<16xi32>], vector<16xf32>, vector<16xi1>
    %add3A_433 = arith.constant 13 : i32
    %add3A_434 = arith.addi %mul3A_2, %add3A_433 : i32
    %dma_start3A_435 = arith.constant 0 : i32
    %dma_start3A_436 = arith.constant 0 : i32
    %dma_start3A_437 = tpu.memref_slice %arg3[%add3A_434, %dma_start3A_435, %dma_start3A_436] : memref<1024x26x1000xf32, #tpu.memory_space<hbm>> -> memref<1x26x1000xf32, #tpu.memory_space<hbm>>
    %dma_start3A_438 = arith.constant 0 : i32
    %dma_start3A_439 = arith.constant 0 : i32
    %dma_start3A_440 = tpu.memref_slice %arg3[%add3A_434, %dma_start3A_438, %dma_start3A_439] : memref<1024x26x1000xf32, #tpu.memory_space<hbm>> -> memref<1x26x1000xf32, #tpu.memory_space<hbm>>
    tpu.enqueue_dma source(%arg6 : memref<1x26x1000xf32, #tpu.memory_space<vmem>>) target(%dma_start3A_440 : memref<1x26x1000xf32, #tpu.memory_space<hbm>>) target_semaphore(%arg9 : memref<!tpu.dma_semaphore, #tpu.memory_space<semaphore_mem>>)
    %dma_wait3A_441 = arith.constant 0 : i32
    %dma_wait3A_442 = arith.constant 0 : i32
    %dma_wait3A_443 = tpu.memref_slice %arg3[%add3A_366, %dma_wait3A_441, %dma_wait3A_442] : memref<1024x26x1000xf32, #tpu.memory_space<hbm>> -> memref<1x26x1000xf32, #tpu.memory_space<hbm>>
    %dma_wait3A_444 = arith.constant 0 : i32
    %dma_wait3A_445 = arith.constant 0 : i32
    %dma_wait3A_446 = tpu.memref_slice %arg3[%add3A_366, %dma_wait3A_444, %dma_wait3A_445] : memref<1024x26x1000xf32, #tpu.memory_space<hbm>> -> memref<1x26x1000xf32, #tpu.memory_space<hbm>>
    tpu.wait_dma2 semaphore(%arg10 : memref<!tpu.dma_semaphore, #tpu.memory_space<semaphore_mem>>) src(%arg7 : memref<1x26x1000xf32, #tpu.memory_space<vmem>>) dst(%dma_wait3A_446 : memref<1x26x1000xf32, #tpu.memory_space<hbm>>)
    %get3A_447 = arith.constant 286 : index
    %get3A_448 = tpu.vector_load %arg4[%get3A_447] {strides = array<i32>} : memref<848xi32, #tpu.memory_space<vmem>>, vector<16xi32>,
    tpu.vector_store_idx %arg7[%broadcast_in_dim3A_9, %iota3A, %get3A_448], %broadcast_in_dim3A_5 : memref<1x26x1000xf32, #tpu.memory_space<vmem>>[vector<16xi32>, vector<16xi32>, vector<16xi32>], vector<16xf32>,
    %get3A_449 = arith.constant 302 : index
    %get3A_450 = tpu.vector_load %arg4[%get3A_449] {strides = array<i32>} : memref<848xi32, #tpu.memory_space<vmem>>, vector<16xi32>,
    %add3A_451 = arith.constant 16 : i32
    %add3A_452 = vector.broadcast %add3A_451 : i32 to vector<16xi32>
    %add3A_453 = arith.addi %iota3A, %add3A_452 : vector<16xi32>
    %min3A_454 = arith.constant 25 : i32
    %min3A_455 = vector.broadcast %min3A_454 : i32 to vector<16xi32>
    %min3A_456 = arith.minsi %add3A_453, %min3A_455 : vector<16xi32>
    tpu.vector_store_idx %arg7[%broadcast_in_dim3A_9, %min3A_456, %get3A_450], %broadcast_in_dim3A_5 masked %lt3A_11 : memref<1x26x1000xf32, #tpu.memory_space<vmem>>[vector<16xi32>, vector<16xi32>, vector<16xi32>], vector<16xf32>, vector<16xi1>
    %get3A_457 = arith.constant 364 : index
    %get3A_458 = tpu.vector_load %arg4[%get3A_457] {strides = array<i32>} : memref<848xi32, #tpu.memory_space<vmem>>, vector<16xi32>,
    tpu.vector_store_idx %arg7[%broadcast_in_dim3A_9, %iota3A, %get3A_458], %broadcast_in_dim3A_7 : memref<1x26x1000xf32, #tpu.memory_space<vmem>>[vector<16xi32>, vector<16xi32>, vector<16xi32>], vector<16xf32>,
    %get3A_459 = arith.constant 380 : index
    %get3A_460 = tpu.vector_load %arg4[%get3A_459] {strides = array<i32>} : memref<848xi32, #tpu.memory_space<vmem>>, vector<16xi32>,
    %add3A_461 = arith.constant 16 : i32
    %add3A_462 = vector.broadcast %add3A_461 : i32 to vector<16xi32>
    %add3A_463 = arith.addi %iota3A, %add3A_462 : vector<16xi32>
    %min3A_464 = arith.constant 25 : i32
    %min3A_465 = vector.broadcast %min3A_464 : i32 to vector<16xi32>
    %min3A_466 = arith.minsi %add3A_463, %min3A_465 : vector<16xi32>
    tpu.vector_store_idx %arg7[%broadcast_in_dim3A_9, %min3A_466, %get3A_460], %broadcast_in_dim3A_7 masked %lt3A_11 : memref<1x26x1000xf32, #tpu.memory_space<vmem>>[vector<16xi32>, vector<16xi32>, vector<16xi32>], vector<16xf32>, vector<16xi1>
    %add3A_467 = arith.constant 14 : i32
    %add3A_468 = arith.addi %mul3A_2, %add3A_467 : i32
    %dma_start3A_469 = arith.constant 0 : i32
    %dma_start3A_470 = arith.constant 0 : i32
    %dma_start3A_471 = tpu.memref_slice %arg3[%add3A_468, %dma_start3A_469, %dma_start3A_470] : memref<1024x26x1000xf32, #tpu.memory_space<hbm>> -> memref<1x26x1000xf32, #tpu.memory_space<hbm>>
    %dma_start3A_472 = arith.constant 0 : i32
    %dma_start3A_473 = arith.constant 0 : i32
    %dma_start3A_474 = tpu.memref_slice %arg3[%add3A_468, %dma_start3A_472, %dma_start3A_473] : memref<1024x26x1000xf32, #tpu.memory_space<hbm>> -> memref<1x26x1000xf32, #tpu.memory_space<hbm>>
    tpu.enqueue_dma source(%arg7 : memref<1x26x1000xf32, #tpu.memory_space<vmem>>) target(%dma_start3A_474 : memref<1x26x1000xf32, #tpu.memory_space<hbm>>) target_semaphore(%arg10 : memref<!tpu.dma_semaphore, #tpu.memory_space<semaphore_mem>>)
    %dma_wait3A_475 = arith.constant 0 : i32
    %dma_wait3A_476 = arith.constant 0 : i32
    %dma_wait3A_477 = tpu.memref_slice %arg3[%add3A_400, %dma_wait3A_475, %dma_wait3A_476] : memref<1024x26x1000xf32, #tpu.memory_space<hbm>> -> memref<1x26x1000xf32, #tpu.memory_space<hbm>>
    %dma_wait3A_478 = arith.constant 0 : i32
    %dma_wait3A_479 = arith.constant 0 : i32
    %dma_wait3A_480 = tpu.memref_slice %arg3[%add3A_400, %dma_wait3A_478, %dma_wait3A_479] : memref<1024x26x1000xf32, #tpu.memory_space<hbm>> -> memref<1x26x1000xf32, #tpu.memory_space<hbm>>
    tpu.wait_dma2 semaphore(%arg8 : memref<!tpu.dma_semaphore, #tpu.memory_space<semaphore_mem>>) src(%arg5 : memref<1x26x1000xf32, #tpu.memory_space<vmem>>) dst(%dma_wait3A_480 : memref<1x26x1000xf32, #tpu.memory_space<hbm>>)
    %get3A_481 = arith.constant 312 : index
    %get3A_482 = tpu.vector_load %arg4[%get3A_481] {strides = array<i32>} : memref<848xi32, #tpu.memory_space<vmem>>, vector<16xi32>,
    tpu.vector_store_idx %arg5[%broadcast_in_dim3A_9, %iota3A, %get3A_482], %broadcast_in_dim3A_5 : memref<1x26x1000xf32, #tpu.memory_space<vmem>>[vector<16xi32>, vector<16xi32>, vector<16xi32>], vector<16xf32>,
    %get3A_483 = arith.constant 328 : index
    %get3A_484 = tpu.vector_load %arg4[%get3A_483] {strides = array<i32>} : memref<848xi32, #tpu.memory_space<vmem>>, vector<16xi32>,
    %add3A_485 = arith.constant 16 : i32
    %add3A_486 = vector.broadcast %add3A_485 : i32 to vector<16xi32>
    %add3A_487 = arith.addi %iota3A, %add3A_486 : vector<16xi32>
    %min3A_488 = arith.constant 25 : i32
    %min3A_489 = vector.broadcast %min3A_488 : i32 to vector<16xi32>
    %min3A_490 = arith.minsi %add3A_487, %min3A_489 : vector<16xi32>
    tpu.vector_store_idx %arg5[%broadcast_in_dim3A_9, %min3A_490, %get3A_484], %broadcast_in_dim3A_5 masked %lt3A_11 : memref<1x26x1000xf32, #tpu.memory_space<vmem>>[vector<16xi32>, vector<16xi32>, vector<16xi32>], vector<16xf32>, vector<16xi1>
    %get3A_491 = arith.constant 390 : index
    %get3A_492 = tpu.vector_load %arg4[%get3A_491] {strides = array<i32>} : memref<848xi32, #tpu.memory_space<vmem>>, vector<16xi32>,
    tpu.vector_store_idx %arg5[%broadcast_in_dim3A_9, %iota3A, %get3A_492], %broadcast_in_dim3A_7 : memref<1x26x1000xf32, #tpu.memory_space<vmem>>[vector<16xi32>, vector<16xi32>, vector<16xi32>], vector<16xf32>,
    %get3A_493 = arith.constant 406 : index
    %get3A_494 = tpu.vector_load %arg4[%get3A_493] {strides = array<i32>} : memref<848xi32, #tpu.memory_space<vmem>>, vector<16xi32>,
    %add3A_495 = arith.constant 16 : i32
    %add3A_496 = vector.broadcast %add3A_495 : i32 to vector<16xi32>
    %add3A_497 = arith.addi %iota3A, %add3A_496 : vector<16xi32>
    %min3A_498 = arith.constant 25 : i32
    %min3A_499 = vector.broadcast %min3A_498 : i32 to vector<16xi32>
    %min3A_500 = arith.minsi %add3A_497, %min3A_499 : vector<16xi32>
    tpu.vector_store_idx %arg5[%broadcast_in_dim3A_9, %min3A_500, %get3A_494], %broadcast_in_dim3A_7 masked %lt3A_11 : memref<1x26x1000xf32, #tpu.memory_space<vmem>>[vector<16xi32>, vector<16xi32>, vector<16xi32>], vector<16xf32>, vector<16xi1>
    %add3A_501 = arith.constant 15 : i32
    %add3A_502 = arith.addi %mul3A_2, %add3A_501 : i32
    %dma_start3A_503 = arith.constant 0 : i32
    %dma_start3A_504 = arith.constant 0 : i32
    %dma_start3A_505 = tpu.memref_slice %arg3[%add3A_502, %dma_start3A_503, %dma_start3A_504] : memref<1024x26x1000xf32, #tpu.memory_space<hbm>> -> memref<1x26x1000xf32, #tpu.memory_space<hbm>>
    %dma_start3A_506 = arith.constant 0 : i32
    %dma_start3A_507 = arith.constant 0 : i32
    %dma_start3A_508 = tpu.memref_slice %arg3[%add3A_502, %dma_start3A_506, %dma_start3A_507] : memref<1024x26x1000xf32, #tpu.memory_space<hbm>> -> memref<1x26x1000xf32, #tpu.memory_space<hbm>>
    tpu.enqueue_dma source(%arg5 : memref<1x26x1000xf32, #tpu.memory_space<vmem>>) target(%dma_start3A_508 : memref<1x26x1000xf32, #tpu.memory_space<hbm>>) target_semaphore(%arg8 : memref<!tpu.dma_semaphore, #tpu.memory_space<semaphore_mem>>)
    %dma_wait3A_509 = arith.constant 0 : i32
    %dma_wait3A_510 = arith.constant 0 : i32
    %dma_wait3A_511 = tpu.memref_slice %arg3[%add3A_434, %dma_wait3A_509, %dma_wait3A_510] : memref<1024x26x1000xf32, #tpu.memory_space<hbm>> -> memref<1x26x1000xf32, #tpu.memory_space<hbm>>
    %dma_wait3A_512 = arith.constant 0 : i32
    %dma_wait3A_513 = arith.constant 0 : i32
    %dma_wait3A_514 = tpu.memref_slice %arg3[%add3A_434, %dma_wait3A_512, %dma_wait3A_513] : memref<1024x26x1000xf32, #tpu.memory_space<hbm>> -> memref<1x26x1000xf32, #tpu.memory_space<hbm>>
    tpu.wait_dma2 semaphore(%arg9 : memref<!tpu.dma_semaphore, #tpu.memory_space<semaphore_mem>>) src(%arg6 : memref<1x26x1000xf32, #tpu.memory_space<vmem>>) dst(%dma_wait3A_514 : memref<1x26x1000xf32, #tpu.memory_space<hbm>>)
    %get3A_515 = arith.constant 338 : index
    %get3A_516 = tpu.vector_load %arg4[%get3A_515] {strides = array<i32>} : memref<848xi32, #tpu.memory_space<vmem>>, vector<16xi32>,
    tpu.vector_store_idx %arg6[%broadcast_in_dim3A_9, %iota3A, %get3A_516], %broadcast_in_dim3A_5 : memref<1x26x1000xf32, #tpu.memory_space<vmem>>[vector<16xi32>, vector<16xi32>, vector<16xi32>], vector<16xf32>,
    %get3A_517 = arith.constant 354 : index
    %get3A_518 = tpu.vector_load %arg4[%get3A_517] {strides = array<i32>} : memref<848xi32, #tpu.memory_space<vmem>>, vector<16xi32>,
    %add3A_519 = arith.constant 16 : i32
    %add3A_520 = vector.broadcast %add3A_519 : i32 to vector<16xi32>
    %add3A_521 = arith.addi %iota3A, %add3A_520 : vector<16xi32>
    %min3A_522 = arith.constant 25 : i32
    %min3A_523 = vector.broadcast %min3A_522 : i32 to vector<16xi32>
    %min3A_524 = arith.minsi %add3A_521, %min3A_523 : vector<16xi32>
    tpu.vector_store_idx %arg6[%broadcast_in_dim3A_9, %min3A_524, %get3A_518], %broadcast_in_dim3A_5 masked %lt3A_11 : memref<1x26x1000xf32, #tpu.memory_space<vmem>>[vector<16xi32>, vector<16xi32>, vector<16xi32>], vector<16xf32>, vector<16xi1>
    %get3A_525 = arith.constant 416 : index
    %get3A_526 = tpu.vector_load %arg4[%get3A_525] {strides = array<i32>} : memref<848xi32, #tpu.memory_space<vmem>>, vector<16xi32>,
    tpu.vector_store_idx %arg6[%broadcast_in_dim3A_9, %iota3A, %get3A_526], %broadcast_in_dim3A_7 : memref<1x26x1000xf32, #tpu.memory_space<vmem>>[vector<16xi32>, vector<16xi32>, vector<16xi32>], vector<16xf32>,
    %get3A_527 = arith.constant 432 : index
    %get3A_528 = tpu.vector_load %arg4[%get3A_527] {strides = array<i32>} : memref<848xi32, #tpu.memory_space<vmem>>, vector<16xi32>,
    %add3A_529 = arith.constant 16 : i32
    %add3A_530 = vector.broadcast %add3A_529 : i32 to vector<16xi32>
    %add3A_531 = arith.addi %iota3A, %add3A_530 : vector<16xi32>
    %min3A_532 = arith.constant 25 : i32
    %min3A_533 = vector.broadcast %min3A_532 : i32 to vector<16xi32>
    %min3A_534 = arith.minsi %add3A_531, %min3A_533 : vector<16xi32>
    tpu.vector_store_idx %arg6[%broadcast_in_dim3A_9, %min3A_534, %get3A_528], %broadcast_in_dim3A_7 masked %lt3A_11 : memref<1x26x1000xf32, #tpu.memory_space<vmem>>[vector<16xi32>, vector<16xi32>, vector<16xi32>], vector<16xf32>, vector<16xi1>
    %add3A_535 = arith.constant 16 : i32
    %add3A_536 = arith.addi %mul3A_2, %add3A_535 : i32
    %dma_start3A_537 = arith.constant 0 : i32
    %dma_start3A_538 = arith.constant 0 : i32
    %dma_start3A_539 = tpu.memref_slice %arg3[%add3A_536, %dma_start3A_537, %dma_start3A_538] : memref<1024x26x1000xf32, #tpu.memory_space<hbm>> -> memref<1x26x1000xf32, #tpu.memory_space<hbm>>
    %dma_start3A_540 = arith.constant 0 : i32
    %dma_start3A_541 = arith.constant 0 : i32
    %dma_start3A_542 = tpu.memref_slice %arg3[%add3A_536, %dma_start3A_540, %dma_start3A_541] : memref<1024x26x1000xf32, #tpu.memory_space<hbm>> -> memref<1x26x1000xf32, #tpu.memory_space<hbm>>
    tpu.enqueue_dma source(%arg6 : memref<1x26x1000xf32, #tpu.memory_space<vmem>>) target(%dma_start3A_542 : memref<1x26x1000xf32, #tpu.memory_space<hbm>>) target_semaphore(%arg9 : memref<!tpu.dma_semaphore, #tpu.memory_space<semaphore_mem>>)
    %dma_wait3A_543 = arith.constant 0 : i32
    %dma_wait3A_544 = arith.constant 0 : i32
    %dma_wait3A_545 = tpu.memref_slice %arg3[%add3A_468, %dma_wait3A_543, %dma_wait3A_544] : memref<1024x26x1000xf32, #tpu.memory_space<hbm>> -> memref<1x26x1000xf32, #tpu.memory_space<hbm>>
    %dma_wait3A_546 = arith.constant 0 : i32
    %dma_wait3A_547 = arith.constant 0 : i32
    %dma_wait3A_548 = tpu.memref_slice %arg3[%add3A_468, %dma_wait3A_546, %dma_wait3A_547] : memref<1024x26x1000xf32, #tpu.memory_space<hbm>> -> memref<1x26x1000xf32, #tpu.memory_space<hbm>>
    tpu.wait_dma2 semaphore(%arg10 : memref<!tpu.dma_semaphore, #tpu.memory_space<semaphore_mem>>) src(%arg7 : memref<1x26x1000xf32, #tpu.memory_space<vmem>>) dst(%dma_wait3A_548 : memref<1x26x1000xf32, #tpu.memory_space<hbm>>)
    %get3A_549 = arith.constant 364 : index
    %get3A_550 = tpu.vector_load %arg4[%get3A_549] {strides = array<i32>} : memref<848xi32, #tpu.memory_space<vmem>>, vector<16xi32>,
    tpu.vector_store_idx %arg7[%broadcast_in_dim3A_9, %iota3A, %get3A_550], %broadcast_in_dim3A_5 : memref<1x26x1000xf32, #tpu.memory_space<vmem>>[vector<16xi32>, vector<16xi32>, vector<16xi32>], vector<16xf32>,
    %get3A_551 = arith.constant 380 : index
    %get3A_552 = tpu.vector_load %arg4[%get3A_551] {strides = array<i32>} : memref<848xi32, #tpu.memory_space<vmem>>, vector<16xi32>,
    %add3A_553 = arith.constant 16 : i32
    %add3A_554 = vector.broadcast %add3A_553 : i32 to vector<16xi32>
    %add3A_555 = arith.addi %iota3A, %add3A_554 : vector<16xi32>
    %min3A_556 = arith.constant 25 : i32
    %min3A_557 = vector.broadcast %min3A_556 : i32 to vector<16xi32>
    %min3A_558 = arith.minsi %add3A_555, %min3A_557 : vector<16xi32>
    tpu.vector_store_idx %arg7[%broadcast_in_dim3A_9, %min3A_558, %get3A_552], %broadcast_in_dim3A_5 masked %lt3A_11 : memref<1x26x1000xf32, #tpu.memory_space<vmem>>[vector<16xi32>, vector<16xi32>, vector<16xi32>], vector<16xf32>, vector<16xi1>
    %get3A_559 = arith.constant 442 : index
    %get3A_560 = tpu.vector_load %arg4[%get3A_559] {strides = array<i32>} : memref<848xi32, #tpu.memory_space<vmem>>, vector<16xi32>,
    tpu.vector_store_idx %arg7[%broadcast_in_dim3A_9, %iota3A, %get3A_560], %broadcast_in_dim3A_7 : memref<1x26x1000xf32, #tpu.memory_space<vmem>>[vector<16xi32>, vector<16xi32>, vector<16xi32>], vector<16xf32>,
    %get3A_561 = arith.constant 458 : index
    %get3A_562 = tpu.vector_load %arg4[%get3A_561] {strides = array<i32>} : memref<848xi32, #tpu.memory_space<vmem>>, vector<16xi32>,
    %add3A_563 = arith.constant 16 : i32
    %add3A_564 = vector.broadcast %add3A_563 : i32 to vector<16xi32>
    %add3A_565 = arith.addi %iota3A, %add3A_564 : vector<16xi32>
    %min3A_566 = arith.constant 25 : i32
    %min3A_567 = vector.broadcast %min3A_566 : i32 to vector<16xi32>
    %min3A_568 = arith.minsi %add3A_565, %min3A_567 : vector<16xi32>
    tpu.vector_store_idx %arg7[%broadcast_in_dim3A_9, %min3A_568, %get3A_562], %broadcast_in_dim3A_7 masked %lt3A_11 : memref<1x26x1000xf32, #tpu.memory_space<vmem>>[vector<16xi32>, vector<16xi32>, vector<16xi32>], vector<16xf32>, vector<16xi1>
    %add3A_569 = arith.constant 17 : i32
    %add3A_570 = arith.addi %mul3A_2, %add3A_569 : i32
    %dma_start3A_571 = arith.constant 0 : i32
    %dma_start3A_572 = arith.constant 0 : i32
    %dma_start3A_573 = tpu.memref_slice %arg3[%add3A_570, %dma_start3A_571, %dma_start3A_572] : memref<1024x26x1000xf32, #tpu.memory_space<hbm>> -> memref<1x26x1000xf32, #tpu.memory_space<hbm>>
    %dma_start3A_574 = arith.constant 0 : i32
    %dma_start3A_575 = arith.constant 0 : i32
    %dma_start3A_576 = tpu.memref_slice %arg3[%add3A_570, %dma_start3A_574, %dma_start3A_575] : memref<1024x26x1000xf32, #tpu.memory_space<hbm>> -> memref<1x26x1000xf32, #tpu.memory_space<hbm>>
    tpu.enqueue_dma source(%arg7 : memref<1x26x1000xf32, #tpu.memory_space<vmem>>) target(%dma_start3A_576 : memref<1x26x1000xf32, #tpu.memory_space<hbm>>) target_semaphore(%arg10 : memref<!tpu.dma_semaphore, #tpu.memory_space<semaphore_mem>>)
    %dma_wait3A_577 = arith.constant 0 : i32
    %dma_wait3A_578 = arith.constant 0 : i32
    %dma_wait3A_579 = tpu.memref_slice %arg3[%add3A_502, %dma_wait3A_577, %dma_wait3A_578] : memref<1024x26x1000xf32, #tpu.memory_space<hbm>> -> memref<1x26x1000xf32, #tpu.memory_space<hbm>>
    %dma_wait3A_580 = arith.constant 0 : i32
    %dma_wait3A_581 = arith.constant 0 : i32
    %dma_wait3A_582 = tpu.memref_slice %arg3[%add3A_502, %dma_wait3A_580, %dma_wait3A_581] : memref<1024x26x1000xf32, #tpu.memory_space<hbm>> -> memref<1x26x1000xf32, #tpu.memory_space<hbm>>
    tpu.wait_dma2 semaphore(%arg8 : memref<!tpu.dma_semaphore, #tpu.memory_space<semaphore_mem>>) src(%arg5 : memref<1x26x1000xf32, #tpu.memory_space<vmem>>) dst(%dma_wait3A_582 : memref<1x26x1000xf32, #tpu.memory_space<hbm>>)
    %get3A_583 = arith.constant 390 : index
    %get3A_584 = tpu.vector_load %arg4[%get3A_583] {strides = array<i32>} : memref<848xi32, #tpu.memory_space<vmem>>, vector<16xi32>,
    tpu.vector_store_idx %arg5[%broadcast_in_dim3A_9, %iota3A, %get3A_584], %broadcast_in_dim3A_5 : memref<1x26x1000xf32, #tpu.memory_space<vmem>>[vector<16xi32>, vector<16xi32>, vector<16xi32>], vector<16xf32>,
    %get3A_585 = arith.constant 406 : index
    %get3A_586 = tpu.vector_load %arg4[%get3A_585] {strides = array<i32>} : memref<848xi32, #tpu.memory_space<vmem>>, vector<16xi32>,
    %add3A_587 = arith.constant 16 : i32
    %add3A_588 = vector.broadcast %add3A_587 : i32 to vector<16xi32>
    %add3A_589 = arith.addi %iota3A, %add3A_588 : vector<16xi32>
    %min3A_590 = arith.constant 25 : i32
    %min3A_591 = vector.broadcast %min3A_590 : i32 to vector<16xi32>
    %min3A_592 = arith.minsi %add3A_589, %min3A_591 : vector<16xi32>
    tpu.vector_store_idx %arg5[%broadcast_in_dim3A_9, %min3A_592, %get3A_586], %broadcast_in_dim3A_5 masked %lt3A_11 : memref<1x26x1000xf32, #tpu.memory_space<vmem>>[vector<16xi32>, vector<16xi32>, vector<16xi32>], vector<16xf32>, vector<16xi1>
    %get3A_593 = arith.constant 468 : index
    %get3A_594 = tpu.vector_load %arg4[%get3A_593] {strides = array<i32>} : memref<848xi32, #tpu.memory_space<vmem>>, vector<16xi32>,
    tpu.vector_store_idx %arg5[%broadcast_in_dim3A_9, %iota3A, %get3A_594], %broadcast_in_dim3A_7 : memref<1x26x1000xf32, #tpu.memory_space<vmem>>[vector<16xi32>, vector<16xi32>, vector<16xi32>], vector<16xf32>,
    %get3A_595 = arith.constant 484 : index
    %get3A_596 = tpu.vector_load %arg4[%get3A_595] {strides = array<i32>} : memref<848xi32, #tpu.memory_space<vmem>>, vector<16xi32>,
    %add3A_597 = arith.constant 16 : i32
    %add3A_598 = vector.broadcast %add3A_597 : i32 to vector<16xi32>
    %add3A_599 = arith.addi %iota3A, %add3A_598 : vector<16xi32>
    %min3A_600 = arith.constant 25 : i32
    %min3A_601 = vector.broadcast %min3A_600 : i32 to vector<16xi32>
    %min3A_602 = arith.minsi %add3A_599, %min3A_601 : vector<16xi32>
    tpu.vector_store_idx %arg5[%broadcast_in_dim3A_9, %min3A_602, %get3A_596], %broadcast_in_dim3A_7 masked %lt3A_11 : memref<1x26x1000xf32, #tpu.memory_space<vmem>>[vector<16xi32>, vector<16xi32>, vector<16xi32>], vector<16xf32>, vector<16xi1>
    %add3A_603 = arith.constant 18 : i32
    %add3A_604 = arith.addi %mul3A_2, %add3A_603 : i32
    %dma_start3A_605 = arith.constant 0 : i32
    %dma_start3A_606 = arith.constant 0 : i32
    %dma_start3A_607 = tpu.memref_slice %arg3[%add3A_604, %dma_start3A_605, %dma_start3A_606] : memref<1024x26x1000xf32, #tpu.memory_space<hbm>> -> memref<1x26x1000xf32, #tpu.memory_space<hbm>>
    %dma_start3A_608 = arith.constant 0 : i32
    %dma_start3A_609 = arith.constant 0 : i32
    %dma_start3A_610 = tpu.memref_slice %arg3[%add3A_604, %dma_start3A_608, %dma_start3A_609] : memref<1024x26x1000xf32, #tpu.memory_space<hbm>> -> memref<1x26x1000xf32, #tpu.memory_space<hbm>>
    tpu.enqueue_dma source(%arg5 : memref<1x26x1000xf32, #tpu.memory_space<vmem>>) target(%dma_start3A_610 : memref<1x26x1000xf32, #tpu.memory_space<hbm>>) target_semaphore(%arg8 : memref<!tpu.dma_semaphore, #tpu.memory_space<semaphore_mem>>)
    %dma_wait3A_611 = arith.constant 0 : i32
    %dma_wait3A_612 = arith.constant 0 : i32
    %dma_wait3A_613 = tpu.memref_slice %arg3[%add3A_536, %dma_wait3A_611, %dma_wait3A_612] : memref<1024x26x1000xf32, #tpu.memory_space<hbm>> -> memref<1x26x1000xf32, #tpu.memory_space<hbm>>
    %dma_wait3A_614 = arith.constant 0 : i32
    %dma_wait3A_615 = arith.constant 0 : i32
    %dma_wait3A_616 = tpu.memref_slice %arg3[%add3A_536, %dma_wait3A_614, %dma_wait3A_615] : memref<1024x26x1000xf32, #tpu.memory_space<hbm>> -> memref<1x26x1000xf32, #tpu.memory_space<hbm>>
    tpu.wait_dma2 semaphore(%arg9 : memref<!tpu.dma_semaphore, #tpu.memory_space<semaphore_mem>>) src(%arg6 : memref<1x26x1000xf32, #tpu.memory_space<vmem>>) dst(%dma_wait3A_616 : memref<1x26x1000xf32, #tpu.memory_space<hbm>>)
    %get3A_617 = arith.constant 416 : index
    %get3A_618 = tpu.vector_load %arg4[%get3A_617] {strides = array<i32>} : memref<848xi32, #tpu.memory_space<vmem>>, vector<16xi32>,
    tpu.vector_store_idx %arg6[%broadcast_in_dim3A_9, %iota3A, %get3A_618], %broadcast_in_dim3A_5 : memref<1x26x1000xf32, #tpu.memory_space<vmem>>[vector<16xi32>, vector<16xi32>, vector<16xi32>], vector<16xf32>,
    %get3A_619 = arith.constant 432 : index
    %get3A_620 = tpu.vector_load %arg4[%get3A_619] {strides = array<i32>} : memref<848xi32, #tpu.memory_space<vmem>>, vector<16xi32>,
    %add3A_621 = arith.constant 16 : i32
    %add3A_622 = vector.broadcast %add3A_621 : i32 to vector<16xi32>
    %add3A_623 = arith.addi %iota3A, %add3A_622 : vector<16xi32>
    %min3A_624 = arith.constant 25 : i32
    %min3A_625 = vector.broadcast %min3A_624 : i32 to vector<16xi32>
    %min3A_626 = arith.minsi %add3A_623, %min3A_625 : vector<16xi32>
    tpu.vector_store_idx %arg6[%broadcast_in_dim3A_9, %min3A_626, %get3A_620], %broadcast_in_dim3A_5 masked %lt3A_11 : memref<1x26x1000xf32, #tpu.memory_space<vmem>>[vector<16xi32>, vector<16xi32>, vector<16xi32>], vector<16xf32>, vector<16xi1>
    %get3A_627 = arith.constant 494 : index
    %get3A_628 = tpu.vector_load %arg4[%get3A_627] {strides = array<i32>} : memref<848xi32, #tpu.memory_space<vmem>>, vector<16xi32>,
    tpu.vector_store_idx %arg6[%broadcast_in_dim3A_9, %iota3A, %get3A_628], %broadcast_in_dim3A_7 : memref<1x26x1000xf32, #tpu.memory_space<vmem>>[vector<16xi32>, vector<16xi32>, vector<16xi32>], vector<16xf32>,
    %get3A_629 = arith.constant 510 : index
    %get3A_630 = tpu.vector_load %arg4[%get3A_629] {strides = array<i32>} : memref<848xi32, #tpu.memory_space<vmem>>, vector<16xi32>,
    %add3A_631 = arith.constant 16 : i32
    %add3A_632 = vector.broadcast %add3A_631 : i32 to vector<16xi32>
    %add3A_633 = arith.addi %iota3A, %add3A_632 : vector<16xi32>
    %min3A_634 = arith.constant 25 : i32
    %min3A_635 = vector.broadcast %min3A_634 : i32 to vector<16xi32>
    %min3A_636 = arith.minsi %add3A_633, %min3A_635 : vector<16xi32>
    tpu.vector_store_idx %arg6[%broadcast_in_dim3A_9, %min3A_636, %get3A_630], %broadcast_in_dim3A_7 masked %lt3A_11 : memref<1x26x1000xf32, #tpu.memory_space<vmem>>[vector<16xi32>, vector<16xi32>, vector<16xi32>], vector<16xf32>, vector<16xi1>
    %add3A_637 = arith.constant 19 : i32
    %add3A_638 = arith.addi %mul3A_2, %add3A_637 : i32
    %dma_start3A_639 = arith.constant 0 : i32
    %dma_start3A_640 = arith.constant 0 : i32
    %dma_start3A_641 = tpu.memref_slice %arg3[%add3A_638, %dma_start3A_639, %dma_start3A_640] : memref<1024x26x1000xf32, #tpu.memory_space<hbm>> -> memref<1x26x1000xf32, #tpu.memory_space<hbm>>
    %dma_start3A_642 = arith.constant 0 : i32
    %dma_start3A_643 = arith.constant 0 : i32
    %dma_start3A_644 = tpu.memref_slice %arg3[%add3A_638, %dma_start3A_642, %dma_start3A_643] : memref<1024x26x1000xf32, #tpu.memory_space<hbm>> -> memref<1x26x1000xf32, #tpu.memory_space<hbm>>
    tpu.enqueue_dma source(%arg6 : memref<1x26x1000xf32, #tpu.memory_space<vmem>>) target(%dma_start3A_644 : memref<1x26x1000xf32, #tpu.memory_space<hbm>>) target_semaphore(%arg9 : memref<!tpu.dma_semaphore, #tpu.memory_space<semaphore_mem>>)
    %dma_wait3A_645 = arith.constant 0 : i32
    %dma_wait3A_646 = arith.constant 0 : i32
    %dma_wait3A_647 = tpu.memref_slice %arg3[%add3A_570, %dma_wait3A_645, %dma_wait3A_646] : memref<1024x26x1000xf32, #tpu.memory_space<hbm>> -> memref<1x26x1000xf32, #tpu.memory_space<hbm>>
    %dma_wait3A_648 = arith.constant 0 : i32
    %dma_wait3A_649 = arith.constant 0 : i32
    %dma_wait3A_650 = tpu.memref_slice %arg3[%add3A_570, %dma_wait3A_648, %dma_wait3A_649] : memref<1024x26x1000xf32, #tpu.memory_space<hbm>> -> memref<1x26x1000xf32, #tpu.memory_space<hbm>>
    tpu.wait_dma2 semaphore(%arg10 : memref<!tpu.dma_semaphore, #tpu.memory_space<semaphore_mem>>) src(%arg7 : memref<1x26x1000xf32, #tpu.memory_space<vmem>>) dst(%dma_wait3A_650 : memref<1x26x1000xf32, #tpu.memory_space<hbm>>)
    %get3A_651 = arith.constant 442 : index
    %get3A_652 = tpu.vector_load %arg4[%get3A_651] {strides = array<i32>} : memref<848xi32, #tpu.memory_space<vmem>>, vector<16xi32>,
    tpu.vector_store_idx %arg7[%broadcast_in_dim3A_9, %iota3A, %get3A_652], %broadcast_in_dim3A_5 : memref<1x26x1000xf32, #tpu.memory_space<vmem>>[vector<16xi32>, vector<16xi32>, vector<16xi32>], vector<16xf32>,
    %get3A_653 = arith.constant 458 : index
    %get3A_654 = tpu.vector_load %arg4[%get3A_653] {strides = array<i32>} : memref<848xi32, #tpu.memory_space<vmem>>, vector<16xi32>,
    %add3A_655 = arith.constant 16 : i32
    %add3A_656 = vector.broadcast %add3A_655 : i32 to vector<16xi32>
    %add3A_657 = arith.addi %iota3A, %add3A_656 : vector<16xi32>
    %min3A_658 = arith.constant 25 : i32
    %min3A_659 = vector.broadcast %min3A_658 : i32 to vector<16xi32>
    %min3A_660 = arith.minsi %add3A_657, %min3A_659 : vector<16xi32>
    tpu.vector_store_idx %arg7[%broadcast_in_dim3A_9, %min3A_660, %get3A_654], %broadcast_in_dim3A_5 masked %lt3A_11 : memref<1x26x1000xf32, #tpu.memory_space<vmem>>[vector<16xi32>, vector<16xi32>, vector<16xi32>], vector<16xf32>, vector<16xi1>
    %get3A_661 = arith.constant 520 : index
    %get3A_662 = tpu.vector_load %arg4[%get3A_661] {strides = array<i32>} : memref<848xi32, #tpu.memory_space<vmem>>, vector<16xi32>,
    tpu.vector_store_idx %arg7[%broadcast_in_dim3A_9, %iota3A, %get3A_662], %broadcast_in_dim3A_7 : memref<1x26x1000xf32, #tpu.memory_space<vmem>>[vector<16xi32>, vector<16xi32>, vector<16xi32>], vector<16xf32>,
    %get3A_663 = arith.constant 536 : index
    %get3A_664 = tpu.vector_load %arg4[%get3A_663] {strides = array<i32>} : memref<848xi32, #tpu.memory_space<vmem>>, vector<16xi32>,
    %add3A_665 = arith.constant 16 : i32
    %add3A_666 = vector.broadcast %add3A_665 : i32 to vector<16xi32>
    %add3A_667 = arith.addi %iota3A, %add3A_666 : vector<16xi32>
    %min3A_668 = arith.constant 25 : i32
    %min3A_669 = vector.broadcast %min3A_668 : i32 to vector<16xi32>
    %min3A_670 = arith.minsi %add3A_667, %min3A_669 : vector<16xi32>
    tpu.vector_store_idx %arg7[%broadcast_in_dim3A_9, %min3A_670, %get3A_664], %broadcast_in_dim3A_7 masked %lt3A_11 : memref<1x26x1000xf32, #tpu.memory_space<vmem>>[vector<16xi32>, vector<16xi32>, vector<16xi32>], vector<16xf32>, vector<16xi1>
    %add3A_671 = arith.constant 20 : i32
    %add3A_672 = arith.addi %mul3A_2, %add3A_671 : i32
    %dma_start3A_673 = arith.constant 0 : i32
    %dma_start3A_674 = arith.constant 0 : i32
    %dma_start3A_675 = tpu.memref_slice %arg3[%add3A_672, %dma_start3A_673, %dma_start3A_674] : memref<1024x26x1000xf32, #tpu.memory_space<hbm>> -> memref<1x26x1000xf32, #tpu.memory_space<hbm>>
    %dma_start3A_676 = arith.constant 0 : i32
    %dma_start3A_677 = arith.constant 0 : i32
    %dma_start3A_678 = tpu.memref_slice %arg3[%add3A_672, %dma_start3A_676, %dma_start3A_677] : memref<1024x26x1000xf32, #tpu.memory_space<hbm>> -> memref<1x26x1000xf32, #tpu.memory_space<hbm>>
    tpu.enqueue_dma source(%arg7 : memref<1x26x1000xf32, #tpu.memory_space<vmem>>) target(%dma_start3A_678 : memref<1x26x1000xf32, #tpu.memory_space<hbm>>) target_semaphore(%arg10 : memref<!tpu.dma_semaphore, #tpu.memory_space<semaphore_mem>>)
    %dma_wait3A_679 = arith.constant 0 : i32
    %dma_wait3A_680 = arith.constant 0 : i32
    %dma_wait3A_681 = tpu.memref_slice %arg3[%add3A_604, %dma_wait3A_679, %dma_wait3A_680] : memref<1024x26x1000xf32, #tpu.memory_space<hbm>> -> memref<1x26x1000xf32, #tpu.memory_space<hbm>>
    %dma_wait3A_682 = arith.constant 0 : i32
    %dma_wait3A_683 = arith.constant 0 : i32
    %dma_wait3A_684 = tpu.memref_slice %arg3[%add3A_604, %dma_wait3A_682, %dma_wait3A_683] : memref<1024x26x1000xf32, #tpu.memory_space<hbm>> -> memref<1x26x1000xf32, #tpu.memory_space<hbm>>
    tpu.wait_dma2 semaphore(%arg8 : memref<!tpu.dma_semaphore, #tpu.memory_space<semaphore_mem>>) src(%arg5 : memref<1x26x1000xf32, #tpu.memory_space<vmem>>) dst(%dma_wait3A_684 : memref<1x26x1000xf32, #tpu.memory_space<hbm>>)
    %get3A_685 = arith.constant 468 : index
    %get3A_686 = tpu.vector_load %arg4[%get3A_685] {strides = array<i32>} : memref<848xi32, #tpu.memory_space<vmem>>, vector<16xi32>,
    tpu.vector_store_idx %arg5[%broadcast_in_dim3A_9, %iota3A, %get3A_686], %broadcast_in_dim3A_5 : memref<1x26x1000xf32, #tpu.memory_space<vmem>>[vector<16xi32>, vector<16xi32>, vector<16xi32>], vector<16xf32>,
    %get3A_687 = arith.constant 484 : index
    %get3A_688 = tpu.vector_load %arg4[%get3A_687] {strides = array<i32>} : memref<848xi32, #tpu.memory_space<vmem>>, vector<16xi32>,
    %add3A_689 = arith.constant 16 : i32
    %add3A_690 = vector.broadcast %add3A_689 : i32 to vector<16xi32>
    %add3A_691 = arith.addi %iota3A, %add3A_690 : vector<16xi32>
    %min3A_692 = arith.constant 25 : i32
    %min3A_693 = vector.broadcast %min3A_692 : i32 to vector<16xi32>
    %min3A_694 = arith.minsi %add3A_691, %min3A_693 : vector<16xi32>
    tpu.vector_store_idx %arg5[%broadcast_in_dim3A_9, %min3A_694, %get3A_688], %broadcast_in_dim3A_5 masked %lt3A_11 : memref<1x26x1000xf32, #tpu.memory_space<vmem>>[vector<16xi32>, vector<16xi32>, vector<16xi32>], vector<16xf32>, vector<16xi1>
    %get3A_695 = arith.constant 546 : index
    %get3A_696 = tpu.vector_load %arg4[%get3A_695] {strides = array<i32>} : memref<848xi32, #tpu.memory_space<vmem>>, vector<16xi32>,
    tpu.vector_store_idx %arg5[%broadcast_in_dim3A_9, %iota3A, %get3A_696], %broadcast_in_dim3A_7 : memref<1x26x1000xf32, #tpu.memory_space<vmem>>[vector<16xi32>, vector<16xi32>, vector<16xi32>], vector<16xf32>,
    %get3A_697 = arith.constant 562 : index
    %get3A_698 = tpu.vector_load %arg4[%get3A_697] {strides = array<i32>} : memref<848xi32, #tpu.memory_space<vmem>>, vector<16xi32>,
    %add3A_699 = arith.constant 16 : i32
    %add3A_700 = vector.broadcast %add3A_699 : i32 to vector<16xi32>
    %add3A_701 = arith.addi %iota3A, %add3A_700 : vector<16xi32>
    %min3A_702 = arith.constant 25 : i32
    %min3A_703 = vector.broadcast %min3A_702 : i32 to vector<16xi32>
    %min3A_704 = arith.minsi %add3A_701, %min3A_703 : vector<16xi32>
    tpu.vector_store_idx %arg5[%broadcast_in_dim3A_9, %min3A_704, %get3A_698], %broadcast_in_dim3A_7 masked %lt3A_11 : memref<1x26x1000xf32, #tpu.memory_space<vmem>>[vector<16xi32>, vector<16xi32>, vector<16xi32>], vector<16xf32>, vector<16xi1>
    %add3A_705 = arith.constant 21 : i32
    %add3A_706 = arith.addi %mul3A_2, %add3A_705 : i32
    %dma_start3A_707 = arith.constant 0 : i32
    %dma_start3A_708 = arith.constant 0 : i32
    %dma_start3A_709 = tpu.memref_slice %arg3[%add3A_706, %dma_start3A_707, %dma_start3A_708] : memref<1024x26x1000xf32, #tpu.memory_space<hbm>> -> memref<1x26x1000xf32, #tpu.memory_space<hbm>>
    %dma_start3A_710 = arith.constant 0 : i32
    %dma_start3A_711 = arith.constant 0 : i32
    %dma_start3A_712 = tpu.memref_slice %arg3[%add3A_706, %dma_start3A_710, %dma_start3A_711] : memref<1024x26x1000xf32, #tpu.memory_space<hbm>> -> memref<1x26x1000xf32, #tpu.memory_space<hbm>>
    tpu.enqueue_dma source(%arg5 : memref<1x26x1000xf32, #tpu.memory_space<vmem>>) target(%dma_start3A_712 : memref<1x26x1000xf32, #tpu.memory_space<hbm>>) target_semaphore(%arg8 : memref<!tpu.dma_semaphore, #tpu.memory_space<semaphore_mem>>)
    %dma_wait3A_713 = arith.constant 0 : i32
    %dma_wait3A_714 = arith.constant 0 : i32
    %dma_wait3A_715 = tpu.memref_slice %arg3[%add3A_638, %dma_wait3A_713, %dma_wait3A_714] : memref<1024x26x1000xf32, #tpu.memory_space<hbm>> -> memref<1x26x1000xf32, #tpu.memory_space<hbm>>
    %dma_wait3A_716 = arith.constant 0 : i32
    %dma_wait3A_717 = arith.constant 0 : i32
    %dma_wait3A_718 = tpu.memref_slice %arg3[%add3A_638, %dma_wait3A_716, %dma_wait3A_717] : memref<1024x26x1000xf32, #tpu.memory_space<hbm>> -> memref<1x26x1000xf32, #tpu.memory_space<hbm>>
    tpu.wait_dma2 semaphore(%arg9 : memref<!tpu.dma_semaphore, #tpu.memory_space<semaphore_mem>>) src(%arg6 : memref<1x26x1000xf32, #tpu.memory_space<vmem>>) dst(%dma_wait3A_718 : memref<1x26x1000xf32, #tpu.memory_space<hbm>>)
    %get3A_719 = arith.constant 494 : index
    %get3A_720 = tpu.vector_load %arg4[%get3A_719] {strides = array<i32>} : memref<848xi32, #tpu.memory_space<vmem>>, vector<16xi32>,
    tpu.vector_store_idx %arg6[%broadcast_in_dim3A_9, %iota3A, %get3A_720], %broadcast_in_dim3A_5 : memref<1x26x1000xf32, #tpu.memory_space<vmem>>[vector<16xi32>, vector<16xi32>, vector<16xi32>], vector<16xf32>,
    %get3A_721 = arith.constant 510 : index
    %get3A_722 = tpu.vector_load %arg4[%get3A_721] {strides = array<i32>} : memref<848xi32, #tpu.memory_space<vmem>>, vector<16xi32>,
    %add3A_723 = arith.constant 16 : i32
    %add3A_724 = vector.broadcast %add3A_723 : i32 to vector<16xi32>
    %add3A_725 = arith.addi %iota3A, %add3A_724 : vector<16xi32>
    %min3A_726 = arith.constant 25 : i32
    %min3A_727 = vector.broadcast %min3A_726 : i32 to vector<16xi32>
    %min3A_728 = arith.minsi %add3A_725, %min3A_727 : vector<16xi32>
    tpu.vector_store_idx %arg6[%broadcast_in_dim3A_9, %min3A_728, %get3A_722], %broadcast_in_dim3A_5 masked %lt3A_11 : memref<1x26x1000xf32, #tpu.memory_space<vmem>>[vector<16xi32>, vector<16xi32>, vector<16xi32>], vector<16xf32>, vector<16xi1>
    %get3A_729 = arith.constant 572 : index
    %get3A_730 = tpu.vector_load %arg4[%get3A_729] {strides = array<i32>} : memref<848xi32, #tpu.memory_space<vmem>>, vector<16xi32>,
    tpu.vector_store_idx %arg6[%broadcast_in_dim3A_9, %iota3A, %get3A_730], %broadcast_in_dim3A_7 : memref<1x26x1000xf32, #tpu.memory_space<vmem>>[vector<16xi32>, vector<16xi32>, vector<16xi32>], vector<16xf32>,
    %get3A_731 = arith.constant 588 : index
    %get3A_732 = tpu.vector_load %arg4[%get3A_731] {strides = array<i32>} : memref<848xi32, #tpu.memory_space<vmem>>, vector<16xi32>,
    %add3A_733 = arith.constant 16 : i32
    %add3A_734 = vector.broadcast %add3A_733 : i32 to vector<16xi32>
    %add3A_735 = arith.addi %iota3A, %add3A_734 : vector<16xi32>
    %min3A_736 = arith.constant 25 : i32
    %min3A_737 = vector.broadcast %min3A_736 : i32 to vector<16xi32>
    %min3A_738 = arith.minsi %add3A_735, %min3A_737 : vector<16xi32>
    tpu.vector_store_idx %arg6[%broadcast_in_dim3A_9, %min3A_738, %get3A_732], %broadcast_in_dim3A_7 masked %lt3A_11 : memref<1x26x1000xf32, #tpu.memory_space<vmem>>[vector<16xi32>, vector<16xi32>, vector<16xi32>], vector<16xf32>, vector<16xi1>
    %add3A_739 = arith.constant 22 : i32
    %add3A_740 = arith.addi %mul3A_2, %add3A_739 : i32
    %dma_start3A_741 = arith.constant 0 : i32
    %dma_start3A_742 = arith.constant 0 : i32
    %dma_start3A_743 = tpu.memref_slice %arg3[%add3A_740, %dma_start3A_741, %dma_start3A_742] : memref<1024x26x1000xf32, #tpu.memory_space<hbm>> -> memref<1x26x1000xf32, #tpu.memory_space<hbm>>
    %dma_start3A_744 = arith.constant 0 : i32
    %dma_start3A_745 = arith.constant 0 : i32
    %dma_start3A_746 = tpu.memref_slice %arg3[%add3A_740, %dma_start3A_744, %dma_start3A_745] : memref<1024x26x1000xf32, #tpu.memory_space<hbm>> -> memref<1x26x1000xf32, #tpu.memory_space<hbm>>
    tpu.enqueue_dma source(%arg6 : memref<1x26x1000xf32, #tpu.memory_space<vmem>>) target(%dma_start3A_746 : memref<1x26x1000xf32, #tpu.memory_space<hbm>>) target_semaphore(%arg9 : memref<!tpu.dma_semaphore, #tpu.memory_space<semaphore_mem>>)
    %dma_wait3A_747 = arith.constant 0 : i32
    %dma_wait3A_748 = arith.constant 0 : i32
    %dma_wait3A_749 = tpu.memref_slice %arg3[%add3A_672, %dma_wait3A_747, %dma_wait3A_748] : memref<1024x26x1000xf32, #tpu.memory_space<hbm>> -> memref<1x26x1000xf32, #tpu.memory_space<hbm>>
    %dma_wait3A_750 = arith.constant 0 : i32
    %dma_wait3A_751 = arith.constant 0 : i32
    %dma_wait3A_752 = tpu.memref_slice %arg3[%add3A_672, %dma_wait3A_750, %dma_wait3A_751] : memref<1024x26x1000xf32, #tpu.memory_space<hbm>> -> memref<1x26x1000xf32, #tpu.memory_space<hbm>>
    tpu.wait_dma2 semaphore(%arg10 : memref<!tpu.dma_semaphore, #tpu.memory_space<semaphore_mem>>) src(%arg7 : memref<1x26x1000xf32, #tpu.memory_space<vmem>>) dst(%dma_wait3A_752 : memref<1x26x1000xf32, #tpu.memory_space<hbm>>)
    %get3A_753 = arith.constant 520 : index
    %get3A_754 = tpu.vector_load %arg4[%get3A_753] {strides = array<i32>} : memref<848xi32, #tpu.memory_space<vmem>>, vector<16xi32>,
    tpu.vector_store_idx %arg7[%broadcast_in_dim3A_9, %iota3A, %get3A_754], %broadcast_in_dim3A_5 : memref<1x26x1000xf32, #tpu.memory_space<vmem>>[vector<16xi32>, vector<16xi32>, vector<16xi32>], vector<16xf32>,
    %get3A_755 = arith.constant 536 : index
    %get3A_756 = tpu.vector_load %arg4[%get3A_755] {strides = array<i32>} : memref<848xi32, #tpu.memory_space<vmem>>, vector<16xi32>,
    %add3A_757 = arith.constant 16 : i32
    %add3A_758 = vector.broadcast %add3A_757 : i32 to vector<16xi32>
    %add3A_759 = arith.addi %iota3A, %add3A_758 : vector<16xi32>
    %min3A_760 = arith.constant 25 : i32
    %min3A_761 = vector.broadcast %min3A_760 : i32 to vector<16xi32>
    %min3A_762 = arith.minsi %add3A_759, %min3A_761 : vector<16xi32>
    tpu.vector_store_idx %arg7[%broadcast_in_dim3A_9, %min3A_762, %get3A_756], %broadcast_in_dim3A_5 masked %lt3A_11 : memref<1x26x1000xf32, #tpu.memory_space<vmem>>[vector<16xi32>, vector<16xi32>, vector<16xi32>], vector<16xf32>, vector<16xi1>
    %get3A_763 = arith.constant 598 : index
    %get3A_764 = tpu.vector_load %arg4[%get3A_763] {strides = array<i32>} : memref<848xi32, #tpu.memory_space<vmem>>, vector<16xi32>,
    tpu.vector_store_idx %arg7[%broadcast_in_dim3A_9, %iota3A, %get3A_764], %broadcast_in_dim3A_7 : memref<1x26x1000xf32, #tpu.memory_space<vmem>>[vector<16xi32>, vector<16xi32>, vector<16xi32>], vector<16xf32>,
    %get3A_765 = arith.constant 614 : index
    %get3A_766 = tpu.vector_load %arg4[%get3A_765] {strides = array<i32>} : memref<848xi32, #tpu.memory_space<vmem>>, vector<16xi32>,
    %add3A_767 = arith.constant 16 : i32
    %add3A_768 = vector.broadcast %add3A_767 : i32 to vector<16xi32>
    %add3A_769 = arith.addi %iota3A, %add3A_768 : vector<16xi32>
    %min3A_770 = arith.constant 25 : i32
    %min3A_771 = vector.broadcast %min3A_770 : i32 to vector<16xi32>
    %min3A_772 = arith.minsi %add3A_769, %min3A_771 : vector<16xi32>
    tpu.vector_store_idx %arg7[%broadcast_in_dim3A_9, %min3A_772, %get3A_766], %broadcast_in_dim3A_7 masked %lt3A_11 : memref<1x26x1000xf32, #tpu.memory_space<vmem>>[vector<16xi32>, vector<16xi32>, vector<16xi32>], vector<16xf32>, vector<16xi1>
    %add3A_773 = arith.constant 23 : i32
    %add3A_774 = arith.addi %mul3A_2, %add3A_773 : i32
    %dma_start3A_775 = arith.constant 0 : i32
    %dma_start3A_776 = arith.constant 0 : i32
    %dma_start3A_777 = tpu.memref_slice %arg3[%add3A_774, %dma_start3A_775, %dma_start3A_776] : memref<1024x26x1000xf32, #tpu.memory_space<hbm>> -> memref<1x26x1000xf32, #tpu.memory_space<hbm>>
    %dma_start3A_778 = arith.constant 0 : i32
    %dma_start3A_779 = arith.constant 0 : i32
    %dma_start3A_780 = tpu.memref_slice %arg3[%add3A_774, %dma_start3A_778, %dma_start3A_779] : memref<1024x26x1000xf32, #tpu.memory_space<hbm>> -> memref<1x26x1000xf32, #tpu.memory_space<hbm>>
    tpu.enqueue_dma source(%arg7 : memref<1x26x1000xf32, #tpu.memory_space<vmem>>) target(%dma_start3A_780 : memref<1x26x1000xf32, #tpu.memory_space<hbm>>) target_semaphore(%arg10 : memref<!tpu.dma_semaphore, #tpu.memory_space<semaphore_mem>>)
    %dma_wait3A_781 = arith.constant 0 : i32
    %dma_wait3A_782 = arith.constant 0 : i32
    %dma_wait3A_783 = tpu.memref_slice %arg3[%add3A_706, %dma_wait3A_781, %dma_wait3A_782] : memref<1024x26x1000xf32, #tpu.memory_space<hbm>> -> memref<1x26x1000xf32, #tpu.memory_space<hbm>>
    %dma_wait3A_784 = arith.constant 0 : i32
    %dma_wait3A_785 = arith.constant 0 : i32
    %dma_wait3A_786 = tpu.memref_slice %arg3[%add3A_706, %dma_wait3A_784, %dma_wait3A_785] : memref<1024x26x1000xf32, #tpu.memory_space<hbm>> -> memref<1x26x1000xf32, #tpu.memory_space<hbm>>
    tpu.wait_dma2 semaphore(%arg8 : memref<!tpu.dma_semaphore, #tpu.memory_space<semaphore_mem>>) src(%arg5 : memref<1x26x1000xf32, #tpu.memory_space<vmem>>) dst(%dma_wait3A_786 : memref<1x26x1000xf32, #tpu.memory_space<hbm>>)
    %get3A_787 = arith.constant 546 : index
    %get3A_788 = tpu.vector_load %arg4[%get3A_787] {strides = array<i32>} : memref<848xi32, #tpu.memory_space<vmem>>, vector<16xi32>,
    tpu.vector_store_idx %arg5[%broadcast_in_dim3A_9, %iota3A, %get3A_788], %broadcast_in_dim3A_5 : memref<1x26x1000xf32, #tpu.memory_space<vmem>>[vector<16xi32>, vector<16xi32>, vector<16xi32>], vector<16xf32>,
    %get3A_789 = arith.constant 562 : index
    %get3A_790 = tpu.vector_load %arg4[%get3A_789] {strides = array<i32>} : memref<848xi32, #tpu.memory_space<vmem>>, vector<16xi32>,
    %add3A_791 = arith.constant 16 : i32
    %add3A_792 = vector.broadcast %add3A_791 : i32 to vector<16xi32>
    %add3A_793 = arith.addi %iota3A, %add3A_792 : vector<16xi32>
    %min3A_794 = arith.constant 25 : i32
    %min3A_795 = vector.broadcast %min3A_794 : i32 to vector<16xi32>
    %min3A_796 = arith.minsi %add3A_793, %min3A_795 : vector<16xi32>
    tpu.vector_store_idx %arg5[%broadcast_in_dim3A_9, %min3A_796, %get3A_790], %broadcast_in_dim3A_5 masked %lt3A_11 : memref<1x26x1000xf32, #tpu.memory_space<vmem>>[vector<16xi32>, vector<16xi32>, vector<16xi32>], vector<16xf32>, vector<16xi1>
    %get3A_797 = arith.constant 624 : index
    %get3A_798 = tpu.vector_load %arg4[%get3A_797] {strides = array<i32>} : memref<848xi32, #tpu.memory_space<vmem>>, vector<16xi32>,
    tpu.vector_store_idx %arg5[%broadcast_in_dim3A_9, %iota3A, %get3A_798], %broadcast_in_dim3A_7 : memref<1x26x1000xf32, #tpu.memory_space<vmem>>[vector<16xi32>, vector<16xi32>, vector<16xi32>], vector<16xf32>,
    %get3A_799 = arith.constant 640 : index
    %get3A_800 = tpu.vector_load %arg4[%get3A_799] {strides = array<i32>} : memref<848xi32, #tpu.memory_space<vmem>>, vector<16xi32>,
    %add3A_801 = arith.constant 16 : i32
    %add3A_802 = vector.broadcast %add3A_801 : i32 to vector<16xi32>
    %add3A_803 = arith.addi %iota3A, %add3A_802 : vector<16xi32>
    %min3A_804 = arith.constant 25 : i32
    %min3A_805 = vector.broadcast %min3A_804 : i32 to vector<16xi32>
    %min3A_806 = arith.minsi %add3A_803, %min3A_805 : vector<16xi32>
    tpu.vector_store_idx %arg5[%broadcast_in_dim3A_9, %min3A_806, %get3A_800], %broadcast_in_dim3A_7 masked %lt3A_11 : memref<1x26x1000xf32, #tpu.memory_space<vmem>>[vector<16xi32>, vector<16xi32>, vector<16xi32>], vector<16xf32>, vector<16xi1>
    %add3A_807 = arith.constant 24 : i32
    %add3A_808 = arith.addi %mul3A_2, %add3A_807 : i32
    %dma_start3A_809 = arith.constant 0 : i32
    %dma_start3A_810 = arith.constant 0 : i32
    %dma_start3A_811 = tpu.memref_slice %arg3[%add3A_808, %dma_start3A_809, %dma_start3A_810] : memref<1024x26x1000xf32, #tpu.memory_space<hbm>> -> memref<1x26x1000xf32, #tpu.memory_space<hbm>>
    %dma_start3A_812 = arith.constant 0 : i32
    %dma_start3A_813 = arith.constant 0 : i32
    %dma_start3A_814 = tpu.memref_slice %arg3[%add3A_808, %dma_start3A_812, %dma_start3A_813] : memref<1024x26x1000xf32, #tpu.memory_space<hbm>> -> memref<1x26x1000xf32, #tpu.memory_space<hbm>>
    tpu.enqueue_dma source(%arg5 : memref<1x26x1000xf32, #tpu.memory_space<vmem>>) target(%dma_start3A_814 : memref<1x26x1000xf32, #tpu.memory_space<hbm>>) target_semaphore(%arg8 : memref<!tpu.dma_semaphore, #tpu.memory_space<semaphore_mem>>)
    %dma_wait3A_815 = arith.constant 0 : i32
    %dma_wait3A_816 = arith.constant 0 : i32
    %dma_wait3A_817 = tpu.memref_slice %arg3[%add3A_740, %dma_wait3A_815, %dma_wait3A_816] : memref<1024x26x1000xf32, #tpu.memory_space<hbm>> -> memref<1x26x1000xf32, #tpu.memory_space<hbm>>
    %dma_wait3A_818 = arith.constant 0 : i32
    %dma_wait3A_819 = arith.constant 0 : i32
    %dma_wait3A_820 = tpu.memref_slice %arg3[%add3A_740, %dma_wait3A_818, %dma_wait3A_819] : memref<1024x26x1000xf32, #tpu.memory_space<hbm>> -> memref<1x26x1000xf32, #tpu.memory_space<hbm>>
    tpu.wait_dma2 semaphore(%arg9 : memref<!tpu.dma_semaphore, #tpu.memory_space<semaphore_mem>>) src(%arg6 : memref<1x26x1000xf32, #tpu.memory_space<vmem>>) dst(%dma_wait3A_820 : memref<1x26x1000xf32, #tpu.memory_space<hbm>>)
    %get3A_821 = arith.constant 572 : index
    %get3A_822 = tpu.vector_load %arg4[%get3A_821] {strides = array<i32>} : memref<848xi32, #tpu.memory_space<vmem>>, vector<16xi32>,
    tpu.vector_store_idx %arg6[%broadcast_in_dim3A_9, %iota3A, %get3A_822], %broadcast_in_dim3A_5 : memref<1x26x1000xf32, #tpu.memory_space<vmem>>[vector<16xi32>, vector<16xi32>, vector<16xi32>], vector<16xf32>,
    %get3A_823 = arith.constant 588 : index
    %get3A_824 = tpu.vector_load %arg4[%get3A_823] {strides = array<i32>} : memref<848xi32, #tpu.memory_space<vmem>>, vector<16xi32>,
    %add3A_825 = arith.constant 16 : i32
    %add3A_826 = vector.broadcast %add3A_825 : i32 to vector<16xi32>
    %add3A_827 = arith.addi %iota3A, %add3A_826 : vector<16xi32>
    %min3A_828 = arith.constant 25 : i32
    %min3A_829 = vector.broadcast %min3A_828 : i32 to vector<16xi32>
    %min3A_830 = arith.minsi %add3A_827, %min3A_829 : vector<16xi32>
    tpu.vector_store_idx %arg6[%broadcast_in_dim3A_9, %min3A_830, %get3A_824], %broadcast_in_dim3A_5 masked %lt3A_11 : memref<1x26x1000xf32, #tpu.memory_space<vmem>>[vector<16xi32>, vector<16xi32>, vector<16xi32>], vector<16xf32>, vector<16xi1>
    %get3A_831 = arith.constant 650 : index
    %get3A_832 = tpu.vector_load %arg4[%get3A_831] {strides = array<i32>} : memref<848xi32, #tpu.memory_space<vmem>>, vector<16xi32>,
    tpu.vector_store_idx %arg6[%broadcast_in_dim3A_9, %iota3A, %get3A_832], %broadcast_in_dim3A_7 : memref<1x26x1000xf32, #tpu.memory_space<vmem>>[vector<16xi32>, vector<16xi32>, vector<16xi32>], vector<16xf32>,
    %get3A_833 = arith.constant 666 : index
    %get3A_834 = tpu.vector_load %arg4[%get3A_833] {strides = array<i32>} : memref<848xi32, #tpu.memory_space<vmem>>, vector<16xi32>,
    %add3A_835 = arith.constant 16 : i32
    %add3A_836 = vector.broadcast %add3A_835 : i32 to vector<16xi32>
    %add3A_837 = arith.addi %iota3A, %add3A_836 : vector<16xi32>
    %min3A_838 = arith.constant 25 : i32
    %min3A_839 = vector.broadcast %min3A_838 : i32 to vector<16xi32>
    %min3A_840 = arith.minsi %add3A_837, %min3A_839 : vector<16xi32>
    tpu.vector_store_idx %arg6[%broadcast_in_dim3A_9, %min3A_840, %get3A_834], %broadcast_in_dim3A_7 masked %lt3A_11 : memref<1x26x1000xf32, #tpu.memory_space<vmem>>[vector<16xi32>, vector<16xi32>, vector<16xi32>], vector<16xf32>, vector<16xi1>
    %add3A_841 = arith.constant 25 : i32
    %add3A_842 = arith.addi %mul3A_2, %add3A_841 : i32
    %dma_start3A_843 = arith.constant 0 : i32
    %dma_start3A_844 = arith.constant 0 : i32
    %dma_start3A_845 = tpu.memref_slice %arg3[%add3A_842, %dma_start3A_843, %dma_start3A_844] : memref<1024x26x1000xf32, #tpu.memory_space<hbm>> -> memref<1x26x1000xf32, #tpu.memory_space<hbm>>
    %dma_start3A_846 = arith.constant 0 : i32
    %dma_start3A_847 = arith.constant 0 : i32
    %dma_start3A_848 = tpu.memref_slice %arg3[%add3A_842, %dma_start3A_846, %dma_start3A_847] : memref<1024x26x1000xf32, #tpu.memory_space<hbm>> -> memref<1x26x1000xf32, #tpu.memory_space<hbm>>
    tpu.enqueue_dma source(%arg6 : memref<1x26x1000xf32, #tpu.memory_space<vmem>>) target(%dma_start3A_848 : memref<1x26x1000xf32, #tpu.memory_space<hbm>>) target_semaphore(%arg9 : memref<!tpu.dma_semaphore, #tpu.memory_space<semaphore_mem>>)
    %dma_wait3A_849 = arith.constant 0 : i32
    %dma_wait3A_850 = arith.constant 0 : i32
    %dma_wait3A_851 = tpu.memref_slice %arg3[%add3A_774, %dma_wait3A_849, %dma_wait3A_850] : memref<1024x26x1000xf32, #tpu.memory_space<hbm>> -> memref<1x26x1000xf32, #tpu.memory_space<hbm>>
    %dma_wait3A_852 = arith.constant 0 : i32
    %dma_wait3A_853 = arith.constant 0 : i32
    %dma_wait3A_854 = tpu.memref_slice %arg3[%add3A_774, %dma_wait3A_852, %dma_wait3A_853] : memref<1024x26x1000xf32, #tpu.memory_space<hbm>> -> memref<1x26x1000xf32, #tpu.memory_space<hbm>>
    tpu.wait_dma2 semaphore(%arg10 : memref<!tpu.dma_semaphore, #tpu.memory_space<semaphore_mem>>) src(%arg7 : memref<1x26x1000xf32, #tpu.memory_space<vmem>>) dst(%dma_wait3A_854 : memref<1x26x1000xf32, #tpu.memory_space<hbm>>)
    %get3A_855 = arith.constant 598 : index
    %get3A_856 = tpu.vector_load %arg4[%get3A_855] {strides = array<i32>} : memref<848xi32, #tpu.memory_space<vmem>>, vector<16xi32>,
    tpu.vector_store_idx %arg7[%broadcast_in_dim3A_9, %iota3A, %get3A_856], %broadcast_in_dim3A_5 : memref<1x26x1000xf32, #tpu.memory_space<vmem>>[vector<16xi32>, vector<16xi32>, vector<16xi32>], vector<16xf32>,
    %get3A_857 = arith.constant 614 : index
    %get3A_858 = tpu.vector_load %arg4[%get3A_857] {strides = array<i32>} : memref<848xi32, #tpu.memory_space<vmem>>, vector<16xi32>,
    %add3A_859 = arith.constant 16 : i32
    %add3A_860 = vector.broadcast %add3A_859 : i32 to vector<16xi32>
    %add3A_861 = arith.addi %iota3A, %add3A_860 : vector<16xi32>
    %min3A_862 = arith.constant 25 : i32
    %min3A_863 = vector.broadcast %min3A_862 : i32 to vector<16xi32>
    %min3A_864 = arith.minsi %add3A_861, %min3A_863 : vector<16xi32>
    tpu.vector_store_idx %arg7[%broadcast_in_dim3A_9, %min3A_864, %get3A_858], %broadcast_in_dim3A_5 masked %lt3A_11 : memref<1x26x1000xf32, #tpu.memory_space<vmem>>[vector<16xi32>, vector<16xi32>, vector<16xi32>], vector<16xf32>, vector<16xi1>
    %get3A_865 = arith.constant 676 : index
    %get3A_866 = tpu.vector_load %arg4[%get3A_865] {strides = array<i32>} : memref<848xi32, #tpu.memory_space<vmem>>, vector<16xi32>,
    tpu.vector_store_idx %arg7[%broadcast_in_dim3A_9, %iota3A, %get3A_866], %broadcast_in_dim3A_7 : memref<1x26x1000xf32, #tpu.memory_space<vmem>>[vector<16xi32>, vector<16xi32>, vector<16xi32>], vector<16xf32>,
    %get3A_867 = arith.constant 692 : index
    %get3A_868 = tpu.vector_load %arg4[%get3A_867] {strides = array<i32>} : memref<848xi32, #tpu.memory_space<vmem>>, vector<16xi32>,
    %add3A_869 = arith.constant 16 : i32
    %add3A_870 = vector.broadcast %add3A_869 : i32 to vector<16xi32>
    %add3A_871 = arith.addi %iota3A, %add3A_870 : vector<16xi32>
    %min3A_872 = arith.constant 25 : i32
    %min3A_873 = vector.broadcast %min3A_872 : i32 to vector<16xi32>
    %min3A_874 = arith.minsi %add3A_871, %min3A_873 : vector<16xi32>
    tpu.vector_store_idx %arg7[%broadcast_in_dim3A_9, %min3A_874, %get3A_868], %broadcast_in_dim3A_7 masked %lt3A_11 : memref<1x26x1000xf32, #tpu.memory_space<vmem>>[vector<16xi32>, vector<16xi32>, vector<16xi32>], vector<16xf32>, vector<16xi1>
    %add3A_875 = arith.constant 26 : i32
    %add3A_876 = arith.addi %mul3A_2, %add3A_875 : i32
    %dma_start3A_877 = arith.constant 0 : i32
    %dma_start3A_878 = arith.constant 0 : i32
    %dma_start3A_879 = tpu.memref_slice %arg3[%add3A_876, %dma_start3A_877, %dma_start3A_878] : memref<1024x26x1000xf32, #tpu.memory_space<hbm>> -> memref<1x26x1000xf32, #tpu.memory_space<hbm>>
    %dma_start3A_880 = arith.constant 0 : i32
    %dma_start3A_881 = arith.constant 0 : i32
    %dma_start3A_882 = tpu.memref_slice %arg3[%add3A_876, %dma_start3A_880, %dma_start3A_881] : memref<1024x26x1000xf32, #tpu.memory_space<hbm>> -> memref<1x26x1000xf32, #tpu.memory_space<hbm>>
    tpu.enqueue_dma source(%arg7 : memref<1x26x1000xf32, #tpu.memory_space<vmem>>) target(%dma_start3A_882 : memref<1x26x1000xf32, #tpu.memory_space<hbm>>) target_semaphore(%arg10 : memref<!tpu.dma_semaphore, #tpu.memory_space<semaphore_mem>>)
    %dma_wait3A_883 = arith.constant 0 : i32
    %dma_wait3A_884 = arith.constant 0 : i32
    %dma_wait3A_885 = tpu.memref_slice %arg3[%add3A_808, %dma_wait3A_883, %dma_wait3A_884] : memref<1024x26x1000xf32, #tpu.memory_space<hbm>> -> memref<1x26x1000xf32, #tpu.memory_space<hbm>>
    %dma_wait3A_886 = arith.constant 0 : i32
    %dma_wait3A_887 = arith.constant 0 : i32
    %dma_wait3A_888 = tpu.memref_slice %arg3[%add3A_808, %dma_wait3A_886, %dma_wait3A_887] : memref<1024x26x1000xf32, #tpu.memory_space<hbm>> -> memref<1x26x1000xf32, #tpu.memory_space<hbm>>
    tpu.wait_dma2 semaphore(%arg8 : memref<!tpu.dma_semaphore, #tpu.memory_space<semaphore_mem>>) src(%arg5 : memref<1x26x1000xf32, #tpu.memory_space<vmem>>) dst(%dma_wait3A_888 : memref<1x26x1000xf32, #tpu.memory_space<hbm>>)
    %get3A_889 = arith.constant 624 : index
    %get3A_890 = tpu.vector_load %arg4[%get3A_889] {strides = array<i32>} : memref<848xi32, #tpu.memory_space<vmem>>, vector<16xi32>,
    tpu.vector_store_idx %arg5[%broadcast_in_dim3A_9, %iota3A, %get3A_890], %broadcast_in_dim3A_5 : memref<1x26x1000xf32, #tpu.memory_space<vmem>>[vector<16xi32>, vector<16xi32>, vector<16xi32>], vector<16xf32>,
    %get3A_891 = arith.constant 640 : index
    %get3A_892 = tpu.vector_load %arg4[%get3A_891] {strides = array<i32>} : memref<848xi32, #tpu.memory_space<vmem>>, vector<16xi32>,
    %add3A_893 = arith.constant 16 : i32
    %add3A_894 = vector.broadcast %add3A_893 : i32 to vector<16xi32>
    %add3A_895 = arith.addi %iota3A, %add3A_894 : vector<16xi32>
    %min3A_896 = arith.constant 25 : i32
    %min3A_897 = vector.broadcast %min3A_896 : i32 to vector<16xi32>
    %min3A_898 = arith.minsi %add3A_895, %min3A_897 : vector<16xi32>
    tpu.vector_store_idx %arg5[%broadcast_in_dim3A_9, %min3A_898, %get3A_892], %broadcast_in_dim3A_5 masked %lt3A_11 : memref<1x26x1000xf32, #tpu.memory_space<vmem>>[vector<16xi32>, vector<16xi32>, vector<16xi32>], vector<16xf32>, vector<16xi1>
    %get3A_899 = arith.constant 702 : index
    %get3A_900 = tpu.vector_load %arg4[%get3A_899] {strides = array<i32>} : memref<848xi32, #tpu.memory_space<vmem>>, vector<16xi32>,
    tpu.vector_store_idx %arg5[%broadcast_in_dim3A_9, %iota3A, %get3A_900], %broadcast_in_dim3A_7 : memref<1x26x1000xf32, #tpu.memory_space<vmem>>[vector<16xi32>, vector<16xi32>, vector<16xi32>], vector<16xf32>,
    %get3A_901 = arith.constant 718 : index
    %get3A_902 = tpu.vector_load %arg4[%get3A_901] {strides = array<i32>} : memref<848xi32, #tpu.memory_space<vmem>>, vector<16xi32>,
    %add3A_903 = arith.constant 16 : i32
    %add3A_904 = vector.broadcast %add3A_903 : i32 to vector<16xi32>
    %add3A_905 = arith.addi %iota3A, %add3A_904 : vector<16xi32>
    %min3A_906 = arith.constant 25 : i32
    %min3A_907 = vector.broadcast %min3A_906 : i32 to vector<16xi32>
    %min3A_908 = arith.minsi %add3A_905, %min3A_907 : vector<16xi32>
    tpu.vector_store_idx %arg5[%broadcast_in_dim3A_9, %min3A_908, %get3A_902], %broadcast_in_dim3A_7 masked %lt3A_11 : memref<1x26x1000xf32, #tpu.memory_space<vmem>>[vector<16xi32>, vector<16xi32>, vector<16xi32>], vector<16xf32>, vector<16xi1>
    %add3A_909 = arith.constant 27 : i32
    %add3A_910 = arith.addi %mul3A_2, %add3A_909 : i32
    %dma_start3A_911 = arith.constant 0 : i32
    %dma_start3A_912 = arith.constant 0 : i32
    %dma_start3A_913 = tpu.memref_slice %arg3[%add3A_910, %dma_start3A_911, %dma_start3A_912] : memref<1024x26x1000xf32, #tpu.memory_space<hbm>> -> memref<1x26x1000xf32, #tpu.memory_space<hbm>>
    %dma_start3A_914 = arith.constant 0 : i32
    %dma_start3A_915 = arith.constant 0 : i32
    %dma_start3A_916 = tpu.memref_slice %arg3[%add3A_910, %dma_start3A_914, %dma_start3A_915] : memref<1024x26x1000xf32, #tpu.memory_space<hbm>> -> memref<1x26x1000xf32, #tpu.memory_space<hbm>>
    tpu.enqueue_dma source(%arg5 : memref<1x26x1000xf32, #tpu.memory_space<vmem>>) target(%dma_start3A_916 : memref<1x26x1000xf32, #tpu.memory_space<hbm>>) target_semaphore(%arg8 : memref<!tpu.dma_semaphore, #tpu.memory_space<semaphore_mem>>)
    %dma_wait3A_917 = arith.constant 0 : i32
    %dma_wait3A_918 = arith.constant 0 : i32
    %dma_wait3A_919 = tpu.memref_slice %arg3[%add3A_842, %dma_wait3A_917, %dma_wait3A_918] : memref<1024x26x1000xf32, #tpu.memory_space<hbm>> -> memref<1x26x1000xf32, #tpu.memory_space<hbm>>
    %dma_wait3A_920 = arith.constant 0 : i32
    %dma_wait3A_921 = arith.constant 0 : i32
    %dma_wait3A_922 = tpu.memref_slice %arg3[%add3A_842, %dma_wait3A_920, %dma_wait3A_921] : memref<1024x26x1000xf32, #tpu.memory_space<hbm>> -> memref<1x26x1000xf32, #tpu.memory_space<hbm>>
    tpu.wait_dma2 semaphore(%arg9 : memref<!tpu.dma_semaphore, #tpu.memory_space<semaphore_mem>>) src(%arg6 : memref<1x26x1000xf32, #tpu.memory_space<vmem>>) dst(%dma_wait3A_922 : memref<1x26x1000xf32, #tpu.memory_space<hbm>>)
    %get3A_923 = arith.constant 650 : index
    %get3A_924 = tpu.vector_load %arg4[%get3A_923] {strides = array<i32>} : memref<848xi32, #tpu.memory_space<vmem>>, vector<16xi32>,
    tpu.vector_store_idx %arg6[%broadcast_in_dim3A_9, %iota3A, %get3A_924], %broadcast_in_dim3A_5 : memref<1x26x1000xf32, #tpu.memory_space<vmem>>[vector<16xi32>, vector<16xi32>, vector<16xi32>], vector<16xf32>,
    %get3A_925 = arith.constant 666 : index
    %get3A_926 = tpu.vector_load %arg4[%get3A_925] {strides = array<i32>} : memref<848xi32, #tpu.memory_space<vmem>>, vector<16xi32>,
    %add3A_927 = arith.constant 16 : i32
    %add3A_928 = vector.broadcast %add3A_927 : i32 to vector<16xi32>
    %add3A_929 = arith.addi %iota3A, %add3A_928 : vector<16xi32>
    %min3A_930 = arith.constant 25 : i32
    %min3A_931 = vector.broadcast %min3A_930 : i32 to vector<16xi32>
    %min3A_932 = arith.minsi %add3A_929, %min3A_931 : vector<16xi32>
    tpu.vector_store_idx %arg6[%broadcast_in_dim3A_9, %min3A_932, %get3A_926], %broadcast_in_dim3A_5 masked %lt3A_11 : memref<1x26x1000xf32, #tpu.memory_space<vmem>>[vector<16xi32>, vector<16xi32>, vector<16xi32>], vector<16xf32>, vector<16xi1>
    %get3A_933 = arith.constant 728 : index
    %get3A_934 = tpu.vector_load %arg4[%get3A_933] {strides = array<i32>} : memref<848xi32, #tpu.memory_space<vmem>>, vector<16xi32>,
    tpu.vector_store_idx %arg6[%broadcast_in_dim3A_9, %iota3A, %get3A_934], %broadcast_in_dim3A_7 : memref<1x26x1000xf32, #tpu.memory_space<vmem>>[vector<16xi32>, vector<16xi32>, vector<16xi32>], vector<16xf32>,
    %get3A_935 = arith.constant 744 : index
    %get3A_936 = tpu.vector_load %arg4[%get3A_935] {strides = array<i32>} : memref<848xi32, #tpu.memory_space<vmem>>, vector<16xi32>,
    %add3A_937 = arith.constant 16 : i32
    %add3A_938 = vector.broadcast %add3A_937 : i32 to vector<16xi32>
    %add3A_939 = arith.addi %iota3A, %add3A_938 : vector<16xi32>
    %min3A_940 = arith.constant 25 : i32
    %min3A_941 = vector.broadcast %min3A_940 : i32 to vector<16xi32>
    %min3A_942 = arith.minsi %add3A_939, %min3A_941 : vector<16xi32>
    tpu.vector_store_idx %arg6[%broadcast_in_dim3A_9, %min3A_942, %get3A_936], %broadcast_in_dim3A_7 masked %lt3A_11 : memref<1x26x1000xf32, #tpu.memory_space<vmem>>[vector<16xi32>, vector<16xi32>, vector<16xi32>], vector<16xf32>, vector<16xi1>
    %add3A_943 = arith.constant 28 : i32
    %add3A_944 = arith.addi %mul3A_2, %add3A_943 : i32
    %dma_start3A_945 = arith.constant 0 : i32
    %dma_start3A_946 = arith.constant 0 : i32
    %dma_start3A_947 = tpu.memref_slice %arg3[%add3A_944, %dma_start3A_945, %dma_start3A_946] : memref<1024x26x1000xf32, #tpu.memory_space<hbm>> -> memref<1x26x1000xf32, #tpu.memory_space<hbm>>
    %dma_start3A_948 = arith.constant 0 : i32
    %dma_start3A_949 = arith.constant 0 : i32
    %dma_start3A_950 = tpu.memref_slice %arg3[%add3A_944, %dma_start3A_948, %dma_start3A_949] : memref<1024x26x1000xf32, #tpu.memory_space<hbm>> -> memref<1x26x1000xf32, #tpu.memory_space<hbm>>
    tpu.enqueue_dma source(%arg6 : memref<1x26x1000xf32, #tpu.memory_space<vmem>>) target(%dma_start3A_950 : memref<1x26x1000xf32, #tpu.memory_space<hbm>>) target_semaphore(%arg9 : memref<!tpu.dma_semaphore, #tpu.memory_space<semaphore_mem>>)
    %dma_wait3A_951 = arith.constant 0 : i32
    %dma_wait3A_952 = arith.constant 0 : i32
    %dma_wait3A_953 = tpu.memref_slice %arg3[%add3A_876, %dma_wait3A_951, %dma_wait3A_952] : memref<1024x26x1000xf32, #tpu.memory_space<hbm>> -> memref<1x26x1000xf32, #tpu.memory_space<hbm>>
    %dma_wait3A_954 = arith.constant 0 : i32
    %dma_wait3A_955 = arith.constant 0 : i32
    %dma_wait3A_956 = tpu.memref_slice %arg3[%add3A_876, %dma_wait3A_954, %dma_wait3A_955] : memref<1024x26x1000xf32, #tpu.memory_space<hbm>> -> memref<1x26x1000xf32, #tpu.memory_space<hbm>>
    tpu.wait_dma2 semaphore(%arg10 : memref<!tpu.dma_semaphore, #tpu.memory_space<semaphore_mem>>) src(%arg7 : memref<1x26x1000xf32, #tpu.memory_space<vmem>>) dst(%dma_wait3A_956 : memref<1x26x1000xf32, #tpu.memory_space<hbm>>)
    %get3A_957 = arith.constant 676 : index
    %get3A_958 = tpu.vector_load %arg4[%get3A_957] {strides = array<i32>} : memref<848xi32, #tpu.memory_space<vmem>>, vector<16xi32>,
    tpu.vector_store_idx %arg7[%broadcast_in_dim3A_9, %iota3A, %get3A_958], %broadcast_in_dim3A_5 : memref<1x26x1000xf32, #tpu.memory_space<vmem>>[vector<16xi32>, vector<16xi32>, vector<16xi32>], vector<16xf32>,
    %get3A_959 = arith.constant 692 : index
    %get3A_960 = tpu.vector_load %arg4[%get3A_959] {strides = array<i32>} : memref<848xi32, #tpu.memory_space<vmem>>, vector<16xi32>,
    %add3A_961 = arith.constant 16 : i32
    %add3A_962 = vector.broadcast %add3A_961 : i32 to vector<16xi32>
    %add3A_963 = arith.addi %iota3A, %add3A_962 : vector<16xi32>
    %min3A_964 = arith.constant 25 : i32
    %min3A_965 = vector.broadcast %min3A_964 : i32 to vector<16xi32>
    %min3A_966 = arith.minsi %add3A_963, %min3A_965 : vector<16xi32>
    tpu.vector_store_idx %arg7[%broadcast_in_dim3A_9, %min3A_966, %get3A_960], %broadcast_in_dim3A_5 masked %lt3A_11 : memref<1x26x1000xf32, #tpu.memory_space<vmem>>[vector<16xi32>, vector<16xi32>, vector<16xi32>], vector<16xf32>, vector<16xi1>
    %get3A_967 = arith.constant 754 : index
    %get3A_968 = tpu.vector_load %arg4[%get3A_967] {strides = array<i32>} : memref<848xi32, #tpu.memory_space<vmem>>, vector<16xi32>,
    tpu.vector_store_idx %arg7[%broadcast_in_dim3A_9, %iota3A, %get3A_968], %broadcast_in_dim3A_7 : memref<1x26x1000xf32, #tpu.memory_space<vmem>>[vector<16xi32>, vector<16xi32>, vector<16xi32>], vector<16xf32>,
    %get3A_969 = arith.constant 770 : index
    %get3A_970 = tpu.vector_load %arg4[%get3A_969] {strides = array<i32>} : memref<848xi32, #tpu.memory_space<vmem>>, vector<16xi32>,
    %add3A_971 = arith.constant 16 : i32
    %add3A_972 = vector.broadcast %add3A_971 : i32 to vector<16xi32>
    %add3A_973 = arith.addi %iota3A, %add3A_972 : vector<16xi32>
    %min3A_974 = arith.constant 25 : i32
    %min3A_975 = vector.broadcast %min3A_974 : i32 to vector<16xi32>
    %min3A_976 = arith.minsi %add3A_973, %min3A_975 : vector<16xi32>
    tpu.vector_store_idx %arg7[%broadcast_in_dim3A_9, %min3A_976, %get3A_970], %broadcast_in_dim3A_7 masked %lt3A_11 : memref<1x26x1000xf32, #tpu.memory_space<vmem>>[vector<16xi32>, vector<16xi32>, vector<16xi32>], vector<16xf32>, vector<16xi1>
    %add3A_977 = arith.constant 29 : i32
    %add3A_978 = arith.addi %mul3A_2, %add3A_977 : i32
    %dma_start3A_979 = arith.constant 0 : i32
    %dma_start3A_980 = arith.constant 0 : i32
    %dma_start3A_981 = tpu.memref_slice %arg3[%add3A_978, %dma_start3A_979, %dma_start3A_980] : memref<1024x26x1000xf32, #tpu.memory_space<hbm>> -> memref<1x26x1000xf32, #tpu.memory_space<hbm>>
    %dma_start3A_982 = arith.constant 0 : i32
    %dma_start3A_983 = arith.constant 0 : i32
    %dma_start3A_984 = tpu.memref_slice %arg3[%add3A_978, %dma_start3A_982, %dma_start3A_983] : memref<1024x26x1000xf32, #tpu.memory_space<hbm>> -> memref<1x26x1000xf32, #tpu.memory_space<hbm>>
    tpu.enqueue_dma source(%arg7 : memref<1x26x1000xf32, #tpu.memory_space<vmem>>) target(%dma_start3A_984 : memref<1x26x1000xf32, #tpu.memory_space<hbm>>) target_semaphore(%arg10 : memref<!tpu.dma_semaphore, #tpu.memory_space<semaphore_mem>>)
    %dma_wait3A_985 = arith.constant 0 : i32
    %dma_wait3A_986 = arith.constant 0 : i32
    %dma_wait3A_987 = tpu.memref_slice %arg3[%add3A_910, %dma_wait3A_985, %dma_wait3A_986] : memref<1024x26x1000xf32, #tpu.memory_space<hbm>> -> memref<1x26x1000xf32, #tpu.memory_space<hbm>>
    %dma_wait3A_988 = arith.constant 0 : i32
    %dma_wait3A_989 = arith.constant 0 : i32
    %dma_wait3A_990 = tpu.memref_slice %arg3[%add3A_910, %dma_wait3A_988, %dma_wait3A_989] : memref<1024x26x1000xf32, #tpu.memory_space<hbm>> -> memref<1x26x1000xf32, #tpu.memory_space<hbm>>
    tpu.wait_dma2 semaphore(%arg8 : memref<!tpu.dma_semaphore, #tpu.memory_space<semaphore_mem>>) src(%arg5 : memref<1x26x1000xf32, #tpu.memory_space<vmem>>) dst(%dma_wait3A_990 : memref<1x26x1000xf32, #tpu.memory_space<hbm>>)
    %get3A_991 = arith.constant 702 : index
    %get3A_992 = tpu.vector_load %arg4[%get3A_991] {strides = array<i32>} : memref<848xi32, #tpu.memory_space<vmem>>, vector<16xi32>,
    tpu.vector_store_idx %arg5[%broadcast_in_dim3A_9, %iota3A, %get3A_992], %broadcast_in_dim3A_5 : memref<1x26x1000xf32, #tpu.memory_space<vmem>>[vector<16xi32>, vector<16xi32>, vector<16xi32>], vector<16xf32>,
    %get3A_993 = arith.constant 718 : index
    %get3A_994 = tpu.vector_load %arg4[%get3A_993] {strides = array<i32>} : memref<848xi32, #tpu.memory_space<vmem>>, vector<16xi32>,
    %add3A_995 = arith.constant 16 : i32
    %add3A_996 = vector.broadcast %add3A_995 : i32 to vector<16xi32>
    %add3A_997 = arith.addi %iota3A, %add3A_996 : vector<16xi32>
    %min3A_998 = arith.constant 25 : i32
    %min3A_999 = vector.broadcast %min3A_998 : i32 to vector<16xi32>
    %min3A_1000 = arith.minsi %add3A_997, %min3A_999 : vector<16xi32>
    tpu.vector_store_idx %arg5[%broadcast_in_dim3A_9, %min3A_1000, %get3A_994], %broadcast_in_dim3A_5 masked %lt3A_11 : memref<1x26x1000xf32, #tpu.memory_space<vmem>>[vector<16xi32>, vector<16xi32>, vector<16xi32>], vector<16xf32>, vector<16xi1>
    %get3A_1001 = arith.constant 780 : index
    %get3A_1002 = tpu.vector_load %arg4[%get3A_1001] {strides = array<i32>} : memref<848xi32, #tpu.memory_space<vmem>>, vector<16xi32>,
    tpu.vector_store_idx %arg5[%broadcast_in_dim3A_9, %iota3A, %get3A_1002], %broadcast_in_dim3A_7 : memref<1x26x1000xf32, #tpu.memory_space<vmem>>[vector<16xi32>, vector<16xi32>, vector<16xi32>], vector<16xf32>,
    %get3A_1003 = arith.constant 796 : index
    %get3A_1004 = tpu.vector_load %arg4[%get3A_1003] {strides = array<i32>} : memref<848xi32, #tpu.memory_space<vmem>>, vector<16xi32>,
    %add3A_1005 = arith.constant 16 : i32
    %add3A_1006 = vector.broadcast %add3A_1005 : i32 to vector<16xi32>
    %add3A_1007 = arith.addi %iota3A, %add3A_1006 : vector<16xi32>
    %min3A_1008 = arith.constant 25 : i32
    %min3A_1009 = vector.broadcast %min3A_1008 : i32 to vector<16xi32>
    %min3A_1010 = arith.minsi %add3A_1007, %min3A_1009 : vector<16xi32>
    tpu.vector_store_idx %arg5[%broadcast_in_dim3A_9, %min3A_1010, %get3A_1004], %broadcast_in_dim3A_7 masked %lt3A_11 : memref<1x26x1000xf32, #tpu.memory_space<vmem>>[vector<16xi32>, vector<16xi32>, vector<16xi32>], vector<16xf32>, vector<16xi1>
    %add3A_1011 = arith.constant 30 : i32
    %add3A_1012 = arith.addi %mul3A_2, %add3A_1011 : i32
    %dma_start3A_1013 = arith.constant 0 : i32
    %dma_start3A_1014 = arith.constant 0 : i32
    %dma_start3A_1015 = tpu.memref_slice %arg3[%add3A_1012, %dma_start3A_1013, %dma_start3A_1014] : memref<1024x26x1000xf32, #tpu.memory_space<hbm>> -> memref<1x26x1000xf32, #tpu.memory_space<hbm>>
    %dma_start3A_1016 = arith.constant 0 : i32
    %dma_start3A_1017 = arith.constant 0 : i32
    %dma_start3A_1018 = tpu.memref_slice %arg3[%add3A_1012, %dma_start3A_1016, %dma_start3A_1017] : memref<1024x26x1000xf32, #tpu.memory_space<hbm>> -> memref<1x26x1000xf32, #tpu.memory_space<hbm>>
    tpu.enqueue_dma source(%arg5 : memref<1x26x1000xf32, #tpu.memory_space<vmem>>) target(%dma_start3A_1018 : memref<1x26x1000xf32, #tpu.memory_space<hbm>>) target_semaphore(%arg8 : memref<!tpu.dma_semaphore, #tpu.memory_space<semaphore_mem>>)
    %dma_wait3A_1019 = arith.constant 0 : i32
    %dma_wait3A_1020 = arith.constant 0 : i32
    %dma_wait3A_1021 = tpu.memref_slice %arg3[%add3A_944, %dma_wait3A_1019, %dma_wait3A_1020] : memref<1024x26x1000xf32, #tpu.memory_space<hbm>> -> memref<1x26x1000xf32, #tpu.memory_space<hbm>>
    %dma_wait3A_1022 = arith.constant 0 : i32
    %dma_wait3A_1023 = arith.constant 0 : i32
    %dma_wait3A_1024 = tpu.memref_slice %arg3[%add3A_944, %dma_wait3A_1022, %dma_wait3A_1023] : memref<1024x26x1000xf32, #tpu.memory_space<hbm>> -> memref<1x26x1000xf32, #tpu.memory_space<hbm>>
    tpu.wait_dma2 semaphore(%arg9 : memref<!tpu.dma_semaphore, #tpu.memory_space<semaphore_mem>>) src(%arg6 : memref<1x26x1000xf32, #tpu.memory_space<vmem>>) dst(%dma_wait3A_1024 : memref<1x26x1000xf32, #tpu.memory_space<hbm>>)
    %get3A_1025 = arith.constant 728 : index
    %get3A_1026 = tpu.vector_load %arg4[%get3A_1025] {strides = array<i32>} : memref<848xi32, #tpu.memory_space<vmem>>, vector<16xi32>,
    tpu.vector_store_idx %arg6[%broadcast_in_dim3A_9, %iota3A, %get3A_1026], %broadcast_in_dim3A_5 : memref<1x26x1000xf32, #tpu.memory_space<vmem>>[vector<16xi32>, vector<16xi32>, vector<16xi32>], vector<16xf32>,
    %get3A_1027 = arith.constant 744 : index
    %get3A_1028 = tpu.vector_load %arg4[%get3A_1027] {strides = array<i32>} : memref<848xi32, #tpu.memory_space<vmem>>, vector<16xi32>,
    %add3A_1029 = arith.constant 16 : i32
    %add3A_1030 = vector.broadcast %add3A_1029 : i32 to vector<16xi32>
    %add3A_1031 = arith.addi %iota3A, %add3A_1030 : vector<16xi32>
    %min3A_1032 = arith.constant 25 : i32
    %min3A_1033 = vector.broadcast %min3A_1032 : i32 to vector<16xi32>
    %min3A_1034 = arith.minsi %add3A_1031, %min3A_1033 : vector<16xi32>
    tpu.vector_store_idx %arg6[%broadcast_in_dim3A_9, %min3A_1034, %get3A_1028], %broadcast_in_dim3A_5 masked %lt3A_11 : memref<1x26x1000xf32, #tpu.memory_space<vmem>>[vector<16xi32>, vector<16xi32>, vector<16xi32>], vector<16xf32>, vector<16xi1>
    %get3A_1035 = arith.constant 806 : index
    %get3A_1036 = tpu.vector_load %arg4[%get3A_1035] {strides = array<i32>} : memref<848xi32, #tpu.memory_space<vmem>>, vector<16xi32>,
    tpu.vector_store_idx %arg6[%broadcast_in_dim3A_9, %iota3A, %get3A_1036], %broadcast_in_dim3A_7 : memref<1x26x1000xf32, #tpu.memory_space<vmem>>[vector<16xi32>, vector<16xi32>, vector<16xi32>], vector<16xf32>,
    %get3A_1037 = arith.constant 822 : index
    %get3A_1038 = tpu.vector_load %arg4[%get3A_1037] {strides = array<i32>} : memref<848xi32, #tpu.memory_space<vmem>>, vector<16xi32>,
    %add3A_1039 = arith.constant 16 : i32
    %add3A_1040 = vector.broadcast %add3A_1039 : i32 to vector<16xi32>
    %add3A_1041 = arith.addi %iota3A, %add3A_1040 : vector<16xi32>
    %min3A_1042 = arith.constant 25 : i32
    %min3A_1043 = vector.broadcast %min3A_1042 : i32 to vector<16xi32>
    %min3A_1044 = arith.minsi %add3A_1041, %min3A_1043 : vector<16xi32>
    tpu.vector_store_idx %arg6[%broadcast_in_dim3A_9, %min3A_1044, %get3A_1038], %broadcast_in_dim3A_7 masked %lt3A_11 : memref<1x26x1000xf32, #tpu.memory_space<vmem>>[vector<16xi32>, vector<16xi32>, vector<16xi32>], vector<16xf32>, vector<16xi1>
    %add3A_1045 = arith.constant 31 : i32
    %add3A_1046 = arith.addi %mul3A_2, %add3A_1045 : i32
    %dma_start3A_1047 = arith.constant 0 : i32
    %dma_start3A_1048 = arith.constant 0 : i32
    %dma_start3A_1049 = tpu.memref_slice %arg3[%add3A_1046, %dma_start3A_1047, %dma_start3A_1048] : memref<1024x26x1000xf32, #tpu.memory_space<hbm>> -> memref<1x26x1000xf32, #tpu.memory_space<hbm>>
    %dma_start3A_1050 = arith.constant 0 : i32
    %dma_start3A_1051 = arith.constant 0 : i32
    %dma_start3A_1052 = tpu.memref_slice %arg3[%add3A_1046, %dma_start3A_1050, %dma_start3A_1051] : memref<1024x26x1000xf32, #tpu.memory_space<hbm>> -> memref<1x26x1000xf32, #tpu.memory_space<hbm>>
    tpu.enqueue_dma source(%arg6 : memref<1x26x1000xf32, #tpu.memory_space<vmem>>) target(%dma_start3A_1052 : memref<1x26x1000xf32, #tpu.memory_space<hbm>>) target_semaphore(%arg9 : memref<!tpu.dma_semaphore, #tpu.memory_space<semaphore_mem>>)
    %dma_wait3A_1053 = arith.constant 0 : i32
    %dma_wait3A_1054 = arith.constant 0 : i32
    %dma_wait3A_1055 = tpu.memref_slice %arg3[%add3A_978, %dma_wait3A_1053, %dma_wait3A_1054] : memref<1024x26x1000xf32, #tpu.memory_space<hbm>> -> memref<1x26x1000xf32, #tpu.memory_space<hbm>>
    %dma_wait3A_1056 = arith.constant 0 : i32
    %dma_wait3A_1057 = arith.constant 0 : i32
    %dma_wait3A_1058 = tpu.memref_slice %arg3[%add3A_978, %dma_wait3A_1056, %dma_wait3A_1057] : memref<1024x26x1000xf32, #tpu.memory_space<hbm>> -> memref<1x26x1000xf32, #tpu.memory_space<hbm>>
    tpu.wait_dma2 semaphore(%arg10 : memref<!tpu.dma_semaphore, #tpu.memory_space<semaphore_mem>>) src(%arg7 : memref<1x26x1000xf32, #tpu.memory_space<vmem>>) dst(%dma_wait3A_1058 : memref<1x26x1000xf32, #tpu.memory_space<hbm>>)
    %dma_wait3A_1059 = arith.constant 0 : i32
    %dma_wait3A_1060 = arith.constant 0 : i32
    %dma_wait3A_1061 = tpu.memref_slice %arg3[%add3A_1012, %dma_wait3A_1059, %dma_wait3A_1060] : memref<1024x26x1000xf32, #tpu.memory_space<hbm>> -> memref<1x26x1000xf32, #tpu.memory_space<hbm>>
    %dma_wait3A_1062 = arith.constant 0 : i32
    %dma_wait3A_1063 = arith.constant 0 : i32
    %dma_wait3A_1064 = tpu.memref_slice %arg3[%add3A_1012, %dma_wait3A_1062, %dma_wait3A_1063] : memref<1024x26x1000xf32, #tpu.memory_space<hbm>> -> memref<1x26x1000xf32, #tpu.memory_space<hbm>>
    tpu.wait_dma2 semaphore(%arg8 : memref<!tpu.dma_semaphore, #tpu.memory_space<semaphore_mem>>) src(%arg5 : memref<1x26x1000xf32, #tpu.memory_space<vmem>>) dst(%dma_wait3A_1064 : memref<1x26x1000xf32, #tpu.memory_space<hbm>>)
    %dma_wait3A_1065 = arith.constant 0 : i32
    %dma_wait3A_1066 = arith.constant 0 : i32
    %dma_wait3A_1067 = tpu.memref_slice %arg3[%add3A_1046, %dma_wait3A_1065, %dma_wait3A_1066] : memref<1024x26x1000xf32, #tpu.memory_space<hbm>> -> memref<1x26x1000xf32, #tpu.memory_space<hbm>>
    %dma_wait3A_1068 = arith.constant 0 : i32
    %dma_wait3A_1069 = arith.constant 0 : i32
    %dma_wait3A_1070 = tpu.memref_slice %arg3[%add3A_1046, %dma_wait3A_1068, %dma_wait3A_1069] : memref<1024x26x1000xf32, #tpu.memory_space<hbm>> -> memref<1x26x1000xf32, #tpu.memory_space<hbm>>
    tpu.wait_dma2 semaphore(%arg9 : memref<!tpu.dma_semaphore, #tpu.memory_space<semaphore_mem>>) src(%arg6 : memref<1x26x1000xf32, #tpu.memory_space<vmem>>) dst(%dma_wait3A_1070 : memref<1x26x1000xf32, #tpu.memory_space<hbm>>)
    return
  }
}

</mosaic_0001>

<sc_bundles>
// kernel: kernel.3.cloned.1.call-start
scs
__scs_entry_jumppad:
0x0: {  	(pc) =	sbr.rel $0x88, $3  }
0x1: {  	(tag) =	ssettag $0x0;
	lr =	simm.s32 $0x1  }
0x2: {  	[smem:$0x3FA0] =	sst lr;
	_ =	strace $0xD0000000  }
0x3: {  	_ = 	snop  }
0x4: {  	_ = 	snop  }
0x5: {  	_ = 	snop  }
0x6: {  	_ = 	snop  }
0x7: {  	_ = 	snop  }
__scs_overlays_trampoline_lowered:
0x8: {  	[smem:$0x3FAF] =	sst s0  }
0x9: {  	[smem:$0x3FB0] =	sst s1  }
0xa: {  	[smem:$0x3FB1] =	sst s2  }
0xb: {  	[smem:$0x3FB2] =	sst s3  }
0xc: {  	[smem:$0x3FB3] =	sst s4  }
0xd: {  	[smem:$0x3FB4] =	sst s5  }
0xe: {  	[smem:$0x3FB5] =	sst s6  }
0xf: {  	[smem:$0x3FB6] =	sst s7  }
0x10: {  	[smem:$0x3FB7] =	sst s8  }
0x11: {  	[smem:$0x3FB8] =	sst s9;
	s0 =	simm.s32 @!p0 $0x0  }
0x12: {  	s1 =	sld [smem:$0x3F9E];
	s0 =	simm.s32 @p0 $0x1  }
0x13: {  	[smem:$0x3FB9] =	sst s0;
	s0 =	simm.s32 @!p1 $0x0  }
0x14: {  	s2 =	sld [smem:$0x3F9D];
	s0 =	simm.s32 @p1 $0x1  }
0x15: {  	[smem:$0x3FBA] =	sst s0;
	s0 =	simm.s32 @!p2 $0x0  }
0x16: {  	s3 =	sld [smem:$0x3FDB];
	s0 =	simm.s32 @p2 $0x1  }
0x17: {  	s4 =	simm.s32 $0x1BF5;
	[smem:$0x3FBC] =	sst s0  }
0x18: {  	s0 =	sld [smem:$0x3F9F];
	_ =	swait.ge [sflag:s4], $0x0  }
0x19: {  	s7 =	sld [smem:$0x3FA0]  }
0x1a: {  	s8 =	sadd.s32 $0xFFFFE003, lr  }
0x1b: {  	s9 =	sadd.s32 $0xFFFFFEF7, lr;
	s5 =	simm.s32 $0xFFFFFFFF;
	p2 =	slt.u32 s8, $0xFFFFF086  }
0x1c: {  	p1 =	slt.u32 s9, $0xF7A;
	s5 =	simm.s32 @!p2 $0x0  }
0x1d: {  	s5 =	simm.s32 @p1 $0x1;
	p0 =	seq.s32 s7, s2  }
0x1e: {  	s7 =	smul.u32 @!p0 $0xF7A, s2;
	p2 =	seq.s32 @!p0 s5, $0x0  }
0x1f: {  	s9 =	smul.u32 $0xF7A, s1;
	s8 =	simm.s32 @!p0 $0x1BF5;
	p2 =	por !p2, p0  }
0x20: {  	[sflag:s8] =	ssyncset.s32 @!p0 $0xFFFFF086;
	s6 =	sadd.s32 @!p0 s3, s7;
	s7 =	simm.s32 @!p0 $0x108  }
0x21: {  	s3 =	sadd.s32 s3, s9;
	s6 =	sadd.s32 @!p0 $0x88, s6;
	s7 =	simm.s32 @p2 $0x1082  }
0x22: {  	[simem:s7], [sflag:s8] =	dma.local @!p0 [hbm:s6], $0xF7A  }
0x23: {  	s9 =	sor.u32 $0xD0000000, s2;
	s6 =	simm.s32 $0x108;
	_ =	swait.ge @!p0 [sflag:s8], $0x0  }
0x24: {  	s3 =	sadd.s32 $0x88, s3;
	s6 =	simm.s32 @!p1 $0x1082;
	[sflag:s4] =	ssyncset.s32 $0xFFFFF086  }
0x25: {  	[simem:s6], [sflag:s4] =	dma.local [hbm:s3], $0xF7A  }
0x26: {  	[smem:$0x3FA0] =	sst s1;
	(tag) =	ssettag s2;
	_ =	strace s9  }
0x27: {  	s1 =	sld [smem:$0x3FB0]  }
0x28: {  	s2 =	sld [smem:$0x3FB1]  }
0x29: {  	s4 =	sld [smem:$0x3FB3]  }
0x2a: {  	p0 =	seq.s32 s5, $0x0;
	s5 =	sld [smem:$0x3FB4]  }
0x2b: {  	s6 =	sld [smem:$0x3FB5]  }
0x2c: {  	s7 =	sld [smem:$0x3FB6]  }
0x2d: {  	s3 =	simm.s32 $0x108;
	s8 =	sld [smem:$0x3FB7]  }
0x2e: {  	s3 =	simm.s32 @!p0 $0x1082;
	s9 =	sld [smem:$0x3FB8]  }
0x2f: {  	lr =	sadd.s32 s0, s3;
	s0 =	sld [smem:$0x3FAF]  }
0x30: {  	s3 =	sld [smem:$0x3FB2]  }
0x31: {  	[smem:$0x3FBB] =	sst s10  }
0x32: {  	s10 =	sld [smem:$0x3FB9];
	_ =	sdelay $0x3  }
0x33: {  	p0 =	seq.s32 s10, $0x1;
	s10 =	sld [smem:$0x3FBB];
	_ =	sdelay $0x3  }
0x34: {  	[smem:$0x3FBB] =	sst s10  }
0x35: {  	s10 =	sld [smem:$0x3FBA];
	_ =	sdelay $0x3  }
0x36: {  	p1 =	seq.s32 s10, $0x1;
	s10 =	sld [smem:$0x3FBB];
	_ =	sdelay $0x3  }
0x37: {  	[smem:$0x3FBB] =	sst s10  }
0x38: {  	s10 =	sld [smem:$0x3FBC]  }
0x39: {  	_ = 	snop;
	(pc) =	sbr.ind lr, $3  }
0x3a: {  	_ = 	snop  }
0x3b: {  	_ = 	snop  }
0x3c: {  	p2 =	seq.s32 s10, $0x1;
	s10 =	sld [smem:$0x3FBB]  }
0x3d: {  	_ =	shalt  }
0x3e: {  	_ =	shalt  }
0x3f: {  	_ =	shalt  }
0x40: {  	_ =	shalt  }
0x41: {  	_ =	shalt  }
0x42: {  	_ =	shalt  }
0x43: {  	_ =	shalt  }
0x44: {  	_ =	shalt  }
0x45: {  	_ =	shalt  }
0x46: {  	_ =	shalt  }
0x47: {  	_ =	shalt  }
0x48: {  	_ =	shalt  }
0x49: {  	_ =	shalt  }
0x4a: {  	_ =	shalt  }
0x4b: {  	_ =	shalt  }
0x4c: {  	_ =	shalt  }
0x4d: {  	_ =	shalt  }
0x4e: {  	_ =	shalt  }
0x4f: {  	_ =	shalt  }
0x50: {  	_ =	shalt  }
0x51: {  	_ =	shalt  }
0x52: {  	_ =	shalt  }
0x53: {  	_ =	shalt  }
0x54: {  	_ =	shalt  }
0x55: {  	_ =	shalt  }
0x56: {  	_ =	shalt  }
0x57: {  	_ =	shalt  }
0x58: {  	_ =	shalt  }
0x59: {  	_ =	shalt  }
0x5a: {  	_ =	shalt  }
0x5b: {  	_ =	shalt  }
0x5c: {  	_ =	shalt  }
0x5d: {  	_ =	shalt  }
0x5e: {  	_ =	shalt  }
0x5f: {  	_ =	shalt  }
0x60: {  	_ =	shalt  }
0x61: {  	_ =	shalt  }
0x62: {  	_ =	shalt  }
0x63: {  	_ =	shalt  }
0x64: {  	_ =	shalt  }
0x65: {  	_ =	shalt  }
0x66: {  	_ =	shalt  }
0x67: {  	_ =	shalt  }
0x68: {  	_ =	shalt  }
0x69: {  	_ =	shalt  }
0x6a: {  	_ =	shalt  }
0x6b: {  	_ =	shalt  }
0x6c: {  	_ =	shalt  }
0x6d: {  	_ =	shalt  }
0x6e: {  	_ =	shalt  }
0x6f: {  	_ =	shalt  }
0x70: {  	_ =	shalt  }
0x71: {  	_ =	shalt  }
0x72: {  	_ =	shalt  }
0x73: {  	_ =	shalt  }
0x74: {  	_ =	shalt  }
0x75: {  	_ =	shalt  }
0x76: {  	_ =	shalt  }
0x77: {  	_ =	shalt  }
0x78: {  	_ =	shalt  }
0x79: {  	_ =	shalt  }
0x7a: {  	_ =	shalt  }
0x7b: {  	_ =	shalt  }
0x7c: {  	_ =	shalt  }
0x7d: {  	_ =	shalt  }
0x7e: {  	_ =	shalt  }
0x7f: {  	_ =	shalt  }
0x80: {  	_ =	shalt  }
0x81: {  	_ =	shalt  }
0x82: {  	_ =	shalt  }
0x83: {  	_ =	shalt  }
0x84: {  	_ =	shalt  }
0x85: {  	_ =	shalt  }
0x86: {  	_ =	shalt  }
0x87: {  	_ =	shalt  }
.Lfunc_end0:
.L_simem_size_0:
called_computation_lowered:
.L_overlay_start_0:
0x88: {  	s2 =	sld [smem:$0x3FD9]  }
0x89: {  	s3 =	sld [smem:$0x3FFE];
	_ =	sdelay $0x1  }
0x8a: {  	s1 =	srdreg.scid  }
0x8b: {  	s0 =	sand.u32 $0x1, s1  }
0x8c: {  	s17 =	sshll.u32 s0, $0xA;
	s2 =	sadd.s32 s3, s2  }
0x8d: {  	s2 =	sadd.s32 s2, s17  }
0x8e: {  	[smem:$0x3FC7] =	sst s2  }
0x8f: {  	_ = 	snop  }
0x90: {  	s2 =	sld [smem:$0x3FD0];
	(tm) =	ssettm $0x1  }
0x91: {  	s18 =	sld [smem:$0x3FFB];
	_ =	sdelay $0x3  }
0x92: {  	_ =	strace s18  }
0x93: {  	s3 =	sld [smem:$0x3FFC];
	_ =	sdelay $0x3  }
0x94: {  	_ =	strace s3  }
0x95: {  	s3 =	sld [smem:$0x3FFD];
	_ =	sdelay $0x3  }
0x96: {  	_ =	strace s3  }
0x97: {  	_ =	strace $0x8FFFFFFF  }
0x98: {  	s19 =	sld [smem:$0x3FDB];
	_ =	sdelay $0x1  }
0x99: {  	s4 =	simm.s32 $_scs_section_size  }
0x9a: {  	s5 =	simm.s32 $_size__tile_overlayer_lowered;
	s6 =	simm.s32 $_tile_overlayer_lowered  }
0x9b: {  	s22 =	simm.s32 $0x1BFF;
	s21 =	sshll.u32 s6, $0x1;
	s3 =	sadd.s32 s4, s19  }
0x9c: {  	s7 =	simm.s32 $0x0;
	s20 =	sshll.u32 s5, $0x1;
	s5 =	sadd.s32 s21, s3  }
0x9d: {  	[timem:s7], [sflag:s22] =	dma.local [hbm:s5], s20  }
0x9e: {  	_ =	swait.ge [sflag:s22], s20  }
0x9f: {  	s4 =	ssub.s32 $0x0, s20;
	[sflag:s22] =	ssyncset.done $0x0  }
0xa0: {  	[sflag:s22] =	ssyncadd.s32 s4;
	_ =	sdelay $0x1  }
0xa1: {  	s23 =	simm.s32 $0x1B8B  }
0xa2: {  	_ =	swait.ge [sflag:s23], $0x1  }
0xa3: {  	[sflag:s23] =	ssyncset.done $0x0  }
0xa4: {  	s25 =	simm.s32 $0x1B8E;
	s24 =	sld [smem:$0x3FFE];
	[sflag:s23] =	ssyncadd.s32 $0xFFFFFFFF  }
0xa5: {  	s26 =	simm.s32 $execute0_lowered;
	[smem:$0x3FD2] =	sst s25  }
0xa6: {  	s5 =	sshll.u32 s26, $0x1;
	_ =	strace $0x80000046;
	[dreg:$0x1] =	wrdreg $0xFFFFFFFF  }
0xa7: {  	s28 =	simm.s32 $_size_execute0_lowered;
	s3 =	sadd.s32 s3, s5;
	[dreg:$0x0] =	wrdreg $0x0  }
0xa8: {  	s5 =	sshll.u32 s28, $0x1;
	[dreg:$0x2] =	wrdreg s3  }
0xa9: {  	[dreg:$0x3] =	wrdreg s5  }
0xaa: {  	[dreg:$0x4] =	wrdreg $0xC0  }
0xab: {  	_ =	task [dreg:s7], $0x5FFFF  }
0xac: {  	[dreg:$0x1] =	wrdreg $0xFFFFFFFF  }
0xad: {  	[dreg:$0x0] =	wrdreg $0x60  }
0xae: {  	[dreg:$0x2] =	wrdreg s2  }
0xaf: {  	[dreg:$0x3] =	wrdreg s24  }
0xb0: {  	[dreg:$0x4] =	wrdreg $0x9  }
0xb1: {  	_ =	task.clear_ibuf [dreg:s7], $0x5FFFF;
	_ =	strace $0x90000046  }
0xb2: {  	s29 =	simm.s32 $0x9;
	_ =	strace $0x80000048  }
0xb3: {  	_ =	swait.ge [sflag:s29], $0x1  }
0xb4: {  	[sflag:s29] =	ssyncadd.s32 $0xFFFFFFFF  }
0xb5: {  	_ =	strace $0x90000048  }
0xb6: {  	_ =	sfence  }
0xb7: {  	s30 =	sld [smem:$0x0];
	_ =	sdelay $0x2  }
0xb8: {  	s31 =	sshll.u32 s1, $0xD;
	s1 =	sshrl.u32 s1, $0x2  }
0xb9: {  	s3 =	sand.u32 $0x4000, s31;
	s1 =	sadd.s32 s1, s30  }
0xba: {  	s0 =	sor.u32 s3, s0;
	s1 =	sshll.u32 s1, $0x11  }
0xbb: {  	s0 =	sor.u32 s1, s0  }
0xbc: {  	s0 =	sadd.s32 $0x8F2B, s0  }
0xbd: {  	[sflag:s0] =	ssyncadd.remote.s32 $0x1  }
0xbe: {  	_ =	sfence.sel $0xFFFF  }
0xbf: {  	[dreg:$0x0] =	wrdreg $0xFFFFFFFF;
	(pc) =	sbr.abs _section_cstart, $3  }
0xc0: {  	[dreg:$0x1] =	wrdreg $0xFFFFFFFF  }
0xc1: {  	_ =	task.clear_ibuf [dreg:s7], $0x2FFFF;
	_ =	strace $0x9FFFFFFF  }
0xc2: {  	(tm) =	ssettm $0x7FFFFFFF  }
0xc3: {  	_ =	shalt  }
tec
execute0_lowered:
.L_overlay_start_1:
0x0: {  	(tag) =	ssettag $0x1  }
0x1: {  	s3 =	srdreg.scid;
	s4 =	stileid.u32  }
0x2: {  	s0 =	rddreg [dreg:$0x0];
	s3 =	sand.u32 $0x1, s3;
	s4 =	sshll.u32 s4, $0x1  }
0x3: {  	s1 =	rddreg [dreg:$0x1];
	s4 =	sor.u32 s3, s4  }
0x4: {  	s2 =	simm.s32 $0x0;
	s5 =	sshll.u32 s4, $0x11;
	s4 =	smul.u32 $0x68, s4  }
0x5: {  	[smem:$0x7FF] =	sst s2;
	s3 =	ssub.s32 $0x2, s3  }
0x6: {  	_ =	strace $0x80000047;
	s5 =	sadd.s32 s5, s1;
	s0 =	sadd.s32 s0, s4  }
0x7: {  	s6 =	sshrl.u32 s3, $0x1;
	s1 =	sadd.s32 $0x400, s5;
	[dreg:$0x3] =	wrdreg s0  }
0x8: {  	s6 =	ssub.s32 s3, s6;
	s3 =	sadd.s32 $0x1400, s5;
	[dreg:$0x4] =	wrdreg s1  }
0x9: {  	s4 =	sadd.s32 $0x2400, s5;
	[dreg:$0x5] =	wrdreg s3  }
0xa: {  	s7 =	sadd.s32 $0x3400, s5;
	[dreg:$0x6] =	wrdreg s4  }
0xb: {  	s8 =	sadd.s32 $0x4400, s5;
	[dreg:$0x7] =	wrdreg s7  }
0xc: {  	s9 =	sadd.s32 $0x5400, s5;
	[dreg:$0x8] =	wrdreg s8  }
0xd: {  	s10 =	sadd.s32 $0x6400, s5;
	[dreg:$0x9] =	wrdreg s9  }
0xe: {  	s11 =	sadd.s32 $0x7400, s5;
	[dreg:$0xa] =	wrdreg s10  }
0xf: {  	s12 =	sadd.s32 $0x8400, s5;
	[dreg:$0xb] =	wrdreg s11  }
0x10: {  	s13 =	sadd.s32 $0x9400, s5;
	[dreg:$0xc] =	wrdreg s12  }
0x11: {  	s14 =	sadd.s32 $0xA400, s5;
	[dreg:$0xd] =	wrdreg s13  }
0x12: {  	s15 =	sadd.s32 $0xB400, s5;
	[dreg:$0xe] =	wrdreg s14  }
0x13: {  	v0 =	vimm.s32 $0x2380;
	vm3 =	vcmask $0x300;
	s16 =	sadd.s32 $0xC400, s5;
	[dreg:$0xf] =	wrdreg s15  }
0x14: {  	vm4 =	vcmask $0x704;
	v0 =	vsel vm3, $0x0, v0;
	s17 =	sadd.s32 $0xD400, s5;
	[dreg:$0x10] =	wrdreg s16  }
0x15: {  	vm7 =	vcmask $0xB08;
	v0 =	vsel vm4, $0x80, v0;
	s18 =	sadd.s32 $0xE400, s5;
	[dreg:$0x11] =	wrdreg s17  }
0x16: {  	vm6 =	vcmask $0xF0C;
	v0 =	vsel vm7, $0x100, v0;
	s19 =	sadd.s32 $0xF400, s5;
	[dreg:$0x12] =	wrdreg s18  }
0x17: {  	vm5 =	vcmask $0x1310;
	v1 =	vsel vm6, $0x180, v0;
	s20 =	sadd.s32 $0x10400, s5;
	[dreg:$0x13] =	wrdreg s19  }
0x18: {  	vm0 =	vcmask $0x1714;
	vm1 =	vcmask $0x1B18;
	v1 =	vsel vm5, $0x200, v1;
	s21 =	sadd.s32 $0x11400, s5;
	[dreg:$0x14] =	wrdreg s20  }
0x19: {  	v2 =	vimm.s32 $0x6080;
	vm2 =	vcmask $0x1F1C;
	s22 =	sadd.s32 $0x12400, s5;
	v1 =	vsel vm0, $0x280, v1;
	[dreg:$0x15] =	wrdreg s21  }
0x1a: {  	vm9 =	vcmask $0x2320;
	v2 =	vsel vm3, $0x4000, v2;
	s23 =	sadd.s32 $0x13400, s5;
	s24 =	sadd.s32 $0x14400, s5;
	[dreg:$0x16] =	wrdreg s22;
	v1 =	vsel vm1, $0x300, v1  }
0x1b: {  	vm10 =	vcmask $0x2724;
	v2 =	vsel vm4, $0x4080, v2;
	s25 =	sadd.s32 $0x15400, s5;
	s26 =	sadd.s32 $0x16400, s5;
	[dreg:$0x17] =	wrdreg s23;
	v1 =	vsel vm2, $0x380, v1  }
0x1c: {  	vm11 =	vcmask $0x2B28;
	v2 =	vsel vm7, $0x4100, v2;
	s28 =	sadd.s32 $0x17400, s5;
	s29 =	sadd.s32 $0x18400, s5;
	[dreg:$0x18] =	wrdreg s24;
	v1 =	vsel vm9, $0x2000, v1  }
0x1d: {  	vm12 =	vcmask $0x2F2C;
	v2 =	vsel vm6, $0x4180, v2;
	s30 =	sadd.s32 $0x19400, s5;
	s31 =	sadd.s32 $0x1A400, s5;
	[dreg:$0x19] =	wrdreg s25;
	v1 =	vsel vm10, $0x2080, v1  }
0x1e: {  	vm13 =	vcmask $0x3330;
	v2 =	vsel vm5, $0x4200, v2;
	s6 =	smax.u32 s6, $0x1;
	[dreg:$0x1a] =	wrdreg s26;
	s0 =	sadd.s32 $0x1B400, s5;
	v1 =	vsel vm11, $0x2100, v1  }
0x1f: {  	vm14 =	vcmask $0x3734;
	s1 =	sadd.s32 $0x1C400, s5;
	s3 =	sadd.s32 $0x1D400, s5;
	s4 =	sadd.s32 $0x1E400, s5;
	v2 =	vsel vm0, $0x4280, v2;
	v1 =	vsel vm12, $0x2180, v1  }
0x20: {  	vm15 =	vcmask $0x3B38;
	s5 =	sadd.s32 $0x1F400, s5;
	s7 =	simm.s32 $0x4;
	s8 =	simm.s32 $0x380;
	v2 =	vsel vm1, $0x4300, v2;
	v1 =	vsel vm13, $0x2200, v1  }
0x21: {  	v0 =	vimm.f32 $0.0e+00;
	s9 =	simm.s32 $0x8380;
	s10 =	simm.s32 $0x10380;
	s11 =	simm.s32 $0x1;
	v3 =	vsel vm2, $0x4380, v2;
	v1 =	vsel vm14, $0x2280, v1  }
0x22: {  	s12 =	simm.s32 $0x2;
	s13 =	simm.s32 $0x3;
	s14 =	simm.s32 $0x0;
	v2 =	vimm.f32 $1.000000000e+00;
	v3 =	vsel vm9, $0x6000, v3;
	v1 =	vsel vm15, $0x2300, v1  }
.LBB2_1:
0x23: {  	s15 =	rddreg [dreg:$0x3]  }
0x24: {  	[tilespmem:s2], [sflag:$0x4] =	stream.linear.gather [hbm4b:s15+s2], $0x340, $0x38;
	[tilespmem:$0x18380] =	vst v63  }
0x25: {  	_ =	swait.ge [sflag:s7], $0x340  }
0x26: {  	s16 =	simm.s32 $0x0;
	s17 =	simm.s32 $0x0;
	[sflag:s7] =	ssyncset.done $0x0  }
0x27: {  	s18 =	simm.s32 $0x0;
	s15 =	simm.s32 $0xFFFF9800;
	[sflag:s7] =	ssyncadd.s32 $0xFFFFFCC0  }
.LBB2_2:
0x28: {  	s19 =	sadd.s32 $0x6800, s15  }
0x29: {  	s20 =	sand.u32 $0x380, s18;
	s19 =	sand.u32 $0x6000, s19  }
0x2a: {  	s19 =	sor.u32 s20, s19  }
0x2b: {  	[tilespmem:s19+$0x380] =	vst v0  }
0x2c: {  	[tilespmem:s19+$0x390] =	vst v0  }
0x2d: {  	[tilespmem:s19+$0x3A0] =	vst v0  }
0x2e: {  	[tilespmem:s19+$0x3B0] =	vst v0  }
0x2f: {  	[tilespmem:s19+$0x3C0] =	vst v0  }
0x30: {  	[tilespmem:s19+$0x3D0] =	vst v0  }
0x31: {  	[tilespmem:s19+$0x3E0] =	vst v0  }
0x32: {  	[tilespmem:s19+$0x3F0] =	vst v0  }
0x33: {  	[tilespmem:s19+$0x780] =	vst v0  }
0x34: {  	[tilespmem:s19+$0x790] =	vst v0  }
0x35: {  	[tilespmem:s19+$0x7A0] =	vst v0  }
0x36: {  	[tilespmem:s19+$0x7B0] =	vst v0  }
0x37: {  	[tilespmem:s19+$0x7C0] =	vst v0  }
0x38: {  	[tilespmem:s19+$0x7D0] =	vst v0  }
0x39: {  	[tilespmem:s19+$0x7E0] =	vst v0  }
0x3a: {  	[tilespmem:s19+$0x7F0] =	vst v0  }
0x3b: {  	[tilespmem:s19+$0xB80] =	vst v0  }
0x3c: {  	[tilespmem:s19+$0xB90] =	vst v0  }
0x3d: {  	[tilespmem:s19+$0xBA0] =	vst v0  }
0x3e: {  	[tilespmem:s19+$0xBB0] =	vst v0  }
0x3f: {  	[tilespmem:s19+$0xBC0] =	vst v0  }
0x40: {  	[tilespmem:s19+$0xBD0] =	vst v0  }
0x41: {  	[tilespmem:s19+$0xBE0] =	vst v0  }
0x42: {  	[tilespmem:s19+$0xBF0] =	vst v0  }
0x43: {  	[tilespmem:s19+$0xF80] =	vst v0  }
0x44: {  	[tilespmem:s19+$0xF90] =	vst v0  }
0x45: {  	[tilespmem:s19+$0xFA0] =	vst v0  }
0x46: {  	[tilespmem:s19+$0xFB0] =	vst v0  }
0x47: {  	[tilespmem:s19+$0xFC0] =	vst v0  }
0x48: {  	[tilespmem:s19+$0xFD0] =	vst v0  }
0x49: {  	[tilespmem:s19+$0xFE0] =	vst v0  }
0x4a: {  	[tilespmem:s19+$0xFF0] =	vst v0  }
0x4b: {  	[tilespmem:s19+$0x1380] =	vst v0  }
0x4c: {  	[tilespmem:s19+$0x1390] =	vst v0  }
0x4d: {  	[tilespmem:s19+$0x13A0] =	vst v0  }
0x4e: {  	[tilespmem:s19+$0x13B0] =	vst v0  }
0x4f: {  	[tilespmem:s19+$0x13C0] =	vst v0  }
0x50: {  	[tilespmem:s19+$0x13D0] =	vst v0  }
0x51: {  	[tilespmem:s19+$0x13E0] =	vst v0  }
0x52: {  	[tilespmem:s19+$0x13F0] =	vst v0  }
0x53: {  	[tilespmem:s19+$0x1780] =	vst v0  }
0x54: {  	[tilespmem:s19+$0x1790] =	vst v0  }
0x55: {  	[tilespmem:s19+$0x17A0] =	vst v0  }
0x56: {  	[tilespmem:s19+$0x17B0] =	vst v0  }
0x57: {  	[tilespmem:s19+$0x17C0] =	vst v0  }
0x58: {  	[tilespmem:s19+$0x17D0] =	vst v0  }
0x59: {  	[tilespmem:s19+$0x17E0] =	vst v0  }
0x5a: {  	[tilespmem:s19+$0x17F0] =	vst v0  }
0x5b: {  	[tilespmem:s19+$0x1B80] =	vst v0  }
0x5c: {  	[tilespmem:s19+$0x1B90] =	vst v0  }
0x5d: {  	[tilespmem:s19+$0x1BA0] =	vst v0  }
0x5e: {  	[tilespmem:s19+$0x1BB0] =	vst v0  }
0x5f: {  	s26 =	sand.u32 $0x7, s16;
	[tilespmem:s19+$0x1BC0] =	vst v0  }
0x60: {  	s20 =	sshll.u32 s26, $0x7;
	[tilespmem:s19+$0x1BD0] =	vst v0  }
0x61: {  	s25 =	sadd.s32 s20, s17;
	[tilespmem:s19+$0x1BE0] =	vst v0  }
0x62: {  	[tilespmem:s19+$0x1BF0] =	vst v0;
	s20 =	sor.u32 $0x1C00, s25  }
0x63: {  	s21 =	sor.u32 $0x1C10, s25;
	[tilespmem:s20+$0x380] =	vst v0  }
0x64: {  	s22 =	sor.u32 $0x1C20, s25;
	[tilespmem:s21+$0x380] =	vst v0  }
0x65: {  	s23 =	sor.u32 $0x1C30, s25;
	[tilespmem:s22+$0x380] =	vst v0  }
0x66: {  	s24 =	sor.u32 $0x1C40, s25;
	[tilespmem:s23+$0x380] =	vst v0  }
0x67: {  	s26 =	sor.u32 $0x1C50, s25;
	[tilespmem:s24+$0x380] =	vst v0  }
0x68: {  	s25 =	sor.u32 $0x1C58, s25;
	[tilespmem:s26+$0x380] =	vst v0  }
0x69: {  	[tilespmem:s25+$0x380] =	vst v0  }
0x6a: {  	[tilespmem:s19+$0x8380] =	vst v0  }
0x6b: {  	[tilespmem:s19+$0x8390] =	vst v0  }
0x6c: {  	[tilespmem:s19+$0x83A0] =	vst v0  }
0x6d: {  	[tilespmem:s19+$0x83B0] =	vst v0  }
0x6e: {  	[tilespmem:s19+$0x83C0] =	vst v0  }
0x6f: {  	[tilespmem:s19+$0x83D0] =	vst v0  }
0x70: {  	[tilespmem:s19+$0x83E0] =	vst v0  }
0x71: {  	[tilespmem:s19+$0x83F0] =	vst v0  }
0x72: {  	[tilespmem:s19+$0x8780] =	vst v0  }
0x73: {  	[tilespmem:s19+$0x8790] =	vst v0  }
0x74: {  	[tilespmem:s19+$0x87A0] =	vst v0  }
0x75: {  	[tilespmem:s19+$0x87B0] =	vst v0  }
0x76: {  	[tilespmem:s19+$0x87C0] =	vst v0  }
0x77: {  	[tilespmem:s19+$0x87D0] =	vst v0  }
0x78: {  	[tilespmem:s19+$0x87E0] =	vst v0  }
0x79: {  	[tilespmem:s19+$0x87F0] =	vst v0  }
0x7a: {  	[tilespmem:s19+$0x8B80] =	vst v0  }
0x7b: {  	[tilespmem:s19+$0x8B90] =	vst v0  }
0x7c: {  	[tilespmem:s19+$0x8BA0] =	vst v0  }
0x7d: {  	[tilespmem:s19+$0x8BB0] =	vst v0  }
0x7e: {  	[tilespmem:s19+$0x8BC0] =	vst v0  }
0x7f: {  	[tilespmem:s19+$0x8BD0] =	vst v0  }
0x80: {  	[tilespmem:s19+$0x8BE0] =	vst v0  }
0x81: {  	[tilespmem:s19+$0x8BF0] =	vst v0  }
0x82: {  	[tilespmem:s19+$0x8F80] =	vst v0  }
0x83: {  	[tilespmem:s19+$0x8F90] =	vst v0  }
0x84: {  	[tilespmem:s19+$0x8FA0] =	vst v0  }
0x85: {  	[tilespmem:s19+$0x8FB0] =	vst v0  }
0x86: {  	[tilespmem:s19+$0x8FC0] =	vst v0  }
0x87: {  	[tilespmem:s19+$0x8FD0] =	vst v0  }
0x88: {  	[tilespmem:s19+$0x8FE0] =	vst v0  }
0x89: {  	[tilespmem:s19+$0x8FF0] =	vst v0  }
0x8a: {  	[tilespmem:s19+$0x9380] =	vst v0  }
0x8b: {  	[tilespmem:s19+$0x9390] =	vst v0  }
0x8c: {  	[tilespmem:s19+$0x93A0] =	vst v0  }
0x8d: {  	[tilespmem:s19+$0x93B0] =	vst v0  }
0x8e: {  	[tilespmem:s19+$0x93C0] =	vst v0  }
0x8f: {  	[tilespmem:s19+$0x93D0] =	vst v0  }
0x90: {  	[tilespmem:s19+$0x93E0] =	vst v0  }
0x91: {  	[tilespmem:s19+$0x93F0] =	vst v0  }
0x92: {  	[tilespmem:s19+$0x9780] =	vst v0  }
0x93: {  	[tilespmem:s19+$0x9790] =	vst v0  }
0x94: {  	[tilespmem:s19+$0x97A0] =	vst v0  }
0x95: {  	[tilespmem:s19+$0x97B0] =	vst v0  }
0x96: {  	[tilespmem:s19+$0x97C0] =	vst v0  }
0x97: {  	[tilespmem:s19+$0x97D0] =	vst v0  }
0x98: {  	[tilespmem:s19+$0x97E0] =	vst v0  }
0x99: {  	[tilespmem:s19+$0x97F0] =	vst v0  }
0x9a: {  	[tilespmem:s19+$0x9B80] =	vst v0  }
0x9b: {  	[tilespmem:s19+$0x9B90] =	vst v0  }
0x9c: {  	[tilespmem:s19+$0x9BA0] =	vst v0  }
0x9d: {  	[tilespmem:s19+$0x9BB0] =	vst v0  }
0x9e: {  	[tilespmem:s19+$0x9BC0] =	vst v0  }
0x9f: {  	[tilespmem:s19+$0x9BD0] =	vst v0  }
0xa0: {  	[tilespmem:s19+$0x9BE0] =	vst v0  }
0xa1: {  	[tilespmem:s19+$0x9BF0] =	vst v0  }
0xa2: {  	[tilespmem:s20+$0x8380] =	vst v0  }
0xa3: {  	[tilespmem:s21+$0x8380] =	vst v0  }
0xa4: {  	[tilespmem:s22+$0x8380] =	vst v0  }
0xa5: {  	[tilespmem:s23+$0x8380] =	vst v0  }
0xa6: {  	[tilespmem:s24+$0x8380] =	vst v0  }
0xa7: {  	[tilespmem:s26+$0x8380] =	vst v0  }
0xa8: {  	[tilespmem:s25+$0x8380] =	vst v0  }
0xa9: {  	[tilespmem:s19+$0x10380] =	vst v0  }
0xaa: {  	[tilespmem:s19+$0x10390] =	vst v0  }
0xab: {  	[tilespmem:s19+$0x103A0] =	vst v0  }
0xac: {  	[tilespmem:s19+$0x103B0] =	vst v0  }
0xad: {  	[tilespmem:s19+$0x103C0] =	vst v0  }
0xae: {  	[tilespmem:s19+$0x103D0] =	vst v0  }
0xaf: {  	[tilespmem:s19+$0x103E0] =	vst v0  }
0xb0: {  	[tilespmem:s19+$0x103F0] =	vst v0  }
0xb1: {  	[tilespmem:s19+$0x10780] =	vst v0  }
0xb2: {  	[tilespmem:s19+$0x10790] =	vst v0  }
0xb3: {  	[tilespmem:s19+$0x107A0] =	vst v0  }
0xb4: {  	[tilespmem:s19+$0x107B0] =	vst v0  }
0xb5: {  	[tilespmem:s19+$0x107C0] =	vst v0  }
0xb6: {  	[tilespmem:s19+$0x107D0] =	vst v0  }
0xb7: {  	[tilespmem:s19+$0x107E0] =	vst v0  }
0xb8: {  	[tilespmem:s19+$0x107F0] =	vst v0  }
0xb9: {  	[tilespmem:s19+$0x10B80] =	vst v0  }
0xba: {  	[tilespmem:s19+$0x10B90] =	vst v0  }
0xbb: {  	[tilespmem:s19+$0x10BA0] =	vst v0  }
0xbc: {  	[tilespmem:s19+$0x10BB0] =	vst v0  }
0xbd: {  	[tilespmem:s19+$0x10BC0] =	vst v0  }
0xbe: {  	[tilespmem:s19+$0x10BD0] =	vst v0  }
0xbf: {  	[tilespmem:s19+$0x10BE0] =	vst v0  }
0xc0: {  	[tilespmem:s19+$0x10BF0] =	vst v0  }
0xc1: {  	[tilespmem:s19+$0x10F80] =	vst v0  }
0xc2: {  	[tilespmem:s19+$0x10F90] =	vst v0  }
0xc3: {  	[tilespmem:s19+$0x10FA0] =	vst v0  }
0xc4: {  	[tilespmem:s19+$0x10FB0] =	vst v0  }
0xc5: {  	[tilespmem:s19+$0x10FC0] =	vst v0  }
0xc6: {  	[tilespmem:s19+$0x10FD0] =	vst v0  }
0xc7: {  	[tilespmem:s19+$0x10FE0] =	vst v0  }
0xc8: {  	[tilespmem:s19+$0x10FF0] =	vst v0  }
0xc9: {  	[tilespmem:s19+$0x11380] =	vst v0  }
0xca: {  	[tilespmem:s19+$0x11390] =	vst v0  }
0xcb: {  	[tilespmem:s19+$0x113A0] =	vst v0  }
0xcc: {  	[tilespmem:s19+$0x113B0] =	vst v0  }
0xcd: {  	[tilespmem:s19+$0x113C0] =	vst v0  }
0xce: {  	[tilespmem:s19+$0x113D0] =	vst v0  }
0xcf: {  	[tilespmem:s19+$0x113E0] =	vst v0  }
0xd0: {  	[tilespmem:s19+$0x113F0] =	vst v0  }
0xd1: {  	[tilespmem:s19+$0x11780] =	vst v0  }
0xd2: {  	[tilespmem:s19+$0x11790] =	vst v0  }
0xd3: {  	[tilespmem:s19+$0x117A0] =	vst v0  }
0xd4: {  	[tilespmem:s19+$0x117B0] =	vst v0  }
0xd5: {  	[tilespmem:s19+$0x117C0] =	vst v0  }
0xd6: {  	[tilespmem:s19+$0x117D0] =	vst v0  }
0xd7: {  	[tilespmem:s19+$0x117E0] =	vst v0  }
0xd8: {  	[tilespmem:s19+$0x117F0] =	vst v0  }
0xd9: {  	[tilespmem:s19+$0x11B80] =	vst v0  }
0xda: {  	[tilespmem:s19+$0x11B90] =	vst v0  }
0xdb: {  	[tilespmem:s19+$0x11BA0] =	vst v0  }
0xdc: {  	[tilespmem:s19+$0x11BB0] =	vst v0  }
0xdd: {  	[tilespmem:s19+$0x11BC0] =	vst v0  }
0xde: {  	[tilespmem:s19+$0x11BD0] =	vst v0  }
0xdf: {  	[tilespmem:s19+$0x11BE0] =	vst v0  }
0xe0: {  	[tilespmem:s19+$0x11BF0] =	vst v0  }
0xe1: {  	[tilespmem:s20+$0x10380] =	vst v0  }
0xe2: {  	p0 =	sne.s32 s18, $0xC80;
	[tilespmem:s21+$0x10380] =	vst v0  }
.Ltmp0:
0xe3: {  	[tilespmem:s22+$0x10380] =	vst v0;
	(pc) =	sbr.rel @p0 .LBB2_2-.Ltmp0, $4  }
0xe4: {  	[tilespmem:s23+$0x10380] =	vst v0  }
0xe5: {  	[tilespmem:s24+$0x10380] =	vst v0  }
0xe6: {  	s16 =	sadd.s32 $0x1, s16;
	[tilespmem:s26+$0x10380] =	vst v0  }
0xe7: {  	s15 =	sadd.s32 $0x400, s15;
	s18 =	sadd.s32 $0x80, s18;
	s17 =	sadd.s32 $0x400, s17;
	[tilespmem:s25+$0x10380] =	vst v0  }
0xe8: {  	v4 =	vld [tilespmem:$0x0];
	_ =	sdelay $0x4  }
0xe9: {  	v5 =	vshll.u32 v4, $0x3  }
0xea: {  	v4 =	vand.u32 $0x7F, v4;
	v5 =	vand.u32 $0xFFFFFC00, v5  }
0xeb: {  	v4 =	vor.u32 v4, v5  }
0xec: {  	v4 =	vadd.s32 v1, v4;
	_ =	sdelay $0x4  }
0xed: {  	[tilespmem:v4+s8+$0x0] =	vst.idx.msk $0xffff, v2  }
0xee: {  	v4 =	vld [tilespmem:$0x10];
	_ =	sdelay $0x4  }
0xef: {  	v5 =	vshll.u32 v4, $0x3  }
0xf0: {  	v4 =	vand.u32 $0x7F, v4;
	v5 =	vand.u32 $0xFFFFFC00, v5  }
0xf1: {  	v4 =	vor.u32 v4, v5  }
0xf2: {  	v4 =	vadd.s32 v3, v4;
	_ =	sdelay $0x4  }
0xf3: {  	s15 =	rddreg [dreg:$0x4];
	[tilespmem:v4+s8+$0x0] =	vst.idx.msk $0x3ff, v2  }
0xf4: {  	[hbm4b:s15+s2] =	stream.linear.scatter [tilespmem:s8], [sflag:$0x1], $0x8000, $0x38;
	[tilespmem:$0x18380] =	vst v63  }
0xf5: {  	v4 =	vld [tilespmem:$0x1A];
	_ =	sdelay $0x4  }
0xf6: {  	v5 =	vshll.u32 v4, $0x3  }
0xf7: {  	v4 =	vand.u32 $0x7F, v4;
	v5 =	vand.u32 $0xFFFFFC00, v5  }
0xf8: {  	v4 =	vor.u32 v4, v5  }
0xf9: {  	v4 =	vadd.s32 v1, v4;
	_ =	sdelay $0x4  }
0xfa: {  	[tilespmem:v4+s9+$0x0] =	vst.idx.msk $0xffff, v2  }
0xfb: {  	v4 =	vld [tilespmem:$0x2A];
	_ =	sdelay $0x4  }
0xfc: {  	v5 =	vshll.u32 v4, $0x3  }
0xfd: {  	v4 =	vand.u32 $0x7F, v4;
	v5 =	vand.u32 $0xFFFFFC00, v5  }
0xfe: {  	v4 =	vor.u32 v4, v5  }
0xff: {  	v4 =	vadd.s32 v3, v4;
	_ =	sdelay $0x4  }
0x100: {  	s16 =	rddreg [dreg:$0x5];
	[tilespmem:v4+s9+$0x0] =	vst.idx.msk $0x3ff, v2  }
0x101: {  	[hbm4b:s16+s2] =	stream.linear.scatter [tilespmem:s9], [sflag:$0x2], $0x8000, $0x38;
	[tilespmem:$0x18380] =	vst v63  }
0x102: {  	v4 =	vld [tilespmem:$0x34];
	_ =	sdelay $0x4  }
0x103: {  	v5 =	vshll.u32 v4, $0x3  }
0x104: {  	v4 =	vand.u32 $0x7F, v4;
	v5 =	vand.u32 $0xFFFFFC00, v5  }
0x105: {  	v4 =	vor.u32 v4, v5  }
0x106: {  	v4 =	vadd.s32 v1, v4;
	_ =	sdelay $0x4  }
0x107: {  	[tilespmem:v4+s10+$0x0] =	vst.idx.msk $0xffff, v2  }
0x108: {  	v4 =	vld [tilespmem:$0x44];
	_ =	sdelay $0x4  }
0x109: {  	v5 =	vshll.u32 v4, $0x3  }
0x10a: {  	v4 =	vand.u32 $0x7F, v4;
	v5 =	vand.u32 $0xFFFFFC00, v5  }
0x10b: {  	v4 =	vor.u32 v4, v5  }
0x10c: {  	v4 =	vadd.s32 v3, v4;
	_ =	sdelay $0x4  }
0x10d: {  	s17 =	rddreg [dreg:$0x6];
	[tilespmem:v4+s10+$0x0] =	vst.idx.msk $0x3ff, v2  }
0x10e: {  	[hbm4b:s17+s2] =	stream.linear.scatter [tilespmem:s10], [sflag:$0x3], $0x8000, $0x38;
	[tilespmem:$0x18380] =	vst v63  }
0x10f: {  	_ =	swait.ge [sflag:s11], $0x8000  }
0x110: {  	[sflag:s11] =	ssyncset.done $0x0  }
0x111: {  	[sflag:s11] =	ssyncadd.s32 $0xFFFF8000  }
0x112: {  	v4 =	vld [tilespmem:$0x0];
	_ =	sdelay $0x4  }
0x113: {  	v5 =	vshll.u32 v4, $0x3  }
0x114: {  	v4 =	vand.u32 $0x7F, v4;
	v5 =	vand.u32 $0xFFFFFC00, v5  }
0x115: {  	v4 =	vor.u32 v4, v5  }
0x116: {  	v4 =	vadd.s32 v1, v4;
	_ =	sdelay $0x4  }
0x117: {  	[tilespmem:v4+s8+$0x0] =	vst.idx.msk $0xffff, v0  }
0x118: {  	v4 =	vld [tilespmem:$0x10];
	_ =	sdelay $0x4  }
0x119: {  	v5 =	vshll.u32 v4, $0x3  }
0x11a: {  	v4 =	vand.u32 $0x7F, v4;
	v5 =	vand.u32 $0xFFFFFC00, v5  }
0x11b: {  	v4 =	vor.u32 v4, v5  }
0x11c: {  	v4 =	vadd.s32 v3, v4;
	_ =	sdelay $0x4  }
0x11d: {  	[tilespmem:v4+s8+$0x0] =	vst.idx.msk $0x3ff, v0  }
0x11e: {  	v4 =	vld [tilespmem:$0x4E];
	_ =	sdelay $0x4  }
0x11f: {  	v5 =	vshll.u32 v4, $0x3  }
0x120: {  	v4 =	vand.u32 $0x7F, v4;
	v5 =	vand.u32 $0xFFFFFC00, v5  }
0x121: {  	v4 =	vor.u32 v4, v5  }
0x122: {  	v4 =	vadd.s32 v1, v4;
	_ =	sdelay $0x4  }
0x123: {  	[tilespmem:v4+s8+$0x0] =	vst.idx.msk $0xffff, v2  }
0x124: {  	v4 =	vld [tilespmem:$0x5E];
	_ =	sdelay $0x4  }
0x125: {  	v5 =	vshll.u32 v4, $0x3  }
0x126: {  	v4 =	vand.u32 $0x7F, v4;
	v5 =	vand.u32 $0xFFFFFC00, v5  }
0x127: {  	v4 =	vor.u32 v4, v5  }
0x128: {  	v4 =	vadd.s32 v3, v4;
	_ =	sdelay $0x4  }
0x129: {  	s18 =	rddreg [dreg:$0x7];
	[tilespmem:v4+s8+$0x0] =	vst.idx.msk $0x3ff, v2  }
0x12a: {  	[hbm4b:s18+s2] =	stream.linear.scatter [tilespmem:s8], [sflag:$0x1], $0x8000, $0x38;
	[tilespmem:$0x18380] =	vst v63  }
0x12b: {  	_ =	swait.ge [sflag:s12], $0x8000  }
0x12c: {  	[sflag:s12] =	ssyncset.done $0x0  }
0x12d: {  	[sflag:s12] =	ssyncadd.s32 $0xFFFF8000  }
0x12e: {  	v4 =	vld [tilespmem:$0x1A];
	_ =	sdelay $0x4  }
0x12f: {  	v5 =	vshll.u32 v4, $0x3  }
0x130: {  	v4 =	vand.u32 $0x7F, v4;
	v5 =	vand.u32 $0xFFFFFC00, v5  }
0x131: {  	v4 =	vor.u32 v4, v5  }
0x132: {  	v4 =	vadd.s32 v1, v4;
	_ =	sdelay $0x4  }
0x133: {  	[tilespmem:v4+s9+$0x0] =	vst.idx.msk $0xffff, v0  }
0x134: {  	v4 =	vld [tilespmem:$0x2A];
	_ =	sdelay $0x4  }
0x135: {  	v5 =	vshll.u32 v4, $0x3  }
0x136: {  	v4 =	vand.u32 $0x7F, v4;
	v5 =	vand.u32 $0xFFFFFC00, v5  }
0x137: {  	v4 =	vor.u32 v4, v5  }
0x138: {  	v4 =	vadd.s32 v3, v4;
	_ =	sdelay $0x4  }
0x139: {  	[tilespmem:v4+s9+$0x0] =	vst.idx.msk $0x3ff, v0  }
0x13a: {  	v4 =	vld [tilespmem:$0x68];
	_ =	sdelay $0x4  }
0x13b: {  	v5 =	vshll.u32 v4, $0x3  }
0x13c: {  	v4 =	vand.u32 $0x7F, v4;
	v5 =	vand.u32 $0xFFFFFC00, v5  }
0x13d: {  	v4 =	vor.u32 v4, v5  }
0x13e: {  	v4 =	vadd.s32 v1, v4;
	_ =	sdelay $0x4  }
0x13f: {  	[tilespmem:v4+s9+$0x0] =	vst.idx.msk $0xffff, v2  }
0x140: {  	v4 =	vld [tilespmem:$0x78];
	_ =	sdelay $0x4  }
0x141: {  	v5 =	vshll.u32 v4, $0x3  }
0x142: {  	v4 =	vand.u32 $0x7F, v4;
	v5 =	vand.u32 $0xFFFFFC00, v5  }
0x143: {  	v4 =	vor.u32 v4, v5  }
0x144: {  	v4 =	vadd.s32 v3, v4;
	_ =	sdelay $0x4  }
0x145: {  	s19 =	rddreg [dreg:$0x8];
	[tilespmem:v4+s9+$0x0] =	vst.idx.msk $0x3ff, v2  }
0x146: {  	[hbm4b:s19+s2] =	stream.linear.scatter [tilespmem:s9], [sflag:$0x2], $0x8000, $0x38;
	[tilespmem:$0x18380] =	vst v63  }
0x147: {  	_ =	swait.ge [sflag:s13], $0x8000  }
0x148: {  	[sflag:s13] =	ssyncset.done $0x0  }
0x149: {  	[sflag:s13] =	ssyncadd.s32 $0xFFFF8000  }
0x14a: {  	v4 =	vld [tilespmem:$0x34];
	_ =	sdelay $0x4  }
0x14b: {  	v5 =	vshll.u32 v4, $0x3  }
0x14c: {  	v4 =	vand.u32 $0x7F, v4;
	v5 =	vand.u32 $0xFFFFFC00, v5  }
0x14d: {  	v4 =	vor.u32 v4, v5  }
0x14e: {  	v4 =	vadd.s32 v1, v4;
	_ =	sdelay $0x4  }
0x14f: {  	[tilespmem:v4+s10+$0x0] =	vst.idx.msk $0xffff, v0  }
0x150: {  	v4 =	vld [tilespmem:$0x44];
	_ =	sdelay $0x4  }
0x151: {  	v5 =	vshll.u32 v4, $0x3  }
0x152: {  	v4 =	vand.u32 $0x7F, v4;
	v5 =	vand.u32 $0xFFFFFC00, v5  }
0x153: {  	v4 =	vor.u32 v4, v5  }
0x154: {  	v4 =	vadd.s32 v3, v4;
	_ =	sdelay $0x4  }
0x155: {  	[tilespmem:v4+s10+$0x0] =	vst.idx.msk $0x3ff, v0  }
0x156: {  	v4 =	vld [tilespmem:$0x82];
	_ =	sdelay $0x4  }
0x157: {  	v5 =	vshll.u32 v4, $0x3  }
0x158: {  	v4 =	vand.u32 $0x7F, v4;
	v5 =	vand.u32 $0xFFFFFC00, v5  }
0x159: {  	v4 =	vor.u32 v4, v5  }
0x15a: {  	v4 =	vadd.s32 v1, v4;
	_ =	sdelay $0x4  }
0x15b: {  	[tilespmem:v4+s10+$0x0] =	vst.idx.msk $0xffff, v2  }
0x15c: {  	v4 =	vld [tilespmem:$0x92];
	_ =	sdelay $0x4  }
0x15d: {  	v5 =	vshll.u32 v4, $0x3  }
0x15e: {  	v4 =	vand.u32 $0x7F, v4;
	v5 =	vand.u32 $0xFFFFFC00, v5  }
0x15f: {  	v4 =	vor.u32 v4, v5  }
0x160: {  	v4 =	vadd.s32 v3, v4;
	_ =	sdelay $0x4  }
0x161: {  	s20 =	rddreg [dreg:$0x9];
	[tilespmem:v4+s10+$0x0] =	vst.idx.msk $0x3ff, v2  }
0x162: {  	[hbm4b:s20+s2] =	stream.linear.scatter [tilespmem:s10], [sflag:$0x3], $0x8000, $0x38;
	[tilespmem:$0x18380] =	vst v63  }
0x163: {  	_ =	swait.ge [sflag:s11], $0x8000  }
0x164: {  	[sflag:s11] =	ssyncset.done $0x0  }
0x165: {  	[sflag:s11] =	ssyncadd.s32 $0xFFFF8000  }
0x166: {  	v4 =	vld [tilespmem:$0x4E];
	_ =	sdelay $0x4  }
0x167: {  	v5 =	vshll.u32 v4, $0x3  }
0x168: {  	v4 =	vand.u32 $0x7F, v4;
	v5 =	vand.u32 $0xFFFFFC00, v5  }
0x169: {  	v4 =	vor.u32 v4, v5  }
0x16a: {  	v4 =	vadd.s32 v1, v4;
	_ =	sdelay $0x4  }
0x16b: {  	[tilespmem:v4+s8+$0x0] =	vst.idx.msk $0xffff, v0  }
0x16c: {  	v4 =	vld [tilespmem:$0x5E];
	_ =	sdelay $0x4  }
0x16d: {  	v5 =	vshll.u32 v4, $0x3  }
0x16e: {  	v4 =	vand.u32 $0x7F, v4;
	v5 =	vand.u32 $0xFFFFFC00, v5  }
0x16f: {  	v4 =	vor.u32 v4, v5  }
0x170: {  	v4 =	vadd.s32 v3, v4;
	_ =	sdelay $0x4  }
0x171: {  	[tilespmem:v4+s8+$0x0] =	vst.idx.msk $0x3ff, v0  }
0x172: {  	v4 =	vld [tilespmem:$0x9C];
	_ =	sdelay $0x4  }
0x173: {  	v5 =	vshll.u32 v4, $0x3  }
0x174: {  	v4 =	vand.u32 $0x7F, v4;
	v5 =	vand.u32 $0xFFFFFC00, v5  }
0x175: {  	v4 =	vor.u32 v4, v5  }
0x176: {  	v4 =	vadd.s32 v1, v4;
	_ =	sdelay $0x4  }
0x177: {  	[tilespmem:v4+s8+$0x0] =	vst.idx.msk $0xffff, v2  }
0x178: {  	v4 =	vld [tilespmem:$0xAC];
	_ =	sdelay $0x4  }
0x179: {  	v5 =	vshll.u32 v4, $0x3  }
0x17a: {  	v4 =	vand.u32 $0x7F, v4;
	v5 =	vand.u32 $0xFFFFFC00, v5  }
0x17b: {  	v4 =	vor.u32 v4, v5  }
0x17c: {  	v4 =	vadd.s32 v3, v4;
	_ =	sdelay $0x4  }
0x17d: {  	s21 =	rddreg [dreg:$0xa];
	[tilespmem:v4+s8+$0x0] =	vst.idx.msk $0x3ff, v2  }
0x17e: {  	[hbm4b:s21+s2] =	stream.linear.scatter [tilespmem:s8], [sflag:$0x1], $0x8000, $0x38;
	[tilespmem:$0x18380] =	vst v63  }
0x17f: {  	_ =	swait.ge [sflag:s12], $0x8000  }
0x180: {  	[sflag:s12] =	ssyncset.done $0x0  }
0x181: {  	[sflag:s12] =	ssyncadd.s32 $0xFFFF8000  }
0x182: {  	v4 =	vld [tilespmem:$0x68];
	_ =	sdelay $0x4  }
0x183: {  	v5 =	vshll.u32 v4, $0x3  }
0x184: {  	v4 =	vand.u32 $0x7F, v4;
	v5 =	vand.u32 $0xFFFFFC00, v5  }
0x185: {  	v4 =	vor.u32 v4, v5  }
0x186: {  	v4 =	vadd.s32 v1, v4;
	_ =	sdelay $0x4  }
0x187: {  	[tilespmem:v4+s9+$0x0] =	vst.idx.msk $0xffff, v0  }
0x188: {  	v4 =	vld [tilespmem:$0x78];
	_ =	sdelay $0x4  }
0x189: {  	v5 =	vshll.u32 v4, $0x3  }
0x18a: {  	v4 =	vand.u32 $0x7F, v4;
	v5 =	vand.u32 $0xFFFFFC00, v5  }
0x18b: {  	v4 =	vor.u32 v4, v5  }
0x18c: {  	v4 =	vadd.s32 v3, v4;
	_ =	sdelay $0x4  }
0x18d: {  	[tilespmem:v4+s9+$0x0] =	vst.idx.msk $0x3ff, v0  }
0x18e: {  	v4 =	vld [tilespmem:$0xB6];
	_ =	sdelay $0x4  }
0x18f: {  	v5 =	vshll.u32 v4, $0x3  }
0x190: {  	v4 =	vand.u32 $0x7F, v4;
	v5 =	vand.u32 $0xFFFFFC00, v5  }
0x191: {  	v4 =	vor.u32 v4, v5  }
0x192: {  	v4 =	vadd.s32 v1, v4;
	_ =	sdelay $0x4  }
0x193: {  	[tilespmem:v4+s9+$0x0] =	vst.idx.msk $0xffff, v2  }
0x194: {  	v4 =	vld [tilespmem:$0xC6];
	_ =	sdelay $0x4  }
0x195: {  	v5 =	vshll.u32 v4, $0x3  }
0x196: {  	v4 =	vand.u32 $0x7F, v4;
	v5 =	vand.u32 $0xFFFFFC00, v5  }
0x197: {  	v4 =	vor.u32 v4, v5  }
0x198: {  	v4 =	vadd.s32 v3, v4;
	_ =	sdelay $0x4  }
0x199: {  	s22 =	rddreg [dreg:$0xb];
	[tilespmem:v4+s9+$0x0] =	vst.idx.msk $0x3ff, v2  }
0x19a: {  	[hbm4b:s22+s2] =	stream.linear.scatter [tilespmem:s9], [sflag:$0x2], $0x8000, $0x38;
	[tilespmem:$0x18380] =	vst v63  }
0x19b: {  	_ =	swait.ge [sflag:s13], $0x8000  }
0x19c: {  	[sflag:s13] =	ssyncset.done $0x0  }
0x19d: {  	[sflag:s13] =	ssyncadd.s32 $0xFFFF8000  }
0x19e: {  	v4 =	vld [tilespmem:$0x82];
	_ =	sdelay $0x4  }
0x19f: {  	v5 =	vshll.u32 v4, $0x3  }
0x1a0: {  	v4 =	vand.u32 $0x7F, v4;
	v5 =	vand.u32 $0xFFFFFC00, v5  }
0x1a1: {  	v4 =	vor.u32 v4, v5  }
0x1a2: {  	v4 =	vadd.s32 v1, v4;
	_ =	sdelay $0x4  }
0x1a3: {  	[tilespmem:v4+s10+$0x0] =	vst.idx.msk $0xffff, v0  }
0x1a4: {  	v4 =	vld [tilespmem:$0x92];
	_ =	sdelay $0x4  }
0x1a5: {  	v5 =	vshll.u32 v4, $0x3  }
0x1a6: {  	v4 =	vand.u32 $0x7F, v4;
	v5 =	vand.u32 $0xFFFFFC00, v5  }
0x1a7: {  	v4 =	vor.u32 v4, v5  }
0x1a8: {  	v4 =	vadd.s32 v3, v4;
	_ =	sdelay $0x4  }
0x1a9: {  	[tilespmem:v4+s10+$0x0] =	vst.idx.msk $0x3ff, v0  }
0x1aa: {  	v4 =	vld [tilespmem:$0xD0];
	_ =	sdelay $0x4  }
0x1ab: {  	v5 =	vshll.u32 v4, $0x3  }
0x1ac: {  	v4 =	vand.u32 $0x7F, v4;
	v5 =	vand.u32 $0xFFFFFC00, v5  }
0x1ad: {  	v4 =	vor.u32 v4, v5  }
0x1ae: {  	v4 =	vadd.s32 v1, v4;
	_ =	sdelay $0x4  }
0x1af: {  	[tilespmem:v4+s10+$0x0] =	vst.idx.msk $0xffff, v2  }
0x1b0: {  	v4 =	vld [tilespmem:$0xE0];
	_ =	sdelay $0x4  }
0x1b1: {  	v5 =	vshll.u32 v4, $0x3  }
0x1b2: {  	v4 =	vand.u32 $0x7F, v4;
	v5 =	vand.u32 $0xFFFFFC00, v5  }
0x1b3: {  	v4 =	vor.u32 v4, v5  }
0x1b4: {  	v4 =	vadd.s32 v3, v4;
	_ =	sdelay $0x4  }
0x1b5: {  	s23 =	rddreg [dreg:$0xc];
	[tilespmem:v4+s10+$0x0] =	vst.idx.msk $0x3ff, v2  }
0x1b6: {  	[hbm4b:s23+s2] =	stream.linear.scatter [tilespmem:s10], [sflag:$0x3], $0x8000, $0x38;
	[tilespmem:$0x18380] =	vst v63  }
0x1b7: {  	_ =	swait.ge [sflag:s11], $0x8000  }
0x1b8: {  	[sflag:s11] =	ssyncset.done $0x0  }
0x1b9: {  	[sflag:s11] =	ssyncadd.s32 $0xFFFF8000  }
0x1ba: {  	v4 =	vld [tilespmem:$0x9C];
	_ =	sdelay $0x4  }
0x1bb: {  	v5 =	vshll.u32 v4, $0x3  }
0x1bc: {  	v4 =	vand.u32 $0x7F, v4;
	v5 =	vand.u32 $0xFFFFFC00, v5  }
0x1bd: {  	v4 =	vor.u32 v4, v5  }
0x1be: {  	v4 =	vadd.s32 v1, v4;
	_ =	sdelay $0x4  }
0x1bf: {  	[tilespmem:v4+s8+$0x0] =	vst.idx.msk $0xffff, v0  }
0x1c0: {  	v4 =	vld [tilespmem:$0xAC];
	_ =	sdelay $0x4  }
0x1c1: {  	v5 =	vshll.u32 v4, $0x3  }
0x1c2: {  	v4 =	vand.u32 $0x7F, v4;
	v5 =	vand.u32 $0xFFFFFC00, v5  }
0x1c3: {  	v4 =	vor.u32 v4, v5  }
0x1c4: {  	v4 =	vadd.s32 v3, v4;
	_ =	sdelay $0x4  }
0x1c5: {  	[tilespmem:v4+s8+$0x0] =	vst.idx.msk $0x3ff, v0  }
0x1c6: {  	v4 =	vld [tilespmem:$0xEA];
	_ =	sdelay $0x4  }
0x1c7: {  	v5 =	vshll.u32 v4, $0x3  }
0x1c8: {  	v4 =	vand.u32 $0x7F, v4;
	v5 =	vand.u32 $0xFFFFFC00, v5  }
0x1c9: {  	v4 =	vor.u32 v4, v5  }
0x1ca: {  	v4 =	vadd.s32 v1, v4;
	_ =	sdelay $0x4  }
0x1cb: {  	[tilespmem:v4+s8+$0x0] =	vst.idx.msk $0xffff, v2  }
0x1cc: {  	v4 =	vld [tilespmem:$0xFA];
	_ =	sdelay $0x4  }
0x1cd: {  	v5 =	vshll.u32 v4, $0x3  }
0x1ce: {  	v4 =	vand.u32 $0x7F, v4;
	v5 =	vand.u32 $0xFFFFFC00, v5  }
0x1cf: {  	v4 =	vor.u32 v4, v5  }
0x1d0: {  	v4 =	vadd.s32 v3, v4;
	_ =	sdelay $0x4  }
0x1d1: {  	s24 =	rddreg [dreg:$0xd];
	[tilespmem:v4+s8+$0x0] =	vst.idx.msk $0x3ff, v2  }
0x1d2: {  	[hbm4b:s24+s2] =	stream.linear.scatter [tilespmem:s8], [sflag:$0x1], $0x8000, $0x38;
	[tilespmem:$0x18380] =	vst v63  }
0x1d3: {  	_ =	swait.ge [sflag:s12], $0x8000  }
0x1d4: {  	[sflag:s12] =	ssyncset.done $0x0  }
0x1d5: {  	[sflag:s12] =	ssyncadd.s32 $0xFFFF8000  }
0x1d6: {  	v4 =	vld [tilespmem:$0xB6];
	_ =	sdelay $0x4  }
0x1d7: {  	v5 =	vshll.u32 v4, $0x3  }
0x1d8: {  	v4 =	vand.u32 $0x7F, v4;
	v5 =	vand.u32 $0xFFFFFC00, v5  }
0x1d9: {  	v4 =	vor.u32 v4, v5  }
0x1da: {  	v4 =	vadd.s32 v1, v4;
	_ =	sdelay $0x4  }
0x1db: {  	[tilespmem:v4+s9+$0x0] =	vst.idx.msk $0xffff, v0  }
0x1dc: {  	v4 =	vld [tilespmem:$0xC6];
	_ =	sdelay $0x4  }
0x1dd: {  	v5 =	vshll.u32 v4, $0x3  }
0x1de: {  	v4 =	vand.u32 $0x7F, v4;
	v5 =	vand.u32 $0xFFFFFC00, v5  }
0x1df: {  	v4 =	vor.u32 v4, v5  }
0x1e0: {  	v4 =	vadd.s32 v3, v4;
	_ =	sdelay $0x4  }
0x1e1: {  	[tilespmem:v4+s9+$0x0] =	vst.idx.msk $0x3ff, v0  }
0x1e2: {  	v4 =	vld [tilespmem:$0x104];
	_ =	sdelay $0x4  }
0x1e3: {  	v5 =	vshll.u32 v4, $0x3  }
0x1e4: {  	v4 =	vand.u32 $0x7F, v4;
	v5 =	vand.u32 $0xFFFFFC00, v5  }
0x1e5: {  	v4 =	vor.u32 v4, v5  }
0x1e6: {  	v4 =	vadd.s32 v1, v4;
	_ =	sdelay $0x4  }
0x1e7: {  	[tilespmem:v4+s9+$0x0] =	vst.idx.msk $0xffff, v2  }
0x1e8: {  	v4 =	vld [tilespmem:$0x114];
	_ =	sdelay $0x4  }
0x1e9: {  	v5 =	vshll.u32 v4, $0x3  }
0x1ea: {  	v4 =	vand.u32 $0x7F, v4;
	v5 =	vand.u32 $0xFFFFFC00, v5  }
0x1eb: {  	v4 =	vor.u32 v4, v5  }
0x1ec: {  	v4 =	vadd.s32 v3, v4;
	_ =	sdelay $0x4  }
0x1ed: {  	s25 =	rddreg [dreg:$0xe];
	[tilespmem:v4+s9+$0x0] =	vst.idx.msk $0x3ff, v2  }
0x1ee: {  	[hbm4b:s25+s2] =	stream.linear.scatter [tilespmem:s9], [sflag:$0x2], $0x8000, $0x38;
	[tilespmem:$0x18380] =	vst v63  }
0x1ef: {  	_ =	swait.ge [sflag:s13], $0x8000  }
0x1f0: {  	[sflag:s13] =	ssyncset.done $0x0  }
0x1f1: {  	[sflag:s13] =	ssyncadd.s32 $0xFFFF8000  }
0x1f2: {  	v4 =	vld [tilespmem:$0xD0];
	_ =	sdelay $0x4  }
0x1f3: {  	v5 =	vshll.u32 v4, $0x3  }
0x1f4: {  	v4 =	vand.u32 $0x7F, v4;
	v5 =	vand.u32 $0xFFFFFC00, v5  }
0x1f5: {  	v4 =	vor.u32 v4, v5  }
0x1f6: {  	v4 =	vadd.s32 v1, v4;
	_ =	sdelay $0x4  }
0x1f7: {  	[tilespmem:v4+s10+$0x0] =	vst.idx.msk $0xffff, v0  }
0x1f8: {  	v4 =	vld [tilespmem:$0xE0];
	_ =	sdelay $0x4  }
0x1f9: {  	v5 =	vshll.u32 v4, $0x3  }
0x1fa: {  	v4 =	vand.u32 $0x7F, v4;
	v5 =	vand.u32 $0xFFFFFC00, v5  }
0x1fb: {  	v4 =	vor.u32 v4, v5  }
0x1fc: {  	v4 =	vadd.s32 v3, v4;
	_ =	sdelay $0x4  }
0x1fd: {  	[tilespmem:v4+s10+$0x0] =	vst.idx.msk $0x3ff, v0  }
0x1fe: {  	v4 =	vld [tilespmem:$0x11E];
	_ =	sdelay $0x4  }
0x1ff: {  	v5 =	vshll.u32 v4, $0x3  }
0x200: {  	v4 =	vand.u32 $0x7F, v4;
	v5 =	vand.u32 $0xFFFFFC00, v5  }
0x201: {  	v4 =	vor.u32 v4, v5  }
0x202: {  	v4 =	vadd.s32 v1, v4;
	_ =	sdelay $0x4  }
0x203: {  	[tilespmem:v4+s10+$0x0] =	vst.idx.msk $0xffff, v2  }
0x204: {  	v4 =	vld [tilespmem:$0x12E];
	_ =	sdelay $0x4  }
0x205: {  	v5 =	vshll.u32 v4, $0x3  }
0x206: {  	v4 =	vand.u32 $0x7F, v4;
	v5 =	vand.u32 $0xFFFFFC00, v5  }
0x207: {  	v4 =	vor.u32 v4, v5  }
0x208: {  	v4 =	vadd.s32 v3, v4;
	_ =	sdelay $0x4  }
0x209: {  	s26 =	rddreg [dreg:$0xf];
	[tilespmem:v4+s10+$0x0] =	vst.idx.msk $0x3ff, v2  }
0x20a: {  	[hbm4b:s26+s2] =	stream.linear.scatter [tilespmem:s10], [sflag:$0x3], $0x8000, $0x38;
	[tilespmem:$0x18380] =	vst v63  }
0x20b: {  	_ =	swait.ge [sflag:s11], $0x8000  }
0x20c: {  	[sflag:s11] =	ssyncset.done $0x0  }
0x20d: {  	[sflag:s11] =	ssyncadd.s32 $0xFFFF8000  }
0x20e: {  	v4 =	vld [tilespmem:$0xEA];
	_ =	sdelay $0x4  }
0x20f: {  	v5 =	vshll.u32 v4, $0x3  }
0x210: {  	v4 =	vand.u32 $0x7F, v4;
	v5 =	vand.u32 $0xFFFFFC00, v5  }
0x211: {  	v4 =	vor.u32 v4, v5  }
0x212: {  	v4 =	vadd.s32 v1, v4;
	_ =	sdelay $0x4  }
0x213: {  	[tilespmem:v4+s8+$0x0] =	vst.idx.msk $0xffff, v0  }
0x214: {  	v4 =	vld [tilespmem:$0xFA];
	_ =	sdelay $0x4  }
0x215: {  	v5 =	vshll.u32 v4, $0x3  }
0x216: {  	v4 =	vand.u32 $0x7F, v4;
	v5 =	vand.u32 $0xFFFFFC00, v5  }
0x217: {  	v4 =	vor.u32 v4, v5  }
0x218: {  	v4 =	vadd.s32 v3, v4;
	_ =	sdelay $0x4  }
0x219: {  	[tilespmem:v4+s8+$0x0] =	vst.idx.msk $0x3ff, v0  }
0x21a: {  	v4 =	vld [tilespmem:$0x138];
	_ =	sdelay $0x4  }
0x21b: {  	v5 =	vshll.u32 v4, $0x3  }
0x21c: {  	v4 =	vand.u32 $0x7F, v4;
	v5 =	vand.u32 $0xFFFFFC00, v5  }
0x21d: {  	v4 =	vor.u32 v4, v5  }
0x21e: {  	v4 =	vadd.s32 v1, v4;
	_ =	sdelay $0x4  }
0x21f: {  	[tilespmem:v4+s8+$0x0] =	vst.idx.msk $0xffff, v2  }
0x220: {  	v4 =	vld [tilespmem:$0x148];
	_ =	sdelay $0x4  }
0x221: {  	v5 =	vshll.u32 v4, $0x3  }
0x222: {  	v4 =	vand.u32 $0x7F, v4;
	v5 =	vand.u32 $0xFFFFFC00, v5  }
0x223: {  	v4 =	vor.u32 v4, v5  }
0x224: {  	v4 =	vadd.s32 v3, v4;
	_ =	sdelay $0x4  }
0x225: {  	s16 =	rddreg [dreg:$0x10];
	[tilespmem:v4+s8+$0x0] =	vst.idx.msk $0x3ff, v2  }
0x226: {  	[hbm4b:s16+s2] =	stream.linear.scatter [tilespmem:s8], [sflag:$0x1], $0x8000, $0x38;
	[tilespmem:$0x18380] =	vst v63  }
0x227: {  	_ =	swait.ge [sflag:s12], $0x8000  }
0x228: {  	[sflag:s12] =	ssyncset.done $0x0  }
0x229: {  	[sflag:s12] =	ssyncadd.s32 $0xFFFF8000  }
0x22a: {  	v4 =	vld [tilespmem:$0x104];
	_ =	sdelay $0x4  }
0x22b: {  	v5 =	vshll.u32 v4, $0x3  }
0x22c: {  	v4 =	vand.u32 $0x7F, v4;
	v5 =	vand.u32 $0xFFFFFC00, v5  }
0x22d: {  	v4 =	vor.u32 v4, v5  }
0x22e: {  	v4 =	vadd.s32 v1, v4;
	_ =	sdelay $0x4  }
0x22f: {  	[tilespmem:v4+s9+$0x0] =	vst.idx.msk $0xffff, v0  }
0x230: {  	v4 =	vld [tilespmem:$0x114];
	_ =	sdelay $0x4  }
0x231: {  	v5 =	vshll.u32 v4, $0x3  }
0x232: {  	v4 =	vand.u32 $0x7F, v4;
	v5 =	vand.u32 $0xFFFFFC00, v5  }
0x233: {  	v4 =	vor.u32 v4, v5  }
0x234: {  	v4 =	vadd.s32 v3, v4;
	_ =	sdelay $0x4  }
0x235: {  	[tilespmem:v4+s9+$0x0] =	vst.idx.msk $0x3ff, v0  }
0x236: {  	v4 =	vld [tilespmem:$0x152];
	_ =	sdelay $0x4  }
0x237: {  	v5 =	vshll.u32 v4, $0x3  }
0x238: {  	v4 =	vand.u32 $0x7F, v4;
	v5 =	vand.u32 $0xFFFFFC00, v5  }
0x239: {  	v4 =	vor.u32 v4, v5  }
0x23a: {  	v4 =	vadd.s32 v1, v4;
	_ =	sdelay $0x4  }
0x23b: {  	[tilespmem:v4+s9+$0x0] =	vst.idx.msk $0xffff, v2  }
0x23c: {  	v4 =	vld [tilespmem:$0x162];
	_ =	sdelay $0x4  }
0x23d: {  	v5 =	vshll.u32 v4, $0x3  }
0x23e: {  	v4 =	vand.u32 $0x7F, v4;
	v5 =	vand.u32 $0xFFFFFC00, v5  }
0x23f: {  	v4 =	vor.u32 v4, v5  }
0x240: {  	v4 =	vadd.s32 v3, v4;
	_ =	sdelay $0x4  }
0x241: {  	s17 =	rddreg [dreg:$0x11];
	[tilespmem:v4+s9+$0x0] =	vst.idx.msk $0x3ff, v2  }
0x242: {  	[hbm4b:s17+s2] =	stream.linear.scatter [tilespmem:s9], [sflag:$0x2], $0x8000, $0x38;
	[tilespmem:$0x18380] =	vst v63  }
0x243: {  	_ =	swait.ge [sflag:s13], $0x8000  }
0x244: {  	[sflag:s13] =	ssyncset.done $0x0  }
0x245: {  	[sflag:s13] =	ssyncadd.s32 $0xFFFF8000  }
0x246: {  	v4 =	vld [tilespmem:$0x11E];
	_ =	sdelay $0x4  }
0x247: {  	v5 =	vshll.u32 v4, $0x3  }
0x248: {  	v4 =	vand.u32 $0x7F, v4;
	v5 =	vand.u32 $0xFFFFFC00, v5  }
0x249: {  	v4 =	vor.u32 v4, v5  }
0x24a: {  	v4 =	vadd.s32 v1, v4;
	_ =	sdelay $0x4  }
0x24b: {  	[tilespmem:v4+s10+$0x0] =	vst.idx.msk $0xffff, v0  }
0x24c: {  	v4 =	vld [tilespmem:$0x12E];
	_ =	sdelay $0x4  }
0x24d: {  	v5 =	vshll.u32 v4, $0x3  }
0x24e: {  	v4 =	vand.u32 $0x7F, v4;
	v5 =	vand.u32 $0xFFFFFC00, v5  }
0x24f: {  	v4 =	vor.u32 v4, v5  }
0x250: {  	v4 =	vadd.s32 v3, v4;
	_ =	sdelay $0x4  }
0x251: {  	[tilespmem:v4+s10+$0x0] =	vst.idx.msk $0x3ff, v0  }
0x252: {  	v4 =	vld [tilespmem:$0x16C];
	_ =	sdelay $0x4  }
0x253: {  	v5 =	vshll.u32 v4, $0x3  }
0x254: {  	v4 =	vand.u32 $0x7F, v4;
	v5 =	vand.u32 $0xFFFFFC00, v5  }
0x255: {  	v4 =	vor.u32 v4, v5  }
0x256: {  	v4 =	vadd.s32 v1, v4;
	_ =	sdelay $0x4  }
0x257: {  	[tilespmem:v4+s10+$0x0] =	vst.idx.msk $0xffff, v2  }
0x258: {  	v4 =	vld [tilespmem:$0x17C];
	_ =	sdelay $0x4  }
0x259: {  	v5 =	vshll.u32 v4, $0x3  }
0x25a: {  	v4 =	vand.u32 $0x7F, v4;
	v5 =	vand.u32 $0xFFFFFC00, v5  }
0x25b: {  	v4 =	vor.u32 v4, v5  }
0x25c: {  	v4 =	vadd.s32 v3, v4;
	_ =	sdelay $0x4  }
0x25d: {  	s18 =	rddreg [dreg:$0x12];
	[tilespmem:v4+s10+$0x0] =	vst.idx.msk $0x3ff, v2  }
0x25e: {  	[hbm4b:s18+s2] =	stream.linear.scatter [tilespmem:s10], [sflag:$0x3], $0x8000, $0x38;
	[tilespmem:$0x18380] =	vst v63  }
0x25f: {  	_ =	swait.ge [sflag:s11], $0x8000  }
0x260: {  	[sflag:s11] =	ssyncset.done $0x0  }
0x261: {  	[sflag:s11] =	ssyncadd.s32 $0xFFFF8000  }
0x262: {  	v4 =	vld [tilespmem:$0x138];
	_ =	sdelay $0x4  }
0x263: {  	v5 =	vshll.u32 v4, $0x3  }
0x264: {  	v4 =	vand.u32 $0x7F, v4;
	v5 =	vand.u32 $0xFFFFFC00, v5  }
0x265: {  	v4 =	vor.u32 v4, v5  }
0x266: {  	v4 =	vadd.s32 v1, v4;
	_ =	sdelay $0x4  }
0x267: {  	[tilespmem:v4+s8+$0x0] =	vst.idx.msk $0xffff, v0  }
0x268: {  	v4 =	vld [tilespmem:$0x148];
	_ =	sdelay $0x4  }
0x269: {  	v5 =	vshll.u32 v4, $0x3  }
0x26a: {  	v4 =	vand.u32 $0x7F, v4;
	v5 =	vand.u32 $0xFFFFFC00, v5  }
0x26b: {  	v4 =	vor.u32 v4, v5  }
0x26c: {  	v4 =	vadd.s32 v3, v4;
	_ =	sdelay $0x4  }
0x26d: {  	[tilespmem:v4+s8+$0x0] =	vst.idx.msk $0x3ff, v0  }
0x26e: {  	v4 =	vld [tilespmem:$0x186];
	_ =	sdelay $0x4  }
0x26f: {  	v5 =	vshll.u32 v4, $0x3  }
0x270: {  	v4 =	vand.u32 $0x7F, v4;
	v5 =	vand.u32 $0xFFFFFC00, v5  }
0x271: {  	v4 =	vor.u32 v4, v5  }
0x272: {  	v4 =	vadd.s32 v1, v4;
	_ =	sdelay $0x4  }
0x273: {  	[tilespmem:v4+s8+$0x0] =	vst.idx.msk $0xffff, v2  }
0x274: {  	v4 =	vld [tilespmem:$0x196];
	_ =	sdelay $0x4  }
0x275: {  	v5 =	vshll.u32 v4, $0x3  }
0x276: {  	v4 =	vand.u32 $0x7F, v4;
	v5 =	vand.u32 $0xFFFFFC00, v5  }
0x277: {  	v4 =	vor.u32 v4, v5  }
0x278: {  	v4 =	vadd.s32 v3, v4;
	_ =	sdelay $0x4  }
0x279: {  	s19 =	rddreg [dreg:$0x13];
	[tilespmem:v4+s8+$0x0] =	vst.idx.msk $0x3ff, v2  }
0x27a: {  	[hbm4b:s19+s2] =	stream.linear.scatter [tilespmem:s8], [sflag:$0x1], $0x8000, $0x38;
	[tilespmem:$0x18380] =	vst v63  }
0x27b: {  	_ =	swait.ge [sflag:s12], $0x8000  }
0x27c: {  	[sflag:s12] =	ssyncset.done $0x0  }
0x27d: {  	[sflag:s12] =	ssyncadd.s32 $0xFFFF8000  }
0x27e: {  	v4 =	vld [tilespmem:$0x152];
	_ =	sdelay $0x4  }
0x27f: {  	v5 =	vshll.u32 v4, $0x3  }
0x280: {  	v4 =	vand.u32 $0x7F, v4;
	v5 =	vand.u32 $0xFFFFFC00, v5  }
0x281: {  	v4 =	vor.u32 v4, v5  }
0x282: {  	v4 =	vadd.s32 v1, v4;
	_ =	sdelay $0x4  }
0x283: {  	[tilespmem:v4+s9+$0x0] =	vst.idx.msk $0xffff, v0  }
0x284: {  	v4 =	vld [tilespmem:$0x162];
	_ =	sdelay $0x4  }
0x285: {  	v5 =	vshll.u32 v4, $0x3  }
0x286: {  	v4 =	vand.u32 $0x7F, v4;
	v5 =	vand.u32 $0xFFFFFC00, v5  }
0x287: {  	v4 =	vor.u32 v4, v5  }
0x288: {  	v4 =	vadd.s32 v3, v4;
	_ =	sdelay $0x4  }
0x289: {  	[tilespmem:v4+s9+$0x0] =	vst.idx.msk $0x3ff, v0  }
0x28a: {  	v4 =	vld [tilespmem:$0x1A0];
	_ =	sdelay $0x4  }
0x28b: {  	v5 =	vshll.u32 v4, $0x3  }
0x28c: {  	v4 =	vand.u32 $0x7F, v4;
	v5 =	vand.u32 $0xFFFFFC00, v5  }
0x28d: {  	v4 =	vor.u32 v4, v5  }
0x28e: {  	v4 =	vadd.s32 v1, v4;
	_ =	sdelay $0x4  }
0x28f: {  	[tilespmem:v4+s9+$0x0] =	vst.idx.msk $0xffff, v2  }
0x290: {  	v4 =	vld [tilespmem:$0x1B0];
	_ =	sdelay $0x4  }
0x291: {  	v5 =	vshll.u32 v4, $0x3  }
0x292: {  	v4 =	vand.u32 $0x7F, v4;
	v5 =	vand.u32 $0xFFFFFC00, v5  }
0x293: {  	v4 =	vor.u32 v4, v5  }
0x294: {  	v4 =	vadd.s32 v3, v4;
	_ =	sdelay $0x4  }
0x295: {  	s20 =	rddreg [dreg:$0x14];
	[tilespmem:v4+s9+$0x0] =	vst.idx.msk $0x3ff, v2  }
0x296: {  	[hbm4b:s20+s2] =	stream.linear.scatter [tilespmem:s9], [sflag:$0x2], $0x8000, $0x38;
	[tilespmem:$0x18380] =	vst v63  }
0x297: {  	_ =	swait.ge [sflag:s13], $0x8000  }
0x298: {  	[sflag:s13] =	ssyncset.done $0x0  }
0x299: {  	[sflag:s13] =	ssyncadd.s32 $0xFFFF8000  }
0x29a: {  	v4 =	vld [tilespmem:$0x16C];
	_ =	sdelay $0x4  }
0x29b: {  	v5 =	vshll.u32 v4, $0x3  }
0x29c: {  	v4 =	vand.u32 $0x7F, v4;
	v5 =	vand.u32 $0xFFFFFC00, v5  }
0x29d: {  	v4 =	vor.u32 v4, v5  }
0x29e: {  	v4 =	vadd.s32 v1, v4;
	_ =	sdelay $0x4  }
0x29f: {  	[tilespmem:v4+s10+$0x0] =	vst.idx.msk $0xffff, v0  }
0x2a0: {  	v4 =	vld [tilespmem:$0x17C];
	_ =	sdelay $0x4  }
0x2a1: {  	v5 =	vshll.u32 v4, $0x3  }
0x2a2: {  	v4 =	vand.u32 $0x7F, v4;
	v5 =	vand.u32 $0xFFFFFC00, v5  }
0x2a3: {  	v4 =	vor.u32 v4, v5  }
0x2a4: {  	v4 =	vadd.s32 v3, v4;
	_ =	sdelay $0x4  }
0x2a5: {  	[tilespmem:v4+s10+$0x0] =	vst.idx.msk $0x3ff, v0  }
0x2a6: {  	v4 =	vld [tilespmem:$0x1BA];
	_ =	sdelay $0x4  }
0x2a7: {  	v5 =	vshll.u32 v4, $0x3  }
0x2a8: {  	v4 =	vand.u32 $0x7F, v4;
	v5 =	vand.u32 $0xFFFFFC00, v5  }
0x2a9: {  	v4 =	vor.u32 v4, v5  }
0x2aa: {  	v4 =	vadd.s32 v1, v4;
	_ =	sdelay $0x4  }
0x2ab: {  	[tilespmem:v4+s10+$0x0] =	vst.idx.msk $0xffff, v2  }
0x2ac: {  	v4 =	vld [tilespmem:$0x1CA];
	_ =	sdelay $0x4  }
0x2ad: {  	v5 =	vshll.u32 v4, $0x3  }
0x2ae: {  	v4 =	vand.u32 $0x7F, v4;
	v5 =	vand.u32 $0xFFFFFC00, v5  }
0x2af: {  	v4 =	vor.u32 v4, v5  }
0x2b0: {  	v4 =	vadd.s32 v3, v4;
	_ =	sdelay $0x4  }
0x2b1: {  	s21 =	rddreg [dreg:$0x15];
	[tilespmem:v4+s10+$0x0] =	vst.idx.msk $0x3ff, v2  }
0x2b2: {  	[hbm4b:s21+s2] =	stream.linear.scatter [tilespmem:s10], [sflag:$0x3], $0x8000, $0x38;
	[tilespmem:$0x18380] =	vst v63  }
0x2b3: {  	_ =	swait.ge [sflag:s11], $0x8000  }
0x2b4: {  	[sflag:s11] =	ssyncset.done $0x0  }
0x2b5: {  	[sflag:s11] =	ssyncadd.s32 $0xFFFF8000  }
0x2b6: {  	v4 =	vld [tilespmem:$0x186];
	_ =	sdelay $0x4  }
0x2b7: {  	v5 =	vshll.u32 v4, $0x3  }
0x2b8: {  	v4 =	vand.u32 $0x7F, v4;
	v5 =	vand.u32 $0xFFFFFC00, v5  }
0x2b9: {  	v4 =	vor.u32 v4, v5  }
0x2ba: {  	v4 =	vadd.s32 v1, v4;
	_ =	sdelay $0x4  }
0x2bb: {  	[tilespmem:v4+s8+$0x0] =	vst.idx.msk $0xffff, v0  }
0x2bc: {  	v4 =	vld [tilespmem:$0x196];
	_ =	sdelay $0x4  }
0x2bd: {  	v5 =	vshll.u32 v4, $0x3  }
0x2be: {  	v4 =	vand.u32 $0x7F, v4;
	v5 =	vand.u32 $0xFFFFFC00, v5  }
0x2bf: {  	v4 =	vor.u32 v4, v5  }
0x2c0: {  	v4 =	vadd.s32 v3, v4;
	_ =	sdelay $0x4  }
0x2c1: {  	[tilespmem:v4+s8+$0x0] =	vst.idx.msk $0x3ff, v0  }
0x2c2: {  	v4 =	vld [tilespmem:$0x1D4];
	_ =	sdelay $0x4  }
0x2c3: {  	v5 =	vshll.u32 v4, $0x3  }
0x2c4: {  	v4 =	vand.u32 $0x7F, v4;
	v5 =	vand.u32 $0xFFFFFC00, v5  }
0x2c5: {  	v4 =	vor.u32 v4, v5  }
0x2c6: {  	v4 =	vadd.s32 v1, v4;
	_ =	sdelay $0x4  }
0x2c7: {  	[tilespmem:v4+s8+$0x0] =	vst.idx.msk $0xffff, v2  }
0x2c8: {  	v4 =	vld [tilespmem:$0x1E4];
	_ =	sdelay $0x4  }
0x2c9: {  	v5 =	vshll.u32 v4, $0x3  }
0x2ca: {  	v4 =	vand.u32 $0x7F, v4;
	v5 =	vand.u32 $0xFFFFFC00, v5  }
0x2cb: {  	v4 =	vor.u32 v4, v5  }
0x2cc: {  	v4 =	vadd.s32 v3, v4;
	_ =	sdelay $0x4  }
0x2cd: {  	s22 =	rddreg [dreg:$0x16];
	[tilespmem:v4+s8+$0x0] =	vst.idx.msk $0x3ff, v2  }
0x2ce: {  	[hbm4b:s22+s2] =	stream.linear.scatter [tilespmem:s8], [sflag:$0x1], $0x8000, $0x38;
	[tilespmem:$0x18380] =	vst v63  }
0x2cf: {  	_ =	swait.ge [sflag:s12], $0x8000  }
0x2d0: {  	[sflag:s12] =	ssyncset.done $0x0  }
0x2d1: {  	[sflag:s12] =	ssyncadd.s32 $0xFFFF8000  }
0x2d2: {  	v4 =	vld [tilespmem:$0x1A0];
	_ =	sdelay $0x4  }
0x2d3: {  	v5 =	vshll.u32 v4, $0x3  }
0x2d4: {  	v4 =	vand.u32 $0x7F, v4;
	v5 =	vand.u32 $0xFFFFFC00, v5  }
0x2d5: {  	v4 =	vor.u32 v4, v5  }
0x2d6: {  	v4 =	vadd.s32 v1, v4;
	_ =	sdelay $0x4  }
0x2d7: {  	[tilespmem:v4+s9+$0x0] =	vst.idx.msk $0xffff, v0  }
0x2d8: {  	v4 =	vld [tilespmem:$0x1B0];
	_ =	sdelay $0x4  }
0x2d9: {  	v5 =	vshll.u32 v4, $0x3  }
0x2da: {  	v4 =	vand.u32 $0x7F, v4;
	v5 =	vand.u32 $0xFFFFFC00, v5  }
0x2db: {  	v4 =	vor.u32 v4, v5  }
0x2dc: {  	v4 =	vadd.s32 v3, v4;
	_ =	sdelay $0x4  }
0x2dd: {  	[tilespmem:v4+s9+$0x0] =	vst.idx.msk $0x3ff, v0  }
0x2de: {  	v4 =	vld [tilespmem:$0x1EE];
	_ =	sdelay $0x4  }
0x2df: {  	v5 =	vshll.u32 v4, $0x3  }
0x2e0: {  	v4 =	vand.u32 $0x7F, v4;
	v5 =	vand.u32 $0xFFFFFC00, v5  }
0x2e1: {  	v4 =	vor.u32 v4, v5  }
0x2e2: {  	v4 =	vadd.s32 v1, v4;
	_ =	sdelay $0x4  }
0x2e3: {  	[tilespmem:v4+s9+$0x0] =	vst.idx.msk $0xffff, v2  }
0x2e4: {  	v4 =	vld [tilespmem:$0x1FE];
	_ =	sdelay $0x4  }
0x2e5: {  	v5 =	vshll.u32 v4, $0x3  }
0x2e6: {  	v4 =	vand.u32 $0x7F, v4;
	v5 =	vand.u32 $0xFFFFFC00, v5  }
0x2e7: {  	v4 =	vor.u32 v4, v5  }
0x2e8: {  	v4 =	vadd.s32 v3, v4;
	_ =	sdelay $0x4  }
0x2e9: {  	s23 =	rddreg [dreg:$0x17];
	[tilespmem:v4+s9+$0x0] =	vst.idx.msk $0x3ff, v2  }
0x2ea: {  	[hbm4b:s23+s2] =	stream.linear.scatter [tilespmem:s9], [sflag:$0x2], $0x8000, $0x38;
	[tilespmem:$0x18380] =	vst v63  }
0x2eb: {  	_ =	swait.ge [sflag:s13], $0x8000  }
0x2ec: {  	[sflag:s13] =	ssyncset.done $0x0  }
0x2ed: {  	[sflag:s13] =	ssyncadd.s32 $0xFFFF8000  }
0x2ee: {  	v4 =	vld [tilespmem:$0x1BA];
	_ =	sdelay $0x4  }
0x2ef: {  	v5 =	vshll.u32 v4, $0x3  }
0x2f0: {  	v4 =	vand.u32 $0x7F, v4;
	v5 =	vand.u32 $0xFFFFFC00, v5  }
0x2f1: {  	v4 =	vor.u32 v4, v5  }
0x2f2: {  	v4 =	vadd.s32 v1, v4;
	_ =	sdelay $0x4  }
0x2f3: {  	[tilespmem:v4+s10+$0x0] =	vst.idx.msk $0xffff, v0  }
0x2f4: {  	v4 =	vld [tilespmem:$0x1CA];
	_ =	sdelay $0x4  }
0x2f5: {  	v5 =	vshll.u32 v4, $0x3  }
0x2f6: {  	v4 =	vand.u32 $0x7F, v4;
	v5 =	vand.u32 $0xFFFFFC00, v5  }
0x2f7: {  	v4 =	vor.u32 v4, v5  }
0x2f8: {  	v4 =	vadd.s32 v3, v4;
	_ =	sdelay $0x4  }
0x2f9: {  	[tilespmem:v4+s10+$0x0] =	vst.idx.msk $0x3ff, v0  }
0x2fa: {  	v4 =	vld [tilespmem:$0x208];
	_ =	sdelay $0x4  }
0x2fb: {  	v5 =	vshll.u32 v4, $0x3  }
0x2fc: {  	v4 =	vand.u32 $0x7F, v4;
	v5 =	vand.u32 $0xFFFFFC00, v5  }
0x2fd: {  	v4 =	vor.u32 v4, v5  }
0x2fe: {  	v4 =	vadd.s32 v1, v4;
	_ =	sdelay $0x4  }
0x2ff: {  	[tilespmem:v4+s10+$0x0] =	vst.idx.msk $0xffff, v2  }
0x300: {  	v4 =	vld [tilespmem:$0x218];
	_ =	sdelay $0x4  }
0x301: {  	v5 =	vshll.u32 v4, $0x3  }
0x302: {  	v4 =	vand.u32 $0x7F, v4;
	v5 =	vand.u32 $0xFFFFFC00, v5  }
0x303: {  	v4 =	vor.u32 v4, v5  }
0x304: {  	v4 =	vadd.s32 v3, v4;
	_ =	sdelay $0x4  }
0x305: {  	s24 =	rddreg [dreg:$0x18];
	[tilespmem:v4+s10+$0x0] =	vst.idx.msk $0x3ff, v2  }
0x306: {  	[hbm4b:s24+s2] =	stream.linear.scatter [tilespmem:s10], [sflag:$0x3], $0x8000, $0x38;
	[tilespmem:$0x18380] =	vst v63  }
0x307: {  	_ =	swait.ge [sflag:s11], $0x8000  }
0x308: {  	[sflag:s11] =	ssyncset.done $0x0  }
0x309: {  	[sflag:s11] =	ssyncadd.s32 $0xFFFF8000  }
0x30a: {  	v4 =	vld [tilespmem:$0x1D4];
	_ =	sdelay $0x4  }
0x30b: {  	v5 =	vshll.u32 v4, $0x3  }
0x30c: {  	v4 =	vand.u32 $0x7F, v4;
	v5 =	vand.u32 $0xFFFFFC00, v5  }
0x30d: {  	v4 =	vor.u32 v4, v5  }
0x30e: {  	v4 =	vadd.s32 v1, v4;
	_ =	sdelay $0x4  }
0x30f: {  	[tilespmem:v4+s8+$0x0] =	vst.idx.msk $0xffff, v0  }
0x310: {  	v4 =	vld [tilespmem:$0x1E4];
	_ =	sdelay $0x4  }
0x311: {  	v5 =	vshll.u32 v4, $0x3  }
0x312: {  	v4 =	vand.u32 $0x7F, v4;
	v5 =	vand.u32 $0xFFFFFC00, v5  }
0x313: {  	v4 =	vor.u32 v4, v5  }
0x314: {  	v4 =	vadd.s32 v3, v4;
	_ =	sdelay $0x4  }
0x315: {  	[tilespmem:v4+s8+$0x0] =	vst.idx.msk $0x3ff, v0  }
0x316: {  	v4 =	vld [tilespmem:$0x222];
	_ =	sdelay $0x4  }
0x317: {  	v5 =	vshll.u32 v4, $0x3  }
0x318: {  	v4 =	vand.u32 $0x7F, v4;
	v5 =	vand.u32 $0xFFFFFC00, v5  }
0x319: {  	v4 =	vor.u32 v4, v5  }
0x31a: {  	v4 =	vadd.s32 v1, v4;
	_ =	sdelay $0x4  }
0x31b: {  	[tilespmem:v4+s8+$0x0] =	vst.idx.msk $0xffff, v2  }
0x31c: {  	v4 =	vld [tilespmem:$0x232];
	_ =	sdelay $0x4  }
0x31d: {  	v5 =	vshll.u32 v4, $0x3  }
0x31e: {  	v4 =	vand.u32 $0x7F, v4;
	v5 =	vand.u32 $0xFFFFFC00, v5  }
0x31f: {  	v4 =	vor.u32 v4, v5  }
0x320: {  	v4 =	vadd.s32 v3, v4;
	_ =	sdelay $0x4  }
0x321: {  	s25 =	rddreg [dreg:$0x19];
	[tilespmem:v4+s8+$0x0] =	vst.idx.msk $0x3ff, v2  }
0x322: {  	[hbm4b:s25+s2] =	stream.linear.scatter [tilespmem:s8], [sflag:$0x1], $0x8000, $0x38;
	[tilespmem:$0x18380] =	vst v63  }
0x323: {  	_ =	swait.ge [sflag:s12], $0x8000  }
0x324: {  	[sflag:s12] =	ssyncset.done $0x0  }
0x325: {  	[sflag:s12] =	ssyncadd.s32 $0xFFFF8000  }
0x326: {  	v4 =	vld [tilespmem:$0x1EE];
	_ =	sdelay $0x4  }
0x327: {  	v5 =	vshll.u32 v4, $0x3  }
0x328: {  	v4 =	vand.u32 $0x7F, v4;
	v5 =	vand.u32 $0xFFFFFC00, v5  }
0x329: {  	v4 =	vor.u32 v4, v5  }
0x32a: {  	v4 =	vadd.s32 v1, v4;
	_ =	sdelay $0x4  }
0x32b: {  	[tilespmem:v4+s9+$0x0] =	vst.idx.msk $0xffff, v0  }
0x32c: {  	v4 =	vld [tilespmem:$0x1FE];
	_ =	sdelay $0x4  }
0x32d: {  	v5 =	vshll.u32 v4, $0x3  }
0x32e: {  	v4 =	vand.u32 $0x7F, v4;
	v5 =	vand.u32 $0xFFFFFC00, v5  }
0x32f: {  	v4 =	vor.u32 v4, v5  }
0x330: {  	v4 =	vadd.s32 v3, v4;
	_ =	sdelay $0x4  }
0x331: {  	[tilespmem:v4+s9+$0x0] =	vst.idx.msk $0x3ff, v0  }
0x332: {  	v4 =	vld [tilespmem:$0x23C];
	_ =	sdelay $0x4  }
0x333: {  	v5 =	vshll.u32 v4, $0x3  }
0x334: {  	v4 =	vand.u32 $0x7F, v4;
	v5 =	vand.u32 $0xFFFFFC00, v5  }
0x335: {  	v4 =	vor.u32 v4, v5  }
0x336: {  	v4 =	vadd.s32 v1, v4;
	_ =	sdelay $0x4  }
0x337: {  	[tilespmem:v4+s9+$0x0] =	vst.idx.msk $0xffff, v2  }
0x338: {  	v4 =	vld [tilespmem:$0x24C];
	_ =	sdelay $0x4  }
0x339: {  	v5 =	vshll.u32 v4, $0x3  }
0x33a: {  	v4 =	vand.u32 $0x7F, v4;
	v5 =	vand.u32 $0xFFFFFC00, v5  }
0x33b: {  	v4 =	vor.u32 v4, v5  }
0x33c: {  	v4 =	vadd.s32 v3, v4;
	_ =	sdelay $0x4  }
0x33d: {  	s26 =	rddreg [dreg:$0x1a];
	[tilespmem:v4+s9+$0x0] =	vst.idx.msk $0x3ff, v2  }
0x33e: {  	[hbm4b:s26+s2] =	stream.linear.scatter [tilespmem:s9], [sflag:$0x2], $0x8000, $0x38;
	[tilespmem:$0x18380] =	vst v63  }
0x33f: {  	_ =	swait.ge [sflag:s13], $0x8000  }
0x340: {  	[sflag:s13] =	ssyncset.done $0x0  }
0x341: {  	[sflag:s13] =	ssyncadd.s32 $0xFFFF8000  }
0x342: {  	v4 =	vld [tilespmem:$0x208];
	_ =	sdelay $0x4  }
0x343: {  	v5 =	vshll.u32 v4, $0x3  }
0x344: {  	v4 =	vand.u32 $0x7F, v4;
	v5 =	vand.u32 $0xFFFFFC00, v5  }
0x345: {  	v4 =	vor.u32 v4, v5  }
0x346: {  	v4 =	vadd.s32 v1, v4;
	_ =	sdelay $0x4  }
0x347: {  	[tilespmem:v4+s10+$0x0] =	vst.idx.msk $0xffff, v0  }
0x348: {  	v4 =	vld [tilespmem:$0x218];
	_ =	sdelay $0x4  }
0x349: {  	v5 =	vshll.u32 v4, $0x3  }
0x34a: {  	v4 =	vand.u32 $0x7F, v4;
	v5 =	vand.u32 $0xFFFFFC00, v5  }
0x34b: {  	v4 =	vor.u32 v4, v5  }
0x34c: {  	v4 =	vadd.s32 v3, v4;
	_ =	sdelay $0x4  }
0x34d: {  	[tilespmem:v4+s10+$0x0] =	vst.idx.msk $0x3ff, v0  }
0x34e: {  	v4 =	vld [tilespmem:$0x256];
	_ =	sdelay $0x4  }
0x34f: {  	v5 =	vshll.u32 v4, $0x3  }
0x350: {  	v4 =	vand.u32 $0x7F, v4;
	v5 =	vand.u32 $0xFFFFFC00, v5  }
0x351: {  	v4 =	vor.u32 v4, v5  }
0x352: {  	v4 =	vadd.s32 v1, v4;
	_ =	sdelay $0x4  }
0x353: {  	[tilespmem:v4+s10+$0x0] =	vst.idx.msk $0xffff, v2  }
0x354: {  	v4 =	vld [tilespmem:$0x266];
	_ =	sdelay $0x4  }
0x355: {  	v5 =	vshll.u32 v4, $0x3  }
0x356: {  	v4 =	vand.u32 $0x7F, v4;
	v5 =	vand.u32 $0xFFFFFC00, v5  }
0x357: {  	v4 =	vor.u32 v4, v5  }
0x358: {  	v4 =	vadd.s32 v3, v4;
	_ =	sdelay $0x4  }
0x359: {  	[tilespmem:v4+s10+$0x0] =	vst.idx.msk $0x3ff, v2  }
0x35a: {  	[hbm4b:s28+s2] =	stream.linear.scatter [tilespmem:s10], [sflag:$0x3], $0x8000, $0x38;
	[tilespmem:$0x18380] =	vst v63  }
0x35b: {  	_ =	swait.ge [sflag:s11], $0x8000  }
0x35c: {  	[sflag:s11] =	ssyncset.done $0x0  }
0x35d: {  	[sflag:s11] =	ssyncadd.s32 $0xFFFF8000  }
0x35e: {  	v4 =	vld [tilespmem:$0x222];
	_ =	sdelay $0x4  }
0x35f: {  	v5 =	vshll.u32 v4, $0x3  }
0x360: {  	v4 =	vand.u32 $0x7F, v4;
	v5 =	vand.u32 $0xFFFFFC00, v5  }
0x361: {  	v4 =	vor.u32 v4, v5  }
0x362: {  	v4 =	vadd.s32 v1, v4;
	_ =	sdelay $0x4  }
0x363: {  	[tilespmem:v4+s8+$0x0] =	vst.idx.msk $0xffff, v0  }
0x364: {  	v4 =	vld [tilespmem:$0x232];
	_ =	sdelay $0x4  }
0x365: {  	v5 =	vshll.u32 v4, $0x3  }
0x366: {  	v4 =	vand.u32 $0x7F, v4;
	v5 =	vand.u32 $0xFFFFFC00, v5  }
0x367: {  	v4 =	vor.u32 v4, v5  }
0x368: {  	v4 =	vadd.s32 v3, v4;
	_ =	sdelay $0x4  }
0x369: {  	[tilespmem:v4+s8+$0x0] =	vst.idx.msk $0x3ff, v0  }
0x36a: {  	v4 =	vld [tilespmem:$0x270];
	_ =	sdelay $0x4  }
0x36b: {  	v5 =	vshll.u32 v4, $0x3  }
0x36c: {  	v4 =	vand.u32 $0x7F, v4;
	v5 =	vand.u32 $0xFFFFFC00, v5  }
0x36d: {  	v4 =	vor.u32 v4, v5  }
0x36e: {  	v4 =	vadd.s32 v1, v4;
	_ =	sdelay $0x4  }
0x36f: {  	[tilespmem:v4+s8+$0x0] =	vst.idx.msk $0xffff, v2  }
0x370: {  	v4 =	vld [tilespmem:$0x280];
	_ =	sdelay $0x4  }
0x371: {  	v5 =	vshll.u32 v4, $0x3  }
0x372: {  	v4 =	vand.u32 $0x7F, v4;
	v5 =	vand.u32 $0xFFFFFC00, v5  }
0x373: {  	v4 =	vor.u32 v4, v5  }
0x374: {  	v4 =	vadd.s32 v3, v4;
	_ =	sdelay $0x4  }
0x375: {  	[tilespmem:v4+s8+$0x0] =	vst.idx.msk $0x3ff, v2  }
0x376: {  	[hbm4b:s29+s2] =	stream.linear.scatter [tilespmem:s8], [sflag:$0x1], $0x8000, $0x38;
	[tilespmem:$0x18380] =	vst v63  }
0x377: {  	_ =	swait.ge [sflag:s12], $0x8000  }
0x378: {  	[sflag:s12] =	ssyncset.done $0x0  }
0x379: {  	[sflag:s12] =	ssyncadd.s32 $0xFFFF8000  }
0x37a: {  	v4 =	vld [tilespmem:$0x23C];
	_ =	sdelay $0x4  }
0x37b: {  	v5 =	vshll.u32 v4, $0x3  }
0x37c: {  	v4 =	vand.u32 $0x7F, v4;
	v5 =	vand.u32 $0xFFFFFC00, v5  }
0x37d: {  	v4 =	vor.u32 v4, v5  }
0x37e: {  	v4 =	vadd.s32 v1, v4;
	_ =	sdelay $0x4  }
0x37f: {  	[tilespmem:v4+s9+$0x0] =	vst.idx.msk $0xffff, v0  }
0x380: {  	v4 =	vld [tilespmem:$0x24C];
	_ =	sdelay $0x4  }
0x381: {  	v5 =	vshll.u32 v4, $0x3  }
0x382: {  	v4 =	vand.u32 $0x7F, v4;
	v5 =	vand.u32 $0xFFFFFC00, v5  }
0x383: {  	v4 =	vor.u32 v4, v5  }
0x384: {  	v4 =	vadd.s32 v3, v4;
	_ =	sdelay $0x4  }
0x385: {  	[tilespmem:v4+s9+$0x0] =	vst.idx.msk $0x3ff, v0  }
0x386: {  	v4 =	vld [tilespmem:$0x28A];
	_ =	sdelay $0x4  }
0x387: {  	v5 =	vshll.u32 v4, $0x3  }
0x388: {  	v4 =	vand.u32 $0x7F, v4;
	v5 =	vand.u32 $0xFFFFFC00, v5  }
0x389: {  	v4 =	vor.u32 v4, v5  }
0x38a: {  	v4 =	vadd.s32 v1, v4;
	_ =	sdelay $0x4  }
0x38b: {  	[tilespmem:v4+s9+$0x0] =	vst.idx.msk $0xffff, v2  }
0x38c: {  	v4 =	vld [tilespmem:$0x29A];
	_ =	sdelay $0x4  }
0x38d: {  	v5 =	vshll.u32 v4, $0x3  }
0x38e: {  	v4 =	vand.u32 $0x7F, v4;
	v5 =	vand.u32 $0xFFFFFC00, v5  }
0x38f: {  	v4 =	vor.u32 v4, v5  }
0x390: {  	v4 =	vadd.s32 v3, v4;
	_ =	sdelay $0x4  }
0x391: {  	[tilespmem:v4+s9+$0x0] =	vst.idx.msk $0x3ff, v2  }
0x392: {  	[hbm4b:s30+s2] =	stream.linear.scatter [tilespmem:s9], [sflag:$0x2], $0x8000, $0x38;
	[tilespmem:$0x18380] =	vst v63  }
0x393: {  	_ =	swait.ge [sflag:s13], $0x8000  }
0x394: {  	[sflag:s13] =	ssyncset.done $0x0  }
0x395: {  	[sflag:s13] =	ssyncadd.s32 $0xFFFF8000  }
0x396: {  	v4 =	vld [tilespmem:$0x256];
	_ =	sdelay $0x4  }
0x397: {  	v5 =	vshll.u32 v4, $0x3  }
0x398: {  	v4 =	vand.u32 $0x7F, v4;
	v5 =	vand.u32 $0xFFFFFC00, v5  }
0x399: {  	v4 =	vor.u32 v4, v5  }
0x39a: {  	v4 =	vadd.s32 v1, v4;
	_ =	sdelay $0x4  }
0x39b: {  	[tilespmem:v4+s10+$0x0] =	vst.idx.msk $0xffff, v0  }
0x39c: {  	v4 =	vld [tilespmem:$0x266];
	_ =	sdelay $0x4  }
0x39d: {  	v5 =	vshll.u32 v4, $0x3  }
0x39e: {  	v4 =	vand.u32 $0x7F, v4;
	v5 =	vand.u32 $0xFFFFFC00, v5  }
0x39f: {  	v4 =	vor.u32 v4, v5  }
0x3a0: {  	v4 =	vadd.s32 v3, v4;
	_ =	sdelay $0x4  }
0x3a1: {  	[tilespmem:v4+s10+$0x0] =	vst.idx.msk $0x3ff, v0  }
0x3a2: {  	v4 =	vld [tilespmem:$0x2A4];
	_ =	sdelay $0x4  }
0x3a3: {  	v5 =	vshll.u32 v4, $0x3  }
0x3a4: {  	v4 =	vand.u32 $0x7F, v4;
	v5 =	vand.u32 $0xFFFFFC00, v5  }
0x3a5: {  	v4 =	vor.u32 v4, v5  }
0x3a6: {  	v4 =	vadd.s32 v1, v4;
	_ =	sdelay $0x4  }
0x3a7: {  	[tilespmem:v4+s10+$0x0] =	vst.idx.msk $0xffff, v2  }
0x3a8: {  	v4 =	vld [tilespmem:$0x2B4];
	_ =	sdelay $0x4  }
0x3a9: {  	v5 =	vshll.u32 v4, $0x3  }
0x3aa: {  	v4 =	vand.u32 $0x7F, v4;
	v5 =	vand.u32 $0xFFFFFC00, v5  }
0x3ab: {  	v4 =	vor.u32 v4, v5  }
0x3ac: {  	v4 =	vadd.s32 v3, v4;
	_ =	sdelay $0x4  }
0x3ad: {  	[tilespmem:v4+s10+$0x0] =	vst.idx.msk $0x3ff, v2  }
0x3ae: {  	[hbm4b:s31+s2] =	stream.linear.scatter [tilespmem:s10], [sflag:$0x3], $0x8000, $0x38;
	[tilespmem:$0x18380] =	vst v63  }
0x3af: {  	_ =	swait.ge [sflag:s11], $0x8000  }
0x3b0: {  	[sflag:s11] =	ssyncset.done $0x0  }
0x3b1: {  	[sflag:s11] =	ssyncadd.s32 $0xFFFF8000  }
0x3b2: {  	v4 =	vld [tilespmem:$0x270];
	_ =	sdelay $0x4  }
0x3b3: {  	v5 =	vshll.u32 v4, $0x3  }
0x3b4: {  	v4 =	vand.u32 $0x7F, v4;
	v5 =	vand.u32 $0xFFFFFC00, v5  }
0x3b5: {  	v4 =	vor.u32 v4, v5  }
0x3b6: {  	v4 =	vadd.s32 v1, v4;
	_ =	sdelay $0x4  }
0x3b7: {  	[tilespmem:v4+s8+$0x0] =	vst.idx.msk $0xffff, v0  }
0x3b8: {  	v4 =	vld [tilespmem:$0x280];
	_ =	sdelay $0x4  }
0x3b9: {  	v5 =	vshll.u32 v4, $0x3  }
0x3ba: {  	v4 =	vand.u32 $0x7F, v4;
	v5 =	vand.u32 $0xFFFFFC00, v5  }
0x3bb: {  	v4 =	vor.u32 v4, v5  }
0x3bc: {  	v4 =	vadd.s32 v3, v4;
	_ =	sdelay $0x4  }
0x3bd: {  	[tilespmem:v4+s8+$0x0] =	vst.idx.msk $0x3ff, v0  }
0x3be: {  	v4 =	vld [tilespmem:$0x2BE];
	_ =	sdelay $0x4  }
0x3bf: {  	v5 =	vshll.u32 v4, $0x3  }
0x3c0: {  	v4 =	vand.u32 $0x7F, v4;
	v5 =	vand.u32 $0xFFFFFC00, v5  }
0x3c1: {  	v4 =	vor.u32 v4, v5  }
0x3c2: {  	v4 =	vadd.s32 v1, v4;
	_ =	sdelay $0x4  }
0x3c3: {  	[tilespmem:v4+s8+$0x0] =	vst.idx.msk $0xffff, v2  }
0x3c4: {  	v4 =	vld [tilespmem:$0x2CE];
	_ =	sdelay $0x4  }
0x3c5: {  	v5 =	vshll.u32 v4, $0x3  }
0x3c6: {  	v4 =	vand.u32 $0x7F, v4;
	v5 =	vand.u32 $0xFFFFFC00, v5  }
0x3c7: {  	v4 =	vor.u32 v4, v5  }
0x3c8: {  	v4 =	vadd.s32 v3, v4;
	_ =	sdelay $0x4  }
0x3c9: {  	[tilespmem:v4+s8+$0x0] =	vst.idx.msk $0x3ff, v2  }
0x3ca: {  	[hbm4b:s0+s2] =	stream.linear.scatter [tilespmem:s8], [sflag:$0x1], $0x8000, $0x38;
	[tilespmem:$0x18380] =	vst v63  }
0x3cb: {  	_ =	swait.ge [sflag:s12], $0x8000  }
0x3cc: {  	[sflag:s12] =	ssyncset.done $0x0  }
0x3cd: {  	[sflag:s12] =	ssyncadd.s32 $0xFFFF8000  }
0x3ce: {  	v4 =	vld [tilespmem:$0x28A];
	_ =	sdelay $0x4  }
0x3cf: {  	v5 =	vshll.u32 v4, $0x3  }
0x3d0: {  	v4 =	vand.u32 $0x7F, v4;
	v5 =	vand.u32 $0xFFFFFC00, v5  }
0x3d1: {  	v4 =	vor.u32 v4, v5  }
0x3d2: {  	v4 =	vadd.s32 v1, v4;
	_ =	sdelay $0x4  }
0x3d3: {  	[tilespmem:v4+s9+$0x0] =	vst.idx.msk $0xffff, v0  }
0x3d4: {  	v4 =	vld [tilespmem:$0x29A];
	_ =	sdelay $0x4  }
0x3d5: {  	v5 =	vshll.u32 v4, $0x3  }
0x3d6: {  	v4 =	vand.u32 $0x7F, v4;
	v5 =	vand.u32 $0xFFFFFC00, v5  }
0x3d7: {  	v4 =	vor.u32 v4, v5  }
0x3d8: {  	v4 =	vadd.s32 v3, v4;
	_ =	sdelay $0x4  }
0x3d9: {  	[tilespmem:v4+s9+$0x0] =	vst.idx.msk $0x3ff, v0  }
0x3da: {  	v4 =	vld [tilespmem:$0x2D8];
	_ =	sdelay $0x4  }
0x3db: {  	v5 =	vshll.u32 v4, $0x3  }
0x3dc: {  	v4 =	vand.u32 $0x7F, v4;
	v5 =	vand.u32 $0xFFFFFC00, v5  }
0x3dd: {  	v4 =	vor.u32 v4, v5  }
0x3de: {  	v4 =	vadd.s32 v1, v4;
	_ =	sdelay $0x4  }
0x3df: {  	[tilespmem:v4+s9+$0x0] =	vst.idx.msk $0xffff, v2  }
0x3e0: {  	v4 =	vld [tilespmem:$0x2E8];
	_ =	sdelay $0x4  }
0x3e1: {  	v5 =	vshll.u32 v4, $0x3  }
0x3e2: {  	v4 =	vand.u32 $0x7F, v4;
	v5 =	vand.u32 $0xFFFFFC00, v5  }
0x3e3: {  	v4 =	vor.u32 v4, v5  }
0x3e4: {  	v4 =	vadd.s32 v3, v4;
	_ =	sdelay $0x4  }
0x3e5: {  	[tilespmem:v4+s9+$0x0] =	vst.idx.msk $0x3ff, v2  }
0x3e6: {  	[hbm4b:s1+s2] =	stream.linear.scatter [tilespmem:s9], [sflag:$0x2], $0x8000, $0x38;
	[tilespmem:$0x18380] =	vst v63  }
0x3e7: {  	_ =	swait.ge [sflag:s13], $0x8000  }
0x3e8: {  	[sflag:s13] =	ssyncset.done $0x0  }
0x3e9: {  	[sflag:s13] =	ssyncadd.s32 $0xFFFF8000  }
0x3ea: {  	v4 =	vld [tilespmem:$0x2A4];
	_ =	sdelay $0x4  }
0x3eb: {  	v5 =	vshll.u32 v4, $0x3  }
0x3ec: {  	v4 =	vand.u32 $0x7F, v4;
	v5 =	vand.u32 $0xFFFFFC00, v5  }
0x3ed: {  	v4 =	vor.u32 v4, v5  }
0x3ee: {  	v4 =	vadd.s32 v1, v4;
	_ =	sdelay $0x4  }
0x3ef: {  	[tilespmem:v4+s10+$0x0] =	vst.idx.msk $0xffff, v0  }
0x3f0: {  	v4 =	vld [tilespmem:$0x2B4];
	_ =	sdelay $0x4  }
0x3f1: {  	v5 =	vshll.u32 v4, $0x3  }
0x3f2: {  	v4 =	vand.u32 $0x7F, v4;
	v5 =	vand.u32 $0xFFFFFC00, v5  }
0x3f3: {  	v4 =	vor.u32 v4, v5  }
0x3f4: {  	v4 =	vadd.s32 v3, v4;
	_ =	sdelay $0x4  }
0x3f5: {  	[tilespmem:v4+s10+$0x0] =	vst.idx.msk $0x3ff, v0  }
0x3f6: {  	v4 =	vld [tilespmem:$0x2F2];
	_ =	sdelay $0x4  }
0x3f7: {  	v5 =	vshll.u32 v4, $0x3  }
0x3f8: {  	v4 =	vand.u32 $0x7F, v4;
	v5 =	vand.u32 $0xFFFFFC00, v5  }
0x3f9: {  	v4 =	vor.u32 v4, v5  }
0x3fa: {  	v4 =	vadd.s32 v1, v4;
	_ =	sdelay $0x4  }
0x3fb: {  	[tilespmem:v4+s10+$0x0] =	vst.idx.msk $0xffff, v2  }
0x3fc: {  	v4 =	vld [tilespmem:$0x302];
	_ =	sdelay $0x4  }
0x3fd: {  	v5 =	vshll.u32 v4, $0x3  }
0x3fe: {  	v4 =	vand.u32 $0x7F, v4;
	v5 =	vand.u32 $0xFFFFFC00, v5  }
0x3ff: {  	v4 =	vor.u32 v4, v5  }
0x400: {  	v4 =	vadd.s32 v3, v4;
	_ =	sdelay $0x4  }
0x401: {  	[tilespmem:v4+s10+$0x0] =	vst.idx.msk $0x3ff, v2  }
0x402: {  	[hbm4b:s3+s2] =	stream.linear.scatter [tilespmem:s10], [sflag:$0x3], $0x8000, $0x38;
	[tilespmem:$0x18380] =	vst v63  }
0x403: {  	_ =	swait.ge [sflag:s11], $0x8000  }
0x404: {  	[sflag:s11] =	ssyncset.done $0x0  }
0x405: {  	[sflag:s11] =	ssyncadd.s32 $0xFFFF8000  }
0x406: {  	v4 =	vld [tilespmem:$0x2BE];
	_ =	sdelay $0x4  }
0x407: {  	v5 =	vshll.u32 v4, $0x3  }
0x408: {  	v4 =	vand.u32 $0x7F, v4;
	v5 =	vand.u32 $0xFFFFFC00, v5  }
0x409: {  	v4 =	vor.u32 v4, v5  }
0x40a: {  	v4 =	vadd.s32 v1, v4;
	_ =	sdelay $0x4  }
0x40b: {  	[tilespmem:v4+s8+$0x0] =	vst.idx.msk $0xffff, v0  }
0x40c: {  	v4 =	vld [tilespmem:$0x2CE];
	_ =	sdelay $0x4  }
0x40d: {  	v5 =	vshll.u32 v4, $0x3  }
0x40e: {  	v4 =	vand.u32 $0x7F, v4;
	v5 =	vand.u32 $0xFFFFFC00, v5  }
0x40f: {  	v4 =	vor.u32 v4, v5  }
0x410: {  	v4 =	vadd.s32 v3, v4;
	_ =	sdelay $0x4  }
0x411: {  	[tilespmem:v4+s8+$0x0] =	vst.idx.msk $0x3ff, v0  }
0x412: {  	v4 =	vld [tilespmem:$0x30C];
	_ =	sdelay $0x4  }
0x413: {  	v5 =	vshll.u32 v4, $0x3  }
0x414: {  	v4 =	vand.u32 $0x7F, v4;
	v5 =	vand.u32 $0xFFFFFC00, v5  }
0x415: {  	v4 =	vor.u32 v4, v5  }
0x416: {  	v4 =	vadd.s32 v1, v4;
	_ =	sdelay $0x4  }
0x417: {  	[tilespmem:v4+s8+$0x0] =	vst.idx.msk $0xffff, v2  }
0x418: {  	v4 =	vld [tilespmem:$0x31C];
	_ =	sdelay $0x4  }
0x419: {  	v5 =	vshll.u32 v4, $0x3  }
0x41a: {  	v4 =	vand.u32 $0x7F, v4;
	v5 =	vand.u32 $0xFFFFFC00, v5  }
0x41b: {  	v4 =	vor.u32 v4, v5  }
0x41c: {  	v4 =	vadd.s32 v3, v4;
	_ =	sdelay $0x4  }
0x41d: {  	[tilespmem:v4+s8+$0x0] =	vst.idx.msk $0x3ff, v2  }
0x41e: {  	[hbm4b:s4+s2] =	stream.linear.scatter [tilespmem:s8], [sflag:$0x1], $0x8000, $0x38;
	[tilespmem:$0x18380] =	vst v63  }
0x41f: {  	_ =	swait.ge [sflag:s12], $0x8000  }
0x420: {  	[sflag:s12] =	ssyncset.done $0x0  }
0x421: {  	[sflag:s12] =	ssyncadd.s32 $0xFFFF8000  }
0x422: {  	v4 =	vld [tilespmem:$0x2D8];
	_ =	sdelay $0x4  }
0x423: {  	v5 =	vshll.u32 v4, $0x3  }
0x424: {  	v4 =	vand.u32 $0x7F, v4;
	v5 =	vand.u32 $0xFFFFFC00, v5  }
0x425: {  	v4 =	vor.u32 v4, v5  }
0x426: {  	v4 =	vadd.s32 v1, v4;
	_ =	sdelay $0x4  }
0x427: {  	[tilespmem:v4+s9+$0x0] =	vst.idx.msk $0xffff, v0  }
0x428: {  	v4 =	vld [tilespmem:$0x2E8];
	_ =	sdelay $0x4  }
0x429: {  	v5 =	vshll.u32 v4, $0x3  }
0x42a: {  	v4 =	vand.u32 $0x7F, v4;
	v5 =	vand.u32 $0xFFFFFC00, v5  }
0x42b: {  	v4 =	vor.u32 v4, v5  }
0x42c: {  	v4 =	vadd.s32 v3, v4;
	_ =	sdelay $0x4  }
0x42d: {  	[tilespmem:v4+s9+$0x0] =	vst.idx.msk $0x3ff, v0  }
0x42e: {  	v4 =	vld [tilespmem:$0x326];
	_ =	sdelay $0x4  }
0x42f: {  	v5 =	vshll.u32 v4, $0x3  }
0x430: {  	v4 =	vand.u32 $0x7F, v4;
	v5 =	vand.u32 $0xFFFFFC00, v5  }
0x431: {  	v4 =	vor.u32 v4, v5  }
0x432: {  	v4 =	vadd.s32 v1, v4;
	_ =	sdelay $0x4  }
0x433: {  	[tilespmem:v4+s9+$0x0] =	vst.idx.msk $0xffff, v2  }
0x434: {  	v4 =	vld [tilespmem:$0x336];
	_ =	sdelay $0x4  }
0x435: {  	v5 =	vshll.u32 v4, $0x3  }
0x436: {  	v4 =	vand.u32 $0x7F, v4;
	v5 =	vand.u32 $0xFFFFFC00, v5  }
0x437: {  	v4 =	vor.u32 v4, v5  }
0x438: {  	v4 =	vadd.s32 v3, v4;
	_ =	sdelay $0x4  }
0x439: {  	[tilespmem:v4+s9+$0x0] =	vst.idx.msk $0x3ff, v2  }
0x43a: {  	[hbm4b:s5+s2] =	stream.linear.scatter [tilespmem:s9], [sflag:$0x2], $0x8000, $0x38;
	[tilespmem:$0x18380] =	vst v63  }
0x43b: {  	_ =	swait.ge [sflag:s13], $0x8000  }
0x43c: {  	[sflag:s13] =	ssyncset.done $0x0  }
0x43d: {  	s14 =	sadd.s32 $0x1, s14;
	[sflag:s13] =	ssyncadd.s32 $0xFFFF8000  }
0x43e: {  	p0 =	sne.s32 s14, s6;
	_ =	swait.ge [sflag:s11], $0x8000  }
.Ltmp1:
0x43f: {  	[sflag:s11] =	ssyncset.done $0x0;
	(pc) =	sbr.rel @p0 .LBB2_1-.Ltmp1, $4  }
0x440: {  	[sflag:s11] =	ssyncadd.s32 $0xFFFF8000  }
0x441: {  	_ =	swait.ge [sflag:s12], $0x8000  }
0x442: {  	[sflag:s12] =	ssyncset.done $0x0  }
0x443: {  	[sflag:s12] =	ssyncadd.s32 $0xFFFF8000  }
0x444: {  	_ =	sfence.sel $0x180000  }
0x445: {  	[bflag:$0x0] =	sbarrier.arrive $0xFFFF  }
0x446: {  	_ =	strace $0x90000047  }
0x447: {  	s0 =	stileid.u32;
	[bflag:$0x2] =	sbarrier.arrive $0xFFFF  }
0x448: {  	p0 =	sne.s32 s0, $0x0;
	s0 =	rddreg [dreg:$0x2]  }
0x449: {  	s0 =	sadd.s32 @!p0 $0x100000, s0  }
0x44a: {  	[sflag:s0] =	ssyncadd.tile.s32 @!p0 $0x1;
	_ =	shalt  }
.Lfunc_end2:
_tile_overlayer_lowered:
.L_overlay_start_2:
0x44b: {  	(tag) =	ssettag $0x2  }
0x44c: {  	s0 =	rddreg [dreg:$0x0];
	s2 =	stileid.u32  }
0x44d: {  	s1 =	rddreg [dreg:$0x1];
	p0 =	sne.s32 s2, $0x0  }
0x44e: {  	s3 =	rddreg [dreg:$0x2];
	[bflag:$0x3] =	sbarrier.arrive $0xFFFF;
	s2 =	simm.s32 @!p0 $0x1C04  }
0x44f: {  	[timem:s3], [sflag:s2] =	dma.local @!p0 [hbm:s0], s1  }
0x450: {  	s0 =	simm.s32 @!p0 $0x4  }
0x451: {  	_ =	swait.ge @!p0 [sflag:s0], s1  }
0x452: {  	s1 =	ssub.s32 @!p0 $0x0, s1;
	[sflag:s0] =	ssyncset.done @!p0 $0x0  }
0x453: {  	[sflag:s0] =	ssyncadd.s32 @!p0 s1  }
0x454: {  	[bflag:$0x3] =	sbarrier.arrive $0xFFFF  }
0x455: {  	_ =	shalt  }

</sc_bundles>
